<compile_context>
chip_gen: v7x
topology: tpu7x:2x2x1
jax: 0.10.2.dev20260603
libtpu: 0.0.44.dev20260713+nightly
codegen_flags: <defaults>
</compile_context>

<pallas_src>
import functools

import jax
import jax.numpy as jnp
from jax import lax
from jax.experimental import pallas as pl
from jax.experimental.pallas import tpu as pltpu
from jax.experimental.pallas import tpu_sc as plsc

NC = 2
NS = 16
NW = NC * NS
LANES = 16

CNT_SHIFT = 26
SUM_MASK = (1 << CNT_SHIFT) - 1

B = 16384
D = 128
MSG = 256
CHUNK = B // NW
KROWS = CHUNK // 128
CNT_ROWS = B // NS // 128

TBL = 1024000
ZSPAN = TBL // NS
ZBUF = 4000


def _iota16():
    return lax.iota(jnp.int32, LANES)


def _gatherwin_body(mem_hbm, ids_hbm, h_hbm, wid_hbm, wj_hbm,
                    table, zbuf, icnt, vcnt, ids2d, tags2d, wid2d, wj2d,
                    rows_a, rows_b, gsem_a, gsem_b, wsem_a, wsem_b, zsem):
    cid = lax.axis_index("c")
    sid = lax.axis_index("s")
    w = sid * NC + cid
    base = w * CHUNK

    pltpu.sync_copy(ids_hbm.at[pl.ds(w * KROWS, KROWS), :], ids2d)
    g0 = pltpu.async_copy(mem_hbm.at[ids2d.at[0]], rows_a, gsem_a)
    g1 = pltpu.async_copy(mem_hbm.at[ids2d.at[1]], rows_b, gsem_b)

    zero16 = jnp.zeros((LANES,), jnp.int32)
    for i in range(128 // LANES):
        zbuf[pl.ds(i * LANES, LANES)] = zero16
    pltpu.sync_copy(ids_hbm.at[pl.ds(sid * CNT_ROWS, CNT_ROWS), :], icnt)
    zd = [pltpu.async_copy(zbuf, table.at[icnt.at[r]], zsem) for r in range(CNT_ROWS)]
    cbase = sid * (CNT_ROWS * 128)
    for r in range(CNT_ROWS):
        for i in range(128 // LANES):
            val = jnp.full((LANES,), (1 << CNT_SHIFT) + cbase + r * 128 + i * LANES + 1,
                           jnp.int32) + _iota16()
            vcnt.at[r][pl.ds(i * LANES, LANES)] = val
    for d in zd:
        d.wait()
    plsc.subcore_barrier()

    ad = [pltpu.async_copy(vcnt.at[r], table.at[icnt.at[r]], zsem, add=True)
          for r in range(CNT_ROWS)]
    for d in ad:
        d.wait()
    plsc.subcore_barrier()

    td = [pltpu.async_copy(table.at[ids2d.at[k]], tags2d.at[k], zsem)
          for k in range(KROWS)]
    for d in td:
        d.wait()
    g0.wait()
    w0 = pltpu.async_copy(rows_a, h_hbm.at[pl.ds(base, 128), :], wsem_a)
    g1.wait()
    w1 = pltpu.async_copy(rows_b, h_hbm.at[pl.ds(base + 128, 128), :], wsem_b)
    w0.wait()
    g2 = pltpu.async_copy(mem_hbm.at[ids2d.at[2]], rows_a, gsem_a)
    w1.wait()
    g3 = pltpu.async_copy(mem_hbm.at[ids2d.at[3]], rows_b, gsem_b)
    g2.wait()
    w2 = pltpu.async_copy(rows_a, h_hbm.at[pl.ds(base + 256, 128), :], wsem_a)
    g3.wait()
    w3 = pltpu.async_copy(rows_b, h_hbm.at[pl.ds(base + 384, 128), :], wsem_b)

    mx = jnp.int32(0)
    for k in range(KROWS):
        for i in range(128 // LANES):
            tags = tags2d.at[k][pl.ds(i * LANES, LANES)]
            v = jnp.full((LANES,), base + k * 128 + i * LANES + 1, jnp.int32) + _iota16()
            cnt = lax.shift_right_logical(tags, jnp.full((LANES,), CNT_SHIFT, jnp.int32))
            sv = lax.bitwise_and(tags, jnp.full((LANES,), SUM_MASK, jnp.int32))
            win = cnt * v >= sv
            mx = jnp.maximum(mx, jnp.max(jnp.where(win, v, 0)))
    jw = mx - 1
    l = jnp.clip(jw - base, 0, CHUNK - 1)
    idw = plsc.load_gather(ids2d, [jnp.full((LANES,), l >> 7, jnp.int32),
                                   jnp.full((LANES,), l & 127, jnp.int32)])
    jww = jnp.full((LANES,), jw, jnp.int32)

    for k in range(KROWS):
        for i in range(128 // LANES):
            tags = tags2d.at[k][pl.ds(i * LANES, LANES)]
            idsv = ids2d.at[k][pl.ds(i * LANES, LANES)]
            v = jnp.full((LANES,), base + k * 128 + i * LANES + 1, jnp.int32) + _iota16()
            cnt = lax.shift_right_logical(tags, jnp.full((LANES,), CNT_SHIFT, jnp.int32))
            sv = lax.bitwise_and(tags, jnp.full((LANES,), SUM_MASK, jnp.int32))
            win = cnt * v >= sv
            wid2d.at[k][pl.ds(i * LANES, LANES)] = jnp.where(win, idsv, idw)
            wj2d.at[k][pl.ds(i * LANES, LANES)] = jnp.where(win, v - 1, jww)
    pltpu.sync_copy(wid2d, wid_hbm.at[pl.ds(w * KROWS, KROWS), :])
    pltpu.sync_copy(wj2d, wj_hbm.at[pl.ds(w * KROWS, KROWS), :])
    w2.wait()
    w3.wait()


def _scatter_body(mem_ref, lu_ref, hnew_hbm, wid_hbm, wj_hbm, ts_hbm,
                  wid2d, wj2d, rows_a, rows_b, tsv, gsem_a, gsem_b, ssem_a, ssem_b,
                  tsem):
    cid = lax.axis_index("c")
    sid = lax.axis_index("s")
    w = sid * NC + cid
    pltpu.sync_copy(wid_hbm.at[pl.ds(w * KROWS, KROWS), :], wid2d)
    pltpu.sync_copy(wj_hbm.at[pl.ds(w * KROWS, KROWS), :], wj2d)
    g0 = pltpu.async_copy(hnew_hbm.at[wj2d.at[0]], rows_a, gsem_a)
    g1 = pltpu.async_copy(hnew_hbm.at[wj2d.at[1]], rows_b, gsem_b)
    tg = [pltpu.async_copy(ts_hbm.at[wj2d.at[k]], tsv.at[k], tsem)
          for k in range(KROWS)]
    g0.wait()
    s0 = pltpu.async_copy(rows_a, mem_ref.at[wid2d.at[0]], ssem_a)
    g1.wait()
    s1 = pltpu.async_copy(rows_b, mem_ref.at[wid2d.at[1]], ssem_b)
    s0.wait()
    g2 = pltpu.async_copy(hnew_hbm.at[wj2d.at[2]], rows_a, gsem_a)
    s1.wait()
    g3 = pltpu.async_copy(hnew_hbm.at[wj2d.at[3]], rows_b, gsem_b)
    g2.wait()
    s2 = pltpu.async_copy(rows_a, mem_ref.at[wid2d.at[2]], ssem_a)
    g3.wait()
    s3 = pltpu.async_copy(rows_b, mem_ref.at[wid2d.at[3]], ssem_b)
    for d in tg:
        d.wait()
    ts = [pltpu.async_copy(tsv.at[k], lu_ref.at[wid2d.at[k]], tsem)
          for k in range(KROWS)]
    for d in ts:
        d.wait()
    s2.wait()
    s3.wait()


_SC_MESH = plsc.VectorSubcoreMesh(core_axis_name="c", subcore_axis_name="s")

_gatherwin = pl.kernel(
    _gatherwin_body,
    out_type=(
        jax.ShapeDtypeStruct((B, D), jnp.float32),
        jax.ShapeDtypeStruct((B // 128, 128), jnp.int32),
        jax.ShapeDtypeStruct((B // 128, 128), jnp.int32),
    ),
    mesh=_SC_MESH,
    compiler_params=pltpu.CompilerParams(needs_layout_passes=False),
    scratch_types=[
        pltpu.VMEM_SHARED((TBL,), jnp.int32),
        pltpu.VMEM((128,), jnp.int32),
        pltpu.VMEM((CNT_ROWS, 128), jnp.int32),
        pltpu.VMEM((CNT_ROWS, 128), jnp.int32),
        pltpu.VMEM((KROWS, 128), jnp.int32),
        pltpu.VMEM((KROWS, 128), jnp.int32),
        pltpu.VMEM((KROWS, 128), jnp.int32),
        pltpu.VMEM((KROWS, 128), jnp.int32),
        pltpu.VMEM((128, D), jnp.float32),
        pltpu.VMEM((128, D), jnp.float32),
        pltpu.SemaphoreType.DMA,
        pltpu.SemaphoreType.DMA,
        pltpu.SemaphoreType.DMA,
        pltpu.SemaphoreType.DMA,
        pltpu.SemaphoreType.DMA,
    ],
)

_scatter = pl.kernel(
    _scatter_body,
    out_type=(),
    mesh=_SC_MESH,
    compiler_params=pltpu.CompilerParams(needs_layout_passes=False),
    scratch_types=[
        pltpu.VMEM((KROWS, 128), jnp.int32),
        pltpu.VMEM((KROWS, 128), jnp.int32),
        pltpu.VMEM((128, D), jnp.float32),
        pltpu.VMEM((128, D), jnp.float32),
        pltpu.VMEM((KROWS, 128), jnp.float32),
        pltpu.SemaphoreType.DMA,
        pltpu.SemaphoreType.DMA,
        pltpu.SemaphoreType.DMA,
        pltpu.SemaphoreType.DMA,
        pltpu.SemaphoreType.DMA,
    ],
)


def _gru_block(msg_ref, h_ref, wih_ref, whh_ref, bih_ref, bhh_ref, out_ref):
    x = msg_ref[...]
    h = h_ref[...]
    dn = (((1,), (1,)), ((), ()))
    gx = lax.dot_general(x, wih_ref[...], dn, preferred_element_type=jnp.float32)
    gx = gx + bih_ref[...]
    gh = lax.dot_general(h, whh_ref[...], dn, preferred_element_type=jnp.float32)
    gh = gh + bhh_ref[...]
    r = jax.nn.sigmoid(gx[:, :D] + gh[:, :D])
    z = jax.nn.sigmoid(gx[:, D:2 * D] + gh[:, D:2 * D])
    n = jnp.tanh(gx[:, 2 * D:] + r * gh[:, 2 * D:])
    out_ref[...] = (1.0 - z) * n + z * h


_GRU_BLK = 1024

_gru = pl.pallas_call(
    _gru_block,
    grid=(B // _GRU_BLK,),
    in_specs=[
        pl.BlockSpec((_GRU_BLK, MSG), lambda i: (i, 0)),
        pl.BlockSpec((_GRU_BLK, D), lambda i: (i, 0)),
        pl.BlockSpec((3 * D, MSG), lambda i: (0, 0)),
        pl.BlockSpec((3 * D, D), lambda i: (0, 0)),
        pl.BlockSpec((1, 3 * D), lambda i: (0, 0)),
        pl.BlockSpec((1, 3 * D), lambda i: (0, 0)),
    ],
    out_specs=pl.BlockSpec((_GRU_BLK, D), lambda i: (i, 0)),
    out_shape=jax.ShapeDtypeStruct((B, D), jnp.float32),
)


def kernel(memory, last_update, unique_node_ids, unique_messages, timestamps,
           W_ih, W_hh, b_ih, b_hh):
    ids_r = unique_node_ids.astype(jnp.int32).reshape(B // 128, 128)
    mem_ref = jax.new_ref(memory)
    lu_ref = jax.new_ref(last_update)
    h, wid_r, wj_r = _gatherwin(memory, ids_r)
    h_new = _gru(unique_messages, h, W_ih, W_hh,
                 b_ih.reshape(1, 3 * D), b_hh.reshape(1, 3 * D))
    _scatter(mem_ref, lu_ref, h_new, wid_r, wj_r, timestamps)
    return (mem_ref[...], lu_ref[...])

# --- scband reference (transcript-rebuilt; emitter-appended) ---
"""Pipeline reference for scband-sequence-memory-updater-72078141162044 (READ-ONLY COPY).

The authoritative reference and input builder live on the scoring server;
editing this copy changes nothing except your own understanding.
"""

import jax, jax.numpy as jnp
import numpy as np

M = 1000000
B = 16384
MEM_D = 128
MSG_D = 256


def setup_inputs(seed: int = 0) -> dict:
    key = jax.random.key(seed)
    k1, k2, k3, k4, k5 = jax.random.split(key, 5)
    memory = jax.random.normal(k1, (M, MEM_D), dtype=jnp.float32)
    last_update = jnp.zeros((M,), dtype=jnp.float32)
    unique_node_ids = jax.random.randint(k2, (B,), 0, M, dtype=jnp.int64) if jax.config.jax_enable_x64 else jax.random.randint(k2, (B,), 0, M).astype(jnp.int32)
    unique_messages = jax.random.normal(k3, (B, MSG_D), dtype=jnp.float32)
    timestamps = jnp.ones((B,), dtype=jnp.float32)
    W_ih = jax.random.normal(k4, (3 * MEM_D, MSG_D), dtype=jnp.float32) * 0.05
    W_hh = jax.random.normal(k5, (3 * MEM_D, MEM_D), dtype=jnp.float32) * 0.05
    b_ih = jnp.zeros((3 * MEM_D,), dtype=jnp.float32)
    b_hh = jnp.zeros((3 * MEM_D,), dtype=jnp.float32)
    return {"memory": memory, "last_update": last_update, "unique_node_ids": unique_node_ids,
            "unique_messages": unique_messages, "timestamps": timestamps,
            "W_ih": W_ih, "W_hh": W_hh, "b_ih": b_ih, "b_hh": b_hh}


def _gru_cell(x, h, W_ih, W_hh, b_ih, b_hh):
    H = h.shape[-1]
    gx = x @ W_ih.T + b_ih
    gh = h @ W_hh.T + b_hh
    r = jax.nn.sigmoid(gx[:, :H] + gh[:, :H])
    z = jax.nn.sigmoid(gx[:, H:2 * H] + gh[:, H:2 * H])
    n = jnp.tanh(gx[:, 2 * H:] + r * gh[:, 2 * H:])
    return (1.0 - z) * n + z * h


def reference(memory, last_update, unique_node_ids, unique_messages, timestamps, W_ih, W_hh, b_ih, b_hh):
    # get_updated_memory: gather rows, GRU update, scatter-overwrite
    h = jnp.take(memory, unique_node_ids, axis=0)
    h_new = _gru_cell(unique_messages, h, W_ih, W_hh, b_ih, b_hh)
    updated_memory = memory.at[unique_node_ids].set(h_new)
    updated_last_update = last_update.at[unique_node_ids].set(timestamps)
    return (updated_memory, updated_last_update)

if __name__ == "__main__":
    import jax
    _d = setup_inputs()
    print(jax.jit(kernel)(*tuple(_d.values())))

</pallas_src>

<mosaic_0001>
#map = affine_map<(d0, d1) -> (0, 0)>
#map1 = affine_map<(d0, d1) -> (0)>
module attributes {stable_mosaic.version = 14 : i64} {
  func.func @new_body(%arg0: i32, %arg1: i32, %arg2: memref<1000000x128xf32, #tpu.memory_space<hbm>>, %arg3: memref<1000000xf32, #tpu.memory_space<hbm>>, %arg4: memref<16384x128xf32, #tpu.memory_space<hbm>>, %arg5: memref<128x128xi32, #tpu.memory_space<hbm>>, %arg6: memref<128x128xi32, #tpu.memory_space<hbm>>, %arg7: memref<16384xf32, #tpu.memory_space<hbm>>, %arg8: memref<1000000x128xf32, #tpu.memory_space<hbm>>, %arg9: memref<1000000xf32, #tpu.memory_space<hbm>>, %arg10: memref<4x128xi32, #tpu.memory_space<vmem>>, %arg11: memref<4x128xi32, #tpu.memory_space<vmem>>, %arg12: memref<128x128xf32, #tpu.memory_space<vmem>>, %arg13: memref<128x128xf32, #tpu.memory_space<vmem>>, %arg14: memref<4x128xf32, #tpu.memory_space<vmem>>, %arg15: memref<!tpu.dma_semaphore, #tpu.memory_space<semaphore_mem>>, %arg16: memref<!tpu.dma_semaphore, #tpu.memory_space<semaphore_mem>>, %arg17: memref<!tpu.dma_semaphore, #tpu.memory_space<semaphore_mem>>, %arg18: memref<!tpu.dma_semaphore, #tpu.memory_space<semaphore_mem>>, %arg19: memref<!tpu.dma_semaphore, #tpu.memory_space<semaphore_mem>>) attributes {dimension_semantics = [#tpu.dimension_semantics<core_parallel>, #tpu.dimension_semantics<subcore_parallel>], iteration_bounds = array<i64: 2, 16>, scalar_prefetch = 0 : i64, scratch_operands = 10 : i64, tpu.core_type = #tpu.core_type<sc_vector_subcore>, window_params = [{transform_indices = #map}, {transform_indices = #map1}, {transform_indices = #map}, {transform_indices = #map}, {transform_indices = #map}, {transform_indices = #map1}, {transform_indices = #map}, {transform_indices = #map1}]} {
    %mul3A = arith.constant 2 : i32
    %mul3A_0 = arith.muli %arg1, %mul3A : i32
    %add3A = arith.addi %mul3A_0, %arg0 : i32
    %mul3A_1 = arith.constant 4 : i32
    %mul3A_2 = arith.muli %add3A, %mul3A_1 : i32
    "tpu.region"() ({
      %run_scoped3A = tpu.sem_alloc : memref<!tpu.dma_semaphore, #tpu.memory_space<semaphore_mem>>
      %dma_start3A_275 = arith.constant 0 : i32
      %dma_start3A_276 = tpu.memref_slice %arg5[%mul3A_2, %dma_start3A_275] : memref<128x128xi32, #tpu.memory_space<hbm>> -> memref<4x128xi32, #tpu.memory_space<hbm>>
      %dma_start3A_277 = arith.constant 0 : i32
      %dma_start3A_278 = tpu.memref_slice %arg5[%mul3A_2, %dma_start3A_277] : memref<128x128xi32, #tpu.memory_space<hbm>> -> memref<4x128xi32, #tpu.memory_space<hbm>>
      tpu.enqueue_dma source(%dma_start3A_278 : memref<4x128xi32, #tpu.memory_space<hbm>>) target(%arg10 : memref<4x128xi32, #tpu.memory_space<vmem>>) target_semaphore(%run_scoped3A : memref<!tpu.dma_semaphore, #tpu.memory_space<semaphore_mem>>)
      %dma_wait3A_279 = arith.constant 0 : i32
      %dma_wait3A_280 = tpu.memref_slice %arg5[%mul3A_2, %dma_wait3A_279] : memref<128x128xi32, #tpu.memory_space<hbm>> -> memref<4x128xi32, #tpu.memory_space<hbm>>
      %dma_wait3A_281 = arith.constant 0 : i32
      %dma_wait3A_282 = tpu.memref_slice %arg5[%mul3A_2, %dma_wait3A_281] : memref<128x128xi32, #tpu.memory_space<hbm>> -> memref<4x128xi32, #tpu.memory_space<hbm>>
      tpu.wait_dma2 semaphore(%run_scoped3A : memref<!tpu.dma_semaphore, #tpu.memory_space<semaphore_mem>>) src(%dma_wait3A_282 : memref<4x128xi32, #tpu.memory_space<hbm>>) dst(%arg10 : memref<4x128xi32, #tpu.memory_space<vmem>>)
      tpu.yield
    }) : () -> ()
    %mul3A_3 = arith.constant 4 : i32
    %mul3A_4 = arith.muli %add3A, %mul3A_3 : i32
    "tpu.region"() ({
      %run_scoped3A = tpu.sem_alloc : memref<!tpu.dma_semaphore, #tpu.memory_space<semaphore_mem>>
      %dma_start3A_275 = arith.constant 0 : i32
      %dma_start3A_276 = tpu.memref_slice %arg6[%mul3A_4, %dma_start3A_275] : memref<128x128xi32, #tpu.memory_space<hbm>> -> memref<4x128xi32, #tpu.memory_space<hbm>>
      %dma_start3A_277 = arith.constant 0 : i32
      %dma_start3A_278 = tpu.memref_slice %arg6[%mul3A_4, %dma_start3A_277] : memref<128x128xi32, #tpu.memory_space<hbm>> -> memref<4x128xi32, #tpu.memory_space<hbm>>
      tpu.enqueue_dma source(%dma_start3A_278 : memref<4x128xi32, #tpu.memory_space<hbm>>) target(%arg11 : memref<4x128xi32, #tpu.memory_space<vmem>>) target_semaphore(%run_scoped3A : memref<!tpu.dma_semaphore, #tpu.memory_space<semaphore_mem>>)
      %dma_wait3A_279 = arith.constant 0 : i32
      %dma_wait3A_280 = tpu.memref_slice %arg6[%mul3A_4, %dma_wait3A_279] : memref<128x128xi32, #tpu.memory_space<hbm>> -> memref<4x128xi32, #tpu.memory_space<hbm>>
      %dma_wait3A_281 = arith.constant 0 : i32
      %dma_wait3A_282 = tpu.memref_slice %arg6[%mul3A_4, %dma_wait3A_281] : memref<128x128xi32, #tpu.memory_space<hbm>> -> memref<4x128xi32, #tpu.memory_space<hbm>>
      tpu.wait_dma2 semaphore(%run_scoped3A : memref<!tpu.dma_semaphore, #tpu.memory_space<semaphore_mem>>) src(%dma_wait3A_282 : memref<4x128xi32, #tpu.memory_space<hbm>>) dst(%arg11 : memref<4x128xi32, #tpu.memory_space<vmem>>)
      tpu.yield
    }) : () -> ()
    %dma_start3A = arith.constant 0 : i32
    %dma_start3A_5 = arith.constant 0 : i32
    %dma_start3A_6 = tpu.memref_slice %arg11[%dma_start3A, %dma_start3A_5] : memref<4x128xi32, #tpu.memory_space<vmem>> -> memref<1x128xi32, #tpu.memory_space<vmem>>
    %dma_start3A_7 = tpu.memref_squeeze %dma_start3A_6 : memref<1x128xi32, #tpu.memory_space<vmem>> -> memref<128xi32, #tpu.memory_space<vmem>>
    %dma_start3A_8 = arith.constant 0 : i32
    %dma_start3A_9 = arith.constant 0 : i32
    %dma_start3A_10 = tpu.memref_slice %arg4[%dma_start3A_8, %dma_start3A_9] : memref<16384x128xf32, #tpu.memory_space<hbm>> -> memref<16384x128xf32, #tpu.memory_space<hbm>>
    tpu.enqueue_indirect_dma source(%dma_start3A_10 : memref<16384x128xf32, #tpu.memory_space<hbm>>) target(%arg12 : memref<128x128xf32, #tpu.memory_space<vmem>>) offsets(%dma_start3A_7 : memref<128xi32, #tpu.memory_space<vmem>>) semaphore(%arg15 : memref<!tpu.dma_semaphore, #tpu.memory_space<semaphore_mem>>)
    %dma_start3A_11 = arith.constant 1 : i32
    %dma_start3A_12 = arith.constant 0 : i32
    %dma_start3A_13 = tpu.memref_slice %arg11[%dma_start3A_11, %dma_start3A_12] : memref<4x128xi32, #tpu.memory_space<vmem>> -> memref<1x128xi32, #tpu.memory_space<vmem>>
    %dma_start3A_14 = tpu.memref_squeeze %dma_start3A_13 : memref<1x128xi32, #tpu.memory_space<vmem>> -> memref<128xi32, #tpu.memory_space<vmem>>
    %dma_start3A_15 = arith.constant 0 : i32
    %dma_start3A_16 = arith.constant 0 : i32
    %dma_start3A_17 = tpu.memref_slice %arg4[%dma_start3A_15, %dma_start3A_16] : memref<16384x128xf32, #tpu.memory_space<hbm>> -> memref<16384x128xf32, #tpu.memory_space<hbm>>
    tpu.enqueue_indirect_dma source(%dma_start3A_17 : memref<16384x128xf32, #tpu.memory_space<hbm>>) target(%arg13 : memref<128x128xf32, #tpu.memory_space<vmem>>) offsets(%dma_start3A_14 : memref<128xi32, #tpu.memory_space<vmem>>) semaphore(%arg16 : memref<!tpu.dma_semaphore, #tpu.memory_space<semaphore_mem>>)
    %dma_start3A_18 = arith.constant 0 : i32
    %dma_start3A_19 = arith.constant 0 : i32
    %dma_start3A_20 = arith.constant 0 : i32
    %dma_start3A_21 = tpu.memref_slice %arg14[%dma_start3A_19, %dma_start3A_20] : memref<4x128xf32, #tpu.memory_space<vmem>> -> memref<1x128xf32, #tpu.memory_space<vmem>>
    %dma_start3A_22 = tpu.memref_squeeze %dma_start3A_21 : memref<1x128xf32, #tpu.memory_space<vmem>> -> memref<128xf32, #tpu.memory_space<vmem>>
    %dma_start3A_23 = arith.constant 0 : i32
    %dma_start3A_24 = tpu.memref_slice %arg11[%dma_start3A_18, %dma_start3A_23] : memref<4x128xi32, #tpu.memory_space<vmem>> -> memref<1x128xi32, #tpu.memory_space<vmem>>
    %dma_start3A_25 = tpu.memref_squeeze %dma_start3A_24 : memref<1x128xi32, #tpu.memory_space<vmem>> -> memref<128xi32, #tpu.memory_space<vmem>>
    %dma_start3A_26 = arith.constant 0 : i32
    %dma_start3A_27 = tpu.memref_slice %arg7[%dma_start3A_26] : memref<16384xf32, #tpu.memory_space<hbm>> -> memref<16384xf32, #tpu.memory_space<hbm>>
    tpu.enqueue_indirect_dma source(%dma_start3A_27 : memref<16384xf32, #tpu.memory_space<hbm>>) target(%dma_start3A_22 : memref<128xf32, #tpu.memory_space<vmem>>) offsets(%dma_start3A_25 : memref<128xi32, #tpu.memory_space<vmem>>) semaphore(%arg19 : memref<!tpu.dma_semaphore, #tpu.memory_space<semaphore_mem>>)
    %dma_start3A_28 = arith.constant 1 : i32
    %dma_start3A_29 = arith.constant 1 : i32
    %dma_start3A_30 = arith.constant 0 : i32
    %dma_start3A_31 = tpu.memref_slice %arg14[%dma_start3A_29, %dma_start3A_30] : memref<4x128xf32, #tpu.memory_space<vmem>> -> memref<1x128xf32, #tpu.memory_space<vmem>>
    %dma_start3A_32 = tpu.memref_squeeze %dma_start3A_31 : memref<1x128xf32, #tpu.memory_space<vmem>> -> memref<128xf32, #tpu.memory_space<vmem>>
    %dma_start3A_33 = arith.constant 0 : i32
    %dma_start3A_34 = tpu.memref_slice %arg11[%dma_start3A_28, %dma_start3A_33] : memref<4x128xi32, #tpu.memory_space<vmem>> -> memref<1x128xi32, #tpu.memory_space<vmem>>
    %dma_start3A_35 = tpu.memref_squeeze %dma_start3A_34 : memref<1x128xi32, #tpu.memory_space<vmem>> -> memref<128xi32, #tpu.memory_space<vmem>>
    %dma_start3A_36 = arith.constant 0 : i32
    %dma_start3A_37 = tpu.memref_slice %arg7[%dma_start3A_36] : memref<16384xf32, #tpu.memory_space<hbm>> -> memref<16384xf32, #tpu.memory_space<hbm>>
    tpu.enqueue_indirect_dma source(%dma_start3A_37 : memref<16384xf32, #tpu.memory_space<hbm>>) target(%dma_start3A_32 : memref<128xf32, #tpu.memory_space<vmem>>) offsets(%dma_start3A_35 : memref<128xi32, #tpu.memory_space<vmem>>) semaphore(%arg19 : memref<!tpu.dma_semaphore, #tpu.memory_space<semaphore_mem>>)
    %dma_start3A_38 = arith.constant 2 : i32
    %dma_start3A_39 = arith.constant 2 : i32
    %dma_start3A_40 = arith.constant 0 : i32
    %dma_start3A_41 = tpu.memref_slice %arg14[%dma_start3A_39, %dma_start3A_40] : memref<4x128xf32, #tpu.memory_space<vmem>> -> memref<1x128xf32, #tpu.memory_space<vmem>>
    %dma_start3A_42 = tpu.memref_squeeze %dma_start3A_41 : memref<1x128xf32, #tpu.memory_space<vmem>> -> memref<128xf32, #tpu.memory_space<vmem>>
    %dma_start3A_43 = arith.constant 0 : i32
    %dma_start3A_44 = tpu.memref_slice %arg11[%dma_start3A_38, %dma_start3A_43] : memref<4x128xi32, #tpu.memory_space<vmem>> -> memref<1x128xi32, #tpu.memory_space<vmem>>
    %dma_start3A_45 = tpu.memref_squeeze %dma_start3A_44 : memref<1x128xi32, #tpu.memory_space<vmem>> -> memref<128xi32, #tpu.memory_space<vmem>>
    %dma_start3A_46 = arith.constant 0 : i32
    %dma_start3A_47 = tpu.memref_slice %arg7[%dma_start3A_46] : memref<16384xf32, #tpu.memory_space<hbm>> -> memref<16384xf32, #tpu.memory_space<hbm>>
    tpu.enqueue_indirect_dma source(%dma_start3A_47 : memref<16384xf32, #tpu.memory_space<hbm>>) target(%dma_start3A_42 : memref<128xf32, #tpu.memory_space<vmem>>) offsets(%dma_start3A_45 : memref<128xi32, #tpu.memory_space<vmem>>) semaphore(%arg19 : memref<!tpu.dma_semaphore, #tpu.memory_space<semaphore_mem>>)
    %dma_start3A_48 = arith.constant 3 : i32
    %dma_start3A_49 = arith.constant 3 : i32
    %dma_start3A_50 = arith.constant 0 : i32
    %dma_start3A_51 = tpu.memref_slice %arg14[%dma_start3A_49, %dma_start3A_50] : memref<4x128xf32, #tpu.memory_space<vmem>> -> memref<1x128xf32, #tpu.memory_space<vmem>>
    %dma_start3A_52 = tpu.memref_squeeze %dma_start3A_51 : memref<1x128xf32, #tpu.memory_space<vmem>> -> memref<128xf32, #tpu.memory_space<vmem>>
    %dma_start3A_53 = arith.constant 0 : i32
    %dma_start3A_54 = tpu.memref_slice %arg11[%dma_start3A_48, %dma_start3A_53] : memref<4x128xi32, #tpu.memory_space<vmem>> -> memref<1x128xi32, #tpu.memory_space<vmem>>
    %dma_start3A_55 = tpu.memref_squeeze %dma_start3A_54 : memref<1x128xi32, #tpu.memory_space<vmem>> -> memref<128xi32, #tpu.memory_space<vmem>>
    %dma_start3A_56 = arith.constant 0 : i32
    %dma_start3A_57 = tpu.memref_slice %arg7[%dma_start3A_56] : memref<16384xf32, #tpu.memory_space<hbm>> -> memref<16384xf32, #tpu.memory_space<hbm>>
    tpu.enqueue_indirect_dma source(%dma_start3A_57 : memref<16384xf32, #tpu.memory_space<hbm>>) target(%dma_start3A_52 : memref<128xf32, #tpu.memory_space<vmem>>) offsets(%dma_start3A_55 : memref<128xi32, #tpu.memory_space<vmem>>) semaphore(%arg19 : memref<!tpu.dma_semaphore, #tpu.memory_space<semaphore_mem>>)
    %dma_wait3A = arith.constant 0 : i32
    %dma_wait3A_58 = arith.constant 0 : i32
    %dma_wait3A_59 = tpu.memref_slice %arg11[%dma_wait3A, %dma_wait3A_58] : memref<4x128xi32, #tpu.memory_space<vmem>> -> memref<1x128xi32, #tpu.memory_space<vmem>>
    %dma_wait3A_60 = tpu.memref_squeeze %dma_wait3A_59 : memref<1x128xi32, #tpu.memory_space<vmem>> -> memref<128xi32, #tpu.memory_space<vmem>>
    %dma_wait3A_61 = arith.constant 0 : i32
    %dma_wait3A_62 = arith.constant 0 : i32
    %dma_wait3A_63 = tpu.memref_slice %arg4[%dma_wait3A_61, %dma_wait3A_62] : memref<16384x128xf32, #tpu.memory_space<hbm>> -> memref<16384x128xf32, #tpu.memory_space<hbm>>
    tpu.wait_indirect_dma semaphore(%arg15 : memref<!tpu.dma_semaphore, #tpu.memory_space<semaphore_mem>>) src(%dma_wait3A_63 : memref<16384x128xf32, #tpu.memory_space<hbm>>) dst(%arg12 : memref<128x128xf32, #tpu.memory_space<vmem>>)
    %dma_start3A_64 = arith.constant 0 : i32
    %dma_start3A_65 = arith.constant 0 : i32
    %dma_start3A_66 = tpu.memref_slice %arg10[%dma_start3A_64, %dma_start3A_65] : memref<4x128xi32, #tpu.memory_space<vmem>> -> memref<1x128xi32, #tpu.memory_space<vmem>>
    %dma_start3A_67 = tpu.memref_squeeze %dma_start3A_66 : memref<1x128xi32, #tpu.memory_space<vmem>> -> memref<128xi32, #tpu.memory_space<vmem>>
    %dma_start3A_68 = arith.constant 0 : i32
    %dma_start3A_69 = arith.constant 0 : i32
    %dma_start3A_70 = tpu.memref_slice %arg2[%dma_start3A_68, %dma_start3A_69] : memref<1000000x128xf32, #tpu.memory_space<hbm>> -> memref<1000000x128xf32, #tpu.memory_space<hbm>>
    tpu.enqueue_indirect_dma source(%arg12 : memref<128x128xf32, #tpu.memory_space<vmem>>) target(%dma_start3A_70 : memref<1000000x128xf32, #tpu.memory_space<hbm>>) offsets(%dma_start3A_67 : memref<128xi32, #tpu.memory_space<vmem>>) semaphore(%arg17 : memref<!tpu.dma_semaphore, #tpu.memory_space<semaphore_mem>>)
    %dma_wait3A_71 = arith.constant 1 : i32
    %dma_wait3A_72 = arith.constant 0 : i32
    %dma_wait3A_73 = tpu.memref_slice %arg11[%dma_wait3A_71, %dma_wait3A_72] : memref<4x128xi32, #tpu.memory_space<vmem>> -> memref<1x128xi32, #tpu.memory_space<vmem>>
    %dma_wait3A_74 = tpu.memref_squeeze %dma_wait3A_73 : memref<1x128xi32, #tpu.memory_space<vmem>> -> memref<128xi32, #tpu.memory_space<vmem>>
    %dma_wait3A_75 = arith.constant 0 : i32
    %dma_wait3A_76 = arith.constant 0 : i32
    %dma_wait3A_77 = tpu.memref_slice %arg4[%dma_wait3A_75, %dma_wait3A_76] : memref<16384x128xf32, #tpu.memory_space<hbm>> -> memref<16384x128xf32, #tpu.memory_space<hbm>>
    tpu.wait_indirect_dma semaphore(%arg16 : memref<!tpu.dma_semaphore, #tpu.memory_space<semaphore_mem>>) src(%dma_wait3A_77 : memref<16384x128xf32, #tpu.memory_space<hbm>>) dst(%arg13 : memref<128x128xf32, #tpu.memory_space<vmem>>)
    %dma_start3A_78 = arith.constant 1 : i32
    %dma_start3A_79 = arith.constant 0 : i32
    %dma_start3A_80 = tpu.memref_slice %arg10[%dma_start3A_78, %dma_start3A_79] : memref<4x128xi32, #tpu.memory_space<vmem>> -> memref<1x128xi32, #tpu.memory_space<vmem>>
    %dma_start3A_81 = tpu.memref_squeeze %dma_start3A_80 : memref<1x128xi32, #tpu.memory_space<vmem>> -> memref<128xi32, #tpu.memory_space<vmem>>
    %dma_start3A_82 = arith.constant 0 : i32
    %dma_start3A_83 = arith.constant 0 : i32
    %dma_start3A_84 = tpu.memref_slice %arg2[%dma_start3A_82, %dma_start3A_83] : memref<1000000x128xf32, #tpu.memory_space<hbm>> -> memref<1000000x128xf32, #tpu.memory_space<hbm>>
    tpu.enqueue_indirect_dma source(%arg13 : memref<128x128xf32, #tpu.memory_space<vmem>>) target(%dma_start3A_84 : memref<1000000x128xf32, #tpu.memory_space<hbm>>) offsets(%dma_start3A_81 : memref<128xi32, #tpu.memory_space<vmem>>) semaphore(%arg18 : memref<!tpu.dma_semaphore, #tpu.memory_space<semaphore_mem>>)
    %dma_wait3A_85 = arith.constant 0 : i32
    %dma_wait3A_86 = arith.constant 0 : i32
    %dma_wait3A_87 = tpu.memref_slice %arg10[%dma_wait3A_85, %dma_wait3A_86] : memref<4x128xi32, #tpu.memory_space<vmem>> -> memref<1x128xi32, #tpu.memory_space<vmem>>
    %dma_wait3A_88 = tpu.memref_squeeze %dma_wait3A_87 : memref<1x128xi32, #tpu.memory_space<vmem>> -> memref<128xi32, #tpu.memory_space<vmem>>
    %dma_wait3A_89 = arith.constant 0 : i32
    %dma_wait3A_90 = arith.constant 0 : i32
    %dma_wait3A_91 = tpu.memref_slice %arg2[%dma_wait3A_89, %dma_wait3A_90] : memref<1000000x128xf32, #tpu.memory_space<hbm>> -> memref<1000000x128xf32, #tpu.memory_space<hbm>>
    tpu.wait_indirect_dma semaphore(%arg17 : memref<!tpu.dma_semaphore, #tpu.memory_space<semaphore_mem>>) src(%arg12 : memref<128x128xf32, #tpu.memory_space<vmem>>) dst(%dma_wait3A_91 : memref<1000000x128xf32, #tpu.memory_space<hbm>>)
    %dma_start3A_92 = arith.constant 2 : i32
    %dma_start3A_93 = arith.constant 0 : i32
    %dma_start3A_94 = tpu.memref_slice %arg11[%dma_start3A_92, %dma_start3A_93] : memref<4x128xi32, #tpu.memory_space<vmem>> -> memref<1x128xi32, #tpu.memory_space<vmem>>
    %dma_start3A_95 = tpu.memref_squeeze %dma_start3A_94 : memref<1x128xi32, #tpu.memory_space<vmem>> -> memref<128xi32, #tpu.memory_space<vmem>>
    %dma_start3A_96 = arith.constant 0 : i32
    %dma_start3A_97 = arith.constant 0 : i32
    %dma_start3A_98 = tpu.memref_slice %arg4[%dma_start3A_96, %dma_start3A_97] : memref<16384x128xf32, #tpu.memory_space<hbm>> -> memref<16384x128xf32, #tpu.memory_space<hbm>>
    tpu.enqueue_indirect_dma source(%dma_start3A_98 : memref<16384x128xf32, #tpu.memory_space<hbm>>) target(%arg12 : memref<128x128xf32, #tpu.memory_space<vmem>>) offsets(%dma_start3A_95 : memref<128xi32, #tpu.memory_space<vmem>>) semaphore(%arg15 : memref<!tpu.dma_semaphore, #tpu.memory_space<semaphore_mem>>)
    %dma_wait3A_99 = arith.constant 1 : i32
    %dma_wait3A_100 = arith.constant 0 : i32
    %dma_wait3A_101 = tpu.memref_slice %arg10[%dma_wait3A_99, %dma_wait3A_100] : memref<4x128xi32, #tpu.memory_space<vmem>> -> memref<1x128xi32, #tpu.memory_space<vmem>>
    %dma_wait3A_102 = tpu.memref_squeeze %dma_wait3A_101 : memref<1x128xi32, #tpu.memory_space<vmem>> -> memref<128xi32, #tpu.memory_space<vmem>>
    %dma_wait3A_103 = arith.constant 0 : i32
    %dma_wait3A_104 = arith.constant 0 : i32
    %dma_wait3A_105 = tpu.memref_slice %arg2[%dma_wait3A_103, %dma_wait3A_104] : memref<1000000x128xf32, #tpu.memory_space<hbm>> -> memref<1000000x128xf32, #tpu.memory_space<hbm>>
    tpu.wait_indirect_dma semaphore(%arg18 : memref<!tpu.dma_semaphore, #tpu.memory_space<semaphore_mem>>) src(%arg13 : memref<128x128xf32, #tpu.memory_space<vmem>>) dst(%dma_wait3A_105 : memref<1000000x128xf32, #tpu.memory_space<hbm>>)
    %dma_start3A_106 = arith.constant 3 : i32
    %dma_start3A_107 = arith.constant 0 : i32
    %dma_start3A_108 = tpu.memref_slice %arg11[%dma_start3A_106, %dma_start3A_107] : memref<4x128xi32, #tpu.memory_space<vmem>> -> memref<1x128xi32, #tpu.memory_space<vmem>>
    %dma_start3A_109 = tpu.memref_squeeze %dma_start3A_108 : memref<1x128xi32, #tpu.memory_space<vmem>> -> memref<128xi32, #tpu.memory_space<vmem>>
    %dma_start3A_110 = arith.constant 0 : i32
    %dma_start3A_111 = arith.constant 0 : i32
    %dma_start3A_112 = tpu.memref_slice %arg4[%dma_start3A_110, %dma_start3A_111] : memref<16384x128xf32, #tpu.memory_space<hbm>> -> memref<16384x128xf32, #tpu.memory_space<hbm>>
    tpu.enqueue_indirect_dma source(%dma_start3A_112 : memref<16384x128xf32, #tpu.memory_space<hbm>>) target(%arg13 : memref<128x128xf32, #tpu.memory_space<vmem>>) offsets(%dma_start3A_109 : memref<128xi32, #tpu.memory_space<vmem>>) semaphore(%arg16 : memref<!tpu.dma_semaphore, #tpu.memory_space<semaphore_mem>>)
    %dma_wait3A_113 = arith.constant 2 : i32
    %dma_wait3A_114 = arith.constant 0 : i32
    %dma_wait3A_115 = tpu.memref_slice %arg11[%dma_wait3A_113, %dma_wait3A_114] : memref<4x128xi32, #tpu.memory_space<vmem>> -> memref<1x128xi32, #tpu.memory_space<vmem>>
    %dma_wait3A_116 = tpu.memref_squeeze %dma_wait3A_115 : memref<1x128xi32, #tpu.memory_space<vmem>> -> memref<128xi32, #tpu.memory_space<vmem>>
    %dma_wait3A_117 = arith.constant 0 : i32
    %dma_wait3A_118 = arith.constant 0 : i32
    %dma_wait3A_119 = tpu.memref_slice %arg4[%dma_wait3A_117, %dma_wait3A_118] : memref<16384x128xf32, #tpu.memory_space<hbm>> -> memref<16384x128xf32, #tpu.memory_space<hbm>>
    tpu.wait_indirect_dma semaphore(%arg15 : memref<!tpu.dma_semaphore, #tpu.memory_space<semaphore_mem>>) src(%dma_wait3A_119 : memref<16384x128xf32, #tpu.memory_space<hbm>>) dst(%arg12 : memref<128x128xf32, #tpu.memory_space<vmem>>)
    %dma_start3A_120 = arith.constant 2 : i32
    %dma_start3A_121 = arith.constant 0 : i32
    %dma_start3A_122 = tpu.memref_slice %arg10[%dma_start3A_120, %dma_start3A_121] : memref<4x128xi32, #tpu.memory_space<vmem>> -> memref<1x128xi32, #tpu.memory_space<vmem>>
    %dma_start3A_123 = tpu.memref_squeeze %dma_start3A_122 : memref<1x128xi32, #tpu.memory_space<vmem>> -> memref<128xi32, #tpu.memory_space<vmem>>
    %dma_start3A_124 = arith.constant 0 : i32
    %dma_start3A_125 = arith.constant 0 : i32
    %dma_start3A_126 = tpu.memref_slice %arg2[%dma_start3A_124, %dma_start3A_125] : memref<1000000x128xf32, #tpu.memory_space<hbm>> -> memref<1000000x128xf32, #tpu.memory_space<hbm>>
    tpu.enqueue_indirect_dma source(%arg12 : memref<128x128xf32, #tpu.memory_space<vmem>>) target(%dma_start3A_126 : memref<1000000x128xf32, #tpu.memory_space<hbm>>) offsets(%dma_start3A_123 : memref<128xi32, #tpu.memory_space<vmem>>) semaphore(%arg17 : memref<!tpu.dma_semaphore, #tpu.memory_space<semaphore_mem>>)
    %dma_wait3A_127 = arith.constant 3 : i32
    %dma_wait3A_128 = arith.constant 0 : i32
    %dma_wait3A_129 = tpu.memref_slice %arg11[%dma_wait3A_127, %dma_wait3A_128] : memref<4x128xi32, #tpu.memory_space<vmem>> -> memref<1x128xi32, #tpu.memory_space<vmem>>
    %dma_wait3A_130 = tpu.memref_squeeze %dma_wait3A_129 : memref<1x128xi32, #tpu.memory_space<vmem>> -> memref<128xi32, #tpu.memory_space<vmem>>
    %dma_wait3A_131 = arith.constant 0 : i32
    %dma_wait3A_132 = arith.constant 0 : i32
    %dma_wait3A_133 = tpu.memref_slice %arg4[%dma_wait3A_131, %dma_wait3A_132] : memref<16384x128xf32, #tpu.memory_space<hbm>> -> memref<16384x128xf32, #tpu.memory_space<hbm>>
    tpu.wait_indirect_dma semaphore(%arg16 : memref<!tpu.dma_semaphore, #tpu.memory_space<semaphore_mem>>) src(%dma_wait3A_133 : memref<16384x128xf32, #tpu.memory_space<hbm>>) dst(%arg13 : memref<128x128xf32, #tpu.memory_space<vmem>>)
    %dma_start3A_134 = arith.constant 3 : i32
    %dma_start3A_135 = arith.constant 0 : i32
    %dma_start3A_136 = tpu.memref_slice %arg10[%dma_start3A_134, %dma_start3A_135] : memref<4x128xi32, #tpu.memory_space<vmem>> -> memref<1x128xi32, #tpu.memory_space<vmem>>
    %dma_start3A_137 = tpu.memref_squeeze %dma_start3A_136 : memref<1x128xi32, #tpu.memory_space<vmem>> -> memref<128xi32, #tpu.memory_space<vmem>>
    %dma_start3A_138 = arith.constant 0 : i32
    %dma_start3A_139 = arith.constant 0 : i32
    %dma_start3A_140 = tpu.memref_slice %arg2[%dma_start3A_138, %dma_start3A_139] : memref<1000000x128xf32, #tpu.memory_space<hbm>> -> memref<1000000x128xf32, #tpu.memory_space<hbm>>
    tpu.enqueue_indirect_dma source(%arg13 : memref<128x128xf32, #tpu.memory_space<vmem>>) target(%dma_start3A_140 : memref<1000000x128xf32, #tpu.memory_space<hbm>>) offsets(%dma_start3A_137 : memref<128xi32, #tpu.memory_space<vmem>>) semaphore(%arg18 : memref<!tpu.dma_semaphore, #tpu.memory_space<semaphore_mem>>)
    %dma_wait3A_141 = arith.constant 0 : i32
    %dma_wait3A_142 = arith.constant 0 : i32
    %dma_wait3A_143 = arith.constant 0 : i32
    %dma_wait3A_144 = tpu.memref_slice %arg14[%dma_wait3A_142, %dma_wait3A_143] : memref<4x128xf32, #tpu.memory_space<vmem>> -> memref<1x128xf32, #tpu.memory_space<vmem>>
    %dma_wait3A_145 = tpu.memref_squeeze %dma_wait3A_144 : memref<1x128xf32, #tpu.memory_space<vmem>> -> memref<128xf32, #tpu.memory_space<vmem>>
    %dma_wait3A_146 = arith.constant 0 : i32
    %dma_wait3A_147 = tpu.memref_slice %arg11[%dma_wait3A_141, %dma_wait3A_146] : memref<4x128xi32, #tpu.memory_space<vmem>> -> memref<1x128xi32, #tpu.memory_space<vmem>>
    %dma_wait3A_148 = tpu.memref_squeeze %dma_wait3A_147 : memref<1x128xi32, #tpu.memory_space<vmem>> -> memref<128xi32, #tpu.memory_space<vmem>>
    %dma_wait3A_149 = arith.constant 0 : i32
    %dma_wait3A_150 = tpu.memref_slice %arg7[%dma_wait3A_149] : memref<16384xf32, #tpu.memory_space<hbm>> -> memref<16384xf32, #tpu.memory_space<hbm>>
    tpu.wait_indirect_dma semaphore(%arg19 : memref<!tpu.dma_semaphore, #tpu.memory_space<semaphore_mem>>) src(%dma_wait3A_150 : memref<16384xf32, #tpu.memory_space<hbm>>) dst(%dma_wait3A_145 : memref<128xf32, #tpu.memory_space<vmem>>)
    %dma_wait3A_151 = arith.constant 1 : i32
    %dma_wait3A_152 = arith.constant 1 : i32
    %dma_wait3A_153 = arith.constant 0 : i32
    %dma_wait3A_154 = tpu.memref_slice %arg14[%dma_wait3A_152, %dma_wait3A_153] : memref<4x128xf32, #tpu.memory_space<vmem>> -> memref<1x128xf32, #tpu.memory_space<vmem>>
    %dma_wait3A_155 = tpu.memref_squeeze %dma_wait3A_154 : memref<1x128xf32, #tpu.memory_space<vmem>> -> memref<128xf32, #tpu.memory_space<vmem>>
    %dma_wait3A_156 = arith.constant 0 : i32
    %dma_wait3A_157 = tpu.memref_slice %arg11[%dma_wait3A_151, %dma_wait3A_156] : memref<4x128xi32, #tpu.memory_space<vmem>> -> memref<1x128xi32, #tpu.memory_space<vmem>>
    %dma_wait3A_158 = tpu.memref_squeeze %dma_wait3A_157 : memref<1x128xi32, #tpu.memory_space<vmem>> -> memref<128xi32, #tpu.memory_space<vmem>>
    %dma_wait3A_159 = arith.constant 0 : i32
    %dma_wait3A_160 = tpu.memref_slice %arg7[%dma_wait3A_159] : memref<16384xf32, #tpu.memory_space<hbm>> -> memref<16384xf32, #tpu.memory_space<hbm>>
    tpu.wait_indirect_dma semaphore(%arg19 : memref<!tpu.dma_semaphore, #tpu.memory_space<semaphore_mem>>) src(%dma_wait3A_160 : memref<16384xf32, #tpu.memory_space<hbm>>) dst(%dma_wait3A_155 : memref<128xf32, #tpu.memory_space<vmem>>)
    %dma_wait3A_161 = arith.constant 2 : i32
    %dma_wait3A_162 = arith.constant 2 : i32
    %dma_wait3A_163 = arith.constant 0 : i32
    %dma_wait3A_164 = tpu.memref_slice %arg14[%dma_wait3A_162, %dma_wait3A_163] : memref<4x128xf32, #tpu.memory_space<vmem>> -> memref<1x128xf32, #tpu.memory_space<vmem>>
    %dma_wait3A_165 = tpu.memref_squeeze %dma_wait3A_164 : memref<1x128xf32, #tpu.memory_space<vmem>> -> memref<128xf32, #tpu.memory_space<vmem>>
    %dma_wait3A_166 = arith.constant 0 : i32
    %dma_wait3A_167 = tpu.memref_slice %arg11[%dma_wait3A_161, %dma_wait3A_166] : memref<4x128xi32, #tpu.memory_space<vmem>> -> memref<1x128xi32, #tpu.memory_space<vmem>>
    %dma_wait3A_168 = tpu.memref_squeeze %dma_wait3A_167 : memref<1x128xi32, #tpu.memory_space<vmem>> -> memref<128xi32, #tpu.memory_space<vmem>>
    %dma_wait3A_169 = arith.constant 0 : i32
    %dma_wait3A_170 = tpu.memref_slice %arg7[%dma_wait3A_169] : memref<16384xf32, #tpu.memory_space<hbm>> -> memref<16384xf32, #tpu.memory_space<hbm>>
    tpu.wait_indirect_dma semaphore(%arg19 : memref<!tpu.dma_semaphore, #tpu.memory_space<semaphore_mem>>) src(%dma_wait3A_170 : memref<16384xf32, #tpu.memory_space<hbm>>) dst(%dma_wait3A_165 : memref<128xf32, #tpu.memory_space<vmem>>)
    %dma_wait3A_171 = arith.constant 3 : i32
    %dma_wait3A_172 = arith.constant 3 : i32
    %dma_wait3A_173 = arith.constant 0 : i32
    %dma_wait3A_174 = tpu.memref_slice %arg14[%dma_wait3A_172, %dma_wait3A_173] : memref<4x128xf32, #tpu.memory_space<vmem>> -> memref<1x128xf32, #tpu.memory_space<vmem>>
    %dma_wait3A_175 = tpu.memref_squeeze %dma_wait3A_174 : memref<1x128xf32, #tpu.memory_space<vmem>> -> memref<128xf32, #tpu.memory_space<vmem>>
    %dma_wait3A_176 = arith.constant 0 : i32
    %dma_wait3A_177 = tpu.memref_slice %arg11[%dma_wait3A_171, %dma_wait3A_176] : memref<4x128xi32, #tpu.memory_space<vmem>> -> memref<1x128xi32, #tpu.memory_space<vmem>>
    %dma_wait3A_178 = tpu.memref_squeeze %dma_wait3A_177 : memref<1x128xi32, #tpu.memory_space<vmem>> -> memref<128xi32, #tpu.memory_space<vmem>>
    %dma_wait3A_179 = arith.constant 0 : i32
    %dma_wait3A_180 = tpu.memref_slice %arg7[%dma_wait3A_179] : memref<16384xf32, #tpu.memory_space<hbm>> -> memref<16384xf32, #tpu.memory_space<hbm>>
    tpu.wait_indirect_dma semaphore(%arg19 : memref<!tpu.dma_semaphore, #tpu.memory_space<semaphore_mem>>) src(%dma_wait3A_180 : memref<16384xf32, #tpu.memory_space<hbm>>) dst(%dma_wait3A_175 : memref<128xf32, #tpu.memory_space<vmem>>)
    %dma_start3A_181 = arith.constant 0 : i32
    %dma_start3A_182 = arith.constant 0 : i32
    %dma_start3A_183 = arith.constant 0 : i32
    %dma_start3A_184 = tpu.memref_slice %arg14[%dma_start3A_181, %dma_start3A_183] : memref<4x128xf32, #tpu.memory_space<vmem>> -> memref<1x128xf32, #tpu.memory_space<vmem>>
    %dma_start3A_185 = tpu.memref_squeeze %dma_start3A_184 : memref<1x128xf32, #tpu.memory_space<vmem>> -> memref<128xf32, #tpu.memory_space<vmem>>
    %dma_start3A_186 = arith.constant 0 : i32
    %dma_start3A_187 = tpu.memref_slice %arg10[%dma_start3A_182, %dma_start3A_186] : memref<4x128xi32, #tpu.memory_space<vmem>> -> memref<1x128xi32, #tpu.memory_space<vmem>>
    %dma_start3A_188 = tpu.memref_squeeze %dma_start3A_187 : memref<1x128xi32, #tpu.memory_space<vmem>> -> memref<128xi32, #tpu.memory_space<vmem>>
    %dma_start3A_189 = arith.constant 0 : i32
    %dma_start3A_190 = tpu.memref_slice %arg3[%dma_start3A_189] : memref<1000000xf32, #tpu.memory_space<hbm>> -> memref<1000000xf32, #tpu.memory_space<hbm>>
    tpu.enqueue_indirect_dma source(%dma_start3A_185 : memref<128xf32, #tpu.memory_space<vmem>>) target(%dma_start3A_190 : memref<1000000xf32, #tpu.memory_space<hbm>>) offsets(%dma_start3A_188 : memref<128xi32, #tpu.memory_space<vmem>>) semaphore(%arg19 : memref<!tpu.dma_semaphore, #tpu.memory_space<semaphore_mem>>)
    %dma_start3A_191 = arith.constant 1 : i32
    %dma_start3A_192 = arith.constant 1 : i32
    %dma_start3A_193 = arith.constant 0 : i32
    %dma_start3A_194 = tpu.memref_slice %arg14[%dma_start3A_191, %dma_start3A_193] : memref<4x128xf32, #tpu.memory_space<vmem>> -> memref<1x128xf32, #tpu.memory_space<vmem>>
    %dma_start3A_195 = tpu.memref_squeeze %dma_start3A_194 : memref<1x128xf32, #tpu.memory_space<vmem>> -> memref<128xf32, #tpu.memory_space<vmem>>
    %dma_start3A_196 = arith.constant 0 : i32
    %dma_start3A_197 = tpu.memref_slice %arg10[%dma_start3A_192, %dma_start3A_196] : memref<4x128xi32, #tpu.memory_space<vmem>> -> memref<1x128xi32, #tpu.memory_space<vmem>>
    %dma_start3A_198 = tpu.memref_squeeze %dma_start3A_197 : memref<1x128xi32, #tpu.memory_space<vmem>> -> memref<128xi32, #tpu.memory_space<vmem>>
    %dma_start3A_199 = arith.constant 0 : i32
    %dma_start3A_200 = tpu.memref_slice %arg3[%dma_start3A_199] : memref<1000000xf32, #tpu.memory_space<hbm>> -> memref<1000000xf32, #tpu.memory_space<hbm>>
    tpu.enqueue_indirect_dma source(%dma_start3A_195 : memref<128xf32, #tpu.memory_space<vmem>>) target(%dma_start3A_200 : memref<1000000xf32, #tpu.memory_space<hbm>>) offsets(%dma_start3A_198 : memref<128xi32, #tpu.memory_space<vmem>>) semaphore(%arg19 : memref<!tpu.dma_semaphore, #tpu.memory_space<semaphore_mem>>)
    %dma_start3A_201 = arith.constant 2 : i32
    %dma_start3A_202 = arith.constant 2 : i32
    %dma_start3A_203 = arith.constant 0 : i32
    %dma_start3A_204 = tpu.memref_slice %arg14[%dma_start3A_201, %dma_start3A_203] : memref<4x128xf32, #tpu.memory_space<vmem>> -> memref<1x128xf32, #tpu.memory_space<vmem>>
    %dma_start3A_205 = tpu.memref_squeeze %dma_start3A_204 : memref<1x128xf32, #tpu.memory_space<vmem>> -> memref<128xf32, #tpu.memory_space<vmem>>
    %dma_start3A_206 = arith.constant 0 : i32
    %dma_start3A_207 = tpu.memref_slice %arg10[%dma_start3A_202, %dma_start3A_206] : memref<4x128xi32, #tpu.memory_space<vmem>> -> memref<1x128xi32, #tpu.memory_space<vmem>>
    %dma_start3A_208 = tpu.memref_squeeze %dma_start3A_207 : memref<1x128xi32, #tpu.memory_space<vmem>> -> memref<128xi32, #tpu.memory_space<vmem>>
    %dma_start3A_209 = arith.constant 0 : i32
    %dma_start3A_210 = tpu.memref_slice %arg3[%dma_start3A_209] : memref<1000000xf32, #tpu.memory_space<hbm>> -> memref<1000000xf32, #tpu.memory_space<hbm>>
    tpu.enqueue_indirect_dma source(%dma_start3A_205 : memref<128xf32, #tpu.memory_space<vmem>>) target(%dma_start3A_210 : memref<1000000xf32, #tpu.memory_space<hbm>>) offsets(%dma_start3A_208 : memref<128xi32, #tpu.memory_space<vmem>>) semaphore(%arg19 : memref<!tpu.dma_semaphore, #tpu.memory_space<semaphore_mem>>)
    %dma_start3A_211 = arith.constant 3 : i32
    %dma_start3A_212 = arith.constant 3 : i32
    %dma_start3A_213 = arith.constant 0 : i32
    %dma_start3A_214 = tpu.memref_slice %arg14[%dma_start3A_211, %dma_start3A_213] : memref<4x128xf32, #tpu.memory_space<vmem>> -> memref<1x128xf32, #tpu.memory_space<vmem>>
    %dma_start3A_215 = tpu.memref_squeeze %dma_start3A_214 : memref<1x128xf32, #tpu.memory_space<vmem>> -> memref<128xf32, #tpu.memory_space<vmem>>
    %dma_start3A_216 = arith.constant 0 : i32
    %dma_start3A_217 = tpu.memref_slice %arg10[%dma_start3A_212, %dma_start3A_216] : memref<4x128xi32, #tpu.memory_space<vmem>> -> memref<1x128xi32, #tpu.memory_space<vmem>>
    %dma_start3A_218 = tpu.memref_squeeze %dma_start3A_217 : memref<1x128xi32, #tpu.memory_space<vmem>> -> memref<128xi32, #tpu.memory_space<vmem>>
    %dma_start3A_219 = arith.constant 0 : i32
    %dma_start3A_220 = tpu.memref_slice %arg3[%dma_start3A_219] : memref<1000000xf32, #tpu.memory_space<hbm>> -> memref<1000000xf32, #tpu.memory_space<hbm>>
    tpu.enqueue_indirect_dma source(%dma_start3A_215 : memref<128xf32, #tpu.memory_space<vmem>>) target(%dma_start3A_220 : memref<1000000xf32, #tpu.memory_space<hbm>>) offsets(%dma_start3A_218 : memref<128xi32, #tpu.memory_space<vmem>>) semaphore(%arg19 : memref<!tpu.dma_semaphore, #tpu.memory_space<semaphore_mem>>)
    %dma_wait3A_221 = arith.constant 0 : i32
    %dma_wait3A_222 = arith.constant 0 : i32
    %dma_wait3A_223 = arith.constant 0 : i32
    %dma_wait3A_224 = tpu.memref_slice %arg14[%dma_wait3A_221, %dma_wait3A_223] : memref<4x128xf32, #tpu.memory_space<vmem>> -> memref<1x128xf32, #tpu.memory_space<vmem>>
    %dma_wait3A_225 = tpu.memref_squeeze %dma_wait3A_224 : memref<1x128xf32, #tpu.memory_space<vmem>> -> memref<128xf32, #tpu.memory_space<vmem>>
    %dma_wait3A_226 = arith.constant 0 : i32
    %dma_wait3A_227 = tpu.memref_slice %arg10[%dma_wait3A_222, %dma_wait3A_226] : memref<4x128xi32, #tpu.memory_space<vmem>> -> memref<1x128xi32, #tpu.memory_space<vmem>>
    %dma_wait3A_228 = tpu.memref_squeeze %dma_wait3A_227 : memref<1x128xi32, #tpu.memory_space<vmem>> -> memref<128xi32, #tpu.memory_space<vmem>>
    %dma_wait3A_229 = arith.constant 0 : i32
    %dma_wait3A_230 = tpu.memref_slice %arg3[%dma_wait3A_229] : memref<1000000xf32, #tpu.memory_space<hbm>> -> memref<1000000xf32, #tpu.memory_space<hbm>>
    tpu.wait_indirect_dma semaphore(%arg19 : memref<!tpu.dma_semaphore, #tpu.memory_space<semaphore_mem>>) src(%dma_wait3A_225 : memref<128xf32, #tpu.memory_space<vmem>>) dst(%dma_wait3A_230 : memref<1000000xf32, #tpu.memory_space<hbm>>)
    %dma_wait3A_231 = arith.constant 1 : i32
    %dma_wait3A_232 = arith.constant 1 : i32
    %dma_wait3A_233 = arith.constant 0 : i32
    %dma_wait3A_234 = tpu.memref_slice %arg14[%dma_wait3A_231, %dma_wait3A_233] : memref<4x128xf32, #tpu.memory_space<vmem>> -> memref<1x128xf32, #tpu.memory_space<vmem>>
    %dma_wait3A_235 = tpu.memref_squeeze %dma_wait3A_234 : memref<1x128xf32, #tpu.memory_space<vmem>> -> memref<128xf32, #tpu.memory_space<vmem>>
    %dma_wait3A_236 = arith.constant 0 : i32
    %dma_wait3A_237 = tpu.memref_slice %arg10[%dma_wait3A_232, %dma_wait3A_236] : memref<4x128xi32, #tpu.memory_space<vmem>> -> memref<1x128xi32, #tpu.memory_space<vmem>>
    %dma_wait3A_238 = tpu.memref_squeeze %dma_wait3A_237 : memref<1x128xi32, #tpu.memory_space<vmem>> -> memref<128xi32, #tpu.memory_space<vmem>>
    %dma_wait3A_239 = arith.constant 0 : i32
    %dma_wait3A_240 = tpu.memref_slice %arg3[%dma_wait3A_239] : memref<1000000xf32, #tpu.memory_space<hbm>> -> memref<1000000xf32, #tpu.memory_space<hbm>>
    tpu.wait_indirect_dma semaphore(%arg19 : memref<!tpu.dma_semaphore, #tpu.memory_space<semaphore_mem>>) src(%dma_wait3A_235 : memref<128xf32, #tpu.memory_space<vmem>>) dst(%dma_wait3A_240 : memref<1000000xf32, #tpu.memory_space<hbm>>)
    %dma_wait3A_241 = arith.constant 2 : i32
    %dma_wait3A_242 = arith.constant 2 : i32
    %dma_wait3A_243 = arith.constant 0 : i32
    %dma_wait3A_244 = tpu.memref_slice %arg14[%dma_wait3A_241, %dma_wait3A_243] : memref<4x128xf32, #tpu.memory_space<vmem>> -> memref<1x128xf32, #tpu.memory_space<vmem>>
    %dma_wait3A_245 = tpu.memref_squeeze %dma_wait3A_244 : memref<1x128xf32, #tpu.memory_space<vmem>> -> memref<128xf32, #tpu.memory_space<vmem>>
    %dma_wait3A_246 = arith.constant 0 : i32
    %dma_wait3A_247 = tpu.memref_slice %arg10[%dma_wait3A_242, %dma_wait3A_246] : memref<4x128xi32, #tpu.memory_space<vmem>> -> memref<1x128xi32, #tpu.memory_space<vmem>>
    %dma_wait3A_248 = tpu.memref_squeeze %dma_wait3A_247 : memref<1x128xi32, #tpu.memory_space<vmem>> -> memref<128xi32, #tpu.memory_space<vmem>>
    %dma_wait3A_249 = arith.constant 0 : i32
    %dma_wait3A_250 = tpu.memref_slice %arg3[%dma_wait3A_249] : memref<1000000xf32, #tpu.memory_space<hbm>> -> memref<1000000xf32, #tpu.memory_space<hbm>>
    tpu.wait_indirect_dma semaphore(%arg19 : memref<!tpu.dma_semaphore, #tpu.memory_space<semaphore_mem>>) src(%dma_wait3A_245 : memref<128xf32, #tpu.memory_space<vmem>>) dst(%dma_wait3A_250 : memref<1000000xf32, #tpu.memory_space<hbm>>)
    %dma_wait3A_251 = arith.constant 3 : i32
    %dma_wait3A_252 = arith.constant 3 : i32
    %dma_wait3A_253 = arith.constant 0 : i32
    %dma_wait3A_254 = tpu.memref_slice %arg14[%dma_wait3A_251, %dma_wait3A_253] : memref<4x128xf32, #tpu.memory_space<vmem>> -> memref<1x128xf32, #tpu.memory_space<vmem>>
    %dma_wait3A_255 = tpu.memref_squeeze %dma_wait3A_254 : memref<1x128xf32, #tpu.memory_space<vmem>> -> memref<128xf32, #tpu.memory_space<vmem>>
    %dma_wait3A_256 = arith.constant 0 : i32
    %dma_wait3A_257 = tpu.memref_slice %arg10[%dma_wait3A_252, %dma_wait3A_256] : memref<4x128xi32, #tpu.memory_space<vmem>> -> memref<1x128xi32, #tpu.memory_space<vmem>>
    %dma_wait3A_258 = tpu.memref_squeeze %dma_wait3A_257 : memref<1x128xi32, #tpu.memory_space<vmem>> -> memref<128xi32, #tpu.memory_space<vmem>>
    %dma_wait3A_259 = arith.constant 0 : i32
    %dma_wait3A_260 = tpu.memref_slice %arg3[%dma_wait3A_259] : memref<1000000xf32, #tpu.memory_space<hbm>> -> memref<1000000xf32, #tpu.memory_space<hbm>>
    tpu.wait_indirect_dma semaphore(%arg19 : memref<!tpu.dma_semaphore, #tpu.memory_space<semaphore_mem>>) src(%dma_wait3A_255 : memref<128xf32, #tpu.memory_space<vmem>>) dst(%dma_wait3A_260 : memref<1000000xf32, #tpu.memory_space<hbm>>)
    %dma_wait3A_261 = arith.constant 2 : i32
    %dma_wait3A_262 = arith.constant 0 : i32
    %dma_wait3A_263 = tpu.memref_slice %arg10[%dma_wait3A_261, %dma_wait3A_262] : memref<4x128xi32, #tpu.memory_space<vmem>> -> memref<1x128xi32, #tpu.memory_space<vmem>>
    %dma_wait3A_264 = tpu.memref_squeeze %dma_wait3A_263 : memref<1x128xi32, #tpu.memory_space<vmem>> -> memref<128xi32, #tpu.memory_space<vmem>>
    %dma_wait3A_265 = arith.constant 0 : i32
    %dma_wait3A_266 = arith.constant 0 : i32
    %dma_wait3A_267 = tpu.memref_slice %arg2[%dma_wait3A_265, %dma_wait3A_266] : memref<1000000x128xf32, #tpu.memory_space<hbm>> -> memref<1000000x128xf32, #tpu.memory_space<hbm>>
    tpu.wait_indirect_dma semaphore(%arg17 : memref<!tpu.dma_semaphore, #tpu.memory_space<semaphore_mem>>) src(%arg12 : memref<128x128xf32, #tpu.memory_space<vmem>>) dst(%dma_wait3A_267 : memref<1000000x128xf32, #tpu.memory_space<hbm>>)
    %dma_wait3A_268 = arith.constant 3 : i32
    %dma_wait3A_269 = arith.constant 0 : i32
    %dma_wait3A_270 = tpu.memref_slice %arg10[%dma_wait3A_268, %dma_wait3A_269] : memref<4x128xi32, #tpu.memory_space<vmem>> -> memref<1x128xi32, #tpu.memory_space<vmem>>
    %dma_wait3A_271 = tpu.memref_squeeze %dma_wait3A_270 : memref<1x128xi32, #tpu.memory_space<vmem>> -> memref<128xi32, #tpu.memory_space<vmem>>
    %dma_wait3A_272 = arith.constant 0 : i32
    %dma_wait3A_273 = arith.constant 0 : i32
    %dma_wait3A_274 = tpu.memref_slice %arg2[%dma_wait3A_272, %dma_wait3A_273] : memref<1000000x128xf32, #tpu.memory_space<hbm>> -> memref<1000000x128xf32, #tpu.memory_space<hbm>>
    tpu.wait_indirect_dma semaphore(%arg18 : memref<!tpu.dma_semaphore, #tpu.memory_space<semaphore_mem>>) src(%arg13 : memref<128x128xf32, #tpu.memory_space<vmem>>) dst(%dma_wait3A_274 : memref<1000000x128xf32, #tpu.memory_space<hbm>>)
    return
  }
}

#map = affine_map<(d0, d1) -> (0, 0)>
module attributes {stable_mosaic.version = 14 : i64} {
  func.func @_gatherwin_body(%arg0: i32, %arg1: i32, %arg2: memref<1000000x128xf32, #tpu.memory_space<hbm>>, %arg3: memref<128x128xi32, #tpu.memory_space<hbm>>, %arg4: memref<16384x128xf32, #tpu.memory_space<hbm>>, %arg5: memref<128x128xi32, #tpu.memory_space<hbm>>, %arg6: memref<128x128xi32, #tpu.memory_space<hbm>>, %arg7: memref<1024000xi32, #tpu.memory_space<vmem_shared>>, %arg8: memref<128xi32, #tpu.memory_space<vmem>>, %arg9: memref<8x128xi32, #tpu.memory_space<vmem>>, %arg10: memref<8x128xi32, #tpu.memory_space<vmem>>, %arg11: memref<4x128xi32, #tpu.memory_space<vmem>>, %arg12: memref<4x128xi32, #tpu.memory_space<vmem>>, %arg13: memref<4x128xi32, #tpu.memory_space<vmem>>, %arg14: memref<4x128xi32, #tpu.memory_space<vmem>>, %arg15: memref<128x128xf32, #tpu.memory_space<vmem>>, %arg16: memref<128x128xf32, #tpu.memory_space<vmem>>, %arg17: memref<!tpu.dma_semaphore, #tpu.memory_space<semaphore_mem>>, %arg18: memref<!tpu.dma_semaphore, #tpu.memory_space<semaphore_mem>>, %arg19: memref<!tpu.dma_semaphore, #tpu.memory_space<semaphore_mem>>, %arg20: memref<!tpu.dma_semaphore, #tpu.memory_space<semaphore_mem>>, %arg21: memref<!tpu.dma_semaphore, #tpu.memory_space<semaphore_mem>>) attributes {dimension_semantics = [#tpu.dimension_semantics<core_parallel>, #tpu.dimension_semantics<subcore_parallel>], iteration_bounds = array<i64: 2, 16>, scalar_prefetch = 0 : i64, scratch_operands = 15 : i64, tpu.core_type = #tpu.core_type<sc_vector_subcore>, window_params = [{transform_indices = #map}, {transform_indices = #map}, {transform_indices = #map}, {transform_indices = #map}, {transform_indices = #map}]} {
    %mul3A = arith.constant 2 : i32
    %mul3A_0 = arith.muli %arg1, %mul3A : i32
    %add3A = arith.addi %mul3A_0, %arg0 : i32
    %mul3A_1 = arith.constant 512 : i32
    %mul3A_2 = arith.muli %add3A, %mul3A_1 : i32
    %mul3A_3 = arith.constant 4 : i32
    %mul3A_4 = arith.muli %add3A, %mul3A_3 : i32
    "tpu.region"() ({
      %run_scoped3A = tpu.sem_alloc : memref<!tpu.dma_semaphore, #tpu.memory_space<semaphore_mem>>
      %dma_start3A_4141 = arith.constant 0 : i32
      %dma_start3A_4142 = tpu.memref_slice %arg3[%mul3A_4, %dma_start3A_4141] : memref<128x128xi32, #tpu.memory_space<hbm>> -> memref<4x128xi32, #tpu.memory_space<hbm>>
      %dma_start3A_4143 = arith.constant 0 : i32
      %dma_start3A_4144 = tpu.memref_slice %arg3[%mul3A_4, %dma_start3A_4143] : memref<128x128xi32, #tpu.memory_space<hbm>> -> memref<4x128xi32, #tpu.memory_space<hbm>>
      tpu.enqueue_dma source(%dma_start3A_4144 : memref<4x128xi32, #tpu.memory_space<hbm>>) target(%arg11 : memref<4x128xi32, #tpu.memory_space<vmem>>) target_semaphore(%run_scoped3A : memref<!tpu.dma_semaphore, #tpu.memory_space<semaphore_mem>>)
      %dma_wait3A_4145 = arith.constant 0 : i32
      %dma_wait3A_4146 = tpu.memref_slice %arg3[%mul3A_4, %dma_wait3A_4145] : memref<128x128xi32, #tpu.memory_space<hbm>> -> memref<4x128xi32, #tpu.memory_space<hbm>>
      %dma_wait3A_4147 = arith.constant 0 : i32
      %dma_wait3A_4148 = tpu.memref_slice %arg3[%mul3A_4, %dma_wait3A_4147] : memref<128x128xi32, #tpu.memory_space<hbm>> -> memref<4x128xi32, #tpu.memory_space<hbm>>
      tpu.wait_dma2 semaphore(%run_scoped3A : memref<!tpu.dma_semaphore, #tpu.memory_space<semaphore_mem>>) src(%dma_wait3A_4148 : memref<4x128xi32, #tpu.memory_space<hbm>>) dst(%arg11 : memref<4x128xi32, #tpu.memory_space<vmem>>)
      tpu.yield
    }) : () -> ()
    %dma_start3A = arith.constant 0 : i32
    %dma_start3A_5 = arith.constant 0 : i32
    %dma_start3A_6 = tpu.memref_slice %arg11[%dma_start3A, %dma_start3A_5] : memref<4x128xi32, #tpu.memory_space<vmem>> -> memref<1x128xi32, #tpu.memory_space<vmem>>
    %dma_start3A_7 = tpu.memref_squeeze %dma_start3A_6 : memref<1x128xi32, #tpu.memory_space<vmem>> -> memref<128xi32, #tpu.memory_space<vmem>>
    %dma_start3A_8 = arith.constant 0 : i32
    %dma_start3A_9 = arith.constant 0 : i32
    %dma_start3A_10 = tpu.memref_slice %arg2[%dma_start3A_8, %dma_start3A_9] : memref<1000000x128xf32, #tpu.memory_space<hbm>> -> memref<1000000x128xf32, #tpu.memory_space<hbm>>
    tpu.enqueue_indirect_dma source(%dma_start3A_10 : memref<1000000x128xf32, #tpu.memory_space<hbm>>) target(%arg15 : memref<128x128xf32, #tpu.memory_space<vmem>>) offsets(%dma_start3A_7 : memref<128xi32, #tpu.memory_space<vmem>>) semaphore(%arg17 : memref<!tpu.dma_semaphore, #tpu.memory_space<semaphore_mem>>)
    %dma_start3A_11 = arith.constant 1 : i32
    %dma_start3A_12 = arith.constant 0 : i32
    %dma_start3A_13 = tpu.memref_slice %arg11[%dma_start3A_11, %dma_start3A_12] : memref<4x128xi32, #tpu.memory_space<vmem>> -> memref<1x128xi32, #tpu.memory_space<vmem>>
    %dma_start3A_14 = tpu.memref_squeeze %dma_start3A_13 : memref<1x128xi32, #tpu.memory_space<vmem>> -> memref<128xi32, #tpu.memory_space<vmem>>
    %dma_start3A_15 = arith.constant 0 : i32
    %dma_start3A_16 = arith.constant 0 : i32
    %dma_start3A_17 = tpu.memref_slice %arg2[%dma_start3A_15, %dma_start3A_16] : memref<1000000x128xf32, #tpu.memory_space<hbm>> -> memref<1000000x128xf32, #tpu.memory_space<hbm>>
    tpu.enqueue_indirect_dma source(%dma_start3A_17 : memref<1000000x128xf32, #tpu.memory_space<hbm>>) target(%arg16 : memref<128x128xf32, #tpu.memory_space<vmem>>) offsets(%dma_start3A_14 : memref<128xi32, #tpu.memory_space<vmem>>) semaphore(%arg18 : memref<!tpu.dma_semaphore, #tpu.memory_space<semaphore_mem>>)
    %broadcast_in_dim3A = arith.constant 0 : i32
    %broadcast_in_dim3A_18 = vector.broadcast %broadcast_in_dim3A : i32 to vector<16xi32>
    %swap3A = arith.constant 0 : index
    %swap3A_19 = tpu.vector_load %arg8[%swap3A] {strides = array<i32>} : memref<128xi32, #tpu.memory_space<vmem>>, vector<16xi32>,
    tpu.vector_store %arg8[%swap3A], %broadcast_in_dim3A_18 {strides = array<i32>} : memref<128xi32, #tpu.memory_space<vmem>>, vector<16xi32>,
    %swap3A_20 = arith.constant 16 : index
    %swap3A_21 = tpu.vector_load %arg8[%swap3A_20] {strides = array<i32>} : memref<128xi32, #tpu.memory_space<vmem>>, vector<16xi32>,
    tpu.vector_store %arg8[%swap3A_20], %broadcast_in_dim3A_18 {strides = array<i32>} : memref<128xi32, #tpu.memory_space<vmem>>, vector<16xi32>,
    %swap3A_22 = arith.constant 32 : index
    %swap3A_23 = tpu.vector_load %arg8[%swap3A_22] {strides = array<i32>} : memref<128xi32, #tpu.memory_space<vmem>>, vector<16xi32>,
    tpu.vector_store %arg8[%swap3A_22], %broadcast_in_dim3A_18 {strides = array<i32>} : memref<128xi32, #tpu.memory_space<vmem>>, vector<16xi32>,
    %swap3A_24 = arith.constant 48 : index
    %swap3A_25 = tpu.vector_load %arg8[%swap3A_24] {strides = array<i32>} : memref<128xi32, #tpu.memory_space<vmem>>, vector<16xi32>,
    tpu.vector_store %arg8[%swap3A_24], %broadcast_in_dim3A_18 {strides = array<i32>} : memref<128xi32, #tpu.memory_space<vmem>>, vector<16xi32>,
    %swap3A_26 = arith.constant 64 : index
    %swap3A_27 = tpu.vector_load %arg8[%swap3A_26] {strides = array<i32>} : memref<128xi32, #tpu.memory_space<vmem>>, vector<16xi32>,
    tpu.vector_store %arg8[%swap3A_26], %broadcast_in_dim3A_18 {strides = array<i32>} : memref<128xi32, #tpu.memory_space<vmem>>, vector<16xi32>,
    %swap3A_28 = arith.constant 80 : index
    %swap3A_29 = tpu.vector_load %arg8[%swap3A_28] {strides = array<i32>} : memref<128xi32, #tpu.memory_space<vmem>>, vector<16xi32>,
    tpu.vector_store %arg8[%swap3A_28], %broadcast_in_dim3A_18 {strides = array<i32>} : memref<128xi32, #tpu.memory_space<vmem>>, vector<16xi32>,
    %swap3A_30 = arith.constant 96 : index
    %swap3A_31 = tpu.vector_load %arg8[%swap3A_30] {strides = array<i32>} : memref<128xi32, #tpu.memory_space<vmem>>, vector<16xi32>,
    tpu.vector_store %arg8[%swap3A_30], %broadcast_in_dim3A_18 {strides = array<i32>} : memref<128xi32, #tpu.memory_space<vmem>>, vector<16xi32>,
    %swap3A_32 = arith.constant 112 : index
    %swap3A_33 = tpu.vector_load %arg8[%swap3A_32] {strides = array<i32>} : memref<128xi32, #tpu.memory_space<vmem>>, vector<16xi32>,
    tpu.vector_store %arg8[%swap3A_32], %broadcast_in_dim3A_18 {strides = array<i32>} : memref<128xi32, #tpu.memory_space<vmem>>, vector<16xi32>,
    %mul3A_34 = arith.constant 8 : i32
    %mul3A_35 = arith.muli %arg1, %mul3A_34 : i32
    "tpu.region"() ({
      %run_scoped3A = tpu.sem_alloc : memref<!tpu.dma_semaphore, #tpu.memory_space<semaphore_mem>>
      %dma_start3A_4141 = arith.constant 0 : i32
      %dma_start3A_4142 = tpu.memref_slice %arg3[%mul3A_35, %dma_start3A_4141] : memref<128x128xi32, #tpu.memory_space<hbm>> -> memref<8x128xi32, #tpu.memory_space<hbm>>
      %dma_start3A_4143 = arith.constant 0 : i32
      %dma_start3A_4144 = tpu.memref_slice %arg3[%mul3A_35, %dma_start3A_4143] : memref<128x128xi32, #tpu.memory_space<hbm>> -> memref<8x128xi32, #tpu.memory_space<hbm>>
      tpu.enqueue_dma source(%dma_start3A_4144 : memref<8x128xi32, #tpu.memory_space<hbm>>) target(%arg9 : memref<8x128xi32, #tpu.memory_space<vmem>>) target_semaphore(%run_scoped3A : memref<!tpu.dma_semaphore, #tpu.memory_space<semaphore_mem>>)
      %dma_wait3A_4145 = arith.constant 0 : i32
      %dma_wait3A_4146 = tpu.memref_slice %arg3[%mul3A_35, %dma_wait3A_4145] : memref<128x128xi32, #tpu.memory_space<hbm>> -> memref<8x128xi32, #tpu.memory_space<hbm>>
      %dma_wait3A_4147 = arith.constant 0 : i32
      %dma_wait3A_4148 = tpu.memref_slice %arg3[%mul3A_35, %dma_wait3A_4147] : memref<128x128xi32, #tpu.memory_space<hbm>> -> memref<8x128xi32, #tpu.memory_space<hbm>>
      tpu.wait_dma2 semaphore(%run_scoped3A : memref<!tpu.dma_semaphore, #tpu.memory_space<semaphore_mem>>) src(%dma_wait3A_4148 : memref<8x128xi32, #tpu.memory_space<hbm>>) dst(%arg9 : memref<8x128xi32, #tpu.memory_space<vmem>>)
      tpu.yield
    }) : () -> ()
    %dma_start3A_36 = arith.constant 0 : i32
    %dma_start3A_37 = arith.constant 0 : i32
    %dma_start3A_38 = tpu.memref_slice %arg9[%dma_start3A_36, %dma_start3A_37] : memref<8x128xi32, #tpu.memory_space<vmem>> -> memref<1x128xi32, #tpu.memory_space<vmem>>
    %dma_start3A_39 = tpu.memref_squeeze %dma_start3A_38 : memref<1x128xi32, #tpu.memory_space<vmem>> -> memref<128xi32, #tpu.memory_space<vmem>>
    %dma_start3A_40 = arith.constant 0 : i32
    %dma_start3A_41 = tpu.memref_slice %arg7[%dma_start3A_40] : memref<1024000xi32, #tpu.memory_space<vmem_shared>> -> memref<1024000xi32, #tpu.memory_space<vmem_shared>>
    tpu.enqueue_indirect_dma source(%arg8 : memref<128xi32, #tpu.memory_space<vmem>>) target(%dma_start3A_41 : memref<1024000xi32, #tpu.memory_space<vmem_shared>>) offsets(%dma_start3A_39 : memref<128xi32, #tpu.memory_space<vmem>>) semaphore(%arg21 : memref<!tpu.dma_semaphore, #tpu.memory_space<semaphore_mem>>)
    %dma_start3A_42 = arith.constant 1 : i32
    %dma_start3A_43 = arith.constant 0 : i32
    %dma_start3A_44 = tpu.memref_slice %arg9[%dma_start3A_42, %dma_start3A_43] : memref<8x128xi32, #tpu.memory_space<vmem>> -> memref<1x128xi32, #tpu.memory_space<vmem>>
    %dma_start3A_45 = tpu.memref_squeeze %dma_start3A_44 : memref<1x128xi32, #tpu.memory_space<vmem>> -> memref<128xi32, #tpu.memory_space<vmem>>
    %dma_start3A_46 = arith.constant 0 : i32
    %dma_start3A_47 = tpu.memref_slice %arg7[%dma_start3A_46] : memref<1024000xi32, #tpu.memory_space<vmem_shared>> -> memref<1024000xi32, #tpu.memory_space<vmem_shared>>
    tpu.enqueue_indirect_dma source(%arg8 : memref<128xi32, #tpu.memory_space<vmem>>) target(%dma_start3A_47 : memref<1024000xi32, #tpu.memory_space<vmem_shared>>) offsets(%dma_start3A_45 : memref<128xi32, #tpu.memory_space<vmem>>) semaphore(%arg21 : memref<!tpu.dma_semaphore, #tpu.memory_space<semaphore_mem>>)
    %dma_start3A_48 = arith.constant 2 : i32
    %dma_start3A_49 = arith.constant 0 : i32
    %dma_start3A_50 = tpu.memref_slice %arg9[%dma_start3A_48, %dma_start3A_49] : memref<8x128xi32, #tpu.memory_space<vmem>> -> memref<1x128xi32, #tpu.memory_space<vmem>>
    %dma_start3A_51 = tpu.memref_squeeze %dma_start3A_50 : memref<1x128xi32, #tpu.memory_space<vmem>> -> memref<128xi32, #tpu.memory_space<vmem>>
    %dma_start3A_52 = arith.constant 0 : i32
    %dma_start3A_53 = tpu.memref_slice %arg7[%dma_start3A_52] : memref<1024000xi32, #tpu.memory_space<vmem_shared>> -> memref<1024000xi32, #tpu.memory_space<vmem_shared>>
    tpu.enqueue_indirect_dma source(%arg8 : memref<128xi32, #tpu.memory_space<vmem>>) target(%dma_start3A_53 : memref<1024000xi32, #tpu.memory_space<vmem_shared>>) offsets(%dma_start3A_51 : memref<128xi32, #tpu.memory_space<vmem>>) semaphore(%arg21 : memref<!tpu.dma_semaphore, #tpu.memory_space<semaphore_mem>>)
    %dma_start3A_54 = arith.constant 3 : i32
    %dma_start3A_55 = arith.constant 0 : i32
    %dma_start3A_56 = tpu.memref_slice %arg9[%dma_start3A_54, %dma_start3A_55] : memref<8x128xi32, #tpu.memory_space<vmem>> -> memref<1x128xi32, #tpu.memory_space<vmem>>
    %dma_start3A_57 = tpu.memref_squeeze %dma_start3A_56 : memref<1x128xi32, #tpu.memory_space<vmem>> -> memref<128xi32, #tpu.memory_space<vmem>>
    %dma_start3A_58 = arith.constant 0 : i32
    %dma_start3A_59 = tpu.memref_slice %arg7[%dma_start3A_58] : memref<1024000xi32, #tpu.memory_space<vmem_shared>> -> memref<1024000xi32, #tpu.memory_space<vmem_shared>>
    tpu.enqueue_indirect_dma source(%arg8 : memref<128xi32, #tpu.memory_space<vmem>>) target(%dma_start3A_59 : memref<1024000xi32, #tpu.memory_space<vmem_shared>>) offsets(%dma_start3A_57 : memref<128xi32, #tpu.memory_space<vmem>>) semaphore(%arg21 : memref<!tpu.dma_semaphore, #tpu.memory_space<semaphore_mem>>)
    %dma_start3A_60 = arith.constant 4 : i32
    %dma_start3A_61 = arith.constant 0 : i32
    %dma_start3A_62 = tpu.memref_slice %arg9[%dma_start3A_60, %dma_start3A_61] : memref<8x128xi32, #tpu.memory_space<vmem>> -> memref<1x128xi32, #tpu.memory_space<vmem>>
    %dma_start3A_63 = tpu.memref_squeeze %dma_start3A_62 : memref<1x128xi32, #tpu.memory_space<vmem>> -> memref<128xi32, #tpu.memory_space<vmem>>
    %dma_start3A_64 = arith.constant 0 : i32
    %dma_start3A_65 = tpu.memref_slice %arg7[%dma_start3A_64] : memref<1024000xi32, #tpu.memory_space<vmem_shared>> -> memref<1024000xi32, #tpu.memory_space<vmem_shared>>
    tpu.enqueue_indirect_dma source(%arg8 : memref<128xi32, #tpu.memory_space<vmem>>) target(%dma_start3A_65 : memref<1024000xi32, #tpu.memory_space<vmem_shared>>) offsets(%dma_start3A_63 : memref<128xi32, #tpu.memory_space<vmem>>) semaphore(%arg21 : memref<!tpu.dma_semaphore, #tpu.memory_space<semaphore_mem>>)
    %dma_start3A_66 = arith.constant 5 : i32
    %dma_start3A_67 = arith.constant 0 : i32
    %dma_start3A_68 = tpu.memref_slice %arg9[%dma_start3A_66, %dma_start3A_67] : memref<8x128xi32, #tpu.memory_space<vmem>> -> memref<1x128xi32, #tpu.memory_space<vmem>>
    %dma_start3A_69 = tpu.memref_squeeze %dma_start3A_68 : memref<1x128xi32, #tpu.memory_space<vmem>> -> memref<128xi32, #tpu.memory_space<vmem>>
    %dma_start3A_70 = arith.constant 0 : i32
    %dma_start3A_71 = tpu.memref_slice %arg7[%dma_start3A_70] : memref<1024000xi32, #tpu.memory_space<vmem_shared>> -> memref<1024000xi32, #tpu.memory_space<vmem_shared>>
    tpu.enqueue_indirect_dma source(%arg8 : memref<128xi32, #tpu.memory_space<vmem>>) target(%dma_start3A_71 : memref<1024000xi32, #tpu.memory_space<vmem_shared>>) offsets(%dma_start3A_69 : memref<128xi32, #tpu.memory_space<vmem>>) semaphore(%arg21 : memref<!tpu.dma_semaphore, #tpu.memory_space<semaphore_mem>>)
    %dma_start3A_72 = arith.constant 6 : i32
    %dma_start3A_73 = arith.constant 0 : i32
    %dma_start3A_74 = tpu.memref_slice %arg9[%dma_start3A_72, %dma_start3A_73] : memref<8x128xi32, #tpu.memory_space<vmem>> -> memref<1x128xi32, #tpu.memory_space<vmem>>
    %dma_start3A_75 = tpu.memref_squeeze %dma_start3A_74 : memref<1x128xi32, #tpu.memory_space<vmem>> -> memref<128xi32, #tpu.memory_space<vmem>>
    %dma_start3A_76 = arith.constant 0 : i32
    %dma_start3A_77 = tpu.memref_slice %arg7[%dma_start3A_76] : memref<1024000xi32, #tpu.memory_space<vmem_shared>> -> memref<1024000xi32, #tpu.memory_space<vmem_shared>>
    tpu.enqueue_indirect_dma source(%arg8 : memref<128xi32, #tpu.memory_space<vmem>>) target(%dma_start3A_77 : memref<1024000xi32, #tpu.memory_space<vmem_shared>>) offsets(%dma_start3A_75 : memref<128xi32, #tpu.memory_space<vmem>>) semaphore(%arg21 : memref<!tpu.dma_semaphore, #tpu.memory_space<semaphore_mem>>)
    %dma_start3A_78 = arith.constant 7 : i32
    %dma_start3A_79 = arith.constant 0 : i32
    %dma_start3A_80 = tpu.memref_slice %arg9[%dma_start3A_78, %dma_start3A_79] : memref<8x128xi32, #tpu.memory_space<vmem>> -> memref<1x128xi32, #tpu.memory_space<vmem>>
    %dma_start3A_81 = tpu.memref_squeeze %dma_start3A_80 : memref<1x128xi32, #tpu.memory_space<vmem>> -> memref<128xi32, #tpu.memory_space<vmem>>
    %dma_start3A_82 = arith.constant 0 : i32
    %dma_start3A_83 = tpu.memref_slice %arg7[%dma_start3A_82] : memref<1024000xi32, #tpu.memory_space<vmem_shared>> -> memref<1024000xi32, #tpu.memory_space<vmem_shared>>
    tpu.enqueue_indirect_dma source(%arg8 : memref<128xi32, #tpu.memory_space<vmem>>) target(%dma_start3A_83 : memref<1024000xi32, #tpu.memory_space<vmem_shared>>) offsets(%dma_start3A_81 : memref<128xi32, #tpu.memory_space<vmem>>) semaphore(%arg21 : memref<!tpu.dma_semaphore, #tpu.memory_space<semaphore_mem>>)
    %mul3A_84 = arith.constant 1024 : i32
    %mul3A_85 = arith.muli %arg1, %mul3A_84 : i32
    %add3A_86 = arith.constant 67108864 : i32
    %add3A_87 = arith.addi %add3A_86, %mul3A_85 : i32
    %add3A_88 = arith.constant 0 : i32
    %add3A_89 = arith.addi %add3A_87, %add3A_88 : i32
    %add3A_90 = arith.constant 0 : i32
    %add3A_91 = arith.addi %add3A_89, %add3A_90 : i32
    %add3A_92 = arith.constant 1 : i32
    %add3A_93 = arith.addi %add3A_91, %add3A_92 : i32
    %broadcast_in_dim3A_94 = vector.broadcast %add3A_93 : i32 to vector<16xi32>
    %iota3A = tpu.iota {dimensions = array<i32: 0>} : vector<16xi32>
    %add3A_95 = arith.addi %broadcast_in_dim3A_94, %iota3A : vector<16xi32>
    %swap3A_96 = arith.constant 0 : i32
    %swap3A_97 = arith.constant 0 : i32
    %swap3A_98 = tpu.memref_slice %arg10[%swap3A_96, %swap3A_97] : memref<8x128xi32, #tpu.memory_space<vmem>> -> memref<1x128xi32, #tpu.memory_space<vmem>>
    %swap3A_99 = tpu.memref_squeeze %swap3A_98 : memref<1x128xi32, #tpu.memory_space<vmem>> -> memref<128xi32, #tpu.memory_space<vmem>>
    %swap3A_100 = arith.constant 0 : index
    %swap3A_101 = tpu.vector_load %swap3A_99[%swap3A_100] {strides = array<i32>} : memref<128xi32, #tpu.memory_space<vmem>>, vector<16xi32>,
    tpu.vector_store %swap3A_99[%swap3A_100], %add3A_95 {strides = array<i32>} : memref<128xi32, #tpu.memory_space<vmem>>, vector<16xi32>,
    %add3A_102 = arith.constant 67108864 : i32
    %add3A_103 = arith.addi %add3A_102, %mul3A_85 : i32
    %add3A_104 = arith.constant 0 : i32
    %add3A_105 = arith.addi %add3A_103, %add3A_104 : i32
    %add3A_106 = arith.constant 16 : i32
    %add3A_107 = arith.addi %add3A_105, %add3A_106 : i32
    %add3A_108 = arith.constant 1 : i32
    %add3A_109 = arith.addi %add3A_107, %add3A_108 : i32
    %broadcast_in_dim3A_110 = vector.broadcast %add3A_109 : i32 to vector<16xi32>
    %iota3A_111 = tpu.iota {dimensions = array<i32: 0>} : vector<16xi32>
    %add3A_112 = arith.addi %broadcast_in_dim3A_110, %iota3A_111 : vector<16xi32>
    %swap3A_113 = arith.constant 0 : i32
    %swap3A_114 = arith.constant 0 : i32
    %swap3A_115 = tpu.memref_slice %arg10[%swap3A_113, %swap3A_114] : memref<8x128xi32, #tpu.memory_space<vmem>> -> memref<1x128xi32, #tpu.memory_space<vmem>>
    %swap3A_116 = tpu.memref_squeeze %swap3A_115 : memref<1x128xi32, #tpu.memory_space<vmem>> -> memref<128xi32, #tpu.memory_space<vmem>>
    %swap3A_117 = arith.constant 16 : index
    %swap3A_118 = tpu.vector_load %swap3A_116[%swap3A_117] {strides = array<i32>} : memref<128xi32, #tpu.memory_space<vmem>>, vector<16xi32>,
    tpu.vector_store %swap3A_116[%swap3A_117], %add3A_112 {strides = array<i32>} : memref<128xi32, #tpu.memory_space<vmem>>, vector<16xi32>,
    %add3A_119 = arith.constant 67108864 : i32
    %add3A_120 = arith.addi %add3A_119, %mul3A_85 : i32
    %add3A_121 = arith.constant 0 : i32
    %add3A_122 = arith.addi %add3A_120, %add3A_121 : i32
    %add3A_123 = arith.constant 32 : i32
    %add3A_124 = arith.addi %add3A_122, %add3A_123 : i32
    %add3A_125 = arith.constant 1 : i32
    %add3A_126 = arith.addi %add3A_124, %add3A_125 : i32
    %broadcast_in_dim3A_127 = vector.broadcast %add3A_126 : i32 to vector<16xi32>
    %iota3A_128 = tpu.iota {dimensions = array<i32: 0>} : vector<16xi32>
    %add3A_129 = arith.addi %broadcast_in_dim3A_127, %iota3A_128 : vector<16xi32>
    %swap3A_130 = arith.constant 0 : i32
    %swap3A_131 = arith.constant 0 : i32
    %swap3A_132 = tpu.memref_slice %arg10[%swap3A_130, %swap3A_131] : memref<8x128xi32, #tpu.memory_space<vmem>> -> memref<1x128xi32, #tpu.memory_space<vmem>>
    %swap3A_133 = tpu.memref_squeeze %swap3A_132 : memref<1x128xi32, #tpu.memory_space<vmem>> -> memref<128xi32, #tpu.memory_space<vmem>>
    %swap3A_134 = arith.constant 32 : index
    %swap3A_135 = tpu.vector_load %swap3A_133[%swap3A_134] {strides = array<i32>} : memref<128xi32, #tpu.memory_space<vmem>>, vector<16xi32>,
    tpu.vector_store %swap3A_133[%swap3A_134], %add3A_129 {strides = array<i32>} : memref<128xi32, #tpu.memory_space<vmem>>, vector<16xi32>,
    %add3A_136 = arith.constant 67108864 : i32
    %add3A_137 = arith.addi %add3A_136, %mul3A_85 : i32
    %add3A_138 = arith.constant 0 : i32
    %add3A_139 = arith.addi %add3A_137, %add3A_138 : i32
    %add3A_140 = arith.constant 48 : i32
    %add3A_141 = arith.addi %add3A_139, %add3A_140 : i32
    %add3A_142 = arith.constant 1 : i32
    %add3A_143 = arith.addi %add3A_141, %add3A_142 : i32
    %broadcast_in_dim3A_144 = vector.broadcast %add3A_143 : i32 to vector<16xi32>
    %iota3A_145 = tpu.iota {dimensions = array<i32: 0>} : vector<16xi32>
    %add3A_146 = arith.addi %broadcast_in_dim3A_144, %iota3A_145 : vector<16xi32>
    %swap3A_147 = arith.constant 0 : i32
    %swap3A_148 = arith.constant 0 : i32
    %swap3A_149 = tpu.memref_slice %arg10[%swap3A_147, %swap3A_148] : memref<8x128xi32, #tpu.memory_space<vmem>> -> memref<1x128xi32, #tpu.memory_space<vmem>>
    %swap3A_150 = tpu.memref_squeeze %swap3A_149 : memref<1x128xi32, #tpu.memory_space<vmem>> -> memref<128xi32, #tpu.memory_space<vmem>>
    %swap3A_151 = arith.constant 48 : index
    %swap3A_152 = tpu.vector_load %swap3A_150[%swap3A_151] {strides = array<i32>} : memref<128xi32, #tpu.memory_space<vmem>>, vector<16xi32>,
    tpu.vector_store %swap3A_150[%swap3A_151], %add3A_146 {strides = array<i32>} : memref<128xi32, #tpu.memory_space<vmem>>, vector<16xi32>,
    %add3A_153 = arith.constant 67108864 : i32
    %add3A_154 = arith.addi %add3A_153, %mul3A_85 : i32
    %add3A_155 = arith.constant 0 : i32
    %add3A_156 = arith.addi %add3A_154, %add3A_155 : i32
    %add3A_157 = arith.constant 64 : i32
    %add3A_158 = arith.addi %add3A_156, %add3A_157 : i32
    %add3A_159 = arith.constant 1 : i32
    %add3A_160 = arith.addi %add3A_158, %add3A_159 : i32
    %broadcast_in_dim3A_161 = vector.broadcast %add3A_160 : i32 to vector<16xi32>
    %iota3A_162 = tpu.iota {dimensions = array<i32: 0>} : vector<16xi32>
    %add3A_163 = arith.addi %broadcast_in_dim3A_161, %iota3A_162 : vector<16xi32>
    %swap3A_164 = arith.constant 0 : i32
    %swap3A_165 = arith.constant 0 : i32
    %swap3A_166 = tpu.memref_slice %arg10[%swap3A_164, %swap3A_165] : memref<8x128xi32, #tpu.memory_space<vmem>> -> memref<1x128xi32, #tpu.memory_space<vmem>>
    %swap3A_167 = tpu.memref_squeeze %swap3A_166 : memref<1x128xi32, #tpu.memory_space<vmem>> -> memref<128xi32, #tpu.memory_space<vmem>>
    %swap3A_168 = arith.constant 64 : index
    %swap3A_169 = tpu.vector_load %swap3A_167[%swap3A_168] {strides = array<i32>} : memref<128xi32, #tpu.memory_space<vmem>>, vector<16xi32>,
    tpu.vector_store %swap3A_167[%swap3A_168], %add3A_163 {strides = array<i32>} : memref<128xi32, #tpu.memory_space<vmem>>, vector<16xi32>,
    %add3A_170 = arith.constant 67108864 : i32
    %add3A_171 = arith.addi %add3A_170, %mul3A_85 : i32
    %add3A_172 = arith.constant 0 : i32
    %add3A_173 = arith.addi %add3A_171, %add3A_172 : i32
    %add3A_174 = arith.constant 80 : i32
    %add3A_175 = arith.addi %add3A_173, %add3A_174 : i32
    %add3A_176 = arith.constant 1 : i32
    %add3A_177 = arith.addi %add3A_175, %add3A_176 : i32
    %broadcast_in_dim3A_178 = vector.broadcast %add3A_177 : i32 to vector<16xi32>
    %iota3A_179 = tpu.iota {dimensions = array<i32: 0>} : vector<16xi32>
    %add3A_180 = arith.addi %broadcast_in_dim3A_178, %iota3A_179 : vector<16xi32>
    %swap3A_181 = arith.constant 0 : i32
    %swap3A_182 = arith.constant 0 : i32
    %swap3A_183 = tpu.memref_slice %arg10[%swap3A_181, %swap3A_182] : memref<8x128xi32, #tpu.memory_space<vmem>> -> memref<1x128xi32, #tpu.memory_space<vmem>>
    %swap3A_184 = tpu.memref_squeeze %swap3A_183 : memref<1x128xi32, #tpu.memory_space<vmem>> -> memref<128xi32, #tpu.memory_space<vmem>>
    %swap3A_185 = arith.constant 80 : index
    %swap3A_186 = tpu.vector_load %swap3A_184[%swap3A_185] {strides = array<i32>} : memref<128xi32, #tpu.memory_space<vmem>>, vector<16xi32>,
    tpu.vector_store %swap3A_184[%swap3A_185], %add3A_180 {strides = array<i32>} : memref<128xi32, #tpu.memory_space<vmem>>, vector<16xi32>,
    %add3A_187 = arith.constant 67108864 : i32
    %add3A_188 = arith.addi %add3A_187, %mul3A_85 : i32
    %add3A_189 = arith.constant 0 : i32
    %add3A_190 = arith.addi %add3A_188, %add3A_189 : i32
    %add3A_191 = arith.constant 96 : i32
    %add3A_192 = arith.addi %add3A_190, %add3A_191 : i32
    %add3A_193 = arith.constant 1 : i32
    %add3A_194 = arith.addi %add3A_192, %add3A_193 : i32
    %broadcast_in_dim3A_195 = vector.broadcast %add3A_194 : i32 to vector<16xi32>
    %iota3A_196 = tpu.iota {dimensions = array<i32: 0>} : vector<16xi32>
    %add3A_197 = arith.addi %broadcast_in_dim3A_195, %iota3A_196 : vector<16xi32>
    %swap3A_198 = arith.constant 0 : i32
    %swap3A_199 = arith.constant 0 : i32
    %swap3A_200 = tpu.memref_slice %arg10[%swap3A_198, %swap3A_199] : memref<8x128xi32, #tpu.memory_space<vmem>> -> memref<1x128xi32, #tpu.memory_space<vmem>>
    %swap3A_201 = tpu.memref_squeeze %swap3A_200 : memref<1x128xi32, #tpu.memory_space<vmem>> -> memref<128xi32, #tpu.memory_space<vmem>>
    %swap3A_202 = arith.constant 96 : index
    %swap3A_203 = tpu.vector_load %swap3A_201[%swap3A_202] {strides = array<i32>} : memref<128xi32, #tpu.memory_space<vmem>>, vector<16xi32>,
    tpu.vector_store %swap3A_201[%swap3A_202], %add3A_197 {strides = array<i32>} : memref<128xi32, #tpu.memory_space<vmem>>, vector<16xi32>,
    %add3A_204 = arith.constant 67108864 : i32
    %add3A_205 = arith.addi %add3A_204, %mul3A_85 : i32
    %add3A_206 = arith.constant 0 : i32
    %add3A_207 = arith.addi %add3A_205, %add3A_206 : i32
    %add3A_208 = arith.constant 112 : i32
    %add3A_209 = arith.addi %add3A_207, %add3A_208 : i32
    %add3A_210 = arith.constant 1 : i32
    %add3A_211 = arith.addi %add3A_209, %add3A_210 : i32
    %broadcast_in_dim3A_212 = vector.broadcast %add3A_211 : i32 to vector<16xi32>
    %iota3A_213 = tpu.iota {dimensions = array<i32: 0>} : vector<16xi32>
    %add3A_214 = arith.addi %broadcast_in_dim3A_212, %iota3A_213 : vector<16xi32>
    %swap3A_215 = arith.constant 0 : i32
    %swap3A_216 = arith.constant 0 : i32
    %swap3A_217 = tpu.memref_slice %arg10[%swap3A_215, %swap3A_216] : memref<8x128xi32, #tpu.memory_space<vmem>> -> memref<1x128xi32, #tpu.memory_space<vmem>>
    %swap3A_218 = tpu.memref_squeeze %swap3A_217 : memref<1x128xi32, #tpu.memory_space<vmem>> -> memref<128xi32, #tpu.memory_space<vmem>>
    %swap3A_219 = arith.constant 112 : index
    %swap3A_220 = tpu.vector_load %swap3A_218[%swap3A_219] {strides = array<i32>} : memref<128xi32, #tpu.memory_space<vmem>>, vector<16xi32>,
    tpu.vector_store %swap3A_218[%swap3A_219], %add3A_214 {strides = array<i32>} : memref<128xi32, #tpu.memory_space<vmem>>, vector<16xi32>,
    %add3A_221 = arith.constant 67108864 : i32
    %add3A_222 = arith.addi %add3A_221, %mul3A_85 : i32
    %add3A_223 = arith.constant 128 : i32
    %add3A_224 = arith.addi %add3A_222, %add3A_223 : i32
    %add3A_225 = arith.constant 0 : i32
    %add3A_226 = arith.addi %add3A_224, %add3A_225 : i32
    %add3A_227 = arith.constant 1 : i32
    %add3A_228 = arith.addi %add3A_226, %add3A_227 : i32
    %broadcast_in_dim3A_229 = vector.broadcast %add3A_228 : i32 to vector<16xi32>
    %iota3A_230 = tpu.iota {dimensions = array<i32: 0>} : vector<16xi32>
    %add3A_231 = arith.addi %broadcast_in_dim3A_229, %iota3A_230 : vector<16xi32>
    %swap3A_232 = arith.constant 1 : i32
    %swap3A_233 = arith.constant 0 : i32
    %swap3A_234 = tpu.memref_slice %arg10[%swap3A_232, %swap3A_233] : memref<8x128xi32, #tpu.memory_space<vmem>> -> memref<1x128xi32, #tpu.memory_space<vmem>>
    %swap3A_235 = tpu.memref_squeeze %swap3A_234 : memref<1x128xi32, #tpu.memory_space<vmem>> -> memref<128xi32, #tpu.memory_space<vmem>>
    %swap3A_236 = arith.constant 0 : index
    %swap3A_237 = tpu.vector_load %swap3A_235[%swap3A_236] {strides = array<i32>} : memref<128xi32, #tpu.memory_space<vmem>>, vector<16xi32>,
    tpu.vector_store %swap3A_235[%swap3A_236], %add3A_231 {strides = array<i32>} : memref<128xi32, #tpu.memory_space<vmem>>, vector<16xi32>,
    %add3A_238 = arith.constant 67108864 : i32
    %add3A_239 = arith.addi %add3A_238, %mul3A_85 : i32
    %add3A_240 = arith.constant 128 : i32
    %add3A_241 = arith.addi %add3A_239, %add3A_240 : i32
    %add3A_242 = arith.constant 16 : i32
    %add3A_243 = arith.addi %add3A_241, %add3A_242 : i32
    %add3A_244 = arith.constant 1 : i32
    %add3A_245 = arith.addi %add3A_243, %add3A_244 : i32
    %broadcast_in_dim3A_246 = vector.broadcast %add3A_245 : i32 to vector<16xi32>
    %iota3A_247 = tpu.iota {dimensions = array<i32: 0>} : vector<16xi32>
    %add3A_248 = arith.addi %broadcast_in_dim3A_246, %iota3A_247 : vector<16xi32>
    %swap3A_249 = arith.constant 1 : i32
    %swap3A_250 = arith.constant 0 : i32
    %swap3A_251 = tpu.memref_slice %arg10[%swap3A_249, %swap3A_250] : memref<8x128xi32, #tpu.memory_space<vmem>> -> memref<1x128xi32, #tpu.memory_space<vmem>>
    %swap3A_252 = tpu.memref_squeeze %swap3A_251 : memref<1x128xi32, #tpu.memory_space<vmem>> -> memref<128xi32, #tpu.memory_space<vmem>>
    %swap3A_253 = arith.constant 16 : index
    %swap3A_254 = tpu.vector_load %swap3A_252[%swap3A_253] {strides = array<i32>} : memref<128xi32, #tpu.memory_space<vmem>>, vector<16xi32>,
    tpu.vector_store %swap3A_252[%swap3A_253], %add3A_248 {strides = array<i32>} : memref<128xi32, #tpu.memory_space<vmem>>, vector<16xi32>,
    %add3A_255 = arith.constant 67108864 : i32
    %add3A_256 = arith.addi %add3A_255, %mul3A_85 : i32
    %add3A_257 = arith.constant 128 : i32
    %add3A_258 = arith.addi %add3A_256, %add3A_257 : i32
    %add3A_259 = arith.constant 32 : i32
    %add3A_260 = arith.addi %add3A_258, %add3A_259 : i32
    %add3A_261 = arith.constant 1 : i32
    %add3A_262 = arith.addi %add3A_260, %add3A_261 : i32
    %broadcast_in_dim3A_263 = vector.broadcast %add3A_262 : i32 to vector<16xi32>
    %iota3A_264 = tpu.iota {dimensions = array<i32: 0>} : vector<16xi32>
    %add3A_265 = arith.addi %broadcast_in_dim3A_263, %iota3A_264 : vector<16xi32>
    %swap3A_266 = arith.constant 1 : i32
    %swap3A_267 = arith.constant 0 : i32
    %swap3A_268 = tpu.memref_slice %arg10[%swap3A_266, %swap3A_267] : memref<8x128xi32, #tpu.memory_space<vmem>> -> memref<1x128xi32, #tpu.memory_space<vmem>>
    %swap3A_269 = tpu.memref_squeeze %swap3A_268 : memref<1x128xi32, #tpu.memory_space<vmem>> -> memref<128xi32, #tpu.memory_space<vmem>>
    %swap3A_270 = arith.constant 32 : index
    %swap3A_271 = tpu.vector_load %swap3A_269[%swap3A_270] {strides = array<i32>} : memref<128xi32, #tpu.memory_space<vmem>>, vector<16xi32>,
    tpu.vector_store %swap3A_269[%swap3A_270], %add3A_265 {strides = array<i32>} : memref<128xi32, #tpu.memory_space<vmem>>, vector<16xi32>,
    %add3A_272 = arith.constant 67108864 : i32
    %add3A_273 = arith.addi %add3A_272, %mul3A_85 : i32
    %add3A_274 = arith.constant 128 : i32
    %add3A_275 = arith.addi %add3A_273, %add3A_274 : i32
    %add3A_276 = arith.constant 48 : i32
    %add3A_277 = arith.addi %add3A_275, %add3A_276 : i32
    %add3A_278 = arith.constant 1 : i32
    %add3A_279 = arith.addi %add3A_277, %add3A_278 : i32
    %broadcast_in_dim3A_280 = vector.broadcast %add3A_279 : i32 to vector<16xi32>
    %iota3A_281 = tpu.iota {dimensions = array<i32: 0>} : vector<16xi32>
    %add3A_282 = arith.addi %broadcast_in_dim3A_280, %iota3A_281 : vector<16xi32>
    %swap3A_283 = arith.constant 1 : i32
    %swap3A_284 = arith.constant 0 : i32
    %swap3A_285 = tpu.memref_slice %arg10[%swap3A_283, %swap3A_284] : memref<8x128xi32, #tpu.memory_space<vmem>> -> memref<1x128xi32, #tpu.memory_space<vmem>>
    %swap3A_286 = tpu.memref_squeeze %swap3A_285 : memref<1x128xi32, #tpu.memory_space<vmem>> -> memref<128xi32, #tpu.memory_space<vmem>>
    %swap3A_287 = arith.constant 48 : index
    %swap3A_288 = tpu.vector_load %swap3A_286[%swap3A_287] {strides = array<i32>} : memref<128xi32, #tpu.memory_space<vmem>>, vector<16xi32>,
    tpu.vector_store %swap3A_286[%swap3A_287], %add3A_282 {strides = array<i32>} : memref<128xi32, #tpu.memory_space<vmem>>, vector<16xi32>,
    %add3A_289 = arith.constant 67108864 : i32
    %add3A_290 = arith.addi %add3A_289, %mul3A_85 : i32
    %add3A_291 = arith.constant 128 : i32
    %add3A_292 = arith.addi %add3A_290, %add3A_291 : i32
    %add3A_293 = arith.constant 64 : i32
    %add3A_294 = arith.addi %add3A_292, %add3A_293 : i32
    %add3A_295 = arith.constant 1 : i32
    %add3A_296 = arith.addi %add3A_294, %add3A_295 : i32
    %broadcast_in_dim3A_297 = vector.broadcast %add3A_296 : i32 to vector<16xi32>
    %iota3A_298 = tpu.iota {dimensions = array<i32: 0>} : vector<16xi32>
    %add3A_299 = arith.addi %broadcast_in_dim3A_297, %iota3A_298 : vector<16xi32>
    %swap3A_300 = arith.constant 1 : i32
    %swap3A_301 = arith.constant 0 : i32
    %swap3A_302 = tpu.memref_slice %arg10[%swap3A_300, %swap3A_301] : memref<8x128xi32, #tpu.memory_space<vmem>> -> memref<1x128xi32, #tpu.memory_space<vmem>>
    %swap3A_303 = tpu.memref_squeeze %swap3A_302 : memref<1x128xi32, #tpu.memory_space<vmem>> -> memref<128xi32, #tpu.memory_space<vmem>>
    %swap3A_304 = arith.constant 64 : index
    %swap3A_305 = tpu.vector_load %swap3A_303[%swap3A_304] {strides = array<i32>} : memref<128xi32, #tpu.memory_space<vmem>>, vector<16xi32>,
    tpu.vector_store %swap3A_303[%swap3A_304], %add3A_299 {strides = array<i32>} : memref<128xi32, #tpu.memory_space<vmem>>, vector<16xi32>,
    %add3A_306 = arith.constant 67108864 : i32
    %add3A_307 = arith.addi %add3A_306, %mul3A_85 : i32
    %add3A_308 = arith.constant 128 : i32
    %add3A_309 = arith.addi %add3A_307, %add3A_308 : i32
    %add3A_310 = arith.constant 80 : i32
    %add3A_311 = arith.addi %add3A_309, %add3A_310 : i32
    %add3A_312 = arith.constant 1 : i32
    %add3A_313 = arith.addi %add3A_311, %add3A_312 : i32
    %broadcast_in_dim3A_314 = vector.broadcast %add3A_313 : i32 to vector<16xi32>
    %iota3A_315 = tpu.iota {dimensions = array<i32: 0>} : vector<16xi32>
    %add3A_316 = arith.addi %broadcast_in_dim3A_314, %iota3A_315 : vector<16xi32>
    %swap3A_317 = arith.constant 1 : i32
    %swap3A_318 = arith.constant 0 : i32
    %swap3A_319 = tpu.memref_slice %arg10[%swap3A_317, %swap3A_318] : memref<8x128xi32, #tpu.memory_space<vmem>> -> memref<1x128xi32, #tpu.memory_space<vmem>>
    %swap3A_320 = tpu.memref_squeeze %swap3A_319 : memref<1x128xi32, #tpu.memory_space<vmem>> -> memref<128xi32, #tpu.memory_space<vmem>>
    %swap3A_321 = arith.constant 80 : index
    %swap3A_322 = tpu.vector_load %swap3A_320[%swap3A_321] {strides = array<i32>} : memref<128xi32, #tpu.memory_space<vmem>>, vector<16xi32>,
    tpu.vector_store %swap3A_320[%swap3A_321], %add3A_316 {strides = array<i32>} : memref<128xi32, #tpu.memory_space<vmem>>, vector<16xi32>,
    %add3A_323 = arith.constant 67108864 : i32
    %add3A_324 = arith.addi %add3A_323, %mul3A_85 : i32
    %add3A_325 = arith.constant 128 : i32
    %add3A_326 = arith.addi %add3A_324, %add3A_325 : i32
    %add3A_327 = arith.constant 96 : i32
    %add3A_328 = arith.addi %add3A_326, %add3A_327 : i32
    %add3A_329 = arith.constant 1 : i32
    %add3A_330 = arith.addi %add3A_328, %add3A_329 : i32
    %broadcast_in_dim3A_331 = vector.broadcast %add3A_330 : i32 to vector<16xi32>
    %iota3A_332 = tpu.iota {dimensions = array<i32: 0>} : vector<16xi32>
    %add3A_333 = arith.addi %broadcast_in_dim3A_331, %iota3A_332 : vector<16xi32>
    %swap3A_334 = arith.constant 1 : i32
    %swap3A_335 = arith.constant 0 : i32
    %swap3A_336 = tpu.memref_slice %arg10[%swap3A_334, %swap3A_335] : memref<8x128xi32, #tpu.memory_space<vmem>> -> memref<1x128xi32, #tpu.memory_space<vmem>>
    %swap3A_337 = tpu.memref_squeeze %swap3A_336 : memref<1x128xi32, #tpu.memory_space<vmem>> -> memref<128xi32, #tpu.memory_space<vmem>>
    %swap3A_338 = arith.constant 96 : index
    %swap3A_339 = tpu.vector_load %swap3A_337[%swap3A_338] {strides = array<i32>} : memref<128xi32, #tpu.memory_space<vmem>>, vector<16xi32>,
    tpu.vector_store %swap3A_337[%swap3A_338], %add3A_333 {strides = array<i32>} : memref<128xi32, #tpu.memory_space<vmem>>, vector<16xi32>,
    %add3A_340 = arith.constant 67108864 : i32
    %add3A_341 = arith.addi %add3A_340, %mul3A_85 : i32
    %add3A_342 = arith.constant 128 : i32
    %add3A_343 = arith.addi %add3A_341, %add3A_342 : i32
    %add3A_344 = arith.constant 112 : i32
    %add3A_345 = arith.addi %add3A_343, %add3A_344 : i32
    %add3A_346 = arith.constant 1 : i32
    %add3A_347 = arith.addi %add3A_345, %add3A_346 : i32
    %broadcast_in_dim3A_348 = vector.broadcast %add3A_347 : i32 to vector<16xi32>
    %iota3A_349 = tpu.iota {dimensions = array<i32: 0>} : vector<16xi32>
    %add3A_350 = arith.addi %broadcast_in_dim3A_348, %iota3A_349 : vector<16xi32>
    %swap3A_351 = arith.constant 1 : i32
    %swap3A_352 = arith.constant 0 : i32
    %swap3A_353 = tpu.memref_slice %arg10[%swap3A_351, %swap3A_352] : memref<8x128xi32, #tpu.memory_space<vmem>> -> memref<1x128xi32, #tpu.memory_space<vmem>>
    %swap3A_354 = tpu.memref_squeeze %swap3A_353 : memref<1x128xi32, #tpu.memory_space<vmem>> -> memref<128xi32, #tpu.memory_space<vmem>>
    %swap3A_355 = arith.constant 112 : index
    %swap3A_356 = tpu.vector_load %swap3A_354[%swap3A_355] {strides = array<i32>} : memref<128xi32, #tpu.memory_space<vmem>>, vector<16xi32>,
    tpu.vector_store %swap3A_354[%swap3A_355], %add3A_350 {strides = array<i32>} : memref<128xi32, #tpu.memory_space<vmem>>, vector<16xi32>,
    %add3A_357 = arith.constant 67108864 : i32
    %add3A_358 = arith.addi %add3A_357, %mul3A_85 : i32
    %add3A_359 = arith.constant 256 : i32
    %add3A_360 = arith.addi %add3A_358, %add3A_359 : i32
    %add3A_361 = arith.constant 0 : i32
    %add3A_362 = arith.addi %add3A_360, %add3A_361 : i32
    %add3A_363 = arith.constant 1 : i32
    %add3A_364 = arith.addi %add3A_362, %add3A_363 : i32
    %broadcast_in_dim3A_365 = vector.broadcast %add3A_364 : i32 to vector<16xi32>
    %iota3A_366 = tpu.iota {dimensions = array<i32: 0>} : vector<16xi32>
    %add3A_367 = arith.addi %broadcast_in_dim3A_365, %iota3A_366 : vector<16xi32>
    %swap3A_368 = arith.constant 2 : i32
    %swap3A_369 = arith.constant 0 : i32
    %swap3A_370 = tpu.memref_slice %arg10[%swap3A_368, %swap3A_369] : memref<8x128xi32, #tpu.memory_space<vmem>> -> memref<1x128xi32, #tpu.memory_space<vmem>>
    %swap3A_371 = tpu.memref_squeeze %swap3A_370 : memref<1x128xi32, #tpu.memory_space<vmem>> -> memref<128xi32, #tpu.memory_space<vmem>>
    %swap3A_372 = arith.constant 0 : index
    %swap3A_373 = tpu.vector_load %swap3A_371[%swap3A_372] {strides = array<i32>} : memref<128xi32, #tpu.memory_space<vmem>>, vector<16xi32>,
    tpu.vector_store %swap3A_371[%swap3A_372], %add3A_367 {strides = array<i32>} : memref<128xi32, #tpu.memory_space<vmem>>, vector<16xi32>,
    %add3A_374 = arith.constant 67108864 : i32
    %add3A_375 = arith.addi %add3A_374, %mul3A_85 : i32
    %add3A_376 = arith.constant 256 : i32
    %add3A_377 = arith.addi %add3A_375, %add3A_376 : i32
    %add3A_378 = arith.constant 16 : i32
    %add3A_379 = arith.addi %add3A_377, %add3A_378 : i32
    %add3A_380 = arith.constant 1 : i32
    %add3A_381 = arith.addi %add3A_379, %add3A_380 : i32
    %broadcast_in_dim3A_382 = vector.broadcast %add3A_381 : i32 to vector<16xi32>
    %iota3A_383 = tpu.iota {dimensions = array<i32: 0>} : vector<16xi32>
    %add3A_384 = arith.addi %broadcast_in_dim3A_382, %iota3A_383 : vector<16xi32>
    %swap3A_385 = arith.constant 2 : i32
    %swap3A_386 = arith.constant 0 : i32
    %swap3A_387 = tpu.memref_slice %arg10[%swap3A_385, %swap3A_386] : memref<8x128xi32, #tpu.memory_space<vmem>> -> memref<1x128xi32, #tpu.memory_space<vmem>>
    %swap3A_388 = tpu.memref_squeeze %swap3A_387 : memref<1x128xi32, #tpu.memory_space<vmem>> -> memref<128xi32, #tpu.memory_space<vmem>>
    %swap3A_389 = arith.constant 16 : index
    %swap3A_390 = tpu.vector_load %swap3A_388[%swap3A_389] {strides = array<i32>} : memref<128xi32, #tpu.memory_space<vmem>>, vector<16xi32>,
    tpu.vector_store %swap3A_388[%swap3A_389], %add3A_384 {strides = array<i32>} : memref<128xi32, #tpu.memory_space<vmem>>, vector<16xi32>,
    %add3A_391 = arith.constant 67108864 : i32
    %add3A_392 = arith.addi %add3A_391, %mul3A_85 : i32
    %add3A_393 = arith.constant 256 : i32
    %add3A_394 = arith.addi %add3A_392, %add3A_393 : i32
    %add3A_395 = arith.constant 32 : i32
    %add3A_396 = arith.addi %add3A_394, %add3A_395 : i32
    %add3A_397 = arith.constant 1 : i32
    %add3A_398 = arith.addi %add3A_396, %add3A_397 : i32
    %broadcast_in_dim3A_399 = vector.broadcast %add3A_398 : i32 to vector<16xi32>
    %iota3A_400 = tpu.iota {dimensions = array<i32: 0>} : vector<16xi32>
    %add3A_401 = arith.addi %broadcast_in_dim3A_399, %iota3A_400 : vector<16xi32>
    %swap3A_402 = arith.constant 2 : i32
    %swap3A_403 = arith.constant 0 : i32
    %swap3A_404 = tpu.memref_slice %arg10[%swap3A_402, %swap3A_403] : memref<8x128xi32, #tpu.memory_space<vmem>> -> memref<1x128xi32, #tpu.memory_space<vmem>>
    %swap3A_405 = tpu.memref_squeeze %swap3A_404 : memref<1x128xi32, #tpu.memory_space<vmem>> -> memref<128xi32, #tpu.memory_space<vmem>>
    %swap3A_406 = arith.constant 32 : index
    %swap3A_407 = tpu.vector_load %swap3A_405[%swap3A_406] {strides = array<i32>} : memref<128xi32, #tpu.memory_space<vmem>>, vector<16xi32>,
    tpu.vector_store %swap3A_405[%swap3A_406], %add3A_401 {strides = array<i32>} : memref<128xi32, #tpu.memory_space<vmem>>, vector<16xi32>,
    %add3A_408 = arith.constant 67108864 : i32
    %add3A_409 = arith.addi %add3A_408, %mul3A_85 : i32
    %add3A_410 = arith.constant 256 : i32
    %add3A_411 = arith.addi %add3A_409, %add3A_410 : i32
    %add3A_412 = arith.constant 48 : i32
    %add3A_413 = arith.addi %add3A_411, %add3A_412 : i32
    %add3A_414 = arith.constant 1 : i32
    %add3A_415 = arith.addi %add3A_413, %add3A_414 : i32
    %broadcast_in_dim3A_416 = vector.broadcast %add3A_415 : i32 to vector<16xi32>
    %iota3A_417 = tpu.iota {dimensions = array<i32: 0>} : vector<16xi32>
    %add3A_418 = arith.addi %broadcast_in_dim3A_416, %iota3A_417 : vector<16xi32>
    %swap3A_419 = arith.constant 2 : i32
    %swap3A_420 = arith.constant 0 : i32
    %swap3A_421 = tpu.memref_slice %arg10[%swap3A_419, %swap3A_420] : memref<8x128xi32, #tpu.memory_space<vmem>> -> memref<1x128xi32, #tpu.memory_space<vmem>>
    %swap3A_422 = tpu.memref_squeeze %swap3A_421 : memref<1x128xi32, #tpu.memory_space<vmem>> -> memref<128xi32, #tpu.memory_space<vmem>>
    %swap3A_423 = arith.constant 48 : index
    %swap3A_424 = tpu.vector_load %swap3A_422[%swap3A_423] {strides = array<i32>} : memref<128xi32, #tpu.memory_space<vmem>>, vector<16xi32>,
    tpu.vector_store %swap3A_422[%swap3A_423], %add3A_418 {strides = array<i32>} : memref<128xi32, #tpu.memory_space<vmem>>, vector<16xi32>,
    %add3A_425 = arith.constant 67108864 : i32
    %add3A_426 = arith.addi %add3A_425, %mul3A_85 : i32
    %add3A_427 = arith.constant 256 : i32
    %add3A_428 = arith.addi %add3A_426, %add3A_427 : i32
    %add3A_429 = arith.constant 64 : i32
    %add3A_430 = arith.addi %add3A_428, %add3A_429 : i32
    %add3A_431 = arith.constant 1 : i32
    %add3A_432 = arith.addi %add3A_430, %add3A_431 : i32
    %broadcast_in_dim3A_433 = vector.broadcast %add3A_432 : i32 to vector<16xi32>
    %iota3A_434 = tpu.iota {dimensions = array<i32: 0>} : vector<16xi32>
    %add3A_435 = arith.addi %broadcast_in_dim3A_433, %iota3A_434 : vector<16xi32>
    %swap3A_436 = arith.constant 2 : i32
    %swap3A_437 = arith.constant 0 : i32
    %swap3A_438 = tpu.memref_slice %arg10[%swap3A_436, %swap3A_437] : memref<8x128xi32, #tpu.memory_space<vmem>> -> memref<1x128xi32, #tpu.memory_space<vmem>>
    %swap3A_439 = tpu.memref_squeeze %swap3A_438 : memref<1x128xi32, #tpu.memory_space<vmem>> -> memref<128xi32, #tpu.memory_space<vmem>>
    %swap3A_440 = arith.constant 64 : index
    %swap3A_441 = tpu.vector_load %swap3A_439[%swap3A_440] {strides = array<i32>} : memref<128xi32, #tpu.memory_space<vmem>>, vector<16xi32>,
    tpu.vector_store %swap3A_439[%swap3A_440], %add3A_435 {strides = array<i32>} : memref<128xi32, #tpu.memory_space<vmem>>, vector<16xi32>,
    %add3A_442 = arith.constant 67108864 : i32
    %add3A_443 = arith.addi %add3A_442, %mul3A_85 : i32
    %add3A_444 = arith.constant 256 : i32
    %add3A_445 = arith.addi %add3A_443, %add3A_444 : i32
    %add3A_446 = arith.constant 80 : i32
    %add3A_447 = arith.addi %add3A_445, %add3A_446 : i32
    %add3A_448 = arith.constant 1 : i32
    %add3A_449 = arith.addi %add3A_447, %add3A_448 : i32
    %broadcast_in_dim3A_450 = vector.broadcast %add3A_449 : i32 to vector<16xi32>
    %iota3A_451 = tpu.iota {dimensions = array<i32: 0>} : vector<16xi32>
    %add3A_452 = arith.addi %broadcast_in_dim3A_450, %iota3A_451 : vector<16xi32>
    %swap3A_453 = arith.constant 2 : i32
    %swap3A_454 = arith.constant 0 : i32
    %swap3A_455 = tpu.memref_slice %arg10[%swap3A_453, %swap3A_454] : memref<8x128xi32, #tpu.memory_space<vmem>> -> memref<1x128xi32, #tpu.memory_space<vmem>>
    %swap3A_456 = tpu.memref_squeeze %swap3A_455 : memref<1x128xi32, #tpu.memory_space<vmem>> -> memref<128xi32, #tpu.memory_space<vmem>>
    %swap3A_457 = arith.constant 80 : index
    %swap3A_458 = tpu.vector_load %swap3A_456[%swap3A_457] {strides = array<i32>} : memref<128xi32, #tpu.memory_space<vmem>>, vector<16xi32>,
    tpu.vector_store %swap3A_456[%swap3A_457], %add3A_452 {strides = array<i32>} : memref<128xi32, #tpu.memory_space<vmem>>, vector<16xi32>,
    %add3A_459 = arith.constant 67108864 : i32
    %add3A_460 = arith.addi %add3A_459, %mul3A_85 : i32
    %add3A_461 = arith.constant 256 : i32
    %add3A_462 = arith.addi %add3A_460, %add3A_461 : i32
    %add3A_463 = arith.constant 96 : i32
    %add3A_464 = arith.addi %add3A_462, %add3A_463 : i32
    %add3A_465 = arith.constant 1 : i32
    %add3A_466 = arith.addi %add3A_464, %add3A_465 : i32
    %broadcast_in_dim3A_467 = vector.broadcast %add3A_466 : i32 to vector<16xi32>
    %iota3A_468 = tpu.iota {dimensions = array<i32: 0>} : vector<16xi32>
    %add3A_469 = arith.addi %broadcast_in_dim3A_467, %iota3A_468 : vector<16xi32>
    %swap3A_470 = arith.constant 2 : i32
    %swap3A_471 = arith.constant 0 : i32
    %swap3A_472 = tpu.memref_slice %arg10[%swap3A_470, %swap3A_471] : memref<8x128xi32, #tpu.memory_space<vmem>> -> memref<1x128xi32, #tpu.memory_space<vmem>>
    %swap3A_473 = tpu.memref_squeeze %swap3A_472 : memref<1x128xi32, #tpu.memory_space<vmem>> -> memref<128xi32, #tpu.memory_space<vmem>>
    %swap3A_474 = arith.constant 96 : index
    %swap3A_475 = tpu.vector_load %swap3A_473[%swap3A_474] {strides = array<i32>} : memref<128xi32, #tpu.memory_space<vmem>>, vector<16xi32>,
    tpu.vector_store %swap3A_473[%swap3A_474], %add3A_469 {strides = array<i32>} : memref<128xi32, #tpu.memory_space<vmem>>, vector<16xi32>,
    %add3A_476 = arith.constant 67108864 : i32
    %add3A_477 = arith.addi %add3A_476, %mul3A_85 : i32
    %add3A_478 = arith.constant 256 : i32
    %add3A_479 = arith.addi %add3A_477, %add3A_478 : i32
    %add3A_480 = arith.constant 112 : i32
    %add3A_481 = arith.addi %add3A_479, %add3A_480 : i32
    %add3A_482 = arith.constant 1 : i32
    %add3A_483 = arith.addi %add3A_481, %add3A_482 : i32
    %broadcast_in_dim3A_484 = vector.broadcast %add3A_483 : i32 to vector<16xi32>
    %iota3A_485 = tpu.iota {dimensions = array<i32: 0>} : vector<16xi32>
    %add3A_486 = arith.addi %broadcast_in_dim3A_484, %iota3A_485 : vector<16xi32>
    %swap3A_487 = arith.constant 2 : i32
    %swap3A_488 = arith.constant 0 : i32
    %swap3A_489 = tpu.memref_slice %arg10[%swap3A_487, %swap3A_488] : memref<8x128xi32, #tpu.memory_space<vmem>> -> memref<1x128xi32, #tpu.memory_space<vmem>>
    %swap3A_490 = tpu.memref_squeeze %swap3A_489 : memref<1x128xi32, #tpu.memory_space<vmem>> -> memref<128xi32, #tpu.memory_space<vmem>>
    %swap3A_491 = arith.constant 112 : index
    %swap3A_492 = tpu.vector_load %swap3A_490[%swap3A_491] {strides = array<i32>} : memref<128xi32, #tpu.memory_space<vmem>>, vector<16xi32>,
    tpu.vector_store %swap3A_490[%swap3A_491], %add3A_486 {strides = array<i32>} : memref<128xi32, #tpu.memory_space<vmem>>, vector<16xi32>,
    %add3A_493 = arith.constant 67108864 : i32
    %add3A_494 = arith.addi %add3A_493, %mul3A_85 : i32
    %add3A_495 = arith.constant 384 : i32
    %add3A_496 = arith.addi %add3A_494, %add3A_495 : i32
    %add3A_497 = arith.constant 0 : i32
    %add3A_498 = arith.addi %add3A_496, %add3A_497 : i32
    %add3A_499 = arith.constant 1 : i32
    %add3A_500 = arith.addi %add3A_498, %add3A_499 : i32
    %broadcast_in_dim3A_501 = vector.broadcast %add3A_500 : i32 to vector<16xi32>
    %iota3A_502 = tpu.iota {dimensions = array<i32: 0>} : vector<16xi32>
    %add3A_503 = arith.addi %broadcast_in_dim3A_501, %iota3A_502 : vector<16xi32>
    %swap3A_504 = arith.constant 3 : i32
    %swap3A_505 = arith.constant 0 : i32
    %swap3A_506 = tpu.memref_slice %arg10[%swap3A_504, %swap3A_505] : memref<8x128xi32, #tpu.memory_space<vmem>> -> memref<1x128xi32, #tpu.memory_space<vmem>>
    %swap3A_507 = tpu.memref_squeeze %swap3A_506 : memref<1x128xi32, #tpu.memory_space<vmem>> -> memref<128xi32, #tpu.memory_space<vmem>>
    %swap3A_508 = arith.constant 0 : index
    %swap3A_509 = tpu.vector_load %swap3A_507[%swap3A_508] {strides = array<i32>} : memref<128xi32, #tpu.memory_space<vmem>>, vector<16xi32>,
    tpu.vector_store %swap3A_507[%swap3A_508], %add3A_503 {strides = array<i32>} : memref<128xi32, #tpu.memory_space<vmem>>, vector<16xi32>,
    %add3A_510 = arith.constant 67108864 : i32
    %add3A_511 = arith.addi %add3A_510, %mul3A_85 : i32
    %add3A_512 = arith.constant 384 : i32
    %add3A_513 = arith.addi %add3A_511, %add3A_512 : i32
    %add3A_514 = arith.constant 16 : i32
    %add3A_515 = arith.addi %add3A_513, %add3A_514 : i32
    %add3A_516 = arith.constant 1 : i32
    %add3A_517 = arith.addi %add3A_515, %add3A_516 : i32
    %broadcast_in_dim3A_518 = vector.broadcast %add3A_517 : i32 to vector<16xi32>
    %iota3A_519 = tpu.iota {dimensions = array<i32: 0>} : vector<16xi32>
    %add3A_520 = arith.addi %broadcast_in_dim3A_518, %iota3A_519 : vector<16xi32>
    %swap3A_521 = arith.constant 3 : i32
    %swap3A_522 = arith.constant 0 : i32
    %swap3A_523 = tpu.memref_slice %arg10[%swap3A_521, %swap3A_522] : memref<8x128xi32, #tpu.memory_space<vmem>> -> memref<1x128xi32, #tpu.memory_space<vmem>>
    %swap3A_524 = tpu.memref_squeeze %swap3A_523 : memref<1x128xi32, #tpu.memory_space<vmem>> -> memref<128xi32, #tpu.memory_space<vmem>>
    %swap3A_525 = arith.constant 16 : index
    %swap3A_526 = tpu.vector_load %swap3A_524[%swap3A_525] {strides = array<i32>} : memref<128xi32, #tpu.memory_space<vmem>>, vector<16xi32>,
    tpu.vector_store %swap3A_524[%swap3A_525], %add3A_520 {strides = array<i32>} : memref<128xi32, #tpu.memory_space<vmem>>, vector<16xi32>,
    %add3A_527 = arith.constant 67108864 : i32
    %add3A_528 = arith.addi %add3A_527, %mul3A_85 : i32
    %add3A_529 = arith.constant 384 : i32
    %add3A_530 = arith.addi %add3A_528, %add3A_529 : i32
    %add3A_531 = arith.constant 32 : i32
    %add3A_532 = arith.addi %add3A_530, %add3A_531 : i32
    %add3A_533 = arith.constant 1 : i32
    %add3A_534 = arith.addi %add3A_532, %add3A_533 : i32
    %broadcast_in_dim3A_535 = vector.broadcast %add3A_534 : i32 to vector<16xi32>
    %iota3A_536 = tpu.iota {dimensions = array<i32: 0>} : vector<16xi32>
    %add3A_537 = arith.addi %broadcast_in_dim3A_535, %iota3A_536 : vector<16xi32>
    %swap3A_538 = arith.constant 3 : i32
    %swap3A_539 = arith.constant 0 : i32
    %swap3A_540 = tpu.memref_slice %arg10[%swap3A_538, %swap3A_539] : memref<8x128xi32, #tpu.memory_space<vmem>> -> memref<1x128xi32, #tpu.memory_space<vmem>>
    %swap3A_541 = tpu.memref_squeeze %swap3A_540 : memref<1x128xi32, #tpu.memory_space<vmem>> -> memref<128xi32, #tpu.memory_space<vmem>>
    %swap3A_542 = arith.constant 32 : index
    %swap3A_543 = tpu.vector_load %swap3A_541[%swap3A_542] {strides = array<i32>} : memref<128xi32, #tpu.memory_space<vmem>>, vector<16xi32>,
    tpu.vector_store %swap3A_541[%swap3A_542], %add3A_537 {strides = array<i32>} : memref<128xi32, #tpu.memory_space<vmem>>, vector<16xi32>,
    %add3A_544 = arith.constant 67108864 : i32
    %add3A_545 = arith.addi %add3A_544, %mul3A_85 : i32
    %add3A_546 = arith.constant 384 : i32
    %add3A_547 = arith.addi %add3A_545, %add3A_546 : i32
    %add3A_548 = arith.constant 48 : i32
    %add3A_549 = arith.addi %add3A_547, %add3A_548 : i32
    %add3A_550 = arith.constant 1 : i32
    %add3A_551 = arith.addi %add3A_549, %add3A_550 : i32
    %broadcast_in_dim3A_552 = vector.broadcast %add3A_551 : i32 to vector<16xi32>
    %iota3A_553 = tpu.iota {dimensions = array<i32: 0>} : vector<16xi32>
    %add3A_554 = arith.addi %broadcast_in_dim3A_552, %iota3A_553 : vector<16xi32>
    %swap3A_555 = arith.constant 3 : i32
    %swap3A_556 = arith.constant 0 : i32
    %swap3A_557 = tpu.memref_slice %arg10[%swap3A_555, %swap3A_556] : memref<8x128xi32, #tpu.memory_space<vmem>> -> memref<1x128xi32, #tpu.memory_space<vmem>>
    %swap3A_558 = tpu.memref_squeeze %swap3A_557 : memref<1x128xi32, #tpu.memory_space<vmem>> -> memref<128xi32, #tpu.memory_space<vmem>>
    %swap3A_559 = arith.constant 48 : index
    %swap3A_560 = tpu.vector_load %swap3A_558[%swap3A_559] {strides = array<i32>} : memref<128xi32, #tpu.memory_space<vmem>>, vector<16xi32>,
    tpu.vector_store %swap3A_558[%swap3A_559], %add3A_554 {strides = array<i32>} : memref<128xi32, #tpu.memory_space<vmem>>, vector<16xi32>,
    %add3A_561 = arith.constant 67108864 : i32
    %add3A_562 = arith.addi %add3A_561, %mul3A_85 : i32
    %add3A_563 = arith.constant 384 : i32
    %add3A_564 = arith.addi %add3A_562, %add3A_563 : i32
    %add3A_565 = arith.constant 64 : i32
    %add3A_566 = arith.addi %add3A_564, %add3A_565 : i32
    %add3A_567 = arith.constant 1 : i32
    %add3A_568 = arith.addi %add3A_566, %add3A_567 : i32
    %broadcast_in_dim3A_569 = vector.broadcast %add3A_568 : i32 to vector<16xi32>
    %iota3A_570 = tpu.iota {dimensions = array<i32: 0>} : vector<16xi32>
    %add3A_571 = arith.addi %broadcast_in_dim3A_569, %iota3A_570 : vector<16xi32>
    %swap3A_572 = arith.constant 3 : i32
    %swap3A_573 = arith.constant 0 : i32
    %swap3A_574 = tpu.memref_slice %arg10[%swap3A_572, %swap3A_573] : memref<8x128xi32, #tpu.memory_space<vmem>> -> memref<1x128xi32, #tpu.memory_space<vmem>>
    %swap3A_575 = tpu.memref_squeeze %swap3A_574 : memref<1x128xi32, #tpu.memory_space<vmem>> -> memref<128xi32, #tpu.memory_space<vmem>>
    %swap3A_576 = arith.constant 64 : index
    %swap3A_577 = tpu.vector_load %swap3A_575[%swap3A_576] {strides = array<i32>} : memref<128xi32, #tpu.memory_space<vmem>>, vector<16xi32>,
    tpu.vector_store %swap3A_575[%swap3A_576], %add3A_571 {strides = array<i32>} : memref<128xi32, #tpu.memory_space<vmem>>, vector<16xi32>,
    %add3A_578 = arith.constant 67108864 : i32
    %add3A_579 = arith.addi %add3A_578, %mul3A_85 : i32
    %add3A_580 = arith.constant 384 : i32
    %add3A_581 = arith.addi %add3A_579, %add3A_580 : i32
    %add3A_582 = arith.constant 80 : i32
    %add3A_583 = arith.addi %add3A_581, %add3A_582 : i32
    %add3A_584 = arith.constant 1 : i32
    %add3A_585 = arith.addi %add3A_583, %add3A_584 : i32
    %broadcast_in_dim3A_586 = vector.broadcast %add3A_585 : i32 to vector<16xi32>
    %iota3A_587 = tpu.iota {dimensions = array<i32: 0>} : vector<16xi32>
    %add3A_588 = arith.addi %broadcast_in_dim3A_586, %iota3A_587 : vector<16xi32>
    %swap3A_589 = arith.constant 3 : i32
    %swap3A_590 = arith.constant 0 : i32
    %swap3A_591 = tpu.memref_slice %arg10[%swap3A_589, %swap3A_590] : memref<8x128xi32, #tpu.memory_space<vmem>> -> memref<1x128xi32, #tpu.memory_space<vmem>>
    %swap3A_592 = tpu.memref_squeeze %swap3A_591 : memref<1x128xi32, #tpu.memory_space<vmem>> -> memref<128xi32, #tpu.memory_space<vmem>>
    %swap3A_593 = arith.constant 80 : index
    %swap3A_594 = tpu.vector_load %swap3A_592[%swap3A_593] {strides = array<i32>} : memref<128xi32, #tpu.memory_space<vmem>>, vector<16xi32>,
    tpu.vector_store %swap3A_592[%swap3A_593], %add3A_588 {strides = array<i32>} : memref<128xi32, #tpu.memory_space<vmem>>, vector<16xi32>,
    %add3A_595 = arith.constant 67108864 : i32
    %add3A_596 = arith.addi %add3A_595, %mul3A_85 : i32
    %add3A_597 = arith.constant 384 : i32
    %add3A_598 = arith.addi %add3A_596, %add3A_597 : i32
    %add3A_599 = arith.constant 96 : i32
    %add3A_600 = arith.addi %add3A_598, %add3A_599 : i32
    %add3A_601 = arith.constant 1 : i32
    %add3A_602 = arith.addi %add3A_600, %add3A_601 : i32
    %broadcast_in_dim3A_603 = vector.broadcast %add3A_602 : i32 to vector<16xi32>
    %iota3A_604 = tpu.iota {dimensions = array<i32: 0>} : vector<16xi32>
    %add3A_605 = arith.addi %broadcast_in_dim3A_603, %iota3A_604 : vector<16xi32>
    %swap3A_606 = arith.constant 3 : i32
    %swap3A_607 = arith.constant 0 : i32
    %swap3A_608 = tpu.memref_slice %arg10[%swap3A_606, %swap3A_607] : memref<8x128xi32, #tpu.memory_space<vmem>> -> memref<1x128xi32, #tpu.memory_space<vmem>>
    %swap3A_609 = tpu.memref_squeeze %swap3A_608 : memref<1x128xi32, #tpu.memory_space<vmem>> -> memref<128xi32, #tpu.memory_space<vmem>>
    %swap3A_610 = arith.constant 96 : index
    %swap3A_611 = tpu.vector_load %swap3A_609[%swap3A_610] {strides = array<i32>} : memref<128xi32, #tpu.memory_space<vmem>>, vector<16xi32>,
    tpu.vector_store %swap3A_609[%swap3A_610], %add3A_605 {strides = array<i32>} : memref<128xi32, #tpu.memory_space<vmem>>, vector<16xi32>,
    %add3A_612 = arith.constant 67108864 : i32
    %add3A_613 = arith.addi %add3A_612, %mul3A_85 : i32
    %add3A_614 = arith.constant 384 : i32
    %add3A_615 = arith.addi %add3A_613, %add3A_614 : i32
    %add3A_616 = arith.constant 112 : i32
    %add3A_617 = arith.addi %add3A_615, %add3A_616 : i32
    %add3A_618 = arith.constant 1 : i32
    %add3A_619 = arith.addi %add3A_617, %add3A_618 : i32
    %broadcast_in_dim3A_620 = vector.broadcast %add3A_619 : i32 to vector<16xi32>
    %iota3A_621 = tpu.iota {dimensions = array<i32: 0>} : vector<16xi32>
    %add3A_622 = arith.addi %broadcast_in_dim3A_620, %iota3A_621 : vector<16xi32>
    %swap3A_623 = arith.constant 3 : i32
    %swap3A_624 = arith.constant 0 : i32
    %swap3A_625 = tpu.memref_slice %arg10[%swap3A_623, %swap3A_624] : memref<8x128xi32, #tpu.memory_space<vmem>> -> memref<1x128xi32, #tpu.memory_space<vmem>>
    %swap3A_626 = tpu.memref_squeeze %swap3A_625 : memref<1x128xi32, #tpu.memory_space<vmem>> -> memref<128xi32, #tpu.memory_space<vmem>>
    %swap3A_627 = arith.constant 112 : index
    %swap3A_628 = tpu.vector_load %swap3A_626[%swap3A_627] {strides = array<i32>} : memref<128xi32, #tpu.memory_space<vmem>>, vector<16xi32>,
    tpu.vector_store %swap3A_626[%swap3A_627], %add3A_622 {strides = array<i32>} : memref<128xi32, #tpu.memory_space<vmem>>, vector<16xi32>,
    %add3A_629 = arith.constant 67108864 : i32
    %add3A_630 = arith.addi %add3A_629, %mul3A_85 : i32
    %add3A_631 = arith.constant 512 : i32
    %add3A_632 = arith.addi %add3A_630, %add3A_631 : i32
    %add3A_633 = arith.constant 0 : i32
    %add3A_634 = arith.addi %add3A_632, %add3A_633 : i32
    %add3A_635 = arith.constant 1 : i32
    %add3A_636 = arith.addi %add3A_634, %add3A_635 : i32
    %broadcast_in_dim3A_637 = vector.broadcast %add3A_636 : i32 to vector<16xi32>
    %iota3A_638 = tpu.iota {dimensions = array<i32: 0>} : vector<16xi32>
    %add3A_639 = arith.addi %broadcast_in_dim3A_637, %iota3A_638 : vector<16xi32>
    %swap3A_640 = arith.constant 4 : i32
    %swap3A_641 = arith.constant 0 : i32
    %swap3A_642 = tpu.memref_slice %arg10[%swap3A_640, %swap3A_641] : memref<8x128xi32, #tpu.memory_space<vmem>> -> memref<1x128xi32, #tpu.memory_space<vmem>>
    %swap3A_643 = tpu.memref_squeeze %swap3A_642 : memref<1x128xi32, #tpu.memory_space<vmem>> -> memref<128xi32, #tpu.memory_space<vmem>>
    %swap3A_644 = arith.constant 0 : index
    %swap3A_645 = tpu.vector_load %swap3A_643[%swap3A_644] {strides = array<i32>} : memref<128xi32, #tpu.memory_space<vmem>>, vector<16xi32>,
    tpu.vector_store %swap3A_643[%swap3A_644], %add3A_639 {strides = array<i32>} : memref<128xi32, #tpu.memory_space<vmem>>, vector<16xi32>,
    %add3A_646 = arith.constant 67108864 : i32
    %add3A_647 = arith.addi %add3A_646, %mul3A_85 : i32
    %add3A_648 = arith.constant 512 : i32
    %add3A_649 = arith.addi %add3A_647, %add3A_648 : i32
    %add3A_650 = arith.constant 16 : i32
    %add3A_651 = arith.addi %add3A_649, %add3A_650 : i32
    %add3A_652 = arith.constant 1 : i32
    %add3A_653 = arith.addi %add3A_651, %add3A_652 : i32
    %broadcast_in_dim3A_654 = vector.broadcast %add3A_653 : i32 to vector<16xi32>
    %iota3A_655 = tpu.iota {dimensions = array<i32: 0>} : vector<16xi32>
    %add3A_656 = arith.addi %broadcast_in_dim3A_654, %iota3A_655 : vector<16xi32>
    %swap3A_657 = arith.constant 4 : i32
    %swap3A_658 = arith.constant 0 : i32
    %swap3A_659 = tpu.memref_slice %arg10[%swap3A_657, %swap3A_658] : memref<8x128xi32, #tpu.memory_space<vmem>> -> memref<1x128xi32, #tpu.memory_space<vmem>>
    %swap3A_660 = tpu.memref_squeeze %swap3A_659 : memref<1x128xi32, #tpu.memory_space<vmem>> -> memref<128xi32, #tpu.memory_space<vmem>>
    %swap3A_661 = arith.constant 16 : index
    %swap3A_662 = tpu.vector_load %swap3A_660[%swap3A_661] {strides = array<i32>} : memref<128xi32, #tpu.memory_space<vmem>>, vector<16xi32>,
    tpu.vector_store %swap3A_660[%swap3A_661], %add3A_656 {strides = array<i32>} : memref<128xi32, #tpu.memory_space<vmem>>, vector<16xi32>,
    %add3A_663 = arith.constant 67108864 : i32
    %add3A_664 = arith.addi %add3A_663, %mul3A_85 : i32
    %add3A_665 = arith.constant 512 : i32
    %add3A_666 = arith.addi %add3A_664, %add3A_665 : i32
    %add3A_667 = arith.constant 32 : i32
    %add3A_668 = arith.addi %add3A_666, %add3A_667 : i32
    %add3A_669 = arith.constant 1 : i32
    %add3A_670 = arith.addi %add3A_668, %add3A_669 : i32
    %broadcast_in_dim3A_671 = vector.broadcast %add3A_670 : i32 to vector<16xi32>
    %iota3A_672 = tpu.iota {dimensions = array<i32: 0>} : vector<16xi32>
    %add3A_673 = arith.addi %broadcast_in_dim3A_671, %iota3A_672 : vector<16xi32>
    %swap3A_674 = arith.constant 4 : i32
    %swap3A_675 = arith.constant 0 : i32
    %swap3A_676 = tpu.memref_slice %arg10[%swap3A_674, %swap3A_675] : memref<8x128xi32, #tpu.memory_space<vmem>> -> memref<1x128xi32, #tpu.memory_space<vmem>>
    %swap3A_677 = tpu.memref_squeeze %swap3A_676 : memref<1x128xi32, #tpu.memory_space<vmem>> -> memref<128xi32, #tpu.memory_space<vmem>>
    %swap3A_678 = arith.constant 32 : index
    %swap3A_679 = tpu.vector_load %swap3A_677[%swap3A_678] {strides = array<i32>} : memref<128xi32, #tpu.memory_space<vmem>>, vector<16xi32>,
    tpu.vector_store %swap3A_677[%swap3A_678], %add3A_673 {strides = array<i32>} : memref<128xi32, #tpu.memory_space<vmem>>, vector<16xi32>,
    %add3A_680 = arith.constant 67108864 : i32
    %add3A_681 = arith.addi %add3A_680, %mul3A_85 : i32
    %add3A_682 = arith.constant 512 : i32
    %add3A_683 = arith.addi %add3A_681, %add3A_682 : i32
    %add3A_684 = arith.constant 48 : i32
    %add3A_685 = arith.addi %add3A_683, %add3A_684 : i32
    %add3A_686 = arith.constant 1 : i32
    %add3A_687 = arith.addi %add3A_685, %add3A_686 : i32
    %broadcast_in_dim3A_688 = vector.broadcast %add3A_687 : i32 to vector<16xi32>
    %iota3A_689 = tpu.iota {dimensions = array<i32: 0>} : vector<16xi32>
    %add3A_690 = arith.addi %broadcast_in_dim3A_688, %iota3A_689 : vector<16xi32>
    %swap3A_691 = arith.constant 4 : i32
    %swap3A_692 = arith.constant 0 : i32
    %swap3A_693 = tpu.memref_slice %arg10[%swap3A_691, %swap3A_692] : memref<8x128xi32, #tpu.memory_space<vmem>> -> memref<1x128xi32, #tpu.memory_space<vmem>>
    %swap3A_694 = tpu.memref_squeeze %swap3A_693 : memref<1x128xi32, #tpu.memory_space<vmem>> -> memref<128xi32, #tpu.memory_space<vmem>>
    %swap3A_695 = arith.constant 48 : index
    %swap3A_696 = tpu.vector_load %swap3A_694[%swap3A_695] {strides = array<i32>} : memref<128xi32, #tpu.memory_space<vmem>>, vector<16xi32>,
    tpu.vector_store %swap3A_694[%swap3A_695], %add3A_690 {strides = array<i32>} : memref<128xi32, #tpu.memory_space<vmem>>, vector<16xi32>,
    %add3A_697 = arith.constant 67108864 : i32
    %add3A_698 = arith.addi %add3A_697, %mul3A_85 : i32
    %add3A_699 = arith.constant 512 : i32
    %add3A_700 = arith.addi %add3A_698, %add3A_699 : i32
    %add3A_701 = arith.constant 64 : i32
    %add3A_702 = arith.addi %add3A_700, %add3A_701 : i32
    %add3A_703 = arith.constant 1 : i32
    %add3A_704 = arith.addi %add3A_702, %add3A_703 : i32
    %broadcast_in_dim3A_705 = vector.broadcast %add3A_704 : i32 to vector<16xi32>
    %iota3A_706 = tpu.iota {dimensions = array<i32: 0>} : vector<16xi32>
    %add3A_707 = arith.addi %broadcast_in_dim3A_705, %iota3A_706 : vector<16xi32>
    %swap3A_708 = arith.constant 4 : i32
    %swap3A_709 = arith.constant 0 : i32
    %swap3A_710 = tpu.memref_slice %arg10[%swap3A_708, %swap3A_709] : memref<8x128xi32, #tpu.memory_space<vmem>> -> memref<1x128xi32, #tpu.memory_space<vmem>>
    %swap3A_711 = tpu.memref_squeeze %swap3A_710 : memref<1x128xi32, #tpu.memory_space<vmem>> -> memref<128xi32, #tpu.memory_space<vmem>>
    %swap3A_712 = arith.constant 64 : index
    %swap3A_713 = tpu.vector_load %swap3A_711[%swap3A_712] {strides = array<i32>} : memref<128xi32, #tpu.memory_space<vmem>>, vector<16xi32>,
    tpu.vector_store %swap3A_711[%swap3A_712], %add3A_707 {strides = array<i32>} : memref<128xi32, #tpu.memory_space<vmem>>, vector<16xi32>,
    %add3A_714 = arith.constant 67108864 : i32
    %add3A_715 = arith.addi %add3A_714, %mul3A_85 : i32
    %add3A_716 = arith.constant 512 : i32
    %add3A_717 = arith.addi %add3A_715, %add3A_716 : i32
    %add3A_718 = arith.constant 80 : i32
    %add3A_719 = arith.addi %add3A_717, %add3A_718 : i32
    %add3A_720 = arith.constant 1 : i32
    %add3A_721 = arith.addi %add3A_719, %add3A_720 : i32
    %broadcast_in_dim3A_722 = vector.broadcast %add3A_721 : i32 to vector<16xi32>
    %iota3A_723 = tpu.iota {dimensions = array<i32: 0>} : vector<16xi32>
    %add3A_724 = arith.addi %broadcast_in_dim3A_722, %iota3A_723 : vector<16xi32>
    %swap3A_725 = arith.constant 4 : i32
    %swap3A_726 = arith.constant 0 : i32
    %swap3A_727 = tpu.memref_slice %arg10[%swap3A_725, %swap3A_726] : memref<8x128xi32, #tpu.memory_space<vmem>> -> memref<1x128xi32, #tpu.memory_space<vmem>>
    %swap3A_728 = tpu.memref_squeeze %swap3A_727 : memref<1x128xi32, #tpu.memory_space<vmem>> -> memref<128xi32, #tpu.memory_space<vmem>>
    %swap3A_729 = arith.constant 80 : index
    %swap3A_730 = tpu.vector_load %swap3A_728[%swap3A_729] {strides = array<i32>} : memref<128xi32, #tpu.memory_space<vmem>>, vector<16xi32>,
    tpu.vector_store %swap3A_728[%swap3A_729], %add3A_724 {strides = array<i32>} : memref<128xi32, #tpu.memory_space<vmem>>, vector<16xi32>,
    %add3A_731 = arith.constant 67108864 : i32
    %add3A_732 = arith.addi %add3A_731, %mul3A_85 : i32
    %add3A_733 = arith.constant 512 : i32
    %add3A_734 = arith.addi %add3A_732, %add3A_733 : i32
    %add3A_735 = arith.constant 96 : i32
    %add3A_736 = arith.addi %add3A_734, %add3A_735 : i32
    %add3A_737 = arith.constant 1 : i32
    %add3A_738 = arith.addi %add3A_736, %add3A_737 : i32
    %broadcast_in_dim3A_739 = vector.broadcast %add3A_738 : i32 to vector<16xi32>
    %iota3A_740 = tpu.iota {dimensions = array<i32: 0>} : vector<16xi32>
    %add3A_741 = arith.addi %broadcast_in_dim3A_739, %iota3A_740 : vector<16xi32>
    %swap3A_742 = arith.constant 4 : i32
    %swap3A_743 = arith.constant 0 : i32
    %swap3A_744 = tpu.memref_slice %arg10[%swap3A_742, %swap3A_743] : memref<8x128xi32, #tpu.memory_space<vmem>> -> memref<1x128xi32, #tpu.memory_space<vmem>>
    %swap3A_745 = tpu.memref_squeeze %swap3A_744 : memref<1x128xi32, #tpu.memory_space<vmem>> -> memref<128xi32, #tpu.memory_space<vmem>>
    %swap3A_746 = arith.constant 96 : index
    %swap3A_747 = tpu.vector_load %swap3A_745[%swap3A_746] {strides = array<i32>} : memref<128xi32, #tpu.memory_space<vmem>>, vector<16xi32>,
    tpu.vector_store %swap3A_745[%swap3A_746], %add3A_741 {strides = array<i32>} : memref<128xi32, #tpu.memory_space<vmem>>, vector<16xi32>,
    %add3A_748 = arith.constant 67108864 : i32
    %add3A_749 = arith.addi %add3A_748, %mul3A_85 : i32
    %add3A_750 = arith.constant 512 : i32
    %add3A_751 = arith.addi %add3A_749, %add3A_750 : i32
    %add3A_752 = arith.constant 112 : i32
    %add3A_753 = arith.addi %add3A_751, %add3A_752 : i32
    %add3A_754 = arith.constant 1 : i32
    %add3A_755 = arith.addi %add3A_753, %add3A_754 : i32
    %broadcast_in_dim3A_756 = vector.broadcast %add3A_755 : i32 to vector<16xi32>
    %iota3A_757 = tpu.iota {dimensions = array<i32: 0>} : vector<16xi32>
    %add3A_758 = arith.addi %broadcast_in_dim3A_756, %iota3A_757 : vector<16xi32>
    %swap3A_759 = arith.constant 4 : i32
    %swap3A_760 = arith.constant 0 : i32
    %swap3A_761 = tpu.memref_slice %arg10[%swap3A_759, %swap3A_760] : memref<8x128xi32, #tpu.memory_space<vmem>> -> memref<1x128xi32, #tpu.memory_space<vmem>>
    %swap3A_762 = tpu.memref_squeeze %swap3A_761 : memref<1x128xi32, #tpu.memory_space<vmem>> -> memref<128xi32, #tpu.memory_space<vmem>>
    %swap3A_763 = arith.constant 112 : index
    %swap3A_764 = tpu.vector_load %swap3A_762[%swap3A_763] {strides = array<i32>} : memref<128xi32, #tpu.memory_space<vmem>>, vector<16xi32>,
    tpu.vector_store %swap3A_762[%swap3A_763], %add3A_758 {strides = array<i32>} : memref<128xi32, #tpu.memory_space<vmem>>, vector<16xi32>,
    %add3A_765 = arith.constant 67108864 : i32
    %add3A_766 = arith.addi %add3A_765, %mul3A_85 : i32
    %add3A_767 = arith.constant 640 : i32
    %add3A_768 = arith.addi %add3A_766, %add3A_767 : i32
    %add3A_769 = arith.constant 0 : i32
    %add3A_770 = arith.addi %add3A_768, %add3A_769 : i32
    %add3A_771 = arith.constant 1 : i32
    %add3A_772 = arith.addi %add3A_770, %add3A_771 : i32
    %broadcast_in_dim3A_773 = vector.broadcast %add3A_772 : i32 to vector<16xi32>
    %iota3A_774 = tpu.iota {dimensions = array<i32: 0>} : vector<16xi32>
    %add3A_775 = arith.addi %broadcast_in_dim3A_773, %iota3A_774 : vector<16xi32>
    %swap3A_776 = arith.constant 5 : i32
    %swap3A_777 = arith.constant 0 : i32
    %swap3A_778 = tpu.memref_slice %arg10[%swap3A_776, %swap3A_777] : memref<8x128xi32, #tpu.memory_space<vmem>> -> memref<1x128xi32, #tpu.memory_space<vmem>>
    %swap3A_779 = tpu.memref_squeeze %swap3A_778 : memref<1x128xi32, #tpu.memory_space<vmem>> -> memref<128xi32, #tpu.memory_space<vmem>>
    %swap3A_780 = arith.constant 0 : index
    %swap3A_781 = tpu.vector_load %swap3A_779[%swap3A_780] {strides = array<i32>} : memref<128xi32, #tpu.memory_space<vmem>>, vector<16xi32>,
    tpu.vector_store %swap3A_779[%swap3A_780], %add3A_775 {strides = array<i32>} : memref<128xi32, #tpu.memory_space<vmem>>, vector<16xi32>,
    %add3A_782 = arith.constant 67108864 : i32
    %add3A_783 = arith.addi %add3A_782, %mul3A_85 : i32
    %add3A_784 = arith.constant 640 : i32
    %add3A_785 = arith.addi %add3A_783, %add3A_784 : i32
    %add3A_786 = arith.constant 16 : i32
    %add3A_787 = arith.addi %add3A_785, %add3A_786 : i32
    %add3A_788 = arith.constant 1 : i32
    %add3A_789 = arith.addi %add3A_787, %add3A_788 : i32
    %broadcast_in_dim3A_790 = vector.broadcast %add3A_789 : i32 to vector<16xi32>
    %iota3A_791 = tpu.iota {dimensions = array<i32: 0>} : vector<16xi32>
    %add3A_792 = arith.addi %broadcast_in_dim3A_790, %iota3A_791 : vector<16xi32>
    %swap3A_793 = arith.constant 5 : i32
    %swap3A_794 = arith.constant 0 : i32
    %swap3A_795 = tpu.memref_slice %arg10[%swap3A_793, %swap3A_794] : memref<8x128xi32, #tpu.memory_space<vmem>> -> memref<1x128xi32, #tpu.memory_space<vmem>>
    %swap3A_796 = tpu.memref_squeeze %swap3A_795 : memref<1x128xi32, #tpu.memory_space<vmem>> -> memref<128xi32, #tpu.memory_space<vmem>>
    %swap3A_797 = arith.constant 16 : index
    %swap3A_798 = tpu.vector_load %swap3A_796[%swap3A_797] {strides = array<i32>} : memref<128xi32, #tpu.memory_space<vmem>>, vector<16xi32>,
    tpu.vector_store %swap3A_796[%swap3A_797], %add3A_792 {strides = array<i32>} : memref<128xi32, #tpu.memory_space<vmem>>, vector<16xi32>,
    %add3A_799 = arith.constant 67108864 : i32
    %add3A_800 = arith.addi %add3A_799, %mul3A_85 : i32
    %add3A_801 = arith.constant 640 : i32
    %add3A_802 = arith.addi %add3A_800, %add3A_801 : i32
    %add3A_803 = arith.constant 32 : i32
    %add3A_804 = arith.addi %add3A_802, %add3A_803 : i32
    %add3A_805 = arith.constant 1 : i32
    %add3A_806 = arith.addi %add3A_804, %add3A_805 : i32
    %broadcast_in_dim3A_807 = vector.broadcast %add3A_806 : i32 to vector<16xi32>
    %iota3A_808 = tpu.iota {dimensions = array<i32: 0>} : vector<16xi32>
    %add3A_809 = arith.addi %broadcast_in_dim3A_807, %iota3A_808 : vector<16xi32>
    %swap3A_810 = arith.constant 5 : i32
    %swap3A_811 = arith.constant 0 : i32
    %swap3A_812 = tpu.memref_slice %arg10[%swap3A_810, %swap3A_811] : memref<8x128xi32, #tpu.memory_space<vmem>> -> memref<1x128xi32, #tpu.memory_space<vmem>>
    %swap3A_813 = tpu.memref_squeeze %swap3A_812 : memref<1x128xi32, #tpu.memory_space<vmem>> -> memref<128xi32, #tpu.memory_space<vmem>>
    %swap3A_814 = arith.constant 32 : index
    %swap3A_815 = tpu.vector_load %swap3A_813[%swap3A_814] {strides = array<i32>} : memref<128xi32, #tpu.memory_space<vmem>>, vector<16xi32>,
    tpu.vector_store %swap3A_813[%swap3A_814], %add3A_809 {strides = array<i32>} : memref<128xi32, #tpu.memory_space<vmem>>, vector<16xi32>,
    %add3A_816 = arith.constant 67108864 : i32
    %add3A_817 = arith.addi %add3A_816, %mul3A_85 : i32
    %add3A_818 = arith.constant 640 : i32
    %add3A_819 = arith.addi %add3A_817, %add3A_818 : i32
    %add3A_820 = arith.constant 48 : i32
    %add3A_821 = arith.addi %add3A_819, %add3A_820 : i32
    %add3A_822 = arith.constant 1 : i32
    %add3A_823 = arith.addi %add3A_821, %add3A_822 : i32
    %broadcast_in_dim3A_824 = vector.broadcast %add3A_823 : i32 to vector<16xi32>
    %iota3A_825 = tpu.iota {dimensions = array<i32: 0>} : vector<16xi32>
    %add3A_826 = arith.addi %broadcast_in_dim3A_824, %iota3A_825 : vector<16xi32>
    %swap3A_827 = arith.constant 5 : i32
    %swap3A_828 = arith.constant 0 : i32
    %swap3A_829 = tpu.memref_slice %arg10[%swap3A_827, %swap3A_828] : memref<8x128xi32, #tpu.memory_space<vmem>> -> memref<1x128xi32, #tpu.memory_space<vmem>>
    %swap3A_830 = tpu.memref_squeeze %swap3A_829 : memref<1x128xi32, #tpu.memory_space<vmem>> -> memref<128xi32, #tpu.memory_space<vmem>>
    %swap3A_831 = arith.constant 48 : index
    %swap3A_832 = tpu.vector_load %swap3A_830[%swap3A_831] {strides = array<i32>} : memref<128xi32, #tpu.memory_space<vmem>>, vector<16xi32>,
    tpu.vector_store %swap3A_830[%swap3A_831], %add3A_826 {strides = array<i32>} : memref<128xi32, #tpu.memory_space<vmem>>, vector<16xi32>,
    %add3A_833 = arith.constant 67108864 : i32
    %add3A_834 = arith.addi %add3A_833, %mul3A_85 : i32
    %add3A_835 = arith.constant 640 : i32
    %add3A_836 = arith.addi %add3A_834, %add3A_835 : i32
    %add3A_837 = arith.constant 64 : i32
    %add3A_838 = arith.addi %add3A_836, %add3A_837 : i32
    %add3A_839 = arith.constant 1 : i32
    %add3A_840 = arith.addi %add3A_838, %add3A_839 : i32
    %broadcast_in_dim3A_841 = vector.broadcast %add3A_840 : i32 to vector<16xi32>
    %iota3A_842 = tpu.iota {dimensions = array<i32: 0>} : vector<16xi32>
    %add3A_843 = arith.addi %broadcast_in_dim3A_841, %iota3A_842 : vector<16xi32>
    %swap3A_844 = arith.constant 5 : i32
    %swap3A_845 = arith.constant 0 : i32
    %swap3A_846 = tpu.memref_slice %arg10[%swap3A_844, %swap3A_845] : memref<8x128xi32, #tpu.memory_space<vmem>> -> memref<1x128xi32, #tpu.memory_space<vmem>>
    %swap3A_847 = tpu.memref_squeeze %swap3A_846 : memref<1x128xi32, #tpu.memory_space<vmem>> -> memref<128xi32, #tpu.memory_space<vmem>>
    %swap3A_848 = arith.constant 64 : index
    %swap3A_849 = tpu.vector_load %swap3A_847[%swap3A_848] {strides = array<i32>} : memref<128xi32, #tpu.memory_space<vmem>>, vector<16xi32>,
    tpu.vector_store %swap3A_847[%swap3A_848], %add3A_843 {strides = array<i32>} : memref<128xi32, #tpu.memory_space<vmem>>, vector<16xi32>,
    %add3A_850 = arith.constant 67108864 : i32
    %add3A_851 = arith.addi %add3A_850, %mul3A_85 : i32
    %add3A_852 = arith.constant 640 : i32
    %add3A_853 = arith.addi %add3A_851, %add3A_852 : i32
    %add3A_854 = arith.constant 80 : i32
    %add3A_855 = arith.addi %add3A_853, %add3A_854 : i32
    %add3A_856 = arith.constant 1 : i32
    %add3A_857 = arith.addi %add3A_855, %add3A_856 : i32
    %broadcast_in_dim3A_858 = vector.broadcast %add3A_857 : i32 to vector<16xi32>
    %iota3A_859 = tpu.iota {dimensions = array<i32: 0>} : vector<16xi32>
    %add3A_860 = arith.addi %broadcast_in_dim3A_858, %iota3A_859 : vector<16xi32>
    %swap3A_861 = arith.constant 5 : i32
    %swap3A_862 = arith.constant 0 : i32
    %swap3A_863 = tpu.memref_slice %arg10[%swap3A_861, %swap3A_862] : memref<8x128xi32, #tpu.memory_space<vmem>> -> memref<1x128xi32, #tpu.memory_space<vmem>>
    %swap3A_864 = tpu.memref_squeeze %swap3A_863 : memref<1x128xi32, #tpu.memory_space<vmem>> -> memref<128xi32, #tpu.memory_space<vmem>>
    %swap3A_865 = arith.constant 80 : index
    %swap3A_866 = tpu.vector_load %swap3A_864[%swap3A_865] {strides = array<i32>} : memref<128xi32, #tpu.memory_space<vmem>>, vector<16xi32>,
    tpu.vector_store %swap3A_864[%swap3A_865], %add3A_860 {strides = array<i32>} : memref<128xi32, #tpu.memory_space<vmem>>, vector<16xi32>,
    %add3A_867 = arith.constant 67108864 : i32
    %add3A_868 = arith.addi %add3A_867, %mul3A_85 : i32
    %add3A_869 = arith.constant 640 : i32
    %add3A_870 = arith.addi %add3A_868, %add3A_869 : i32
    %add3A_871 = arith.constant 96 : i32
    %add3A_872 = arith.addi %add3A_870, %add3A_871 : i32
    %add3A_873 = arith.constant 1 : i32
    %add3A_874 = arith.addi %add3A_872, %add3A_873 : i32
    %broadcast_in_dim3A_875 = vector.broadcast %add3A_874 : i32 to vector<16xi32>
    %iota3A_876 = tpu.iota {dimensions = array<i32: 0>} : vector<16xi32>
    %add3A_877 = arith.addi %broadcast_in_dim3A_875, %iota3A_876 : vector<16xi32>
    %swap3A_878 = arith.constant 5 : i32
    %swap3A_879 = arith.constant 0 : i32
    %swap3A_880 = tpu.memref_slice %arg10[%swap3A_878, %swap3A_879] : memref<8x128xi32, #tpu.memory_space<vmem>> -> memref<1x128xi32, #tpu.memory_space<vmem>>
    %swap3A_881 = tpu.memref_squeeze %swap3A_880 : memref<1x128xi32, #tpu.memory_space<vmem>> -> memref<128xi32, #tpu.memory_space<vmem>>
    %swap3A_882 = arith.constant 96 : index
    %swap3A_883 = tpu.vector_load %swap3A_881[%swap3A_882] {strides = array<i32>} : memref<128xi32, #tpu.memory_space<vmem>>, vector<16xi32>,
    tpu.vector_store %swap3A_881[%swap3A_882], %add3A_877 {strides = array<i32>} : memref<128xi32, #tpu.memory_space<vmem>>, vector<16xi32>,
    %add3A_884 = arith.constant 67108864 : i32
    %add3A_885 = arith.addi %add3A_884, %mul3A_85 : i32
    %add3A_886 = arith.constant 640 : i32
    %add3A_887 = arith.addi %add3A_885, %add3A_886 : i32
    %add3A_888 = arith.constant 112 : i32
    %add3A_889 = arith.addi %add3A_887, %add3A_888 : i32
    %add3A_890 = arith.constant 1 : i32
    %add3A_891 = arith.addi %add3A_889, %add3A_890 : i32
    %broadcast_in_dim3A_892 = vector.broadcast %add3A_891 : i32 to vector<16xi32>
    %iota3A_893 = tpu.iota {dimensions = array<i32: 0>} : vector<16xi32>
    %add3A_894 = arith.addi %broadcast_in_dim3A_892, %iota3A_893 : vector<16xi32>
    %swap3A_895 = arith.constant 5 : i32
    %swap3A_896 = arith.constant 0 : i32
    %swap3A_897 = tpu.memref_slice %arg10[%swap3A_895, %swap3A_896] : memref<8x128xi32, #tpu.memory_space<vmem>> -> memref<1x128xi32, #tpu.memory_space<vmem>>
    %swap3A_898 = tpu.memref_squeeze %swap3A_897 : memref<1x128xi32, #tpu.memory_space<vmem>> -> memref<128xi32, #tpu.memory_space<vmem>>
    %swap3A_899 = arith.constant 112 : index
    %swap3A_900 = tpu.vector_load %swap3A_898[%swap3A_899] {strides = array<i32>} : memref<128xi32, #tpu.memory_space<vmem>>, vector<16xi32>,
    tpu.vector_store %swap3A_898[%swap3A_899], %add3A_894 {strides = array<i32>} : memref<128xi32, #tpu.memory_space<vmem>>, vector<16xi32>,
    %add3A_901 = arith.constant 67108864 : i32
    %add3A_902 = arith.addi %add3A_901, %mul3A_85 : i32
    %add3A_903 = arith.constant 768 : i32
    %add3A_904 = arith.addi %add3A_902, %add3A_903 : i32
    %add3A_905 = arith.constant 0 : i32
    %add3A_906 = arith.addi %add3A_904, %add3A_905 : i32
    %add3A_907 = arith.constant 1 : i32
    %add3A_908 = arith.addi %add3A_906, %add3A_907 : i32
    %broadcast_in_dim3A_909 = vector.broadcast %add3A_908 : i32 to vector<16xi32>
    %iota3A_910 = tpu.iota {dimensions = array<i32: 0>} : vector<16xi32>
    %add3A_911 = arith.addi %broadcast_in_dim3A_909, %iota3A_910 : vector<16xi32>
    %swap3A_912 = arith.constant 6 : i32
    %swap3A_913 = arith.constant 0 : i32
    %swap3A_914 = tpu.memref_slice %arg10[%swap3A_912, %swap3A_913] : memref<8x128xi32, #tpu.memory_space<vmem>> -> memref<1x128xi32, #tpu.memory_space<vmem>>
    %swap3A_915 = tpu.memref_squeeze %swap3A_914 : memref<1x128xi32, #tpu.memory_space<vmem>> -> memref<128xi32, #tpu.memory_space<vmem>>
    %swap3A_916 = arith.constant 0 : index
    %swap3A_917 = tpu.vector_load %swap3A_915[%swap3A_916] {strides = array<i32>} : memref<128xi32, #tpu.memory_space<vmem>>, vector<16xi32>,
    tpu.vector_store %swap3A_915[%swap3A_916], %add3A_911 {strides = array<i32>} : memref<128xi32, #tpu.memory_space<vmem>>, vector<16xi32>,
    %add3A_918 = arith.constant 67108864 : i32
    %add3A_919 = arith.addi %add3A_918, %mul3A_85 : i32
    %add3A_920 = arith.constant 768 : i32
    %add3A_921 = arith.addi %add3A_919, %add3A_920 : i32
    %add3A_922 = arith.constant 16 : i32
    %add3A_923 = arith.addi %add3A_921, %add3A_922 : i32
    %add3A_924 = arith.constant 1 : i32
    %add3A_925 = arith.addi %add3A_923, %add3A_924 : i32
    %broadcast_in_dim3A_926 = vector.broadcast %add3A_925 : i32 to vector<16xi32>
    %iota3A_927 = tpu.iota {dimensions = array<i32: 0>} : vector<16xi32>
    %add3A_928 = arith.addi %broadcast_in_dim3A_926, %iota3A_927 : vector<16xi32>
    %swap3A_929 = arith.constant 6 : i32
    %swap3A_930 = arith.constant 0 : i32
    %swap3A_931 = tpu.memref_slice %arg10[%swap3A_929, %swap3A_930] : memref<8x128xi32, #tpu.memory_space<vmem>> -> memref<1x128xi32, #tpu.memory_space<vmem>>
    %swap3A_932 = tpu.memref_squeeze %swap3A_931 : memref<1x128xi32, #tpu.memory_space<vmem>> -> memref<128xi32, #tpu.memory_space<vmem>>
    %swap3A_933 = arith.constant 16 : index
    %swap3A_934 = tpu.vector_load %swap3A_932[%swap3A_933] {strides = array<i32>} : memref<128xi32, #tpu.memory_space<vmem>>, vector<16xi32>,
    tpu.vector_store %swap3A_932[%swap3A_933], %add3A_928 {strides = array<i32>} : memref<128xi32, #tpu.memory_space<vmem>>, vector<16xi32>,
    %add3A_935 = arith.constant 67108864 : i32
    %add3A_936 = arith.addi %add3A_935, %mul3A_85 : i32
    %add3A_937 = arith.constant 768 : i32
    %add3A_938 = arith.addi %add3A_936, %add3A_937 : i32
    %add3A_939 = arith.constant 32 : i32
    %add3A_940 = arith.addi %add3A_938, %add3A_939 : i32
    %add3A_941 = arith.constant 1 : i32
    %add3A_942 = arith.addi %add3A_940, %add3A_941 : i32
    %broadcast_in_dim3A_943 = vector.broadcast %add3A_942 : i32 to vector<16xi32>
    %iota3A_944 = tpu.iota {dimensions = array<i32: 0>} : vector<16xi32>
    %add3A_945 = arith.addi %broadcast_in_dim3A_943, %iota3A_944 : vector<16xi32>
    %swap3A_946 = arith.constant 6 : i32
    %swap3A_947 = arith.constant 0 : i32
    %swap3A_948 = tpu.memref_slice %arg10[%swap3A_946, %swap3A_947] : memref<8x128xi32, #tpu.memory_space<vmem>> -> memref<1x128xi32, #tpu.memory_space<vmem>>
    %swap3A_949 = tpu.memref_squeeze %swap3A_948 : memref<1x128xi32, #tpu.memory_space<vmem>> -> memref<128xi32, #tpu.memory_space<vmem>>
    %swap3A_950 = arith.constant 32 : index
    %swap3A_951 = tpu.vector_load %swap3A_949[%swap3A_950] {strides = array<i32>} : memref<128xi32, #tpu.memory_space<vmem>>, vector<16xi32>,
    tpu.vector_store %swap3A_949[%swap3A_950], %add3A_945 {strides = array<i32>} : memref<128xi32, #tpu.memory_space<vmem>>, vector<16xi32>,
    %add3A_952 = arith.constant 67108864 : i32
    %add3A_953 = arith.addi %add3A_952, %mul3A_85 : i32
    %add3A_954 = arith.constant 768 : i32
    %add3A_955 = arith.addi %add3A_953, %add3A_954 : i32
    %add3A_956 = arith.constant 48 : i32
    %add3A_957 = arith.addi %add3A_955, %add3A_956 : i32
    %add3A_958 = arith.constant 1 : i32
    %add3A_959 = arith.addi %add3A_957, %add3A_958 : i32
    %broadcast_in_dim3A_960 = vector.broadcast %add3A_959 : i32 to vector<16xi32>
    %iota3A_961 = tpu.iota {dimensions = array<i32: 0>} : vector<16xi32>
    %add3A_962 = arith.addi %broadcast_in_dim3A_960, %iota3A_961 : vector<16xi32>
    %swap3A_963 = arith.constant 6 : i32
    %swap3A_964 = arith.constant 0 : i32
    %swap3A_965 = tpu.memref_slice %arg10[%swap3A_963, %swap3A_964] : memref<8x128xi32, #tpu.memory_space<vmem>> -> memref<1x128xi32, #tpu.memory_space<vmem>>
    %swap3A_966 = tpu.memref_squeeze %swap3A_965 : memref<1x128xi32, #tpu.memory_space<vmem>> -> memref<128xi32, #tpu.memory_space<vmem>>
    %swap3A_967 = arith.constant 48 : index
    %swap3A_968 = tpu.vector_load %swap3A_966[%swap3A_967] {strides = array<i32>} : memref<128xi32, #tpu.memory_space<vmem>>, vector<16xi32>,
    tpu.vector_store %swap3A_966[%swap3A_967], %add3A_962 {strides = array<i32>} : memref<128xi32, #tpu.memory_space<vmem>>, vector<16xi32>,
    %add3A_969 = arith.constant 67108864 : i32
    %add3A_970 = arith.addi %add3A_969, %mul3A_85 : i32
    %add3A_971 = arith.constant 768 : i32
    %add3A_972 = arith.addi %add3A_970, %add3A_971 : i32
    %add3A_973 = arith.constant 64 : i32
    %add3A_974 = arith.addi %add3A_972, %add3A_973 : i32
    %add3A_975 = arith.constant 1 : i32
    %add3A_976 = arith.addi %add3A_974, %add3A_975 : i32
    %broadcast_in_dim3A_977 = vector.broadcast %add3A_976 : i32 to vector<16xi32>
    %iota3A_978 = tpu.iota {dimensions = array<i32: 0>} : vector<16xi32>
    %add3A_979 = arith.addi %broadcast_in_dim3A_977, %iota3A_978 : vector<16xi32>
    %swap3A_980 = arith.constant 6 : i32
    %swap3A_981 = arith.constant 0 : i32
    %swap3A_982 = tpu.memref_slice %arg10[%swap3A_980, %swap3A_981] : memref<8x128xi32, #tpu.memory_space<vmem>> -> memref<1x128xi32, #tpu.memory_space<vmem>>
    %swap3A_983 = tpu.memref_squeeze %swap3A_982 : memref<1x128xi32, #tpu.memory_space<vmem>> -> memref<128xi32, #tpu.memory_space<vmem>>
    %swap3A_984 = arith.constant 64 : index
    %swap3A_985 = tpu.vector_load %swap3A_983[%swap3A_984] {strides = array<i32>} : memref<128xi32, #tpu.memory_space<vmem>>, vector<16xi32>,
    tpu.vector_store %swap3A_983[%swap3A_984], %add3A_979 {strides = array<i32>} : memref<128xi32, #tpu.memory_space<vmem>>, vector<16xi32>,
    %add3A_986 = arith.constant 67108864 : i32
    %add3A_987 = arith.addi %add3A_986, %mul3A_85 : i32
    %add3A_988 = arith.constant 768 : i32
    %add3A_989 = arith.addi %add3A_987, %add3A_988 : i32
    %add3A_990 = arith.constant 80 : i32
    %add3A_991 = arith.addi %add3A_989, %add3A_990 : i32
    %add3A_992 = arith.constant 1 : i32
    %add3A_993 = arith.addi %add3A_991, %add3A_992 : i32
    %broadcast_in_dim3A_994 = vector.broadcast %add3A_993 : i32 to vector<16xi32>
    %iota3A_995 = tpu.iota {dimensions = array<i32: 0>} : vector<16xi32>
    %add3A_996 = arith.addi %broadcast_in_dim3A_994, %iota3A_995 : vector<16xi32>
    %swap3A_997 = arith.constant 6 : i32
    %swap3A_998 = arith.constant 0 : i32
    %swap3A_999 = tpu.memref_slice %arg10[%swap3A_997, %swap3A_998] : memref<8x128xi32, #tpu.memory_space<vmem>> -> memref<1x128xi32, #tpu.memory_space<vmem>>
    %swap3A_1000 = tpu.memref_squeeze %swap3A_999 : memref<1x128xi32, #tpu.memory_space<vmem>> -> memref<128xi32, #tpu.memory_space<vmem>>
    %swap3A_1001 = arith.constant 80 : index
    %swap3A_1002 = tpu.vector_load %swap3A_1000[%swap3A_1001] {strides = array<i32>} : memref<128xi32, #tpu.memory_space<vmem>>, vector<16xi32>,
    tpu.vector_store %swap3A_1000[%swap3A_1001], %add3A_996 {strides = array<i32>} : memref<128xi32, #tpu.memory_space<vmem>>, vector<16xi32>,
    %add3A_1003 = arith.constant 67108864 : i32
    %add3A_1004 = arith.addi %add3A_1003, %mul3A_85 : i32
    %add3A_1005 = arith.constant 768 : i32
    %add3A_1006 = arith.addi %add3A_1004, %add3A_1005 : i32
    %add3A_1007 = arith.constant 96 : i32
    %add3A_1008 = arith.addi %add3A_1006, %add3A_1007 : i32
    %add3A_1009 = arith.constant 1 : i32
    %add3A_1010 = arith.addi %add3A_1008, %add3A_1009 : i32
    %broadcast_in_dim3A_1011 = vector.broadcast %add3A_1010 : i32 to vector<16xi32>
    %iota3A_1012 = tpu.iota {dimensions = array<i32: 0>} : vector<16xi32>
    %add3A_1013 = arith.addi %broadcast_in_dim3A_1011, %iota3A_1012 : vector<16xi32>
    %swap3A_1014 = arith.constant 6 : i32
    %swap3A_1015 = arith.constant 0 : i32
    %swap3A_1016 = tpu.memref_slice %arg10[%swap3A_1014, %swap3A_1015] : memref<8x128xi32, #tpu.memory_space<vmem>> -> memref<1x128xi32, #tpu.memory_space<vmem>>
    %swap3A_1017 = tpu.memref_squeeze %swap3A_1016 : memref<1x128xi32, #tpu.memory_space<vmem>> -> memref<128xi32, #tpu.memory_space<vmem>>
    %swap3A_1018 = arith.constant 96 : index
    %swap3A_1019 = tpu.vector_load %swap3A_1017[%swap3A_1018] {strides = array<i32>} : memref<128xi32, #tpu.memory_space<vmem>>, vector<16xi32>,
    tpu.vector_store %swap3A_1017[%swap3A_1018], %add3A_1013 {strides = array<i32>} : memref<128xi32, #tpu.memory_space<vmem>>, vector<16xi32>,
    %add3A_1020 = arith.constant 67108864 : i32
    %add3A_1021 = arith.addi %add3A_1020, %mul3A_85 : i32
    %add3A_1022 = arith.constant 768 : i32
    %add3A_1023 = arith.addi %add3A_1021, %add3A_1022 : i32
    %add3A_1024 = arith.constant 112 : i32
    %add3A_1025 = arith.addi %add3A_1023, %add3A_1024 : i32
    %add3A_1026 = arith.constant 1 : i32
    %add3A_1027 = arith.addi %add3A_1025, %add3A_1026 : i32
    %broadcast_in_dim3A_1028 = vector.broadcast %add3A_1027 : i32 to vector<16xi32>
    %iota3A_1029 = tpu.iota {dimensions = array<i32: 0>} : vector<16xi32>
    %add3A_1030 = arith.addi %broadcast_in_dim3A_1028, %iota3A_1029 : vector<16xi32>
    %swap3A_1031 = arith.constant 6 : i32
    %swap3A_1032 = arith.constant 0 : i32
    %swap3A_1033 = tpu.memref_slice %arg10[%swap3A_1031, %swap3A_1032] : memref<8x128xi32, #tpu.memory_space<vmem>> -> memref<1x128xi32, #tpu.memory_space<vmem>>
    %swap3A_1034 = tpu.memref_squeeze %swap3A_1033 : memref<1x128xi32, #tpu.memory_space<vmem>> -> memref<128xi32, #tpu.memory_space<vmem>>
    %swap3A_1035 = arith.constant 112 : index
    %swap3A_1036 = tpu.vector_load %swap3A_1034[%swap3A_1035] {strides = array<i32>} : memref<128xi32, #tpu.memory_space<vmem>>, vector<16xi32>,
    tpu.vector_store %swap3A_1034[%swap3A_1035], %add3A_1030 {strides = array<i32>} : memref<128xi32, #tpu.memory_space<vmem>>, vector<16xi32>,
    %add3A_1037 = arith.constant 67108864 : i32
    %add3A_1038 = arith.addi %add3A_1037, %mul3A_85 : i32
    %add3A_1039 = arith.constant 896 : i32
    %add3A_1040 = arith.addi %add3A_1038, %add3A_1039 : i32
    %add3A_1041 = arith.constant 0 : i32
    %add3A_1042 = arith.addi %add3A_1040, %add3A_1041 : i32
    %add3A_1043 = arith.constant 1 : i32
    %add3A_1044 = arith.addi %add3A_1042, %add3A_1043 : i32
    %broadcast_in_dim3A_1045 = vector.broadcast %add3A_1044 : i32 to vector<16xi32>
    %iota3A_1046 = tpu.iota {dimensions = array<i32: 0>} : vector<16xi32>
    %add3A_1047 = arith.addi %broadcast_in_dim3A_1045, %iota3A_1046 : vector<16xi32>
    %swap3A_1048 = arith.constant 7 : i32
    %swap3A_1049 = arith.constant 0 : i32
    %swap3A_1050 = tpu.memref_slice %arg10[%swap3A_1048, %swap3A_1049] : memref<8x128xi32, #tpu.memory_space<vmem>> -> memref<1x128xi32, #tpu.memory_space<vmem>>
    %swap3A_1051 = tpu.memref_squeeze %swap3A_1050 : memref<1x128xi32, #tpu.memory_space<vmem>> -> memref<128xi32, #tpu.memory_space<vmem>>
    %swap3A_1052 = arith.constant 0 : index
    %swap3A_1053 = tpu.vector_load %swap3A_1051[%swap3A_1052] {strides = array<i32>} : memref<128xi32, #tpu.memory_space<vmem>>, vector<16xi32>,
    tpu.vector_store %swap3A_1051[%swap3A_1052], %add3A_1047 {strides = array<i32>} : memref<128xi32, #tpu.memory_space<vmem>>, vector<16xi32>,
    %add3A_1054 = arith.constant 67108864 : i32
    %add3A_1055 = arith.addi %add3A_1054, %mul3A_85 : i32
    %add3A_1056 = arith.constant 896 : i32
    %add3A_1057 = arith.addi %add3A_1055, %add3A_1056 : i32
    %add3A_1058 = arith.constant 16 : i32
    %add3A_1059 = arith.addi %add3A_1057, %add3A_1058 : i32
    %add3A_1060 = arith.constant 1 : i32
    %add3A_1061 = arith.addi %add3A_1059, %add3A_1060 : i32
    %broadcast_in_dim3A_1062 = vector.broadcast %add3A_1061 : i32 to vector<16xi32>
    %iota3A_1063 = tpu.iota {dimensions = array<i32: 0>} : vector<16xi32>
    %add3A_1064 = arith.addi %broadcast_in_dim3A_1062, %iota3A_1063 : vector<16xi32>
    %swap3A_1065 = arith.constant 7 : i32
    %swap3A_1066 = arith.constant 0 : i32
    %swap3A_1067 = tpu.memref_slice %arg10[%swap3A_1065, %swap3A_1066] : memref<8x128xi32, #tpu.memory_space<vmem>> -> memref<1x128xi32, #tpu.memory_space<vmem>>
    %swap3A_1068 = tpu.memref_squeeze %swap3A_1067 : memref<1x128xi32, #tpu.memory_space<vmem>> -> memref<128xi32, #tpu.memory_space<vmem>>
    %swap3A_1069 = arith.constant 16 : index
    %swap3A_1070 = tpu.vector_load %swap3A_1068[%swap3A_1069] {strides = array<i32>} : memref<128xi32, #tpu.memory_space<vmem>>, vector<16xi32>,
    tpu.vector_store %swap3A_1068[%swap3A_1069], %add3A_1064 {strides = array<i32>} : memref<128xi32, #tpu.memory_space<vmem>>, vector<16xi32>,
    %add3A_1071 = arith.constant 67108864 : i32
    %add3A_1072 = arith.addi %add3A_1071, %mul3A_85 : i32
    %add3A_1073 = arith.constant 896 : i32
    %add3A_1074 = arith.addi %add3A_1072, %add3A_1073 : i32
    %add3A_1075 = arith.constant 32 : i32
    %add3A_1076 = arith.addi %add3A_1074, %add3A_1075 : i32
    %add3A_1077 = arith.constant 1 : i32
    %add3A_1078 = arith.addi %add3A_1076, %add3A_1077 : i32
    %broadcast_in_dim3A_1079 = vector.broadcast %add3A_1078 : i32 to vector<16xi32>
    %iota3A_1080 = tpu.iota {dimensions = array<i32: 0>} : vector<16xi32>
    %add3A_1081 = arith.addi %broadcast_in_dim3A_1079, %iota3A_1080 : vector<16xi32>
    %swap3A_1082 = arith.constant 7 : i32
    %swap3A_1083 = arith.constant 0 : i32
    %swap3A_1084 = tpu.memref_slice %arg10[%swap3A_1082, %swap3A_1083] : memref<8x128xi32, #tpu.memory_space<vmem>> -> memref<1x128xi32, #tpu.memory_space<vmem>>
    %swap3A_1085 = tpu.memref_squeeze %swap3A_1084 : memref<1x128xi32, #tpu.memory_space<vmem>> -> memref<128xi32, #tpu.memory_space<vmem>>
    %swap3A_1086 = arith.constant 32 : index
    %swap3A_1087 = tpu.vector_load %swap3A_1085[%swap3A_1086] {strides = array<i32>} : memref<128xi32, #tpu.memory_space<vmem>>, vector<16xi32>,
    tpu.vector_store %swap3A_1085[%swap3A_1086], %add3A_1081 {strides = array<i32>} : memref<128xi32, #tpu.memory_space<vmem>>, vector<16xi32>,
    %add3A_1088 = arith.constant 67108864 : i32
    %add3A_1089 = arith.addi %add3A_1088, %mul3A_85 : i32
    %add3A_1090 = arith.constant 896 : i32
    %add3A_1091 = arith.addi %add3A_1089, %add3A_1090 : i32
    %add3A_1092 = arith.constant 48 : i32
    %add3A_1093 = arith.addi %add3A_1091, %add3A_1092 : i32
    %add3A_1094 = arith.constant 1 : i32
    %add3A_1095 = arith.addi %add3A_1093, %add3A_1094 : i32
    %broadcast_in_dim3A_1096 = vector.broadcast %add3A_1095 : i32 to vector<16xi32>
    %iota3A_1097 = tpu.iota {dimensions = array<i32: 0>} : vector<16xi32>
    %add3A_1098 = arith.addi %broadcast_in_dim3A_1096, %iota3A_1097 : vector<16xi32>
    %swap3A_1099 = arith.constant 7 : i32
    %swap3A_1100 = arith.constant 0 : i32
    %swap3A_1101 = tpu.memref_slice %arg10[%swap3A_1099, %swap3A_1100] : memref<8x128xi32, #tpu.memory_space<vmem>> -> memref<1x128xi32, #tpu.memory_space<vmem>>
    %swap3A_1102 = tpu.memref_squeeze %swap3A_1101 : memref<1x128xi32, #tpu.memory_space<vmem>> -> memref<128xi32, #tpu.memory_space<vmem>>
    %swap3A_1103 = arith.constant 48 : index
    %swap3A_1104 = tpu.vector_load %swap3A_1102[%swap3A_1103] {strides = array<i32>} : memref<128xi32, #tpu.memory_space<vmem>>, vector<16xi32>,
    tpu.vector_store %swap3A_1102[%swap3A_1103], %add3A_1098 {strides = array<i32>} : memref<128xi32, #tpu.memory_space<vmem>>, vector<16xi32>,
    %add3A_1105 = arith.constant 67108864 : i32
    %add3A_1106 = arith.addi %add3A_1105, %mul3A_85 : i32
    %add3A_1107 = arith.constant 896 : i32
    %add3A_1108 = arith.addi %add3A_1106, %add3A_1107 : i32
    %add3A_1109 = arith.constant 64 : i32
    %add3A_1110 = arith.addi %add3A_1108, %add3A_1109 : i32
    %add3A_1111 = arith.constant 1 : i32
    %add3A_1112 = arith.addi %add3A_1110, %add3A_1111 : i32
    %broadcast_in_dim3A_1113 = vector.broadcast %add3A_1112 : i32 to vector<16xi32>
    %iota3A_1114 = tpu.iota {dimensions = array<i32: 0>} : vector<16xi32>
    %add3A_1115 = arith.addi %broadcast_in_dim3A_1113, %iota3A_1114 : vector<16xi32>
    %swap3A_1116 = arith.constant 7 : i32
    %swap3A_1117 = arith.constant 0 : i32
    %swap3A_1118 = tpu.memref_slice %arg10[%swap3A_1116, %swap3A_1117] : memref<8x128xi32, #tpu.memory_space<vmem>> -> memref<1x128xi32, #tpu.memory_space<vmem>>
    %swap3A_1119 = tpu.memref_squeeze %swap3A_1118 : memref<1x128xi32, #tpu.memory_space<vmem>> -> memref<128xi32, #tpu.memory_space<vmem>>
    %swap3A_1120 = arith.constant 64 : index
    %swap3A_1121 = tpu.vector_load %swap3A_1119[%swap3A_1120] {strides = array<i32>} : memref<128xi32, #tpu.memory_space<vmem>>, vector<16xi32>,
    tpu.vector_store %swap3A_1119[%swap3A_1120], %add3A_1115 {strides = array<i32>} : memref<128xi32, #tpu.memory_space<vmem>>, vector<16xi32>,
    %add3A_1122 = arith.constant 67108864 : i32
    %add3A_1123 = arith.addi %add3A_1122, %mul3A_85 : i32
    %add3A_1124 = arith.constant 896 : i32
    %add3A_1125 = arith.addi %add3A_1123, %add3A_1124 : i32
    %add3A_1126 = arith.constant 80 : i32
    %add3A_1127 = arith.addi %add3A_1125, %add3A_1126 : i32
    %add3A_1128 = arith.constant 1 : i32
    %add3A_1129 = arith.addi %add3A_1127, %add3A_1128 : i32
    %broadcast_in_dim3A_1130 = vector.broadcast %add3A_1129 : i32 to vector<16xi32>
    %iota3A_1131 = tpu.iota {dimensions = array<i32: 0>} : vector<16xi32>
    %add3A_1132 = arith.addi %broadcast_in_dim3A_1130, %iota3A_1131 : vector<16xi32>
    %swap3A_1133 = arith.constant 7 : i32
    %swap3A_1134 = arith.constant 0 : i32
    %swap3A_1135 = tpu.memref_slice %arg10[%swap3A_1133, %swap3A_1134] : memref<8x128xi32, #tpu.memory_space<vmem>> -> memref<1x128xi32, #tpu.memory_space<vmem>>
    %swap3A_1136 = tpu.memref_squeeze %swap3A_1135 : memref<1x128xi32, #tpu.memory_space<vmem>> -> memref<128xi32, #tpu.memory_space<vmem>>
    %swap3A_1137 = arith.constant 80 : index
    %swap3A_1138 = tpu.vector_load %swap3A_1136[%swap3A_1137] {strides = array<i32>} : memref<128xi32, #tpu.memory_space<vmem>>, vector<16xi32>,
    tpu.vector_store %swap3A_1136[%swap3A_1137], %add3A_1132 {strides = array<i32>} : memref<128xi32, #tpu.memory_space<vmem>>, vector<16xi32>,
    %add3A_1139 = arith.constant 67108864 : i32
    %add3A_1140 = arith.addi %add3A_1139, %mul3A_85 : i32
    %add3A_1141 = arith.constant 896 : i32
    %add3A_1142 = arith.addi %add3A_1140, %add3A_1141 : i32
    %add3A_1143 = arith.constant 96 : i32
    %add3A_1144 = arith.addi %add3A_1142, %add3A_1143 : i32
    %add3A_1145 = arith.constant 1 : i32
    %add3A_1146 = arith.addi %add3A_1144, %add3A_1145 : i32
    %broadcast_in_dim3A_1147 = vector.broadcast %add3A_1146 : i32 to vector<16xi32>
    %iota3A_1148 = tpu.iota {dimensions = array<i32: 0>} : vector<16xi32>
    %add3A_1149 = arith.addi %broadcast_in_dim3A_1147, %iota3A_1148 : vector<16xi32>
    %swap3A_1150 = arith.constant 7 : i32
    %swap3A_1151 = arith.constant 0 : i32
    %swap3A_1152 = tpu.memref_slice %arg10[%swap3A_1150, %swap3A_1151] : memref<8x128xi32, #tpu.memory_space<vmem>> -> memref<1x128xi32, #tpu.memory_space<vmem>>
    %swap3A_1153 = tpu.memref_squeeze %swap3A_1152 : memref<1x128xi32, #tpu.memory_space<vmem>> -> memref<128xi32, #tpu.memory_space<vmem>>
    %swap3A_1154 = arith.constant 96 : index
    %swap3A_1155 = tpu.vector_load %swap3A_1153[%swap3A_1154] {strides = array<i32>} : memref<128xi32, #tpu.memory_space<vmem>>, vector<16xi32>,
    tpu.vector_store %swap3A_1153[%swap3A_1154], %add3A_1149 {strides = array<i32>} : memref<128xi32, #tpu.memory_space<vmem>>, vector<16xi32>,
    %add3A_1156 = arith.constant 67108864 : i32
    %add3A_1157 = arith.addi %add3A_1156, %mul3A_85 : i32
    %add3A_1158 = arith.constant 896 : i32
    %add3A_1159 = arith.addi %add3A_1157, %add3A_1158 : i32
    %add3A_1160 = arith.constant 112 : i32
    %add3A_1161 = arith.addi %add3A_1159, %add3A_1160 : i32
    %add3A_1162 = arith.constant 1 : i32
    %add3A_1163 = arith.addi %add3A_1161, %add3A_1162 : i32
    %broadcast_in_dim3A_1164 = vector.broadcast %add3A_1163 : i32 to vector<16xi32>
    %iota3A_1165 = tpu.iota {dimensions = array<i32: 0>} : vector<16xi32>
    %add3A_1166 = arith.addi %broadcast_in_dim3A_1164, %iota3A_1165 : vector<16xi32>
    %swap3A_1167 = arith.constant 7 : i32
    %swap3A_1168 = arith.constant 0 : i32
    %swap3A_1169 = tpu.memref_slice %arg10[%swap3A_1167, %swap3A_1168] : memref<8x128xi32, #tpu.memory_space<vmem>> -> memref<1x128xi32, #tpu.memory_space<vmem>>
    %swap3A_1170 = tpu.memref_squeeze %swap3A_1169 : memref<1x128xi32, #tpu.memory_space<vmem>> -> memref<128xi32, #tpu.memory_space<vmem>>
    %swap3A_1171 = arith.constant 112 : index
    %swap3A_1172 = tpu.vector_load %swap3A_1170[%swap3A_1171] {strides = array<i32>} : memref<128xi32, #tpu.memory_space<vmem>>, vector<16xi32>,
    tpu.vector_store %swap3A_1170[%swap3A_1171], %add3A_1166 {strides = array<i32>} : memref<128xi32, #tpu.memory_space<vmem>>, vector<16xi32>,
    %dma_wait3A = arith.constant 0 : i32
    %dma_wait3A_1173 = arith.constant 0 : i32
    %dma_wait3A_1174 = tpu.memref_slice %arg9[%dma_wait3A, %dma_wait3A_1173] : memref<8x128xi32, #tpu.memory_space<vmem>> -> memref<1x128xi32, #tpu.memory_space<vmem>>
    %dma_wait3A_1175 = tpu.memref_squeeze %dma_wait3A_1174 : memref<1x128xi32, #tpu.memory_space<vmem>> -> memref<128xi32, #tpu.memory_space<vmem>>
    %dma_wait3A_1176 = arith.constant 0 : i32
    %dma_wait3A_1177 = tpu.memref_slice %arg7[%dma_wait3A_1176] : memref<1024000xi32, #tpu.memory_space<vmem_shared>> -> memref<1024000xi32, #tpu.memory_space<vmem_shared>>
    tpu.wait_indirect_dma semaphore(%arg21 : memref<!tpu.dma_semaphore, #tpu.memory_space<semaphore_mem>>) src(%arg8 : memref<128xi32, #tpu.memory_space<vmem>>) dst(%dma_wait3A_1177 : memref<1024000xi32, #tpu.memory_space<vmem_shared>>)
    %dma_wait3A_1178 = arith.constant 1 : i32
    %dma_wait3A_1179 = arith.constant 0 : i32
    %dma_wait3A_1180 = tpu.memref_slice %arg9[%dma_wait3A_1178, %dma_wait3A_1179] : memref<8x128xi32, #tpu.memory_space<vmem>> -> memref<1x128xi32, #tpu.memory_space<vmem>>
    %dma_wait3A_1181 = tpu.memref_squeeze %dma_wait3A_1180 : memref<1x128xi32, #tpu.memory_space<vmem>> -> memref<128xi32, #tpu.memory_space<vmem>>
    %dma_wait3A_1182 = arith.constant 0 : i32
    %dma_wait3A_1183 = tpu.memref_slice %arg7[%dma_wait3A_1182] : memref<1024000xi32, #tpu.memory_space<vmem_shared>> -> memref<1024000xi32, #tpu.memory_space<vmem_shared>>
    tpu.wait_indirect_dma semaphore(%arg21 : memref<!tpu.dma_semaphore, #tpu.memory_space<semaphore_mem>>) src(%arg8 : memref<128xi32, #tpu.memory_space<vmem>>) dst(%dma_wait3A_1183 : memref<1024000xi32, #tpu.memory_space<vmem_shared>>)
    %dma_wait3A_1184 = arith.constant 2 : i32
    %dma_wait3A_1185 = arith.constant 0 : i32
    %dma_wait3A_1186 = tpu.memref_slice %arg9[%dma_wait3A_1184, %dma_wait3A_1185] : memref<8x128xi32, #tpu.memory_space<vmem>> -> memref<1x128xi32, #tpu.memory_space<vmem>>
    %dma_wait3A_1187 = tpu.memref_squeeze %dma_wait3A_1186 : memref<1x128xi32, #tpu.memory_space<vmem>> -> memref<128xi32, #tpu.memory_space<vmem>>
    %dma_wait3A_1188 = arith.constant 0 : i32
    %dma_wait3A_1189 = tpu.memref_slice %arg7[%dma_wait3A_1188] : memref<1024000xi32, #tpu.memory_space<vmem_shared>> -> memref<1024000xi32, #tpu.memory_space<vmem_shared>>
    tpu.wait_indirect_dma semaphore(%arg21 : memref<!tpu.dma_semaphore, #tpu.memory_space<semaphore_mem>>) src(%arg8 : memref<128xi32, #tpu.memory_space<vmem>>) dst(%dma_wait3A_1189 : memref<1024000xi32, #tpu.memory_space<vmem_shared>>)
    %dma_wait3A_1190 = arith.constant 3 : i32
    %dma_wait3A_1191 = arith.constant 0 : i32
    %dma_wait3A_1192 = tpu.memref_slice %arg9[%dma_wait3A_1190, %dma_wait3A_1191] : memref<8x128xi32, #tpu.memory_space<vmem>> -> memref<1x128xi32, #tpu.memory_space<vmem>>
    %dma_wait3A_1193 = tpu.memref_squeeze %dma_wait3A_1192 : memref<1x128xi32, #tpu.memory_space<vmem>> -> memref<128xi32, #tpu.memory_space<vmem>>
    %dma_wait3A_1194 = arith.constant 0 : i32
    %dma_wait3A_1195 = tpu.memref_slice %arg7[%dma_wait3A_1194] : memref<1024000xi32, #tpu.memory_space<vmem_shared>> -> memref<1024000xi32, #tpu.memory_space<vmem_shared>>
    tpu.wait_indirect_dma semaphore(%arg21 : memref<!tpu.dma_semaphore, #tpu.memory_space<semaphore_mem>>) src(%arg8 : memref<128xi32, #tpu.memory_space<vmem>>) dst(%dma_wait3A_1195 : memref<1024000xi32, #tpu.memory_space<vmem_shared>>)
    %dma_wait3A_1196 = arith.constant 4 : i32
    %dma_wait3A_1197 = arith.constant 0 : i32
    %dma_wait3A_1198 = tpu.memref_slice %arg9[%dma_wait3A_1196, %dma_wait3A_1197] : memref<8x128xi32, #tpu.memory_space<vmem>> -> memref<1x128xi32, #tpu.memory_space<vmem>>
    %dma_wait3A_1199 = tpu.memref_squeeze %dma_wait3A_1198 : memref<1x128xi32, #tpu.memory_space<vmem>> -> memref<128xi32, #tpu.memory_space<vmem>>
    %dma_wait3A_1200 = arith.constant 0 : i32
    %dma_wait3A_1201 = tpu.memref_slice %arg7[%dma_wait3A_1200] : memref<1024000xi32, #tpu.memory_space<vmem_shared>> -> memref<1024000xi32, #tpu.memory_space<vmem_shared>>
    tpu.wait_indirect_dma semaphore(%arg21 : memref<!tpu.dma_semaphore, #tpu.memory_space<semaphore_mem>>) src(%arg8 : memref<128xi32, #tpu.memory_space<vmem>>) dst(%dma_wait3A_1201 : memref<1024000xi32, #tpu.memory_space<vmem_shared>>)
    %dma_wait3A_1202 = arith.constant 5 : i32
    %dma_wait3A_1203 = arith.constant 0 : i32
    %dma_wait3A_1204 = tpu.memref_slice %arg9[%dma_wait3A_1202, %dma_wait3A_1203] : memref<8x128xi32, #tpu.memory_space<vmem>> -> memref<1x128xi32, #tpu.memory_space<vmem>>
    %dma_wait3A_1205 = tpu.memref_squeeze %dma_wait3A_1204 : memref<1x128xi32, #tpu.memory_space<vmem>> -> memref<128xi32, #tpu.memory_space<vmem>>
    %dma_wait3A_1206 = arith.constant 0 : i32
    %dma_wait3A_1207 = tpu.memref_slice %arg7[%dma_wait3A_1206] : memref<1024000xi32, #tpu.memory_space<vmem_shared>> -> memref<1024000xi32, #tpu.memory_space<vmem_shared>>
    tpu.wait_indirect_dma semaphore(%arg21 : memref<!tpu.dma_semaphore, #tpu.memory_space<semaphore_mem>>) src(%arg8 : memref<128xi32, #tpu.memory_space<vmem>>) dst(%dma_wait3A_1207 : memref<1024000xi32, #tpu.memory_space<vmem_shared>>)
    %dma_wait3A_1208 = arith.constant 6 : i32
    %dma_wait3A_1209 = arith.constant 0 : i32
    %dma_wait3A_1210 = tpu.memref_slice %arg9[%dma_wait3A_1208, %dma_wait3A_1209] : memref<8x128xi32, #tpu.memory_space<vmem>> -> memref<1x128xi32, #tpu.memory_space<vmem>>
    %dma_wait3A_1211 = tpu.memref_squeeze %dma_wait3A_1210 : memref<1x128xi32, #tpu.memory_space<vmem>> -> memref<128xi32, #tpu.memory_space<vmem>>
    %dma_wait3A_1212 = arith.constant 0 : i32
    %dma_wait3A_1213 = tpu.memref_slice %arg7[%dma_wait3A_1212] : memref<1024000xi32, #tpu.memory_space<vmem_shared>> -> memref<1024000xi32, #tpu.memory_space<vmem_shared>>
    tpu.wait_indirect_dma semaphore(%arg21 : memref<!tpu.dma_semaphore, #tpu.memory_space<semaphore_mem>>) src(%arg8 : memref<128xi32, #tpu.memory_space<vmem>>) dst(%dma_wait3A_1213 : memref<1024000xi32, #tpu.memory_space<vmem_shared>>)
    %dma_wait3A_1214 = arith.constant 7 : i32
    %dma_wait3A_1215 = arith.constant 0 : i32
    %dma_wait3A_1216 = tpu.memref_slice %arg9[%dma_wait3A_1214, %dma_wait3A_1215] : memref<8x128xi32, #tpu.memory_space<vmem>> -> memref<1x128xi32, #tpu.memory_space<vmem>>
    %dma_wait3A_1217 = tpu.memref_squeeze %dma_wait3A_1216 : memref<1x128xi32, #tpu.memory_space<vmem>> -> memref<128xi32, #tpu.memory_space<vmem>>
    %dma_wait3A_1218 = arith.constant 0 : i32
    %dma_wait3A_1219 = tpu.memref_slice %arg7[%dma_wait3A_1218] : memref<1024000xi32, #tpu.memory_space<vmem_shared>> -> memref<1024000xi32, #tpu.memory_space<vmem_shared>>
    tpu.wait_indirect_dma semaphore(%arg21 : memref<!tpu.dma_semaphore, #tpu.memory_space<semaphore_mem>>) src(%arg8 : memref<128xi32, #tpu.memory_space<vmem>>) dst(%dma_wait3A_1219 : memref<1024000xi32, #tpu.memory_space<vmem_shared>>)
    %barrier3A = arith.constant 0 : index
    tpu.barrier barrier_id(%barrier3A)
    %dma_start3A_1220 = arith.constant 0 : i32
    %dma_start3A_1221 = arith.constant 0 : i32
    %dma_start3A_1222 = arith.constant 0 : i32
    %dma_start3A_1223 = tpu.memref_slice %arg10[%dma_start3A_1220, %dma_start3A_1222] : memref<8x128xi32, #tpu.memory_space<vmem>> -> memref<1x128xi32, #tpu.memory_space<vmem>>
    %dma_start3A_1224 = tpu.memref_squeeze %dma_start3A_1223 : memref<1x128xi32, #tpu.memory_space<vmem>> -> memref<128xi32, #tpu.memory_space<vmem>>
    %dma_start3A_1225 = arith.constant 0 : i32
    %dma_start3A_1226 = tpu.memref_slice %arg9[%dma_start3A_1221, %dma_start3A_1225] : memref<8x128xi32, #tpu.memory_space<vmem>> -> memref<1x128xi32, #tpu.memory_space<vmem>>
    %dma_start3A_1227 = tpu.memref_squeeze %dma_start3A_1226 : memref<1x128xi32, #tpu.memory_space<vmem>> -> memref<128xi32, #tpu.memory_space<vmem>>
    %dma_start3A_1228 = arith.constant 0 : i32
    %dma_start3A_1229 = tpu.memref_slice %arg7[%dma_start3A_1228] : memref<1024000xi32, #tpu.memory_space<vmem_shared>> -> memref<1024000xi32, #tpu.memory_space<vmem_shared>>
    tpu.enqueue_indirect_dma source(%dma_start3A_1224 : memref<128xi32, #tpu.memory_space<vmem>>) target(%dma_start3A_1229 : memref<1024000xi32, #tpu.memory_space<vmem_shared>>) offsets(%dma_start3A_1227 : memref<128xi32, #tpu.memory_space<vmem>>) semaphore(%arg21 : memref<!tpu.dma_semaphore, #tpu.memory_space<semaphore_mem>>) {add = true}
    %dma_start3A_1230 = arith.constant 1 : i32
    %dma_start3A_1231 = arith.constant 1 : i32
    %dma_start3A_1232 = arith.constant 0 : i32
    %dma_start3A_1233 = tpu.memref_slice %arg10[%dma_start3A_1230, %dma_start3A_1232] : memref<8x128xi32, #tpu.memory_space<vmem>> -> memref<1x128xi32, #tpu.memory_space<vmem>>
    %dma_start3A_1234 = tpu.memref_squeeze %dma_start3A_1233 : memref<1x128xi32, #tpu.memory_space<vmem>> -> memref<128xi32, #tpu.memory_space<vmem>>
    %dma_start3A_1235 = arith.constant 0 : i32
    %dma_start3A_1236 = tpu.memref_slice %arg9[%dma_start3A_1231, %dma_start3A_1235] : memref<8x128xi32, #tpu.memory_space<vmem>> -> memref<1x128xi32, #tpu.memory_space<vmem>>
    %dma_start3A_1237 = tpu.memref_squeeze %dma_start3A_1236 : memref<1x128xi32, #tpu.memory_space<vmem>> -> memref<128xi32, #tpu.memory_space<vmem>>
    %dma_start3A_1238 = arith.constant 0 : i32
    %dma_start3A_1239 = tpu.memref_slice %arg7[%dma_start3A_1238] : memref<1024000xi32, #tpu.memory_space<vmem_shared>> -> memref<1024000xi32, #tpu.memory_space<vmem_shared>>
    tpu.enqueue_indirect_dma source(%dma_start3A_1234 : memref<128xi32, #tpu.memory_space<vmem>>) target(%dma_start3A_1239 : memref<1024000xi32, #tpu.memory_space<vmem_shared>>) offsets(%dma_start3A_1237 : memref<128xi32, #tpu.memory_space<vmem>>) semaphore(%arg21 : memref<!tpu.dma_semaphore, #tpu.memory_space<semaphore_mem>>) {add = true}
    %dma_start3A_1240 = arith.constant 2 : i32
    %dma_start3A_1241 = arith.constant 2 : i32
    %dma_start3A_1242 = arith.constant 0 : i32
    %dma_start3A_1243 = tpu.memref_slice %arg10[%dma_start3A_1240, %dma_start3A_1242] : memref<8x128xi32, #tpu.memory_space<vmem>> -> memref<1x128xi32, #tpu.memory_space<vmem>>
    %dma_start3A_1244 = tpu.memref_squeeze %dma_start3A_1243 : memref<1x128xi32, #tpu.memory_space<vmem>> -> memref<128xi32, #tpu.memory_space<vmem>>
    %dma_start3A_1245 = arith.constant 0 : i32
    %dma_start3A_1246 = tpu.memref_slice %arg9[%dma_start3A_1241, %dma_start3A_1245] : memref<8x128xi32, #tpu.memory_space<vmem>> -> memref<1x128xi32, #tpu.memory_space<vmem>>
    %dma_start3A_1247 = tpu.memref_squeeze %dma_start3A_1246 : memref<1x128xi32, #tpu.memory_space<vmem>> -> memref<128xi32, #tpu.memory_space<vmem>>
    %dma_start3A_1248 = arith.constant 0 : i32
    %dma_start3A_1249 = tpu.memref_slice %arg7[%dma_start3A_1248] : memref<1024000xi32, #tpu.memory_space<vmem_shared>> -> memref<1024000xi32, #tpu.memory_space<vmem_shared>>
    tpu.enqueue_indirect_dma source(%dma_start3A_1244 : memref<128xi32, #tpu.memory_space<vmem>>) target(%dma_start3A_1249 : memref<1024000xi32, #tpu.memory_space<vmem_shared>>) offsets(%dma_start3A_1247 : memref<128xi32, #tpu.memory_space<vmem>>) semaphore(%arg21 : memref<!tpu.dma_semaphore, #tpu.memory_space<semaphore_mem>>) {add = true}
    %dma_start3A_1250 = arith.constant 3 : i32
    %dma_start3A_1251 = arith.constant 3 : i32
    %dma_start3A_1252 = arith.constant 0 : i32
    %dma_start3A_1253 = tpu.memref_slice %arg10[%dma_start3A_1250, %dma_start3A_1252] : memref<8x128xi32, #tpu.memory_space<vmem>> -> memref<1x128xi32, #tpu.memory_space<vmem>>
    %dma_start3A_1254 = tpu.memref_squeeze %dma_start3A_1253 : memref<1x128xi32, #tpu.memory_space<vmem>> -> memref<128xi32, #tpu.memory_space<vmem>>
    %dma_start3A_1255 = arith.constant 0 : i32
    %dma_start3A_1256 = tpu.memref_slice %arg9[%dma_start3A_1251, %dma_start3A_1255] : memref<8x128xi32, #tpu.memory_space<vmem>> -> memref<1x128xi32, #tpu.memory_space<vmem>>
    %dma_start3A_1257 = tpu.memref_squeeze %dma_start3A_1256 : memref<1x128xi32, #tpu.memory_space<vmem>> -> memref<128xi32, #tpu.memory_space<vmem>>
    %dma_start3A_1258 = arith.constant 0 : i32
    %dma_start3A_1259 = tpu.memref_slice %arg7[%dma_start3A_1258] : memref<1024000xi32, #tpu.memory_space<vmem_shared>> -> memref<1024000xi32, #tpu.memory_space<vmem_shared>>
    tpu.enqueue_indirect_dma source(%dma_start3A_1254 : memref<128xi32, #tpu.memory_space<vmem>>) target(%dma_start3A_1259 : memref<1024000xi32, #tpu.memory_space<vmem_shared>>) offsets(%dma_start3A_1257 : memref<128xi32, #tpu.memory_space<vmem>>) semaphore(%arg21 : memref<!tpu.dma_semaphore, #tpu.memory_space<semaphore_mem>>) {add = true}
    %dma_start3A_1260 = arith.constant 4 : i32
    %dma_start3A_1261 = arith.constant 4 : i32
    %dma_start3A_1262 = arith.constant 0 : i32
    %dma_start3A_1263 = tpu.memref_slice %arg10[%dma_start3A_1260, %dma_start3A_1262] : memref<8x128xi32, #tpu.memory_space<vmem>> -> memref<1x128xi32, #tpu.memory_space<vmem>>
    %dma_start3A_1264 = tpu.memref_squeeze %dma_start3A_1263 : memref<1x128xi32, #tpu.memory_space<vmem>> -> memref<128xi32, #tpu.memory_space<vmem>>
    %dma_start3A_1265 = arith.constant 0 : i32
    %dma_start3A_1266 = tpu.memref_slice %arg9[%dma_start3A_1261, %dma_start3A_1265] : memref<8x128xi32, #tpu.memory_space<vmem>> -> memref<1x128xi32, #tpu.memory_space<vmem>>
    %dma_start3A_1267 = tpu.memref_squeeze %dma_start3A_1266 : memref<1x128xi32, #tpu.memory_space<vmem>> -> memref<128xi32, #tpu.memory_space<vmem>>
    %dma_start3A_1268 = arith.constant 0 : i32
    %dma_start3A_1269 = tpu.memref_slice %arg7[%dma_start3A_1268] : memref<1024000xi32, #tpu.memory_space<vmem_shared>> -> memref<1024000xi32, #tpu.memory_space<vmem_shared>>
    tpu.enqueue_indirect_dma source(%dma_start3A_1264 : memref<128xi32, #tpu.memory_space<vmem>>) target(%dma_start3A_1269 : memref<1024000xi32, #tpu.memory_space<vmem_shared>>) offsets(%dma_start3A_1267 : memref<128xi32, #tpu.memory_space<vmem>>) semaphore(%arg21 : memref<!tpu.dma_semaphore, #tpu.memory_space<semaphore_mem>>) {add = true}
    %dma_start3A_1270 = arith.constant 5 : i32
    %dma_start3A_1271 = arith.constant 5 : i32
    %dma_start3A_1272 = arith.constant 0 : i32
    %dma_start3A_1273 = tpu.memref_slice %arg10[%dma_start3A_1270, %dma_start3A_1272] : memref<8x128xi32, #tpu.memory_space<vmem>> -> memref<1x128xi32, #tpu.memory_space<vmem>>
    %dma_start3A_1274 = tpu.memref_squeeze %dma_start3A_1273 : memref<1x128xi32, #tpu.memory_space<vmem>> -> memref<128xi32, #tpu.memory_space<vmem>>
    %dma_start3A_1275 = arith.constant 0 : i32
    %dma_start3A_1276 = tpu.memref_slice %arg9[%dma_start3A_1271, %dma_start3A_1275] : memref<8x128xi32, #tpu.memory_space<vmem>> -> memref<1x128xi32, #tpu.memory_space<vmem>>
    %dma_start3A_1277 = tpu.memref_squeeze %dma_start3A_1276 : memref<1x128xi32, #tpu.memory_space<vmem>> -> memref<128xi32, #tpu.memory_space<vmem>>
    %dma_start3A_1278 = arith.constant 0 : i32
    %dma_start3A_1279 = tpu.memref_slice %arg7[%dma_start3A_1278] : memref<1024000xi32, #tpu.memory_space<vmem_shared>> -> memref<1024000xi32, #tpu.memory_space<vmem_shared>>
    tpu.enqueue_indirect_dma source(%dma_start3A_1274 : memref<128xi32, #tpu.memory_space<vmem>>) target(%dma_start3A_1279 : memref<1024000xi32, #tpu.memory_space<vmem_shared>>) offsets(%dma_start3A_1277 : memref<128xi32, #tpu.memory_space<vmem>>) semaphore(%arg21 : memref<!tpu.dma_semaphore, #tpu.memory_space<semaphore_mem>>) {add = true}
    %dma_start3A_1280 = arith.constant 6 : i32
    %dma_start3A_1281 = arith.constant 6 : i32
    %dma_start3A_1282 = arith.constant 0 : i32
    %dma_start3A_1283 = tpu.memref_slice %arg10[%dma_start3A_1280, %dma_start3A_1282] : memref<8x128xi32, #tpu.memory_space<vmem>> -> memref<1x128xi32, #tpu.memory_space<vmem>>
    %dma_start3A_1284 = tpu.memref_squeeze %dma_start3A_1283 : memref<1x128xi32, #tpu.memory_space<vmem>> -> memref<128xi32, #tpu.memory_space<vmem>>
    %dma_start3A_1285 = arith.constant 0 : i32
    %dma_start3A_1286 = tpu.memref_slice %arg9[%dma_start3A_1281, %dma_start3A_1285] : memref<8x128xi32, #tpu.memory_space<vmem>> -> memref<1x128xi32, #tpu.memory_space<vmem>>
    %dma_start3A_1287 = tpu.memref_squeeze %dma_start3A_1286 : memref<1x128xi32, #tpu.memory_space<vmem>> -> memref<128xi32, #tpu.memory_space<vmem>>
    %dma_start3A_1288 = arith.constant 0 : i32
    %dma_start3A_1289 = tpu.memref_slice %arg7[%dma_start3A_1288] : memref<1024000xi32, #tpu.memory_space<vmem_shared>> -> memref<1024000xi32, #tpu.memory_space<vmem_shared>>
    tpu.enqueue_indirect_dma source(%dma_start3A_1284 : memref<128xi32, #tpu.memory_space<vmem>>) target(%dma_start3A_1289 : memref<1024000xi32, #tpu.memory_space<vmem_shared>>) offsets(%dma_start3A_1287 : memref<128xi32, #tpu.memory_space<vmem>>) semaphore(%arg21 : memref<!tpu.dma_semaphore, #tpu.memory_space<semaphore_mem>>) {add = true}
    %dma_start3A_1290 = arith.constant 7 : i32
    %dma_start3A_1291 = arith.constant 7 : i32
    %dma_start3A_1292 = arith.constant 0 : i32
    %dma_start3A_1293 = tpu.memref_slice %arg10[%dma_start3A_1290, %dma_start3A_1292] : memref<8x128xi32, #tpu.memory_space<vmem>> -> memref<1x128xi32, #tpu.memory_space<vmem>>
    %dma_start3A_1294 = tpu.memref_squeeze %dma_start3A_1293 : memref<1x128xi32, #tpu.memory_space<vmem>> -> memref<128xi32, #tpu.memory_space<vmem>>
    %dma_start3A_1295 = arith.constant 0 : i32
    %dma_start3A_1296 = tpu.memref_slice %arg9[%dma_start3A_1291, %dma_start3A_1295] : memref<8x128xi32, #tpu.memory_space<vmem>> -> memref<1x128xi32, #tpu.memory_space<vmem>>
    %dma_start3A_1297 = tpu.memref_squeeze %dma_start3A_1296 : memref<1x128xi32, #tpu.memory_space<vmem>> -> memref<128xi32, #tpu.memory_space<vmem>>
    %dma_start3A_1298 = arith.constant 0 : i32
    %dma_start3A_1299 = tpu.memref_slice %arg7[%dma_start3A_1298] : memref<1024000xi32, #tpu.memory_space<vmem_shared>> -> memref<1024000xi32, #tpu.memory_space<vmem_shared>>
    tpu.enqueue_indirect_dma source(%dma_start3A_1294 : memref<128xi32, #tpu.memory_space<vmem>>) target(%dma_start3A_1299 : memref<1024000xi32, #tpu.memory_space<vmem_shared>>) offsets(%dma_start3A_1297 : memref<128xi32, #tpu.memory_space<vmem>>) semaphore(%arg21 : memref<!tpu.dma_semaphore, #tpu.memory_space<semaphore_mem>>) {add = true}
    %dma_wait3A_1300 = arith.constant 0 : i32
    %dma_wait3A_1301 = arith.constant 0 : i32
    %dma_wait3A_1302 = arith.constant 0 : i32
    %dma_wait3A_1303 = tpu.memref_slice %arg10[%dma_wait3A_1300, %dma_wait3A_1302] : memref<8x128xi32, #tpu.memory_space<vmem>> -> memref<1x128xi32, #tpu.memory_space<vmem>>
    %dma_wait3A_1304 = tpu.memref_squeeze %dma_wait3A_1303 : memref<1x128xi32, #tpu.memory_space<vmem>> -> memref<128xi32, #tpu.memory_space<vmem>>
    %dma_wait3A_1305 = arith.constant 0 : i32
    %dma_wait3A_1306 = tpu.memref_slice %arg9[%dma_wait3A_1301, %dma_wait3A_1305] : memref<8x128xi32, #tpu.memory_space<vmem>> -> memref<1x128xi32, #tpu.memory_space<vmem>>
    %dma_wait3A_1307 = tpu.memref_squeeze %dma_wait3A_1306 : memref<1x128xi32, #tpu.memory_space<vmem>> -> memref<128xi32, #tpu.memory_space<vmem>>
    %dma_wait3A_1308 = arith.constant 0 : i32
    %dma_wait3A_1309 = tpu.memref_slice %arg7[%dma_wait3A_1308] : memref<1024000xi32, #tpu.memory_space<vmem_shared>> -> memref<1024000xi32, #tpu.memory_space<vmem_shared>>
    tpu.wait_indirect_dma semaphore(%arg21 : memref<!tpu.dma_semaphore, #tpu.memory_space<semaphore_mem>>) src(%dma_wait3A_1304 : memref<128xi32, #tpu.memory_space<vmem>>) dst(%dma_wait3A_1309 : memref<1024000xi32, #tpu.memory_space<vmem_shared>>)
    %dma_wait3A_1310 = arith.constant 1 : i32
    %dma_wait3A_1311 = arith.constant 1 : i32
    %dma_wait3A_1312 = arith.constant 0 : i32
    %dma_wait3A_1313 = tpu.memref_slice %arg10[%dma_wait3A_1310, %dma_wait3A_1312] : memref<8x128xi32, #tpu.memory_space<vmem>> -> memref<1x128xi32, #tpu.memory_space<vmem>>
    %dma_wait3A_1314 = tpu.memref_squeeze %dma_wait3A_1313 : memref<1x128xi32, #tpu.memory_space<vmem>> -> memref<128xi32, #tpu.memory_space<vmem>>
    %dma_wait3A_1315 = arith.constant 0 : i32
    %dma_wait3A_1316 = tpu.memref_slice %arg9[%dma_wait3A_1311, %dma_wait3A_1315] : memref<8x128xi32, #tpu.memory_space<vmem>> -> memref<1x128xi32, #tpu.memory_space<vmem>>
    %dma_wait3A_1317 = tpu.memref_squeeze %dma_wait3A_1316 : memref<1x128xi32, #tpu.memory_space<vmem>> -> memref<128xi32, #tpu.memory_space<vmem>>
    %dma_wait3A_1318 = arith.constant 0 : i32
    %dma_wait3A_1319 = tpu.memref_slice %arg7[%dma_wait3A_1318] : memref<1024000xi32, #tpu.memory_space<vmem_shared>> -> memref<1024000xi32, #tpu.memory_space<vmem_shared>>
    tpu.wait_indirect_dma semaphore(%arg21 : memref<!tpu.dma_semaphore, #tpu.memory_space<semaphore_mem>>) src(%dma_wait3A_1314 : memref<128xi32, #tpu.memory_space<vmem>>) dst(%dma_wait3A_1319 : memref<1024000xi32, #tpu.memory_space<vmem_shared>>)
    %dma_wait3A_1320 = arith.constant 2 : i32
    %dma_wait3A_1321 = arith.constant 2 : i32
    %dma_wait3A_1322 = arith.constant 0 : i32
    %dma_wait3A_1323 = tpu.memref_slice %arg10[%dma_wait3A_1320, %dma_wait3A_1322] : memref<8x128xi32, #tpu.memory_space<vmem>> -> memref<1x128xi32, #tpu.memory_space<vmem>>
    %dma_wait3A_1324 = tpu.memref_squeeze %dma_wait3A_1323 : memref<1x128xi32, #tpu.memory_space<vmem>> -> memref<128xi32, #tpu.memory_space<vmem>>
    %dma_wait3A_1325 = arith.constant 0 : i32
    %dma_wait3A_1326 = tpu.memref_slice %arg9[%dma_wait3A_1321, %dma_wait3A_1325] : memref<8x128xi32, #tpu.memory_space<vmem>> -> memref<1x128xi32, #tpu.memory_space<vmem>>
    %dma_wait3A_1327 = tpu.memref_squeeze %dma_wait3A_1326 : memref<1x128xi32, #tpu.memory_space<vmem>> -> memref<128xi32, #tpu.memory_space<vmem>>
    %dma_wait3A_1328 = arith.constant 0 : i32
    %dma_wait3A_1329 = tpu.memref_slice %arg7[%dma_wait3A_1328] : memref<1024000xi32, #tpu.memory_space<vmem_shared>> -> memref<1024000xi32, #tpu.memory_space<vmem_shared>>
    tpu.wait_indirect_dma semaphore(%arg21 : memref<!tpu.dma_semaphore, #tpu.memory_space<semaphore_mem>>) src(%dma_wait3A_1324 : memref<128xi32, #tpu.memory_space<vmem>>) dst(%dma_wait3A_1329 : memref<1024000xi32, #tpu.memory_space<vmem_shared>>)
    %dma_wait3A_1330 = arith.constant 3 : i32
    %dma_wait3A_1331 = arith.constant 3 : i32
    %dma_wait3A_1332 = arith.constant 0 : i32
    %dma_wait3A_1333 = tpu.memref_slice %arg10[%dma_wait3A_1330, %dma_wait3A_1332] : memref<8x128xi32, #tpu.memory_space<vmem>> -> memref<1x128xi32, #tpu.memory_space<vmem>>
    %dma_wait3A_1334 = tpu.memref_squeeze %dma_wait3A_1333 : memref<1x128xi32, #tpu.memory_space<vmem>> -> memref<128xi32, #tpu.memory_space<vmem>>
    %dma_wait3A_1335 = arith.constant 0 : i32
    %dma_wait3A_1336 = tpu.memref_slice %arg9[%dma_wait3A_1331, %dma_wait3A_1335] : memref<8x128xi32, #tpu.memory_space<vmem>> -> memref<1x128xi32, #tpu.memory_space<vmem>>
    %dma_wait3A_1337 = tpu.memref_squeeze %dma_wait3A_1336 : memref<1x128xi32, #tpu.memory_space<vmem>> -> memref<128xi32, #tpu.memory_space<vmem>>
    %dma_wait3A_1338 = arith.constant 0 : i32
    %dma_wait3A_1339 = tpu.memref_slice %arg7[%dma_wait3A_1338] : memref<1024000xi32, #tpu.memory_space<vmem_shared>> -> memref<1024000xi32, #tpu.memory_space<vmem_shared>>
    tpu.wait_indirect_dma semaphore(%arg21 : memref<!tpu.dma_semaphore, #tpu.memory_space<semaphore_mem>>) src(%dma_wait3A_1334 : memref<128xi32, #tpu.memory_space<vmem>>) dst(%dma_wait3A_1339 : memref<1024000xi32, #tpu.memory_space<vmem_shared>>)
    %dma_wait3A_1340 = arith.constant 4 : i32
    %dma_wait3A_1341 = arith.constant 4 : i32
    %dma_wait3A_1342 = arith.constant 0 : i32
    %dma_wait3A_1343 = tpu.memref_slice %arg10[%dma_wait3A_1340, %dma_wait3A_1342] : memref<8x128xi32, #tpu.memory_space<vmem>> -> memref<1x128xi32, #tpu.memory_space<vmem>>
    %dma_wait3A_1344 = tpu.memref_squeeze %dma_wait3A_1343 : memref<1x128xi32, #tpu.memory_space<vmem>> -> memref<128xi32, #tpu.memory_space<vmem>>
    %dma_wait3A_1345 = arith.constant 0 : i32
    %dma_wait3A_1346 = tpu.memref_slice %arg9[%dma_wait3A_1341, %dma_wait3A_1345] : memref<8x128xi32, #tpu.memory_space<vmem>> -> memref<1x128xi32, #tpu.memory_space<vmem>>
    %dma_wait3A_1347 = tpu.memref_squeeze %dma_wait3A_1346 : memref<1x128xi32, #tpu.memory_space<vmem>> -> memref<128xi32, #tpu.memory_space<vmem>>
    %dma_wait3A_1348 = arith.constant 0 : i32
    %dma_wait3A_1349 = tpu.memref_slice %arg7[%dma_wait3A_1348] : memref<1024000xi32, #tpu.memory_space<vmem_shared>> -> memref<1024000xi32, #tpu.memory_space<vmem_shared>>
    tpu.wait_indirect_dma semaphore(%arg21 : memref<!tpu.dma_semaphore, #tpu.memory_space<semaphore_mem>>) src(%dma_wait3A_1344 : memref<128xi32, #tpu.memory_space<vmem>>) dst(%dma_wait3A_1349 : memref<1024000xi32, #tpu.memory_space<vmem_shared>>)
    %dma_wait3A_1350 = arith.constant 5 : i32
    %dma_wait3A_1351 = arith.constant 5 : i32
    %dma_wait3A_1352 = arith.constant 0 : i32
    %dma_wait3A_1353 = tpu.memref_slice %arg10[%dma_wait3A_1350, %dma_wait3A_1352] : memref<8x128xi32, #tpu.memory_space<vmem>> -> memref<1x128xi32, #tpu.memory_space<vmem>>
    %dma_wait3A_1354 = tpu.memref_squeeze %dma_wait3A_1353 : memref<1x128xi32, #tpu.memory_space<vmem>> -> memref<128xi32, #tpu.memory_space<vmem>>
    %dma_wait3A_1355 = arith.constant 0 : i32
    %dma_wait3A_1356 = tpu.memref_slice %arg9[%dma_wait3A_1351, %dma_wait3A_1355] : memref<8x128xi32, #tpu.memory_space<vmem>> -> memref<1x128xi32, #tpu.memory_space<vmem>>
    %dma_wait3A_1357 = tpu.memref_squeeze %dma_wait3A_1356 : memref<1x128xi32, #tpu.memory_space<vmem>> -> memref<128xi32, #tpu.memory_space<vmem>>
    %dma_wait3A_1358 = arith.constant 0 : i32
    %dma_wait3A_1359 = tpu.memref_slice %arg7[%dma_wait3A_1358] : memref<1024000xi32, #tpu.memory_space<vmem_shared>> -> memref<1024000xi32, #tpu.memory_space<vmem_shared>>
    tpu.wait_indirect_dma semaphore(%arg21 : memref<!tpu.dma_semaphore, #tpu.memory_space<semaphore_mem>>) src(%dma_wait3A_1354 : memref<128xi32, #tpu.memory_space<vmem>>) dst(%dma_wait3A_1359 : memref<1024000xi32, #tpu.memory_space<vmem_shared>>)
    %dma_wait3A_1360 = arith.constant 6 : i32
    %dma_wait3A_1361 = arith.constant 6 : i32
    %dma_wait3A_1362 = arith.constant 0 : i32
    %dma_wait3A_1363 = tpu.memref_slice %arg10[%dma_wait3A_1360, %dma_wait3A_1362] : memref<8x128xi32, #tpu.memory_space<vmem>> -> memref<1x128xi32, #tpu.memory_space<vmem>>
    %dma_wait3A_1364 = tpu.memref_squeeze %dma_wait3A_1363 : memref<1x128xi32, #tpu.memory_space<vmem>> -> memref<128xi32, #tpu.memory_space<vmem>>
    %dma_wait3A_1365 = arith.constant 0 : i32
    %dma_wait3A_1366 = tpu.memref_slice %arg9[%dma_wait3A_1361, %dma_wait3A_1365] : memref<8x128xi32, #tpu.memory_space<vmem>> -> memref<1x128xi32, #tpu.memory_space<vmem>>
    %dma_wait3A_1367 = tpu.memref_squeeze %dma_wait3A_1366 : memref<1x128xi32, #tpu.memory_space<vmem>> -> memref<128xi32, #tpu.memory_space<vmem>>
    %dma_wait3A_1368 = arith.constant 0 : i32
    %dma_wait3A_1369 = tpu.memref_slice %arg7[%dma_wait3A_1368] : memref<1024000xi32, #tpu.memory_space<vmem_shared>> -> memref<1024000xi32, #tpu.memory_space<vmem_shared>>
    tpu.wait_indirect_dma semaphore(%arg21 : memref<!tpu.dma_semaphore, #tpu.memory_space<semaphore_mem>>) src(%dma_wait3A_1364 : memref<128xi32, #tpu.memory_space<vmem>>) dst(%dma_wait3A_1369 : memref<1024000xi32, #tpu.memory_space<vmem_shared>>)
    %dma_wait3A_1370 = arith.constant 7 : i32
    %dma_wait3A_1371 = arith.constant 7 : i32
    %dma_wait3A_1372 = arith.constant 0 : i32
    %dma_wait3A_1373 = tpu.memref_slice %arg10[%dma_wait3A_1370, %dma_wait3A_1372] : memref<8x128xi32, #tpu.memory_space<vmem>> -> memref<1x128xi32, #tpu.memory_space<vmem>>
    %dma_wait3A_1374 = tpu.memref_squeeze %dma_wait3A_1373 : memref<1x128xi32, #tpu.memory_space<vmem>> -> memref<128xi32, #tpu.memory_space<vmem>>
    %dma_wait3A_1375 = arith.constant 0 : i32
    %dma_wait3A_1376 = tpu.memref_slice %arg9[%dma_wait3A_1371, %dma_wait3A_1375] : memref<8x128xi32, #tpu.memory_space<vmem>> -> memref<1x128xi32, #tpu.memory_space<vmem>>
    %dma_wait3A_1377 = tpu.memref_squeeze %dma_wait3A_1376 : memref<1x128xi32, #tpu.memory_space<vmem>> -> memref<128xi32, #tpu.memory_space<vmem>>
    %dma_wait3A_1378 = arith.constant 0 : i32
    %dma_wait3A_1379 = tpu.memref_slice %arg7[%dma_wait3A_1378] : memref<1024000xi32, #tpu.memory_space<vmem_shared>> -> memref<1024000xi32, #tpu.memory_space<vmem_shared>>
    tpu.wait_indirect_dma semaphore(%arg21 : memref<!tpu.dma_semaphore, #tpu.memory_space<semaphore_mem>>) src(%dma_wait3A_1374 : memref<128xi32, #tpu.memory_space<vmem>>) dst(%dma_wait3A_1379 : memref<1024000xi32, #tpu.memory_space<vmem_shared>>)
    %barrier3A_1380 = arith.constant 0 : index
    tpu.barrier barrier_id(%barrier3A_1380)
    %dma_start3A_1381 = arith.constant 0 : i32
    %dma_start3A_1382 = arith.constant 0 : i32
    %dma_start3A_1383 = arith.constant 0 : i32
    %dma_start3A_1384 = tpu.memref_slice %arg12[%dma_start3A_1382, %dma_start3A_1383] : memref<4x128xi32, #tpu.memory_space<vmem>> -> memref<1x128xi32, #tpu.memory_space<vmem>>
    %dma_start3A_1385 = tpu.memref_squeeze %dma_start3A_1384 : memref<1x128xi32, #tpu.memory_space<vmem>> -> memref<128xi32, #tpu.memory_space<vmem>>
    %dma_start3A_1386 = arith.constant 0 : i32
    %dma_start3A_1387 = tpu.memref_slice %arg11[%dma_start3A_1381, %dma_start3A_1386] : memref<4x128xi32, #tpu.memory_space<vmem>> -> memref<1x128xi32, #tpu.memory_space<vmem>>
    %dma_start3A_1388 = tpu.memref_squeeze %dma_start3A_1387 : memref<1x128xi32, #tpu.memory_space<vmem>> -> memref<128xi32, #tpu.memory_space<vmem>>
    %dma_start3A_1389 = arith.constant 0 : i32
    %dma_start3A_1390 = tpu.memref_slice %arg7[%dma_start3A_1389] : memref<1024000xi32, #tpu.memory_space<vmem_shared>> -> memref<1024000xi32, #tpu.memory_space<vmem_shared>>
    tpu.enqueue_indirect_dma source(%dma_start3A_1390 : memref<1024000xi32, #tpu.memory_space<vmem_shared>>) target(%dma_start3A_1385 : memref<128xi32, #tpu.memory_space<vmem>>) offsets(%dma_start3A_1388 : memref<128xi32, #tpu.memory_space<vmem>>) semaphore(%arg21 : memref<!tpu.dma_semaphore, #tpu.memory_space<semaphore_mem>>)
    %dma_start3A_1391 = arith.constant 1 : i32
    %dma_start3A_1392 = arith.constant 1 : i32
    %dma_start3A_1393 = arith.constant 0 : i32
    %dma_start3A_1394 = tpu.memref_slice %arg12[%dma_start3A_1392, %dma_start3A_1393] : memref<4x128xi32, #tpu.memory_space<vmem>> -> memref<1x128xi32, #tpu.memory_space<vmem>>
    %dma_start3A_1395 = tpu.memref_squeeze %dma_start3A_1394 : memref<1x128xi32, #tpu.memory_space<vmem>> -> memref<128xi32, #tpu.memory_space<vmem>>
    %dma_start3A_1396 = arith.constant 0 : i32
    %dma_start3A_1397 = tpu.memref_slice %arg11[%dma_start3A_1391, %dma_start3A_1396] : memref<4x128xi32, #tpu.memory_space<vmem>> -> memref<1x128xi32, #tpu.memory_space<vmem>>
    %dma_start3A_1398 = tpu.memref_squeeze %dma_start3A_1397 : memref<1x128xi32, #tpu.memory_space<vmem>> -> memref<128xi32, #tpu.memory_space<vmem>>
    %dma_start3A_1399 = arith.constant 0 : i32
    %dma_start3A_1400 = tpu.memref_slice %arg7[%dma_start3A_1399] : memref<1024000xi32, #tpu.memory_space<vmem_shared>> -> memref<1024000xi32, #tpu.memory_space<vmem_shared>>
    tpu.enqueue_indirect_dma source(%dma_start3A_1400 : memref<1024000xi32, #tpu.memory_space<vmem_shared>>) target(%dma_start3A_1395 : memref<128xi32, #tpu.memory_space<vmem>>) offsets(%dma_start3A_1398 : memref<128xi32, #tpu.memory_space<vmem>>) semaphore(%arg21 : memref<!tpu.dma_semaphore, #tpu.memory_space<semaphore_mem>>)
    %dma_start3A_1401 = arith.constant 2 : i32
    %dma_start3A_1402 = arith.constant 2 : i32
    %dma_start3A_1403 = arith.constant 0 : i32
    %dma_start3A_1404 = tpu.memref_slice %arg12[%dma_start3A_1402, %dma_start3A_1403] : memref<4x128xi32, #tpu.memory_space<vmem>> -> memref<1x128xi32, #tpu.memory_space<vmem>>
    %dma_start3A_1405 = tpu.memref_squeeze %dma_start3A_1404 : memref<1x128xi32, #tpu.memory_space<vmem>> -> memref<128xi32, #tpu.memory_space<vmem>>
    %dma_start3A_1406 = arith.constant 0 : i32
    %dma_start3A_1407 = tpu.memref_slice %arg11[%dma_start3A_1401, %dma_start3A_1406] : memref<4x128xi32, #tpu.memory_space<vmem>> -> memref<1x128xi32, #tpu.memory_space<vmem>>
    %dma_start3A_1408 = tpu.memref_squeeze %dma_start3A_1407 : memref<1x128xi32, #tpu.memory_space<vmem>> -> memref<128xi32, #tpu.memory_space<vmem>>
    %dma_start3A_1409 = arith.constant 0 : i32
    %dma_start3A_1410 = tpu.memref_slice %arg7[%dma_start3A_1409] : memref<1024000xi32, #tpu.memory_space<vmem_shared>> -> memref<1024000xi32, #tpu.memory_space<vmem_shared>>
    tpu.enqueue_indirect_dma source(%dma_start3A_1410 : memref<1024000xi32, #tpu.memory_space<vmem_shared>>) target(%dma_start3A_1405 : memref<128xi32, #tpu.memory_space<vmem>>) offsets(%dma_start3A_1408 : memref<128xi32, #tpu.memory_space<vmem>>) semaphore(%arg21 : memref<!tpu.dma_semaphore, #tpu.memory_space<semaphore_mem>>)
    %dma_start3A_1411 = arith.constant 3 : i32
    %dma_start3A_1412 = arith.constant 3 : i32
    %dma_start3A_1413 = arith.constant 0 : i32
    %dma_start3A_1414 = tpu.memref_slice %arg12[%dma_start3A_1412, %dma_start3A_1413] : memref<4x128xi32, #tpu.memory_space<vmem>> -> memref<1x128xi32, #tpu.memory_space<vmem>>
    %dma_start3A_1415 = tpu.memref_squeeze %dma_start3A_1414 : memref<1x128xi32, #tpu.memory_space<vmem>> -> memref<128xi32, #tpu.memory_space<vmem>>
    %dma_start3A_1416 = arith.constant 0 : i32
    %dma_start3A_1417 = tpu.memref_slice %arg11[%dma_start3A_1411, %dma_start3A_1416] : memref<4x128xi32, #tpu.memory_space<vmem>> -> memref<1x128xi32, #tpu.memory_space<vmem>>
    %dma_start3A_1418 = tpu.memref_squeeze %dma_start3A_1417 : memref<1x128xi32, #tpu.memory_space<vmem>> -> memref<128xi32, #tpu.memory_space<vmem>>
    %dma_start3A_1419 = arith.constant 0 : i32
    %dma_start3A_1420 = tpu.memref_slice %arg7[%dma_start3A_1419] : memref<1024000xi32, #tpu.memory_space<vmem_shared>> -> memref<1024000xi32, #tpu.memory_space<vmem_shared>>
    tpu.enqueue_indirect_dma source(%dma_start3A_1420 : memref<1024000xi32, #tpu.memory_space<vmem_shared>>) target(%dma_start3A_1415 : memref<128xi32, #tpu.memory_space<vmem>>) offsets(%dma_start3A_1418 : memref<128xi32, #tpu.memory_space<vmem>>) semaphore(%arg21 : memref<!tpu.dma_semaphore, #tpu.memory_space<semaphore_mem>>)
    %dma_wait3A_1421 = arith.constant 0 : i32
    %dma_wait3A_1422 = arith.constant 0 : i32
    %dma_wait3A_1423 = arith.constant 0 : i32
    %dma_wait3A_1424 = tpu.memref_slice %arg12[%dma_wait3A_1422, %dma_wait3A_1423] : memref<4x128xi32, #tpu.memory_space<vmem>> -> memref<1x128xi32, #tpu.memory_space<vmem>>
    %dma_wait3A_1425 = tpu.memref_squeeze %dma_wait3A_1424 : memref<1x128xi32, #tpu.memory_space<vmem>> -> memref<128xi32, #tpu.memory_space<vmem>>
    %dma_wait3A_1426 = arith.constant 0 : i32
    %dma_wait3A_1427 = tpu.memref_slice %arg11[%dma_wait3A_1421, %dma_wait3A_1426] : memref<4x128xi32, #tpu.memory_space<vmem>> -> memref<1x128xi32, #tpu.memory_space<vmem>>
    %dma_wait3A_1428 = tpu.memref_squeeze %dma_wait3A_1427 : memref<1x128xi32, #tpu.memory_space<vmem>> -> memref<128xi32, #tpu.memory_space<vmem>>
    %dma_wait3A_1429 = arith.constant 0 : i32
    %dma_wait3A_1430 = tpu.memref_slice %arg7[%dma_wait3A_1429] : memref<1024000xi32, #tpu.memory_space<vmem_shared>> -> memref<1024000xi32, #tpu.memory_space<vmem_shared>>
    tpu.wait_indirect_dma semaphore(%arg21 : memref<!tpu.dma_semaphore, #tpu.memory_space<semaphore_mem>>) src(%dma_wait3A_1430 : memref<1024000xi32, #tpu.memory_space<vmem_shared>>) dst(%dma_wait3A_1425 : memref<128xi32, #tpu.memory_space<vmem>>)
    %dma_wait3A_1431 = arith.constant 1 : i32
    %dma_wait3A_1432 = arith.constant 1 : i32
    %dma_wait3A_1433 = arith.constant 0 : i32
    %dma_wait3A_1434 = tpu.memref_slice %arg12[%dma_wait3A_1432, %dma_wait3A_1433] : memref<4x128xi32, #tpu.memory_space<vmem>> -> memref<1x128xi32, #tpu.memory_space<vmem>>
    %dma_wait3A_1435 = tpu.memref_squeeze %dma_wait3A_1434 : memref<1x128xi32, #tpu.memory_space<vmem>> -> memref<128xi32, #tpu.memory_space<vmem>>
    %dma_wait3A_1436 = arith.constant 0 : i32
    %dma_wait3A_1437 = tpu.memref_slice %arg11[%dma_wait3A_1431, %dma_wait3A_1436] : memref<4x128xi32, #tpu.memory_space<vmem>> -> memref<1x128xi32, #tpu.memory_space<vmem>>
    %dma_wait3A_1438 = tpu.memref_squeeze %dma_wait3A_1437 : memref<1x128xi32, #tpu.memory_space<vmem>> -> memref<128xi32, #tpu.memory_space<vmem>>
    %dma_wait3A_1439 = arith.constant 0 : i32
    %dma_wait3A_1440 = tpu.memref_slice %arg7[%dma_wait3A_1439] : memref<1024000xi32, #tpu.memory_space<vmem_shared>> -> memref<1024000xi32, #tpu.memory_space<vmem_shared>>
    tpu.wait_indirect_dma semaphore(%arg21 : memref<!tpu.dma_semaphore, #tpu.memory_space<semaphore_mem>>) src(%dma_wait3A_1440 : memref<1024000xi32, #tpu.memory_space<vmem_shared>>) dst(%dma_wait3A_1435 : memref<128xi32, #tpu.memory_space<vmem>>)
    %dma_wait3A_1441 = arith.constant 2 : i32
    %dma_wait3A_1442 = arith.constant 2 : i32
    %dma_wait3A_1443 = arith.constant 0 : i32
    %dma_wait3A_1444 = tpu.memref_slice %arg12[%dma_wait3A_1442, %dma_wait3A_1443] : memref<4x128xi32, #tpu.memory_space<vmem>> -> memref<1x128xi32, #tpu.memory_space<vmem>>
    %dma_wait3A_1445 = tpu.memref_squeeze %dma_wait3A_1444 : memref<1x128xi32, #tpu.memory_space<vmem>> -> memref<128xi32, #tpu.memory_space<vmem>>
    %dma_wait3A_1446 = arith.constant 0 : i32
    %dma_wait3A_1447 = tpu.memref_slice %arg11[%dma_wait3A_1441, %dma_wait3A_1446] : memref<4x128xi32, #tpu.memory_space<vmem>> -> memref<1x128xi32, #tpu.memory_space<vmem>>
    %dma_wait3A_1448 = tpu.memref_squeeze %dma_wait3A_1447 : memref<1x128xi32, #tpu.memory_space<vmem>> -> memref<128xi32, #tpu.memory_space<vmem>>
    %dma_wait3A_1449 = arith.constant 0 : i32
    %dma_wait3A_1450 = tpu.memref_slice %arg7[%dma_wait3A_1449] : memref<1024000xi32, #tpu.memory_space<vmem_shared>> -> memref<1024000xi32, #tpu.memory_space<vmem_shared>>
    tpu.wait_indirect_dma semaphore(%arg21 : memref<!tpu.dma_semaphore, #tpu.memory_space<semaphore_mem>>) src(%dma_wait3A_1450 : memref<1024000xi32, #tpu.memory_space<vmem_shared>>) dst(%dma_wait3A_1445 : memref<128xi32, #tpu.memory_space<vmem>>)
    %dma_wait3A_1451 = arith.constant 3 : i32
    %dma_wait3A_1452 = arith.constant 3 : i32
    %dma_wait3A_1453 = arith.constant 0 : i32
    %dma_wait3A_1454 = tpu.memref_slice %arg12[%dma_wait3A_1452, %dma_wait3A_1453] : memref<4x128xi32, #tpu.memory_space<vmem>> -> memref<1x128xi32, #tpu.memory_space<vmem>>
    %dma_wait3A_1455 = tpu.memref_squeeze %dma_wait3A_1454 : memref<1x128xi32, #tpu.memory_space<vmem>> -> memref<128xi32, #tpu.memory_space<vmem>>
    %dma_wait3A_1456 = arith.constant 0 : i32
    %dma_wait3A_1457 = tpu.memref_slice %arg11[%dma_wait3A_1451, %dma_wait3A_1456] : memref<4x128xi32, #tpu.memory_space<vmem>> -> memref<1x128xi32, #tpu.memory_space<vmem>>
    %dma_wait3A_1458 = tpu.memref_squeeze %dma_wait3A_1457 : memref<1x128xi32, #tpu.memory_space<vmem>> -> memref<128xi32, #tpu.memory_space<vmem>>
    %dma_wait3A_1459 = arith.constant 0 : i32
    %dma_wait3A_1460 = tpu.memref_slice %arg7[%dma_wait3A_1459] : memref<1024000xi32, #tpu.memory_space<vmem_shared>> -> memref<1024000xi32, #tpu.memory_space<vmem_shared>>
    tpu.wait_indirect_dma semaphore(%arg21 : memref<!tpu.dma_semaphore, #tpu.memory_space<semaphore_mem>>) src(%dma_wait3A_1460 : memref<1024000xi32, #tpu.memory_space<vmem_shared>>) dst(%dma_wait3A_1455 : memref<128xi32, #tpu.memory_space<vmem>>)
    %dma_wait3A_1461 = arith.constant 0 : i32
    %dma_wait3A_1462 = arith.constant 0 : i32
    %dma_wait3A_1463 = tpu.memref_slice %arg11[%dma_wait3A_1461, %dma_wait3A_1462] : memref<4x128xi32, #tpu.memory_space<vmem>> -> memref<1x128xi32, #tpu.memory_space<vmem>>
    %dma_wait3A_1464 = tpu.memref_squeeze %dma_wait3A_1463 : memref<1x128xi32, #tpu.memory_space<vmem>> -> memref<128xi32, #tpu.memory_space<vmem>>
    %dma_wait3A_1465 = arith.constant 0 : i32
    %dma_wait3A_1466 = arith.constant 0 : i32
    %dma_wait3A_1467 = tpu.memref_slice %arg2[%dma_wait3A_1465, %dma_wait3A_1466] : memref<1000000x128xf32, #tpu.memory_space<hbm>> -> memref<1000000x128xf32, #tpu.memory_space<hbm>>
    tpu.wait_indirect_dma semaphore(%arg17 : memref<!tpu.dma_semaphore, #tpu.memory_space<semaphore_mem>>) src(%dma_wait3A_1467 : memref<1000000x128xf32, #tpu.memory_space<hbm>>) dst(%arg15 : memref<128x128xf32, #tpu.memory_space<vmem>>)
    %dma_start3A_1468 = arith.constant 0 : i32
    %dma_start3A_1469 = tpu.memref_slice %arg4[%mul3A_2, %dma_start3A_1468] : memref<16384x128xf32, #tpu.memory_space<hbm>> -> memref<128x128xf32, #tpu.memory_space<hbm>>
    %dma_start3A_1470 = arith.constant 0 : i32
    %dma_start3A_1471 = tpu.memref_slice %arg4[%mul3A_2, %dma_start3A_1470] : memref<16384x128xf32, #tpu.memory_space<hbm>> -> memref<128x128xf32, #tpu.memory_space<hbm>>
    tpu.enqueue_dma source(%arg15 : memref<128x128xf32, #tpu.memory_space<vmem>>) target(%dma_start3A_1471 : memref<128x128xf32, #tpu.memory_space<hbm>>) target_semaphore(%arg19 : memref<!tpu.dma_semaphore, #tpu.memory_space<semaphore_mem>>)
    %dma_wait3A_1472 = arith.constant 1 : i32
    %dma_wait3A_1473 = arith.constant 0 : i32
    %dma_wait3A_1474 = tpu.memref_slice %arg11[%dma_wait3A_1472, %dma_wait3A_1473] : memref<4x128xi32, #tpu.memory_space<vmem>> -> memref<1x128xi32, #tpu.memory_space<vmem>>
    %dma_wait3A_1475 = tpu.memref_squeeze %dma_wait3A_1474 : memref<1x128xi32, #tpu.memory_space<vmem>> -> memref<128xi32, #tpu.memory_space<vmem>>
    %dma_wait3A_1476 = arith.constant 0 : i32
    %dma_wait3A_1477 = arith.constant 0 : i32
    %dma_wait3A_1478 = tpu.memref_slice %arg2[%dma_wait3A_1476, %dma_wait3A_1477] : memref<1000000x128xf32, #tpu.memory_space<hbm>> -> memref<1000000x128xf32, #tpu.memory_space<hbm>>
    tpu.wait_indirect_dma semaphore(%arg18 : memref<!tpu.dma_semaphore, #tpu.memory_space<semaphore_mem>>) src(%dma_wait3A_1478 : memref<1000000x128xf32, #tpu.memory_space<hbm>>) dst(%arg16 : memref<128x128xf32, #tpu.memory_space<vmem>>)
    %add3A_1479 = arith.constant 128 : i32
    %add3A_1480 = arith.addi %mul3A_2, %add3A_1479 : i32
    %dma_start3A_1481 = arith.constant 0 : i32
    %dma_start3A_1482 = tpu.memref_slice %arg4[%add3A_1480, %dma_start3A_1481] : memref<16384x128xf32, #tpu.memory_space<hbm>> -> memref<128x128xf32, #tpu.memory_space<hbm>>
    %dma_start3A_1483 = arith.constant 0 : i32
    %dma_start3A_1484 = tpu.memref_slice %arg4[%add3A_1480, %dma_start3A_1483] : memref<16384x128xf32, #tpu.memory_space<hbm>> -> memref<128x128xf32, #tpu.memory_space<hbm>>
    tpu.enqueue_dma source(%arg16 : memref<128x128xf32, #tpu.memory_space<vmem>>) target(%dma_start3A_1484 : memref<128x128xf32, #tpu.memory_space<hbm>>) target_semaphore(%arg20 : memref<!tpu.dma_semaphore, #tpu.memory_space<semaphore_mem>>)
    %dma_wait3A_1485 = arith.constant 0 : i32
    %dma_wait3A_1486 = tpu.memref_slice %arg4[%mul3A_2, %dma_wait3A_1485] : memref<16384x128xf32, #tpu.memory_space<hbm>> -> memref<128x128xf32, #tpu.memory_space<hbm>>
    %dma_wait3A_1487 = arith.constant 0 : i32
    %dma_wait3A_1488 = tpu.memref_slice %arg4[%mul3A_2, %dma_wait3A_1487] : memref<16384x128xf32, #tpu.memory_space<hbm>> -> memref<128x128xf32, #tpu.memory_space<hbm>>
    tpu.wait_dma2 semaphore(%arg19 : memref<!tpu.dma_semaphore, #tpu.memory_space<semaphore_mem>>) src(%arg15 : memref<128x128xf32, #tpu.memory_space<vmem>>) dst(%dma_wait3A_1488 : memref<128x128xf32, #tpu.memory_space<hbm>>)
    %dma_start3A_1489 = arith.constant 2 : i32
    %dma_start3A_1490 = arith.constant 0 : i32
    %dma_start3A_1491 = tpu.memref_slice %arg11[%dma_start3A_1489, %dma_start3A_1490] : memref<4x128xi32, #tpu.memory_space<vmem>> -> memref<1x128xi32, #tpu.memory_space<vmem>>
    %dma_start3A_1492 = tpu.memref_squeeze %dma_start3A_1491 : memref<1x128xi32, #tpu.memory_space<vmem>> -> memref<128xi32, #tpu.memory_space<vmem>>
    %dma_start3A_1493 = arith.constant 0 : i32
    %dma_start3A_1494 = arith.constant 0 : i32
    %dma_start3A_1495 = tpu.memref_slice %arg2[%dma_start3A_1493, %dma_start3A_1494] : memref<1000000x128xf32, #tpu.memory_space<hbm>> -> memref<1000000x128xf32, #tpu.memory_space<hbm>>
    tpu.enqueue_indirect_dma source(%dma_start3A_1495 : memref<1000000x128xf32, #tpu.memory_space<hbm>>) target(%arg15 : memref<128x128xf32, #tpu.memory_space<vmem>>) offsets(%dma_start3A_1492 : memref<128xi32, #tpu.memory_space<vmem>>) semaphore(%arg17 : memref<!tpu.dma_semaphore, #tpu.memory_space<semaphore_mem>>)
    %dma_wait3A_1496 = arith.constant 0 : i32
    %dma_wait3A_1497 = tpu.memref_slice %arg4[%add3A_1480, %dma_wait3A_1496] : memref<16384x128xf32, #tpu.memory_space<hbm>> -> memref<128x128xf32, #tpu.memory_space<hbm>>
    %dma_wait3A_1498 = arith.constant 0 : i32
    %dma_wait3A_1499 = tpu.memref_slice %arg4[%add3A_1480, %dma_wait3A_1498] : memref<16384x128xf32, #tpu.memory_space<hbm>> -> memref<128x128xf32, #tpu.memory_space<hbm>>
    tpu.wait_dma2 semaphore(%arg20 : memref<!tpu.dma_semaphore, #tpu.memory_space<semaphore_mem>>) src(%arg16 : memref<128x128xf32, #tpu.memory_space<vmem>>) dst(%dma_wait3A_1499 : memref<128x128xf32, #tpu.memory_space<hbm>>)
    %dma_start3A_1500 = arith.constant 3 : i32
    %dma_start3A_1501 = arith.constant 0 : i32
    %dma_start3A_1502 = tpu.memref_slice %arg11[%dma_start3A_1500, %dma_start3A_1501] : memref<4x128xi32, #tpu.memory_space<vmem>> -> memref<1x128xi32, #tpu.memory_space<vmem>>
    %dma_start3A_1503 = tpu.memref_squeeze %dma_start3A_1502 : memref<1x128xi32, #tpu.memory_space<vmem>> -> memref<128xi32, #tpu.memory_space<vmem>>
    %dma_start3A_1504 = arith.constant 0 : i32
    %dma_start3A_1505 = arith.constant 0 : i32
    %dma_start3A_1506 = tpu.memref_slice %arg2[%dma_start3A_1504, %dma_start3A_1505] : memref<1000000x128xf32, #tpu.memory_space<hbm>> -> memref<1000000x128xf32, #tpu.memory_space<hbm>>
    tpu.enqueue_indirect_dma source(%dma_start3A_1506 : memref<1000000x128xf32, #tpu.memory_space<hbm>>) target(%arg16 : memref<128x128xf32, #tpu.memory_space<vmem>>) offsets(%dma_start3A_1503 : memref<128xi32, #tpu.memory_space<vmem>>) semaphore(%arg18 : memref<!tpu.dma_semaphore, #tpu.memory_space<semaphore_mem>>)
    %dma_wait3A_1507 = arith.constant 2 : i32
    %dma_wait3A_1508 = arith.constant 0 : i32
    %dma_wait3A_1509 = tpu.memref_slice %arg11[%dma_wait3A_1507, %dma_wait3A_1508] : memref<4x128xi32, #tpu.memory_space<vmem>> -> memref<1x128xi32, #tpu.memory_space<vmem>>
    %dma_wait3A_1510 = tpu.memref_squeeze %dma_wait3A_1509 : memref<1x128xi32, #tpu.memory_space<vmem>> -> memref<128xi32, #tpu.memory_space<vmem>>
    %dma_wait3A_1511 = arith.constant 0 : i32
    %dma_wait3A_1512 = arith.constant 0 : i32
    %dma_wait3A_1513 = tpu.memref_slice %arg2[%dma_wait3A_1511, %dma_wait3A_1512] : memref<1000000x128xf32, #tpu.memory_space<hbm>> -> memref<1000000x128xf32, #tpu.memory_space<hbm>>
    tpu.wait_indirect_dma semaphore(%arg17 : memref<!tpu.dma_semaphore, #tpu.memory_space<semaphore_mem>>) src(%dma_wait3A_1513 : memref<1000000x128xf32, #tpu.memory_space<hbm>>) dst(%arg15 : memref<128x128xf32, #tpu.memory_space<vmem>>)
    %add3A_1514 = arith.constant 256 : i32
    %add3A_1515 = arith.addi %mul3A_2, %add3A_1514 : i32
    %dma_start3A_1516 = arith.constant 0 : i32
    %dma_start3A_1517 = tpu.memref_slice %arg4[%add3A_1515, %dma_start3A_1516] : memref<16384x128xf32, #tpu.memory_space<hbm>> -> memref<128x128xf32, #tpu.memory_space<hbm>>
    %dma_start3A_1518 = arith.constant 0 : i32
    %dma_start3A_1519 = tpu.memref_slice %arg4[%add3A_1515, %dma_start3A_1518] : memref<16384x128xf32, #tpu.memory_space<hbm>> -> memref<128x128xf32, #tpu.memory_space<hbm>>
    tpu.enqueue_dma source(%arg15 : memref<128x128xf32, #tpu.memory_space<vmem>>) target(%dma_start3A_1519 : memref<128x128xf32, #tpu.memory_space<hbm>>) target_semaphore(%arg19 : memref<!tpu.dma_semaphore, #tpu.memory_space<semaphore_mem>>)
    %dma_wait3A_1520 = arith.constant 3 : i32
    %dma_wait3A_1521 = arith.constant 0 : i32
    %dma_wait3A_1522 = tpu.memref_slice %arg11[%dma_wait3A_1520, %dma_wait3A_1521] : memref<4x128xi32, #tpu.memory_space<vmem>> -> memref<1x128xi32, #tpu.memory_space<vmem>>
    %dma_wait3A_1523 = tpu.memref_squeeze %dma_wait3A_1522 : memref<1x128xi32, #tpu.memory_space<vmem>> -> memref<128xi32, #tpu.memory_space<vmem>>
    %dma_wait3A_1524 = arith.constant 0 : i32
    %dma_wait3A_1525 = arith.constant 0 : i32
    %dma_wait3A_1526 = tpu.memref_slice %arg2[%dma_wait3A_1524, %dma_wait3A_1525] : memref<1000000x128xf32, #tpu.memory_space<hbm>> -> memref<1000000x128xf32, #tpu.memory_space<hbm>>
    tpu.wait_indirect_dma semaphore(%arg18 : memref<!tpu.dma_semaphore, #tpu.memory_space<semaphore_mem>>) src(%dma_wait3A_1526 : memref<1000000x128xf32, #tpu.memory_space<hbm>>) dst(%arg16 : memref<128x128xf32, #tpu.memory_space<vmem>>)
    %add3A_1527 = arith.constant 384 : i32
    %add3A_1528 = arith.addi %mul3A_2, %add3A_1527 : i32
    %dma_start3A_1529 = arith.constant 0 : i32
    %dma_start3A_1530 = tpu.memref_slice %arg4[%add3A_1528, %dma_start3A_1529] : memref<16384x128xf32, #tpu.memory_space<hbm>> -> memref<128x128xf32, #tpu.memory_space<hbm>>
    %dma_start3A_1531 = arith.constant 0 : i32
    %dma_start3A_1532 = tpu.memref_slice %arg4[%add3A_1528, %dma_start3A_1531] : memref<16384x128xf32, #tpu.memory_space<hbm>> -> memref<128x128xf32, #tpu.memory_space<hbm>>
    tpu.enqueue_dma source(%arg16 : memref<128x128xf32, #tpu.memory_space<vmem>>) target(%dma_start3A_1532 : memref<128x128xf32, #tpu.memory_space<hbm>>) target_semaphore(%arg20 : memref<!tpu.dma_semaphore, #tpu.memory_space<semaphore_mem>>)
    %get3A = arith.constant 0 : i32
    %get3A_1533 = arith.constant 0 : i32
    %get3A_1534 = tpu.memref_slice %arg12[%get3A, %get3A_1533] : memref<4x128xi32, #tpu.memory_space<vmem>> -> memref<1x128xi32, #tpu.memory_space<vmem>>
    %get3A_1535 = tpu.memref_squeeze %get3A_1534 : memref<1x128xi32, #tpu.memory_space<vmem>> -> memref<128xi32, #tpu.memory_space<vmem>>
    %get3A_1536 = arith.constant 0 : index
    %get3A_1537 = tpu.vector_load %get3A_1535[%get3A_1536] {strides = array<i32>} : memref<128xi32, #tpu.memory_space<vmem>>, vector<16xi32>,
    %add3A_1538 = arith.constant 0 : i32
    %add3A_1539 = arith.addi %mul3A_2, %add3A_1538 : i32
    %add3A_1540 = arith.constant 0 : i32
    %add3A_1541 = arith.addi %add3A_1539, %add3A_1540 : i32
    %add3A_1542 = arith.constant 1 : i32
    %add3A_1543 = arith.addi %add3A_1541, %add3A_1542 : i32
    %broadcast_in_dim3A_1544 = vector.broadcast %add3A_1543 : i32 to vector<16xi32>
    %iota3A_1545 = tpu.iota {dimensions = array<i32: 0>} : vector<16xi32>
    %add3A_1546 = arith.addi %broadcast_in_dim3A_1544, %iota3A_1545 : vector<16xi32>
    %broadcast_in_dim3A_1547 = arith.constant 26 : i32
    %broadcast_in_dim3A_1548 = vector.broadcast %broadcast_in_dim3A_1547 : i32 to vector<16xi32>
    %shift_right_logical3A = arith.shrui %get3A_1537, %broadcast_in_dim3A_1548 : vector<16xi32>
    %broadcast_in_dim3A_1549 = arith.constant 67108863 : i32
    %broadcast_in_dim3A_1550 = vector.broadcast %broadcast_in_dim3A_1549 : i32 to vector<16xi32>
    %and3A = arith.andi %get3A_1537, %broadcast_in_dim3A_1550 : vector<16xi32>
    %mul3A_1551 = arith.muli %shift_right_logical3A, %add3A_1546 : vector<16xi32>
    %ge3A = arith.cmpi sge, %mul3A_1551, %and3A : vector<16xi32>
    %jit3A = arith.constant 0 : i32
    %broadcast_in_dim3A_1552 = vector.broadcast %jit3A : i32 to vector<16xi32>
    %select_n3A = arith.select %ge3A, %add3A_1546, %broadcast_in_dim3A_1552 : vector<16xi1>, vector<16xi32>
    %reduce_max3A = arith.constant true
    %reduce_max3A_1553 = vector.broadcast %reduce_max3A : i1 to vector<16xi1>
    %reduce_max3A_1554 = arith.constant -2147483648 : i32
    %reduce_max3A_1555 = vector.broadcast %reduce_max3A_1554 : i32 to vector<16xi32>
    %reduce_max3A_1556 = arith.xori %select_n3A, %reduce_max3A_1555 : vector<16xi32>
    %reduce_max3A_1557 = tpu.scan <max>, %reduce_max3A_1556 masked %reduce_max3A_1553 : vector<16xi32>, vector<16xi1> -> vector<16xi32>
    %reduce_max3A_1558 = arith.xori %reduce_max3A_1557, %reduce_max3A_1555 : vector<16xi32>
    %reduce_max3A_1559 = vector.extract %reduce_max3A_1558[15] : i32 from vector<16xi32>
    %max3A = arith.constant 0 : i32
    %max3A_1560 = arith.maxsi %max3A, %reduce_max3A_1559 : i32
    %get3A_1561 = arith.constant 0 : i32
    %get3A_1562 = arith.constant 0 : i32
    %get3A_1563 = tpu.memref_slice %arg12[%get3A_1561, %get3A_1562] : memref<4x128xi32, #tpu.memory_space<vmem>> -> memref<1x128xi32, #tpu.memory_space<vmem>>
    %get3A_1564 = tpu.memref_squeeze %get3A_1563 : memref<1x128xi32, #tpu.memory_space<vmem>> -> memref<128xi32, #tpu.memory_space<vmem>>
    %get3A_1565 = arith.constant 16 : index
    %get3A_1566 = tpu.vector_load %get3A_1564[%get3A_1565] {strides = array<i32>} : memref<128xi32, #tpu.memory_space<vmem>>, vector<16xi32>,
    %add3A_1567 = arith.constant 0 : i32
    %add3A_1568 = arith.addi %mul3A_2, %add3A_1567 : i32
    %add3A_1569 = arith.constant 16 : i32
    %add3A_1570 = arith.addi %add3A_1568, %add3A_1569 : i32
    %add3A_1571 = arith.constant 1 : i32
    %add3A_1572 = arith.addi %add3A_1570, %add3A_1571 : i32
    %broadcast_in_dim3A_1573 = vector.broadcast %add3A_1572 : i32 to vector<16xi32>
    %iota3A_1574 = tpu.iota {dimensions = array<i32: 0>} : vector<16xi32>
    %add3A_1575 = arith.addi %broadcast_in_dim3A_1573, %iota3A_1574 : vector<16xi32>
    %broadcast_in_dim3A_1576 = arith.constant 26 : i32
    %broadcast_in_dim3A_1577 = vector.broadcast %broadcast_in_dim3A_1576 : i32 to vector<16xi32>
    %shift_right_logical3A_1578 = arith.shrui %get3A_1566, %broadcast_in_dim3A_1577 : vector<16xi32>
    %broadcast_in_dim3A_1579 = arith.constant 67108863 : i32
    %broadcast_in_dim3A_1580 = vector.broadcast %broadcast_in_dim3A_1579 : i32 to vector<16xi32>
    %and3A_1581 = arith.andi %get3A_1566, %broadcast_in_dim3A_1580 : vector<16xi32>
    %mul3A_1582 = arith.muli %shift_right_logical3A_1578, %add3A_1575 : vector<16xi32>
    %ge3A_1583 = arith.cmpi sge, %mul3A_1582, %and3A_1581 : vector<16xi32>
    %jit3A_1584 = arith.constant 0 : i32
    %broadcast_in_dim3A_1585 = vector.broadcast %jit3A_1584 : i32 to vector<16xi32>
    %select_n3A_1586 = arith.select %ge3A_1583, %add3A_1575, %broadcast_in_dim3A_1585 : vector<16xi1>, vector<16xi32>
    %reduce_max3A_1587 = arith.constant true
    %reduce_max3A_1588 = vector.broadcast %reduce_max3A_1587 : i1 to vector<16xi1>
    %reduce_max3A_1589 = arith.constant -2147483648 : i32
    %reduce_max3A_1590 = vector.broadcast %reduce_max3A_1589 : i32 to vector<16xi32>
    %reduce_max3A_1591 = arith.xori %select_n3A_1586, %reduce_max3A_1590 : vector<16xi32>
    %reduce_max3A_1592 = tpu.scan <max>, %reduce_max3A_1591 masked %reduce_max3A_1588 : vector<16xi32>, vector<16xi1> -> vector<16xi32>
    %reduce_max3A_1593 = arith.xori %reduce_max3A_1592, %reduce_max3A_1590 : vector<16xi32>
    %reduce_max3A_1594 = vector.extract %reduce_max3A_1593[15] : i32 from vector<16xi32>
    %max3A_1595 = arith.maxsi %max3A_1560, %reduce_max3A_1594 : i32
    %get3A_1596 = arith.constant 0 : i32
    %get3A_1597 = arith.constant 0 : i32
    %get3A_1598 = tpu.memref_slice %arg12[%get3A_1596, %get3A_1597] : memref<4x128xi32, #tpu.memory_space<vmem>> -> memref<1x128xi32, #tpu.memory_space<vmem>>
    %get3A_1599 = tpu.memref_squeeze %get3A_1598 : memref<1x128xi32, #tpu.memory_space<vmem>> -> memref<128xi32, #tpu.memory_space<vmem>>
    %get3A_1600 = arith.constant 32 : index
    %get3A_1601 = tpu.vector_load %get3A_1599[%get3A_1600] {strides = array<i32>} : memref<128xi32, #tpu.memory_space<vmem>>, vector<16xi32>,
    %add3A_1602 = arith.constant 0 : i32
    %add3A_1603 = arith.addi %mul3A_2, %add3A_1602 : i32
    %add3A_1604 = arith.constant 32 : i32
    %add3A_1605 = arith.addi %add3A_1603, %add3A_1604 : i32
    %add3A_1606 = arith.constant 1 : i32
    %add3A_1607 = arith.addi %add3A_1605, %add3A_1606 : i32
    %broadcast_in_dim3A_1608 = vector.broadcast %add3A_1607 : i32 to vector<16xi32>
    %iota3A_1609 = tpu.iota {dimensions = array<i32: 0>} : vector<16xi32>
    %add3A_1610 = arith.addi %broadcast_in_dim3A_1608, %iota3A_1609 : vector<16xi32>
    %broadcast_in_dim3A_1611 = arith.constant 26 : i32
    %broadcast_in_dim3A_1612 = vector.broadcast %broadcast_in_dim3A_1611 : i32 to vector<16xi32>
    %shift_right_logical3A_1613 = arith.shrui %get3A_1601, %broadcast_in_dim3A_1612 : vector<16xi32>
    %broadcast_in_dim3A_1614 = arith.constant 67108863 : i32
    %broadcast_in_dim3A_1615 = vector.broadcast %broadcast_in_dim3A_1614 : i32 to vector<16xi32>
    %and3A_1616 = arith.andi %get3A_1601, %broadcast_in_dim3A_1615 : vector<16xi32>
    %mul3A_1617 = arith.muli %shift_right_logical3A_1613, %add3A_1610 : vector<16xi32>
    %ge3A_1618 = arith.cmpi sge, %mul3A_1617, %and3A_1616 : vector<16xi32>
    %jit3A_1619 = arith.constant 0 : i32
    %broadcast_in_dim3A_1620 = vector.broadcast %jit3A_1619 : i32 to vector<16xi32>
    %select_n3A_1621 = arith.select %ge3A_1618, %add3A_1610, %broadcast_in_dim3A_1620 : vector<16xi1>, vector<16xi32>
    %reduce_max3A_1622 = arith.constant true
    %reduce_max3A_1623 = vector.broadcast %reduce_max3A_1622 : i1 to vector<16xi1>
    %reduce_max3A_1624 = arith.constant -2147483648 : i32
    %reduce_max3A_1625 = vector.broadcast %reduce_max3A_1624 : i32 to vector<16xi32>
    %reduce_max3A_1626 = arith.xori %select_n3A_1621, %reduce_max3A_1625 : vector<16xi32>
    %reduce_max3A_1627 = tpu.scan <max>, %reduce_max3A_1626 masked %reduce_max3A_1623 : vector<16xi32>, vector<16xi1> -> vector<16xi32>
    %reduce_max3A_1628 = arith.xori %reduce_max3A_1627, %reduce_max3A_1625 : vector<16xi32>
    %reduce_max3A_1629 = vector.extract %reduce_max3A_1628[15] : i32 from vector<16xi32>
    %max3A_1630 = arith.maxsi %max3A_1595, %reduce_max3A_1629 : i32
    %get3A_1631 = arith.constant 0 : i32
    %get3A_1632 = arith.constant 0 : i32
    %get3A_1633 = tpu.memref_slice %arg12[%get3A_1631, %get3A_1632] : memref<4x128xi32, #tpu.memory_space<vmem>> -> memref<1x128xi32, #tpu.memory_space<vmem>>
    %get3A_1634 = tpu.memref_squeeze %get3A_1633 : memref<1x128xi32, #tpu.memory_space<vmem>> -> memref<128xi32, #tpu.memory_space<vmem>>
    %get3A_1635 = arith.constant 48 : index
    %get3A_1636 = tpu.vector_load %get3A_1634[%get3A_1635] {strides = array<i32>} : memref<128xi32, #tpu.memory_space<vmem>>, vector<16xi32>,
    %add3A_1637 = arith.constant 0 : i32
    %add3A_1638 = arith.addi %mul3A_2, %add3A_1637 : i32
    %add3A_1639 = arith.constant 48 : i32
    %add3A_1640 = arith.addi %add3A_1638, %add3A_1639 : i32
    %add3A_1641 = arith.constant 1 : i32
    %add3A_1642 = arith.addi %add3A_1640, %add3A_1641 : i32
    %broadcast_in_dim3A_1643 = vector.broadcast %add3A_1642 : i32 to vector<16xi32>
    %iota3A_1644 = tpu.iota {dimensions = array<i32: 0>} : vector<16xi32>
    %add3A_1645 = arith.addi %broadcast_in_dim3A_1643, %iota3A_1644 : vector<16xi32>
    %broadcast_in_dim3A_1646 = arith.constant 26 : i32
    %broadcast_in_dim3A_1647 = vector.broadcast %broadcast_in_dim3A_1646 : i32 to vector<16xi32>
    %shift_right_logical3A_1648 = arith.shrui %get3A_1636, %broadcast_in_dim3A_1647 : vector<16xi32>
    %broadcast_in_dim3A_1649 = arith.constant 67108863 : i32
    %broadcast_in_dim3A_1650 = vector.broadcast %broadcast_in_dim3A_1649 : i32 to vector<16xi32>
    %and3A_1651 = arith.andi %get3A_1636, %broadcast_in_dim3A_1650 : vector<16xi32>
    %mul3A_1652 = arith.muli %shift_right_logical3A_1648, %add3A_1645 : vector<16xi32>
    %ge3A_1653 = arith.cmpi sge, %mul3A_1652, %and3A_1651 : vector<16xi32>
    %jit3A_1654 = arith.constant 0 : i32
    %broadcast_in_dim3A_1655 = vector.broadcast %jit3A_1654 : i32 to vector<16xi32>
    %select_n3A_1656 = arith.select %ge3A_1653, %add3A_1645, %broadcast_in_dim3A_1655 : vector<16xi1>, vector<16xi32>
    %reduce_max3A_1657 = arith.constant true
    %reduce_max3A_1658 = vector.broadcast %reduce_max3A_1657 : i1 to vector<16xi1>
    %reduce_max3A_1659 = arith.constant -2147483648 : i32
    %reduce_max3A_1660 = vector.broadcast %reduce_max3A_1659 : i32 to vector<16xi32>
    %reduce_max3A_1661 = arith.xori %select_n3A_1656, %reduce_max3A_1660 : vector<16xi32>
    %reduce_max3A_1662 = tpu.scan <max>, %reduce_max3A_1661 masked %reduce_max3A_1658 : vector<16xi32>, vector<16xi1> -> vector<16xi32>
    %reduce_max3A_1663 = arith.xori %reduce_max3A_1662, %reduce_max3A_1660 : vector<16xi32>
    %reduce_max3A_1664 = vector.extract %reduce_max3A_1663[15] : i32 from vector<16xi32>
    %max3A_1665 = arith.maxsi %max3A_1630, %reduce_max3A_1664 : i32
    %get3A_1666 = arith.constant 0 : i32
    %get3A_1667 = arith.constant 0 : i32
    %get3A_1668 = tpu.memref_slice %arg12[%get3A_1666, %get3A_1667] : memref<4x128xi32, #tpu.memory_space<vmem>> -> memref<1x128xi32, #tpu.memory_space<vmem>>
    %get3A_1669 = tpu.memref_squeeze %get3A_1668 : memref<1x128xi32, #tpu.memory_space<vmem>> -> memref<128xi32, #tpu.memory_space<vmem>>
    %get3A_1670 = arith.constant 64 : index
    %get3A_1671 = tpu.vector_load %get3A_1669[%get3A_1670] {strides = array<i32>} : memref<128xi32, #tpu.memory_space<vmem>>, vector<16xi32>,
    %add3A_1672 = arith.constant 0 : i32
    %add3A_1673 = arith.addi %mul3A_2, %add3A_1672 : i32
    %add3A_1674 = arith.constant 64 : i32
    %add3A_1675 = arith.addi %add3A_1673, %add3A_1674 : i32
    %add3A_1676 = arith.constant 1 : i32
    %add3A_1677 = arith.addi %add3A_1675, %add3A_1676 : i32
    %broadcast_in_dim3A_1678 = vector.broadcast %add3A_1677 : i32 to vector<16xi32>
    %iota3A_1679 = tpu.iota {dimensions = array<i32: 0>} : vector<16xi32>
    %add3A_1680 = arith.addi %broadcast_in_dim3A_1678, %iota3A_1679 : vector<16xi32>
    %broadcast_in_dim3A_1681 = arith.constant 26 : i32
    %broadcast_in_dim3A_1682 = vector.broadcast %broadcast_in_dim3A_1681 : i32 to vector<16xi32>
    %shift_right_logical3A_1683 = arith.shrui %get3A_1671, %broadcast_in_dim3A_1682 : vector<16xi32>
    %broadcast_in_dim3A_1684 = arith.constant 67108863 : i32
    %broadcast_in_dim3A_1685 = vector.broadcast %broadcast_in_dim3A_1684 : i32 to vector<16xi32>
    %and3A_1686 = arith.andi %get3A_1671, %broadcast_in_dim3A_1685 : vector<16xi32>
    %mul3A_1687 = arith.muli %shift_right_logical3A_1683, %add3A_1680 : vector<16xi32>
    %ge3A_1688 = arith.cmpi sge, %mul3A_1687, %and3A_1686 : vector<16xi32>
    %jit3A_1689 = arith.constant 0 : i32
    %broadcast_in_dim3A_1690 = vector.broadcast %jit3A_1689 : i32 to vector<16xi32>
    %select_n3A_1691 = arith.select %ge3A_1688, %add3A_1680, %broadcast_in_dim3A_1690 : vector<16xi1>, vector<16xi32>
    %reduce_max3A_1692 = arith.constant true
    %reduce_max3A_1693 = vector.broadcast %reduce_max3A_1692 : i1 to vector<16xi1>
    %reduce_max3A_1694 = arith.constant -2147483648 : i32
    %reduce_max3A_1695 = vector.broadcast %reduce_max3A_1694 : i32 to vector<16xi32>
    %reduce_max3A_1696 = arith.xori %select_n3A_1691, %reduce_max3A_1695 : vector<16xi32>
    %reduce_max3A_1697 = tpu.scan <max>, %reduce_max3A_1696 masked %reduce_max3A_1693 : vector<16xi32>, vector<16xi1> -> vector<16xi32>
    %reduce_max3A_1698 = arith.xori %reduce_max3A_1697, %reduce_max3A_1695 : vector<16xi32>
    %reduce_max3A_1699 = vector.extract %reduce_max3A_1698[15] : i32 from vector<16xi32>
    %max3A_1700 = arith.maxsi %max3A_1665, %reduce_max3A_1699 : i32
    %get3A_1701 = arith.constant 0 : i32
    %get3A_1702 = arith.constant 0 : i32
    %get3A_1703 = tpu.memref_slice %arg12[%get3A_1701, %get3A_1702] : memref<4x128xi32, #tpu.memory_space<vmem>> -> memref<1x128xi32, #tpu.memory_space<vmem>>
    %get3A_1704 = tpu.memref_squeeze %get3A_1703 : memref<1x128xi32, #tpu.memory_space<vmem>> -> memref<128xi32, #tpu.memory_space<vmem>>
    %get3A_1705 = arith.constant 80 : index
    %get3A_1706 = tpu.vector_load %get3A_1704[%get3A_1705] {strides = array<i32>} : memref<128xi32, #tpu.memory_space<vmem>>, vector<16xi32>,
    %add3A_1707 = arith.constant 0 : i32
    %add3A_1708 = arith.addi %mul3A_2, %add3A_1707 : i32
    %add3A_1709 = arith.constant 80 : i32
    %add3A_1710 = arith.addi %add3A_1708, %add3A_1709 : i32
    %add3A_1711 = arith.constant 1 : i32
    %add3A_1712 = arith.addi %add3A_1710, %add3A_1711 : i32
    %broadcast_in_dim3A_1713 = vector.broadcast %add3A_1712 : i32 to vector<16xi32>
    %iota3A_1714 = tpu.iota {dimensions = array<i32: 0>} : vector<16xi32>
    %add3A_1715 = arith.addi %broadcast_in_dim3A_1713, %iota3A_1714 : vector<16xi32>
    %broadcast_in_dim3A_1716 = arith.constant 26 : i32
    %broadcast_in_dim3A_1717 = vector.broadcast %broadcast_in_dim3A_1716 : i32 to vector<16xi32>
    %shift_right_logical3A_1718 = arith.shrui %get3A_1706, %broadcast_in_dim3A_1717 : vector<16xi32>
    %broadcast_in_dim3A_1719 = arith.constant 67108863 : i32
    %broadcast_in_dim3A_1720 = vector.broadcast %broadcast_in_dim3A_1719 : i32 to vector<16xi32>
    %and3A_1721 = arith.andi %get3A_1706, %broadcast_in_dim3A_1720 : vector<16xi32>
    %mul3A_1722 = arith.muli %shift_right_logical3A_1718, %add3A_1715 : vector<16xi32>
    %ge3A_1723 = arith.cmpi sge, %mul3A_1722, %and3A_1721 : vector<16xi32>
    %jit3A_1724 = arith.constant 0 : i32
    %broadcast_in_dim3A_1725 = vector.broadcast %jit3A_1724 : i32 to vector<16xi32>
    %select_n3A_1726 = arith.select %ge3A_1723, %add3A_1715, %broadcast_in_dim3A_1725 : vector<16xi1>, vector<16xi32>
    %reduce_max3A_1727 = arith.constant true
    %reduce_max3A_1728 = vector.broadcast %reduce_max3A_1727 : i1 to vector<16xi1>
    %reduce_max3A_1729 = arith.constant -2147483648 : i32
    %reduce_max3A_1730 = vector.broadcast %reduce_max3A_1729 : i32 to vector<16xi32>
    %reduce_max3A_1731 = arith.xori %select_n3A_1726, %reduce_max3A_1730 : vector<16xi32>
    %reduce_max3A_1732 = tpu.scan <max>, %reduce_max3A_1731 masked %reduce_max3A_1728 : vector<16xi32>, vector<16xi1> -> vector<16xi32>
    %reduce_max3A_1733 = arith.xori %reduce_max3A_1732, %reduce_max3A_1730 : vector<16xi32>
    %reduce_max3A_1734 = vector.extract %reduce_max3A_1733[15] : i32 from vector<16xi32>
    %max3A_1735 = arith.maxsi %max3A_1700, %reduce_max3A_1734 : i32
    %get3A_1736 = arith.constant 0 : i32
    %get3A_1737 = arith.constant 0 : i32
    %get3A_1738 = tpu.memref_slice %arg12[%get3A_1736, %get3A_1737] : memref<4x128xi32, #tpu.memory_space<vmem>> -> memref<1x128xi32, #tpu.memory_space<vmem>>
    %get3A_1739 = tpu.memref_squeeze %get3A_1738 : memref<1x128xi32, #tpu.memory_space<vmem>> -> memref<128xi32, #tpu.memory_space<vmem>>
    %get3A_1740 = arith.constant 96 : index
    %get3A_1741 = tpu.vector_load %get3A_1739[%get3A_1740] {strides = array<i32>} : memref<128xi32, #tpu.memory_space<vmem>>, vector<16xi32>,
    %add3A_1742 = arith.constant 0 : i32
    %add3A_1743 = arith.addi %mul3A_2, %add3A_1742 : i32
    %add3A_1744 = arith.constant 96 : i32
    %add3A_1745 = arith.addi %add3A_1743, %add3A_1744 : i32
    %add3A_1746 = arith.constant 1 : i32
    %add3A_1747 = arith.addi %add3A_1745, %add3A_1746 : i32
    %broadcast_in_dim3A_1748 = vector.broadcast %add3A_1747 : i32 to vector<16xi32>
    %iota3A_1749 = tpu.iota {dimensions = array<i32: 0>} : vector<16xi32>
    %add3A_1750 = arith.addi %broadcast_in_dim3A_1748, %iota3A_1749 : vector<16xi32>
    %broadcast_in_dim3A_1751 = arith.constant 26 : i32
    %broadcast_in_dim3A_1752 = vector.broadcast %broadcast_in_dim3A_1751 : i32 to vector<16xi32>
    %shift_right_logical3A_1753 = arith.shrui %get3A_1741, %broadcast_in_dim3A_1752 : vector<16xi32>
    %broadcast_in_dim3A_1754 = arith.constant 67108863 : i32
    %broadcast_in_dim3A_1755 = vector.broadcast %broadcast_in_dim3A_1754 : i32 to vector<16xi32>
    %and3A_1756 = arith.andi %get3A_1741, %broadcast_in_dim3A_1755 : vector<16xi32>
    %mul3A_1757 = arith.muli %shift_right_logical3A_1753, %add3A_1750 : vector<16xi32>
    %ge3A_1758 = arith.cmpi sge, %mul3A_1757, %and3A_1756 : vector<16xi32>
    %jit3A_1759 = arith.constant 0 : i32
    %broadcast_in_dim3A_1760 = vector.broadcast %jit3A_1759 : i32 to vector<16xi32>
    %select_n3A_1761 = arith.select %ge3A_1758, %add3A_1750, %broadcast_in_dim3A_1760 : vector<16xi1>, vector<16xi32>
    %reduce_max3A_1762 = arith.constant true
    %reduce_max3A_1763 = vector.broadcast %reduce_max3A_1762 : i1 to vector<16xi1>
    %reduce_max3A_1764 = arith.constant -2147483648 : i32
    %reduce_max3A_1765 = vector.broadcast %reduce_max3A_1764 : i32 to vector<16xi32>
    %reduce_max3A_1766 = arith.xori %select_n3A_1761, %reduce_max3A_1765 : vector<16xi32>
    %reduce_max3A_1767 = tpu.scan <max>, %reduce_max3A_1766 masked %reduce_max3A_1763 : vector<16xi32>, vector<16xi1> -> vector<16xi32>
    %reduce_max3A_1768 = arith.xori %reduce_max3A_1767, %reduce_max3A_1765 : vector<16xi32>
    %reduce_max3A_1769 = vector.extract %reduce_max3A_1768[15] : i32 from vector<16xi32>
    %max3A_1770 = arith.maxsi %max3A_1735, %reduce_max3A_1769 : i32
    %get3A_1771 = arith.constant 0 : i32
    %get3A_1772 = arith.constant 0 : i32
    %get3A_1773 = tpu.memref_slice %arg12[%get3A_1771, %get3A_1772] : memref<4x128xi32, #tpu.memory_space<vmem>> -> memref<1x128xi32, #tpu.memory_space<vmem>>
    %get3A_1774 = tpu.memref_squeeze %get3A_1773 : memref<1x128xi32, #tpu.memory_space<vmem>> -> memref<128xi32, #tpu.memory_space<vmem>>
    %get3A_1775 = arith.constant 112 : index
    %get3A_1776 = tpu.vector_load %get3A_1774[%get3A_1775] {strides = array<i32>} : memref<128xi32, #tpu.memory_space<vmem>>, vector<16xi32>,
    %add3A_1777 = arith.constant 0 : i32
    %add3A_1778 = arith.addi %mul3A_2, %add3A_1777 : i32
    %add3A_1779 = arith.constant 112 : i32
    %add3A_1780 = arith.addi %add3A_1778, %add3A_1779 : i32
    %add3A_1781 = arith.constant 1 : i32
    %add3A_1782 = arith.addi %add3A_1780, %add3A_1781 : i32
    %broadcast_in_dim3A_1783 = vector.broadcast %add3A_1782 : i32 to vector<16xi32>
    %iota3A_1784 = tpu.iota {dimensions = array<i32: 0>} : vector<16xi32>
    %add3A_1785 = arith.addi %broadcast_in_dim3A_1783, %iota3A_1784 : vector<16xi32>
    %broadcast_in_dim3A_1786 = arith.constant 26 : i32
    %broadcast_in_dim3A_1787 = vector.broadcast %broadcast_in_dim3A_1786 : i32 to vector<16xi32>
    %shift_right_logical3A_1788 = arith.shrui %get3A_1776, %broadcast_in_dim3A_1787 : vector<16xi32>
    %broadcast_in_dim3A_1789 = arith.constant 67108863 : i32
    %broadcast_in_dim3A_1790 = vector.broadcast %broadcast_in_dim3A_1789 : i32 to vector<16xi32>
    %and3A_1791 = arith.andi %get3A_1776, %broadcast_in_dim3A_1790 : vector<16xi32>
    %mul3A_1792 = arith.muli %shift_right_logical3A_1788, %add3A_1785 : vector<16xi32>
    %ge3A_1793 = arith.cmpi sge, %mul3A_1792, %and3A_1791 : vector<16xi32>
    %jit3A_1794 = arith.constant 0 : i32
    %broadcast_in_dim3A_1795 = vector.broadcast %jit3A_1794 : i32 to vector<16xi32>
    %select_n3A_1796 = arith.select %ge3A_1793, %add3A_1785, %broadcast_in_dim3A_1795 : vector<16xi1>, vector<16xi32>
    %reduce_max3A_1797 = arith.constant true
    %reduce_max3A_1798 = vector.broadcast %reduce_max3A_1797 : i1 to vector<16xi1>
    %reduce_max3A_1799 = arith.constant -2147483648 : i32
    %reduce_max3A_1800 = vector.broadcast %reduce_max3A_1799 : i32 to vector<16xi32>
    %reduce_max3A_1801 = arith.xori %select_n3A_1796, %reduce_max3A_1800 : vector<16xi32>
    %reduce_max3A_1802 = tpu.scan <max>, %reduce_max3A_1801 masked %reduce_max3A_1798 : vector<16xi32>, vector<16xi1> -> vector<16xi32>
    %reduce_max3A_1803 = arith.xori %reduce_max3A_1802, %reduce_max3A_1800 : vector<16xi32>
    %reduce_max3A_1804 = vector.extract %reduce_max3A_1803[15] : i32 from vector<16xi32>
    %max3A_1805 = arith.maxsi %max3A_1770, %reduce_max3A_1804 : i32
    %get3A_1806 = arith.constant 1 : i32
    %get3A_1807 = arith.constant 0 : i32
    %get3A_1808 = tpu.memref_slice %arg12[%get3A_1806, %get3A_1807] : memref<4x128xi32, #tpu.memory_space<vmem>> -> memref<1x128xi32, #tpu.memory_space<vmem>>
    %get3A_1809 = tpu.memref_squeeze %get3A_1808 : memref<1x128xi32, #tpu.memory_space<vmem>> -> memref<128xi32, #tpu.memory_space<vmem>>
    %get3A_1810 = arith.constant 0 : index
    %get3A_1811 = tpu.vector_load %get3A_1809[%get3A_1810] {strides = array<i32>} : memref<128xi32, #tpu.memory_space<vmem>>, vector<16xi32>,
    %add3A_1812 = arith.constant 128 : i32
    %add3A_1813 = arith.addi %mul3A_2, %add3A_1812 : i32
    %add3A_1814 = arith.constant 0 : i32
    %add3A_1815 = arith.addi %add3A_1813, %add3A_1814 : i32
    %add3A_1816 = arith.constant 1 : i32
    %add3A_1817 = arith.addi %add3A_1815, %add3A_1816 : i32
    %broadcast_in_dim3A_1818 = vector.broadcast %add3A_1817 : i32 to vector<16xi32>
    %iota3A_1819 = tpu.iota {dimensions = array<i32: 0>} : vector<16xi32>
    %add3A_1820 = arith.addi %broadcast_in_dim3A_1818, %iota3A_1819 : vector<16xi32>
    %broadcast_in_dim3A_1821 = arith.constant 26 : i32
    %broadcast_in_dim3A_1822 = vector.broadcast %broadcast_in_dim3A_1821 : i32 to vector<16xi32>
    %shift_right_logical3A_1823 = arith.shrui %get3A_1811, %broadcast_in_dim3A_1822 : vector<16xi32>
    %broadcast_in_dim3A_1824 = arith.constant 67108863 : i32
    %broadcast_in_dim3A_1825 = vector.broadcast %broadcast_in_dim3A_1824 : i32 to vector<16xi32>
    %and3A_1826 = arith.andi %get3A_1811, %broadcast_in_dim3A_1825 : vector<16xi32>
    %mul3A_1827 = arith.muli %shift_right_logical3A_1823, %add3A_1820 : vector<16xi32>
    %ge3A_1828 = arith.cmpi sge, %mul3A_1827, %and3A_1826 : vector<16xi32>
    %jit3A_1829 = arith.constant 0 : i32
    %broadcast_in_dim3A_1830 = vector.broadcast %jit3A_1829 : i32 to vector<16xi32>
    %select_n3A_1831 = arith.select %ge3A_1828, %add3A_1820, %broadcast_in_dim3A_1830 : vector<16xi1>, vector<16xi32>
    %reduce_max3A_1832 = arith.constant true
    %reduce_max3A_1833 = vector.broadcast %reduce_max3A_1832 : i1 to vector<16xi1>
    %reduce_max3A_1834 = arith.constant -2147483648 : i32
    %reduce_max3A_1835 = vector.broadcast %reduce_max3A_1834 : i32 to vector<16xi32>
    %reduce_max3A_1836 = arith.xori %select_n3A_1831, %reduce_max3A_1835 : vector<16xi32>
    %reduce_max3A_1837 = tpu.scan <max>, %reduce_max3A_1836 masked %reduce_max3A_1833 : vector<16xi32>, vector<16xi1> -> vector<16xi32>
    %reduce_max3A_1838 = arith.xori %reduce_max3A_1837, %reduce_max3A_1835 : vector<16xi32>
    %reduce_max3A_1839 = vector.extract %reduce_max3A_1838[15] : i32 from vector<16xi32>
    %max3A_1840 = arith.maxsi %max3A_1805, %reduce_max3A_1839 : i32
    %get3A_1841 = arith.constant 1 : i32
    %get3A_1842 = arith.constant 0 : i32
    %get3A_1843 = tpu.memref_slice %arg12[%get3A_1841, %get3A_1842] : memref<4x128xi32, #tpu.memory_space<vmem>> -> memref<1x128xi32, #tpu.memory_space<vmem>>
    %get3A_1844 = tpu.memref_squeeze %get3A_1843 : memref<1x128xi32, #tpu.memory_space<vmem>> -> memref<128xi32, #tpu.memory_space<vmem>>
    %get3A_1845 = arith.constant 16 : index
    %get3A_1846 = tpu.vector_load %get3A_1844[%get3A_1845] {strides = array<i32>} : memref<128xi32, #tpu.memory_space<vmem>>, vector<16xi32>,
    %add3A_1847 = arith.constant 128 : i32
    %add3A_1848 = arith.addi %mul3A_2, %add3A_1847 : i32
    %add3A_1849 = arith.constant 16 : i32
    %add3A_1850 = arith.addi %add3A_1848, %add3A_1849 : i32
    %add3A_1851 = arith.constant 1 : i32
    %add3A_1852 = arith.addi %add3A_1850, %add3A_1851 : i32
    %broadcast_in_dim3A_1853 = vector.broadcast %add3A_1852 : i32 to vector<16xi32>
    %iota3A_1854 = tpu.iota {dimensions = array<i32: 0>} : vector<16xi32>
    %add3A_1855 = arith.addi %broadcast_in_dim3A_1853, %iota3A_1854 : vector<16xi32>
    %broadcast_in_dim3A_1856 = arith.constant 26 : i32
    %broadcast_in_dim3A_1857 = vector.broadcast %broadcast_in_dim3A_1856 : i32 to vector<16xi32>
    %shift_right_logical3A_1858 = arith.shrui %get3A_1846, %broadcast_in_dim3A_1857 : vector<16xi32>
    %broadcast_in_dim3A_1859 = arith.constant 67108863 : i32
    %broadcast_in_dim3A_1860 = vector.broadcast %broadcast_in_dim3A_1859 : i32 to vector<16xi32>
    %and3A_1861 = arith.andi %get3A_1846, %broadcast_in_dim3A_1860 : vector<16xi32>
    %mul3A_1862 = arith.muli %shift_right_logical3A_1858, %add3A_1855 : vector<16xi32>
    %ge3A_1863 = arith.cmpi sge, %mul3A_1862, %and3A_1861 : vector<16xi32>
    %jit3A_1864 = arith.constant 0 : i32
    %broadcast_in_dim3A_1865 = vector.broadcast %jit3A_1864 : i32 to vector<16xi32>
    %select_n3A_1866 = arith.select %ge3A_1863, %add3A_1855, %broadcast_in_dim3A_1865 : vector<16xi1>, vector<16xi32>
    %reduce_max3A_1867 = arith.constant true
    %reduce_max3A_1868 = vector.broadcast %reduce_max3A_1867 : i1 to vector<16xi1>
    %reduce_max3A_1869 = arith.constant -2147483648 : i32
    %reduce_max3A_1870 = vector.broadcast %reduce_max3A_1869 : i32 to vector<16xi32>
    %reduce_max3A_1871 = arith.xori %select_n3A_1866, %reduce_max3A_1870 : vector<16xi32>
    %reduce_max3A_1872 = tpu.scan <max>, %reduce_max3A_1871 masked %reduce_max3A_1868 : vector<16xi32>, vector<16xi1> -> vector<16xi32>
    %reduce_max3A_1873 = arith.xori %reduce_max3A_1872, %reduce_max3A_1870 : vector<16xi32>
    %reduce_max3A_1874 = vector.extract %reduce_max3A_1873[15] : i32 from vector<16xi32>
    %max3A_1875 = arith.maxsi %max3A_1840, %reduce_max3A_1874 : i32
    %get3A_1876 = arith.constant 1 : i32
    %get3A_1877 = arith.constant 0 : i32
    %get3A_1878 = tpu.memref_slice %arg12[%get3A_1876, %get3A_1877] : memref<4x128xi32, #tpu.memory_space<vmem>> -> memref<1x128xi32, #tpu.memory_space<vmem>>
    %get3A_1879 = tpu.memref_squeeze %get3A_1878 : memref<1x128xi32, #tpu.memory_space<vmem>> -> memref<128xi32, #tpu.memory_space<vmem>>
    %get3A_1880 = arith.constant 32 : index
    %get3A_1881 = tpu.vector_load %get3A_1879[%get3A_1880] {strides = array<i32>} : memref<128xi32, #tpu.memory_space<vmem>>, vector<16xi32>,
    %add3A_1882 = arith.constant 128 : i32
    %add3A_1883 = arith.addi %mul3A_2, %add3A_1882 : i32
    %add3A_1884 = arith.constant 32 : i32
    %add3A_1885 = arith.addi %add3A_1883, %add3A_1884 : i32
    %add3A_1886 = arith.constant 1 : i32
    %add3A_1887 = arith.addi %add3A_1885, %add3A_1886 : i32
    %broadcast_in_dim3A_1888 = vector.broadcast %add3A_1887 : i32 to vector<16xi32>
    %iota3A_1889 = tpu.iota {dimensions = array<i32: 0>} : vector<16xi32>
    %add3A_1890 = arith.addi %broadcast_in_dim3A_1888, %iota3A_1889 : vector<16xi32>
    %broadcast_in_dim3A_1891 = arith.constant 26 : i32
    %broadcast_in_dim3A_1892 = vector.broadcast %broadcast_in_dim3A_1891 : i32 to vector<16xi32>
    %shift_right_logical3A_1893 = arith.shrui %get3A_1881, %broadcast_in_dim3A_1892 : vector<16xi32>
    %broadcast_in_dim3A_1894 = arith.constant 67108863 : i32
    %broadcast_in_dim3A_1895 = vector.broadcast %broadcast_in_dim3A_1894 : i32 to vector<16xi32>
    %and3A_1896 = arith.andi %get3A_1881, %broadcast_in_dim3A_1895 : vector<16xi32>
    %mul3A_1897 = arith.muli %shift_right_logical3A_1893, %add3A_1890 : vector<16xi32>
    %ge3A_1898 = arith.cmpi sge, %mul3A_1897, %and3A_1896 : vector<16xi32>
    %jit3A_1899 = arith.constant 0 : i32
    %broadcast_in_dim3A_1900 = vector.broadcast %jit3A_1899 : i32 to vector<16xi32>
    %select_n3A_1901 = arith.select %ge3A_1898, %add3A_1890, %broadcast_in_dim3A_1900 : vector<16xi1>, vector<16xi32>
    %reduce_max3A_1902 = arith.constant true
    %reduce_max3A_1903 = vector.broadcast %reduce_max3A_1902 : i1 to vector<16xi1>
    %reduce_max3A_1904 = arith.constant -2147483648 : i32
    %reduce_max3A_1905 = vector.broadcast %reduce_max3A_1904 : i32 to vector<16xi32>
    %reduce_max3A_1906 = arith.xori %select_n3A_1901, %reduce_max3A_1905 : vector<16xi32>
    %reduce_max3A_1907 = tpu.scan <max>, %reduce_max3A_1906 masked %reduce_max3A_1903 : vector<16xi32>, vector<16xi1> -> vector<16xi32>
    %reduce_max3A_1908 = arith.xori %reduce_max3A_1907, %reduce_max3A_1905 : vector<16xi32>
    %reduce_max3A_1909 = vector.extract %reduce_max3A_1908[15] : i32 from vector<16xi32>
    %max3A_1910 = arith.maxsi %max3A_1875, %reduce_max3A_1909 : i32
    %get3A_1911 = arith.constant 1 : i32
    %get3A_1912 = arith.constant 0 : i32
    %get3A_1913 = tpu.memref_slice %arg12[%get3A_1911, %get3A_1912] : memref<4x128xi32, #tpu.memory_space<vmem>> -> memref<1x128xi32, #tpu.memory_space<vmem>>
    %get3A_1914 = tpu.memref_squeeze %get3A_1913 : memref<1x128xi32, #tpu.memory_space<vmem>> -> memref<128xi32, #tpu.memory_space<vmem>>
    %get3A_1915 = arith.constant 48 : index
    %get3A_1916 = tpu.vector_load %get3A_1914[%get3A_1915] {strides = array<i32>} : memref<128xi32, #tpu.memory_space<vmem>>, vector<16xi32>,
    %add3A_1917 = arith.constant 128 : i32
    %add3A_1918 = arith.addi %mul3A_2, %add3A_1917 : i32
    %add3A_1919 = arith.constant 48 : i32
    %add3A_1920 = arith.addi %add3A_1918, %add3A_1919 : i32
    %add3A_1921 = arith.constant 1 : i32
    %add3A_1922 = arith.addi %add3A_1920, %add3A_1921 : i32
    %broadcast_in_dim3A_1923 = vector.broadcast %add3A_1922 : i32 to vector<16xi32>
    %iota3A_1924 = tpu.iota {dimensions = array<i32: 0>} : vector<16xi32>
    %add3A_1925 = arith.addi %broadcast_in_dim3A_1923, %iota3A_1924 : vector<16xi32>
    %broadcast_in_dim3A_1926 = arith.constant 26 : i32
    %broadcast_in_dim3A_1927 = vector.broadcast %broadcast_in_dim3A_1926 : i32 to vector<16xi32>
    %shift_right_logical3A_1928 = arith.shrui %get3A_1916, %broadcast_in_dim3A_1927 : vector<16xi32>
    %broadcast_in_dim3A_1929 = arith.constant 67108863 : i32
    %broadcast_in_dim3A_1930 = vector.broadcast %broadcast_in_dim3A_1929 : i32 to vector<16xi32>
    %and3A_1931 = arith.andi %get3A_1916, %broadcast_in_dim3A_1930 : vector<16xi32>
    %mul3A_1932 = arith.muli %shift_right_logical3A_1928, %add3A_1925 : vector<16xi32>
    %ge3A_1933 = arith.cmpi sge, %mul3A_1932, %and3A_1931 : vector<16xi32>
    %jit3A_1934 = arith.constant 0 : i32
    %broadcast_in_dim3A_1935 = vector.broadcast %jit3A_1934 : i32 to vector<16xi32>
    %select_n3A_1936 = arith.select %ge3A_1933, %add3A_1925, %broadcast_in_dim3A_1935 : vector<16xi1>, vector<16xi32>
    %reduce_max3A_1937 = arith.constant true
    %reduce_max3A_1938 = vector.broadcast %reduce_max3A_1937 : i1 to vector<16xi1>
    %reduce_max3A_1939 = arith.constant -2147483648 : i32
    %reduce_max3A_1940 = vector.broadcast %reduce_max3A_1939 : i32 to vector<16xi32>
    %reduce_max3A_1941 = arith.xori %select_n3A_1936, %reduce_max3A_1940 : vector<16xi32>
    %reduce_max3A_1942 = tpu.scan <max>, %reduce_max3A_1941 masked %reduce_max3A_1938 : vector<16xi32>, vector<16xi1> -> vector<16xi32>
    %reduce_max3A_1943 = arith.xori %reduce_max3A_1942, %reduce_max3A_1940 : vector<16xi32>
    %reduce_max3A_1944 = vector.extract %reduce_max3A_1943[15] : i32 from vector<16xi32>
    %max3A_1945 = arith.maxsi %max3A_1910, %reduce_max3A_1944 : i32
    %get3A_1946 = arith.constant 1 : i32
    %get3A_1947 = arith.constant 0 : i32
    %get3A_1948 = tpu.memref_slice %arg12[%get3A_1946, %get3A_1947] : memref<4x128xi32, #tpu.memory_space<vmem>> -> memref<1x128xi32, #tpu.memory_space<vmem>>
    %get3A_1949 = tpu.memref_squeeze %get3A_1948 : memref<1x128xi32, #tpu.memory_space<vmem>> -> memref<128xi32, #tpu.memory_space<vmem>>
    %get3A_1950 = arith.constant 64 : index
    %get3A_1951 = tpu.vector_load %get3A_1949[%get3A_1950] {strides = array<i32>} : memref<128xi32, #tpu.memory_space<vmem>>, vector<16xi32>,
    %add3A_1952 = arith.constant 128 : i32
    %add3A_1953 = arith.addi %mul3A_2, %add3A_1952 : i32
    %add3A_1954 = arith.constant 64 : i32
    %add3A_1955 = arith.addi %add3A_1953, %add3A_1954 : i32
    %add3A_1956 = arith.constant 1 : i32
    %add3A_1957 = arith.addi %add3A_1955, %add3A_1956 : i32
    %broadcast_in_dim3A_1958 = vector.broadcast %add3A_1957 : i32 to vector<16xi32>
    %iota3A_1959 = tpu.iota {dimensions = array<i32: 0>} : vector<16xi32>
    %add3A_1960 = arith.addi %broadcast_in_dim3A_1958, %iota3A_1959 : vector<16xi32>
    %broadcast_in_dim3A_1961 = arith.constant 26 : i32
    %broadcast_in_dim3A_1962 = vector.broadcast %broadcast_in_dim3A_1961 : i32 to vector<16xi32>
    %shift_right_logical3A_1963 = arith.shrui %get3A_1951, %broadcast_in_dim3A_1962 : vector<16xi32>
    %broadcast_in_dim3A_1964 = arith.constant 67108863 : i32
    %broadcast_in_dim3A_1965 = vector.broadcast %broadcast_in_dim3A_1964 : i32 to vector<16xi32>
    %and3A_1966 = arith.andi %get3A_1951, %broadcast_in_dim3A_1965 : vector<16xi32>
    %mul3A_1967 = arith.muli %shift_right_logical3A_1963, %add3A_1960 : vector<16xi32>
    %ge3A_1968 = arith.cmpi sge, %mul3A_1967, %and3A_1966 : vector<16xi32>
    %jit3A_1969 = arith.constant 0 : i32
    %broadcast_in_dim3A_1970 = vector.broadcast %jit3A_1969 : i32 to vector<16xi32>
    %select_n3A_1971 = arith.select %ge3A_1968, %add3A_1960, %broadcast_in_dim3A_1970 : vector<16xi1>, vector<16xi32>
    %reduce_max3A_1972 = arith.constant true
    %reduce_max3A_1973 = vector.broadcast %reduce_max3A_1972 : i1 to vector<16xi1>
    %reduce_max3A_1974 = arith.constant -2147483648 : i32
    %reduce_max3A_1975 = vector.broadcast %reduce_max3A_1974 : i32 to vector<16xi32>
    %reduce_max3A_1976 = arith.xori %select_n3A_1971, %reduce_max3A_1975 : vector<16xi32>
    %reduce_max3A_1977 = tpu.scan <max>, %reduce_max3A_1976 masked %reduce_max3A_1973 : vector<16xi32>, vector<16xi1> -> vector<16xi32>
    %reduce_max3A_1978 = arith.xori %reduce_max3A_1977, %reduce_max3A_1975 : vector<16xi32>
    %reduce_max3A_1979 = vector.extract %reduce_max3A_1978[15] : i32 from vector<16xi32>
    %max3A_1980 = arith.maxsi %max3A_1945, %reduce_max3A_1979 : i32
    %get3A_1981 = arith.constant 1 : i32
    %get3A_1982 = arith.constant 0 : i32
    %get3A_1983 = tpu.memref_slice %arg12[%get3A_1981, %get3A_1982] : memref<4x128xi32, #tpu.memory_space<vmem>> -> memref<1x128xi32, #tpu.memory_space<vmem>>
    %get3A_1984 = tpu.memref_squeeze %get3A_1983 : memref<1x128xi32, #tpu.memory_space<vmem>> -> memref<128xi32, #tpu.memory_space<vmem>>
    %get3A_1985 = arith.constant 80 : index
    %get3A_1986 = tpu.vector_load %get3A_1984[%get3A_1985] {strides = array<i32>} : memref<128xi32, #tpu.memory_space<vmem>>, vector<16xi32>,
    %add3A_1987 = arith.constant 128 : i32
    %add3A_1988 = arith.addi %mul3A_2, %add3A_1987 : i32
    %add3A_1989 = arith.constant 80 : i32
    %add3A_1990 = arith.addi %add3A_1988, %add3A_1989 : i32
    %add3A_1991 = arith.constant 1 : i32
    %add3A_1992 = arith.addi %add3A_1990, %add3A_1991 : i32
    %broadcast_in_dim3A_1993 = vector.broadcast %add3A_1992 : i32 to vector<16xi32>
    %iota3A_1994 = tpu.iota {dimensions = array<i32: 0>} : vector<16xi32>
    %add3A_1995 = arith.addi %broadcast_in_dim3A_1993, %iota3A_1994 : vector<16xi32>
    %broadcast_in_dim3A_1996 = arith.constant 26 : i32
    %broadcast_in_dim3A_1997 = vector.broadcast %broadcast_in_dim3A_1996 : i32 to vector<16xi32>
    %shift_right_logical3A_1998 = arith.shrui %get3A_1986, %broadcast_in_dim3A_1997 : vector<16xi32>
    %broadcast_in_dim3A_1999 = arith.constant 67108863 : i32
    %broadcast_in_dim3A_2000 = vector.broadcast %broadcast_in_dim3A_1999 : i32 to vector<16xi32>
    %and3A_2001 = arith.andi %get3A_1986, %broadcast_in_dim3A_2000 : vector<16xi32>
    %mul3A_2002 = arith.muli %shift_right_logical3A_1998, %add3A_1995 : vector<16xi32>
    %ge3A_2003 = arith.cmpi sge, %mul3A_2002, %and3A_2001 : vector<16xi32>
    %jit3A_2004 = arith.constant 0 : i32
    %broadcast_in_dim3A_2005 = vector.broadcast %jit3A_2004 : i32 to vector<16xi32>
    %select_n3A_2006 = arith.select %ge3A_2003, %add3A_1995, %broadcast_in_dim3A_2005 : vector<16xi1>, vector<16xi32>
    %reduce_max3A_2007 = arith.constant true
    %reduce_max3A_2008 = vector.broadcast %reduce_max3A_2007 : i1 to vector<16xi1>
    %reduce_max3A_2009 = arith.constant -2147483648 : i32
    %reduce_max3A_2010 = vector.broadcast %reduce_max3A_2009 : i32 to vector<16xi32>
    %reduce_max3A_2011 = arith.xori %select_n3A_2006, %reduce_max3A_2010 : vector<16xi32>
    %reduce_max3A_2012 = tpu.scan <max>, %reduce_max3A_2011 masked %reduce_max3A_2008 : vector<16xi32>, vector<16xi1> -> vector<16xi32>
    %reduce_max3A_2013 = arith.xori %reduce_max3A_2012, %reduce_max3A_2010 : vector<16xi32>
    %reduce_max3A_2014 = vector.extract %reduce_max3A_2013[15] : i32 from vector<16xi32>
    %max3A_2015 = arith.maxsi %max3A_1980, %reduce_max3A_2014 : i32
    %get3A_2016 = arith.constant 1 : i32
    %get3A_2017 = arith.constant 0 : i32
    %get3A_2018 = tpu.memref_slice %arg12[%get3A_2016, %get3A_2017] : memref<4x128xi32, #tpu.memory_space<vmem>> -> memref<1x128xi32, #tpu.memory_space<vmem>>
    %get3A_2019 = tpu.memref_squeeze %get3A_2018 : memref<1x128xi32, #tpu.memory_space<vmem>> -> memref<128xi32, #tpu.memory_space<vmem>>
    %get3A_2020 = arith.constant 96 : index
    %get3A_2021 = tpu.vector_load %get3A_2019[%get3A_2020] {strides = array<i32>} : memref<128xi32, #tpu.memory_space<vmem>>, vector<16xi32>,
    %add3A_2022 = arith.constant 128 : i32
    %add3A_2023 = arith.addi %mul3A_2, %add3A_2022 : i32
    %add3A_2024 = arith.constant 96 : i32
    %add3A_2025 = arith.addi %add3A_2023, %add3A_2024 : i32
    %add3A_2026 = arith.constant 1 : i32
    %add3A_2027 = arith.addi %add3A_2025, %add3A_2026 : i32
    %broadcast_in_dim3A_2028 = vector.broadcast %add3A_2027 : i32 to vector<16xi32>
    %iota3A_2029 = tpu.iota {dimensions = array<i32: 0>} : vector<16xi32>
    %add3A_2030 = arith.addi %broadcast_in_dim3A_2028, %iota3A_2029 : vector<16xi32>
    %broadcast_in_dim3A_2031 = arith.constant 26 : i32
    %broadcast_in_dim3A_2032 = vector.broadcast %broadcast_in_dim3A_2031 : i32 to vector<16xi32>
    %shift_right_logical3A_2033 = arith.shrui %get3A_2021, %broadcast_in_dim3A_2032 : vector<16xi32>
    %broadcast_in_dim3A_2034 = arith.constant 67108863 : i32
    %broadcast_in_dim3A_2035 = vector.broadcast %broadcast_in_dim3A_2034 : i32 to vector<16xi32>
    %and3A_2036 = arith.andi %get3A_2021, %broadcast_in_dim3A_2035 : vector<16xi32>
    %mul3A_2037 = arith.muli %shift_right_logical3A_2033, %add3A_2030 : vector<16xi32>
    %ge3A_2038 = arith.cmpi sge, %mul3A_2037, %and3A_2036 : vector<16xi32>
    %jit3A_2039 = arith.constant 0 : i32
    %broadcast_in_dim3A_2040 = vector.broadcast %jit3A_2039 : i32 to vector<16xi32>
    %select_n3A_2041 = arith.select %ge3A_2038, %add3A_2030, %broadcast_in_dim3A_2040 : vector<16xi1>, vector<16xi32>
    %reduce_max3A_2042 = arith.constant true
    %reduce_max3A_2043 = vector.broadcast %reduce_max3A_2042 : i1 to vector<16xi1>
    %reduce_max3A_2044 = arith.constant -2147483648 : i32
    %reduce_max3A_2045 = vector.broadcast %reduce_max3A_2044 : i32 to vector<16xi32>
    %reduce_max3A_2046 = arith.xori %select_n3A_2041, %reduce_max3A_2045 : vector<16xi32>
    %reduce_max3A_2047 = tpu.scan <max>, %reduce_max3A_2046 masked %reduce_max3A_2043 : vector<16xi32>, vector<16xi1> -> vector<16xi32>
    %reduce_max3A_2048 = arith.xori %reduce_max3A_2047, %reduce_max3A_2045 : vector<16xi32>
    %reduce_max3A_2049 = vector.extract %reduce_max3A_2048[15] : i32 from vector<16xi32>
    %max3A_2050 = arith.maxsi %max3A_2015, %reduce_max3A_2049 : i32
    %get3A_2051 = arith.constant 1 : i32
    %get3A_2052 = arith.constant 0 : i32
    %get3A_2053 = tpu.memref_slice %arg12[%get3A_2051, %get3A_2052] : memref<4x128xi32, #tpu.memory_space<vmem>> -> memref<1x128xi32, #tpu.memory_space<vmem>>
    %get3A_2054 = tpu.memref_squeeze %get3A_2053 : memref<1x128xi32, #tpu.memory_space<vmem>> -> memref<128xi32, #tpu.memory_space<vmem>>
    %get3A_2055 = arith.constant 112 : index
    %get3A_2056 = tpu.vector_load %get3A_2054[%get3A_2055] {strides = array<i32>} : memref<128xi32, #tpu.memory_space<vmem>>, vector<16xi32>,
    %add3A_2057 = arith.constant 128 : i32
    %add3A_2058 = arith.addi %mul3A_2, %add3A_2057 : i32
    %add3A_2059 = arith.constant 112 : i32
    %add3A_2060 = arith.addi %add3A_2058, %add3A_2059 : i32
    %add3A_2061 = arith.constant 1 : i32
    %add3A_2062 = arith.addi %add3A_2060, %add3A_2061 : i32
    %broadcast_in_dim3A_2063 = vector.broadcast %add3A_2062 : i32 to vector<16xi32>
    %iota3A_2064 = tpu.iota {dimensions = array<i32: 0>} : vector<16xi32>
    %add3A_2065 = arith.addi %broadcast_in_dim3A_2063, %iota3A_2064 : vector<16xi32>
    %broadcast_in_dim3A_2066 = arith.constant 26 : i32
    %broadcast_in_dim3A_2067 = vector.broadcast %broadcast_in_dim3A_2066 : i32 to vector<16xi32>
    %shift_right_logical3A_2068 = arith.shrui %get3A_2056, %broadcast_in_dim3A_2067 : vector<16xi32>
    %broadcast_in_dim3A_2069 = arith.constant 67108863 : i32
    %broadcast_in_dim3A_2070 = vector.broadcast %broadcast_in_dim3A_2069 : i32 to vector<16xi32>
    %and3A_2071 = arith.andi %get3A_2056, %broadcast_in_dim3A_2070 : vector<16xi32>
    %mul3A_2072 = arith.muli %shift_right_logical3A_2068, %add3A_2065 : vector<16xi32>
    %ge3A_2073 = arith.cmpi sge, %mul3A_2072, %and3A_2071 : vector<16xi32>
    %jit3A_2074 = arith.constant 0 : i32
    %broadcast_in_dim3A_2075 = vector.broadcast %jit3A_2074 : i32 to vector<16xi32>
    %select_n3A_2076 = arith.select %ge3A_2073, %add3A_2065, %broadcast_in_dim3A_2075 : vector<16xi1>, vector<16xi32>
    %reduce_max3A_2077 = arith.constant true
    %reduce_max3A_2078 = vector.broadcast %reduce_max3A_2077 : i1 to vector<16xi1>
    %reduce_max3A_2079 = arith.constant -2147483648 : i32
    %reduce_max3A_2080 = vector.broadcast %reduce_max3A_2079 : i32 to vector<16xi32>
    %reduce_max3A_2081 = arith.xori %select_n3A_2076, %reduce_max3A_2080 : vector<16xi32>
    %reduce_max3A_2082 = tpu.scan <max>, %reduce_max3A_2081 masked %reduce_max3A_2078 : vector<16xi32>, vector<16xi1> -> vector<16xi32>
    %reduce_max3A_2083 = arith.xori %reduce_max3A_2082, %reduce_max3A_2080 : vector<16xi32>
    %reduce_max3A_2084 = vector.extract %reduce_max3A_2083[15] : i32 from vector<16xi32>
    %max3A_2085 = arith.maxsi %max3A_2050, %reduce_max3A_2084 : i32
    %get3A_2086 = arith.constant 2 : i32
    %get3A_2087 = arith.constant 0 : i32
    %get3A_2088 = tpu.memref_slice %arg12[%get3A_2086, %get3A_2087] : memref<4x128xi32, #tpu.memory_space<vmem>> -> memref<1x128xi32, #tpu.memory_space<vmem>>
    %get3A_2089 = tpu.memref_squeeze %get3A_2088 : memref<1x128xi32, #tpu.memory_space<vmem>> -> memref<128xi32, #tpu.memory_space<vmem>>
    %get3A_2090 = arith.constant 0 : index
    %get3A_2091 = tpu.vector_load %get3A_2089[%get3A_2090] {strides = array<i32>} : memref<128xi32, #tpu.memory_space<vmem>>, vector<16xi32>,
    %add3A_2092 = arith.constant 256 : i32
    %add3A_2093 = arith.addi %mul3A_2, %add3A_2092 : i32
    %add3A_2094 = arith.constant 0 : i32
    %add3A_2095 = arith.addi %add3A_2093, %add3A_2094 : i32
    %add3A_2096 = arith.constant 1 : i32
    %add3A_2097 = arith.addi %add3A_2095, %add3A_2096 : i32
    %broadcast_in_dim3A_2098 = vector.broadcast %add3A_2097 : i32 to vector<16xi32>
    %iota3A_2099 = tpu.iota {dimensions = array<i32: 0>} : vector<16xi32>
    %add3A_2100 = arith.addi %broadcast_in_dim3A_2098, %iota3A_2099 : vector<16xi32>
    %broadcast_in_dim3A_2101 = arith.constant 26 : i32
    %broadcast_in_dim3A_2102 = vector.broadcast %broadcast_in_dim3A_2101 : i32 to vector<16xi32>
    %shift_right_logical3A_2103 = arith.shrui %get3A_2091, %broadcast_in_dim3A_2102 : vector<16xi32>
    %broadcast_in_dim3A_2104 = arith.constant 67108863 : i32
    %broadcast_in_dim3A_2105 = vector.broadcast %broadcast_in_dim3A_2104 : i32 to vector<16xi32>
    %and3A_2106 = arith.andi %get3A_2091, %broadcast_in_dim3A_2105 : vector<16xi32>
    %mul3A_2107 = arith.muli %shift_right_logical3A_2103, %add3A_2100 : vector<16xi32>
    %ge3A_2108 = arith.cmpi sge, %mul3A_2107, %and3A_2106 : vector<16xi32>
    %jit3A_2109 = arith.constant 0 : i32
    %broadcast_in_dim3A_2110 = vector.broadcast %jit3A_2109 : i32 to vector<16xi32>
    %select_n3A_2111 = arith.select %ge3A_2108, %add3A_2100, %broadcast_in_dim3A_2110 : vector<16xi1>, vector<16xi32>
    %reduce_max3A_2112 = arith.constant true
    %reduce_max3A_2113 = vector.broadcast %reduce_max3A_2112 : i1 to vector<16xi1>
    %reduce_max3A_2114 = arith.constant -2147483648 : i32
    %reduce_max3A_2115 = vector.broadcast %reduce_max3A_2114 : i32 to vector<16xi32>
    %reduce_max3A_2116 = arith.xori %select_n3A_2111, %reduce_max3A_2115 : vector<16xi32>
    %reduce_max3A_2117 = tpu.scan <max>, %reduce_max3A_2116 masked %reduce_max3A_2113 : vector<16xi32>, vector<16xi1> -> vector<16xi32>
    %reduce_max3A_2118 = arith.xori %reduce_max3A_2117, %reduce_max3A_2115 : vector<16xi32>
    %reduce_max3A_2119 = vector.extract %reduce_max3A_2118[15] : i32 from vector<16xi32>
    %max3A_2120 = arith.maxsi %max3A_2085, %reduce_max3A_2119 : i32
    %get3A_2121 = arith.constant 2 : i32
    %get3A_2122 = arith.constant 0 : i32
    %get3A_2123 = tpu.memref_slice %arg12[%get3A_2121, %get3A_2122] : memref<4x128xi32, #tpu.memory_space<vmem>> -> memref<1x128xi32, #tpu.memory_space<vmem>>
    %get3A_2124 = tpu.memref_squeeze %get3A_2123 : memref<1x128xi32, #tpu.memory_space<vmem>> -> memref<128xi32, #tpu.memory_space<vmem>>
    %get3A_2125 = arith.constant 16 : index
    %get3A_2126 = tpu.vector_load %get3A_2124[%get3A_2125] {strides = array<i32>} : memref<128xi32, #tpu.memory_space<vmem>>, vector<16xi32>,
    %add3A_2127 = arith.constant 256 : i32
    %add3A_2128 = arith.addi %mul3A_2, %add3A_2127 : i32
    %add3A_2129 = arith.constant 16 : i32
    %add3A_2130 = arith.addi %add3A_2128, %add3A_2129 : i32
    %add3A_2131 = arith.constant 1 : i32
    %add3A_2132 = arith.addi %add3A_2130, %add3A_2131 : i32
    %broadcast_in_dim3A_2133 = vector.broadcast %add3A_2132 : i32 to vector<16xi32>
    %iota3A_2134 = tpu.iota {dimensions = array<i32: 0>} : vector<16xi32>
    %add3A_2135 = arith.addi %broadcast_in_dim3A_2133, %iota3A_2134 : vector<16xi32>
    %broadcast_in_dim3A_2136 = arith.constant 26 : i32
    %broadcast_in_dim3A_2137 = vector.broadcast %broadcast_in_dim3A_2136 : i32 to vector<16xi32>
    %shift_right_logical3A_2138 = arith.shrui %get3A_2126, %broadcast_in_dim3A_2137 : vector<16xi32>
    %broadcast_in_dim3A_2139 = arith.constant 67108863 : i32
    %broadcast_in_dim3A_2140 = vector.broadcast %broadcast_in_dim3A_2139 : i32 to vector<16xi32>
    %and3A_2141 = arith.andi %get3A_2126, %broadcast_in_dim3A_2140 : vector<16xi32>
    %mul3A_2142 = arith.muli %shift_right_logical3A_2138, %add3A_2135 : vector<16xi32>
    %ge3A_2143 = arith.cmpi sge, %mul3A_2142, %and3A_2141 : vector<16xi32>
    %jit3A_2144 = arith.constant 0 : i32
    %broadcast_in_dim3A_2145 = vector.broadcast %jit3A_2144 : i32 to vector<16xi32>
    %select_n3A_2146 = arith.select %ge3A_2143, %add3A_2135, %broadcast_in_dim3A_2145 : vector<16xi1>, vector<16xi32>
    %reduce_max3A_2147 = arith.constant true
    %reduce_max3A_2148 = vector.broadcast %reduce_max3A_2147 : i1 to vector<16xi1>
    %reduce_max3A_2149 = arith.constant -2147483648 : i32
    %reduce_max3A_2150 = vector.broadcast %reduce_max3A_2149 : i32 to vector<16xi32>
    %reduce_max3A_2151 = arith.xori %select_n3A_2146, %reduce_max3A_2150 : vector<16xi32>
    %reduce_max3A_2152 = tpu.scan <max>, %reduce_max3A_2151 masked %reduce_max3A_2148 : vector<16xi32>, vector<16xi1> -> vector<16xi32>
    %reduce_max3A_2153 = arith.xori %reduce_max3A_2152, %reduce_max3A_2150 : vector<16xi32>
    %reduce_max3A_2154 = vector.extract %reduce_max3A_2153[15] : i32 from vector<16xi32>
    %max3A_2155 = arith.maxsi %max3A_2120, %reduce_max3A_2154 : i32
    %get3A_2156 = arith.constant 2 : i32
    %get3A_2157 = arith.constant 0 : i32
    %get3A_2158 = tpu.memref_slice %arg12[%get3A_2156, %get3A_2157] : memref<4x128xi32, #tpu.memory_space<vmem>> -> memref<1x128xi32, #tpu.memory_space<vmem>>
    %get3A_2159 = tpu.memref_squeeze %get3A_2158 : memref<1x128xi32, #tpu.memory_space<vmem>> -> memref<128xi32, #tpu.memory_space<vmem>>
    %get3A_2160 = arith.constant 32 : index
    %get3A_2161 = tpu.vector_load %get3A_2159[%get3A_2160] {strides = array<i32>} : memref<128xi32, #tpu.memory_space<vmem>>, vector<16xi32>,
    %add3A_2162 = arith.constant 256 : i32
    %add3A_2163 = arith.addi %mul3A_2, %add3A_2162 : i32
    %add3A_2164 = arith.constant 32 : i32
    %add3A_2165 = arith.addi %add3A_2163, %add3A_2164 : i32
    %add3A_2166 = arith.constant 1 : i32
    %add3A_2167 = arith.addi %add3A_2165, %add3A_2166 : i32
    %broadcast_in_dim3A_2168 = vector.broadcast %add3A_2167 : i32 to vector<16xi32>
    %iota3A_2169 = tpu.iota {dimensions = array<i32: 0>} : vector<16xi32>
    %add3A_2170 = arith.addi %broadcast_in_dim3A_2168, %iota3A_2169 : vector<16xi32>
    %broadcast_in_dim3A_2171 = arith.constant 26 : i32
    %broadcast_in_dim3A_2172 = vector.broadcast %broadcast_in_dim3A_2171 : i32 to vector<16xi32>
    %shift_right_logical3A_2173 = arith.shrui %get3A_2161, %broadcast_in_dim3A_2172 : vector<16xi32>
    %broadcast_in_dim3A_2174 = arith.constant 67108863 : i32
    %broadcast_in_dim3A_2175 = vector.broadcast %broadcast_in_dim3A_2174 : i32 to vector<16xi32>
    %and3A_2176 = arith.andi %get3A_2161, %broadcast_in_dim3A_2175 : vector<16xi32>
    %mul3A_2177 = arith.muli %shift_right_logical3A_2173, %add3A_2170 : vector<16xi32>
    %ge3A_2178 = arith.cmpi sge, %mul3A_2177, %and3A_2176 : vector<16xi32>
    %jit3A_2179 = arith.constant 0 : i32
    %broadcast_in_dim3A_2180 = vector.broadcast %jit3A_2179 : i32 to vector<16xi32>
    %select_n3A_2181 = arith.select %ge3A_2178, %add3A_2170, %broadcast_in_dim3A_2180 : vector<16xi1>, vector<16xi32>
    %reduce_max3A_2182 = arith.constant true
    %reduce_max3A_2183 = vector.broadcast %reduce_max3A_2182 : i1 to vector<16xi1>
    %reduce_max3A_2184 = arith.constant -2147483648 : i32
    %reduce_max3A_2185 = vector.broadcast %reduce_max3A_2184 : i32 to vector<16xi32>
    %reduce_max3A_2186 = arith.xori %select_n3A_2181, %reduce_max3A_2185 : vector<16xi32>
    %reduce_max3A_2187 = tpu.scan <max>, %reduce_max3A_2186 masked %reduce_max3A_2183 : vector<16xi32>, vector<16xi1> -> vector<16xi32>
    %reduce_max3A_2188 = arith.xori %reduce_max3A_2187, %reduce_max3A_2185 : vector<16xi32>
    %reduce_max3A_2189 = vector.extract %reduce_max3A_2188[15] : i32 from vector<16xi32>
    %max3A_2190 = arith.maxsi %max3A_2155, %reduce_max3A_2189 : i32
    %get3A_2191 = arith.constant 2 : i32
    %get3A_2192 = arith.constant 0 : i32
    %get3A_2193 = tpu.memref_slice %arg12[%get3A_2191, %get3A_2192] : memref<4x128xi32, #tpu.memory_space<vmem>> -> memref<1x128xi32, #tpu.memory_space<vmem>>
    %get3A_2194 = tpu.memref_squeeze %get3A_2193 : memref<1x128xi32, #tpu.memory_space<vmem>> -> memref<128xi32, #tpu.memory_space<vmem>>
    %get3A_2195 = arith.constant 48 : index
    %get3A_2196 = tpu.vector_load %get3A_2194[%get3A_2195] {strides = array<i32>} : memref<128xi32, #tpu.memory_space<vmem>>, vector<16xi32>,
    %add3A_2197 = arith.constant 256 : i32
    %add3A_2198 = arith.addi %mul3A_2, %add3A_2197 : i32
    %add3A_2199 = arith.constant 48 : i32
    %add3A_2200 = arith.addi %add3A_2198, %add3A_2199 : i32
    %add3A_2201 = arith.constant 1 : i32
    %add3A_2202 = arith.addi %add3A_2200, %add3A_2201 : i32
    %broadcast_in_dim3A_2203 = vector.broadcast %add3A_2202 : i32 to vector<16xi32>
    %iota3A_2204 = tpu.iota {dimensions = array<i32: 0>} : vector<16xi32>
    %add3A_2205 = arith.addi %broadcast_in_dim3A_2203, %iota3A_2204 : vector<16xi32>
    %broadcast_in_dim3A_2206 = arith.constant 26 : i32
    %broadcast_in_dim3A_2207 = vector.broadcast %broadcast_in_dim3A_2206 : i32 to vector<16xi32>
    %shift_right_logical3A_2208 = arith.shrui %get3A_2196, %broadcast_in_dim3A_2207 : vector<16xi32>
    %broadcast_in_dim3A_2209 = arith.constant 67108863 : i32
    %broadcast_in_dim3A_2210 = vector.broadcast %broadcast_in_dim3A_2209 : i32 to vector<16xi32>
    %and3A_2211 = arith.andi %get3A_2196, %broadcast_in_dim3A_2210 : vector<16xi32>
    %mul3A_2212 = arith.muli %shift_right_logical3A_2208, %add3A_2205 : vector<16xi32>
    %ge3A_2213 = arith.cmpi sge, %mul3A_2212, %and3A_2211 : vector<16xi32>
    %jit3A_2214 = arith.constant 0 : i32
    %broadcast_in_dim3A_2215 = vector.broadcast %jit3A_2214 : i32 to vector<16xi32>
    %select_n3A_2216 = arith.select %ge3A_2213, %add3A_2205, %broadcast_in_dim3A_2215 : vector<16xi1>, vector<16xi32>
    %reduce_max3A_2217 = arith.constant true
    %reduce_max3A_2218 = vector.broadcast %reduce_max3A_2217 : i1 to vector<16xi1>
    %reduce_max3A_2219 = arith.constant -2147483648 : i32
    %reduce_max3A_2220 = vector.broadcast %reduce_max3A_2219 : i32 to vector<16xi32>
    %reduce_max3A_2221 = arith.xori %select_n3A_2216, %reduce_max3A_2220 : vector<16xi32>
    %reduce_max3A_2222 = tpu.scan <max>, %reduce_max3A_2221 masked %reduce_max3A_2218 : vector<16xi32>, vector<16xi1> -> vector<16xi32>
    %reduce_max3A_2223 = arith.xori %reduce_max3A_2222, %reduce_max3A_2220 : vector<16xi32>
    %reduce_max3A_2224 = vector.extract %reduce_max3A_2223[15] : i32 from vector<16xi32>
    %max3A_2225 = arith.maxsi %max3A_2190, %reduce_max3A_2224 : i32
    %get3A_2226 = arith.constant 2 : i32
    %get3A_2227 = arith.constant 0 : i32
    %get3A_2228 = tpu.memref_slice %arg12[%get3A_2226, %get3A_2227] : memref<4x128xi32, #tpu.memory_space<vmem>> -> memref<1x128xi32, #tpu.memory_space<vmem>>
    %get3A_2229 = tpu.memref_squeeze %get3A_2228 : memref<1x128xi32, #tpu.memory_space<vmem>> -> memref<128xi32, #tpu.memory_space<vmem>>
    %get3A_2230 = arith.constant 64 : index
    %get3A_2231 = tpu.vector_load %get3A_2229[%get3A_2230] {strides = array<i32>} : memref<128xi32, #tpu.memory_space<vmem>>, vector<16xi32>,
    %add3A_2232 = arith.constant 256 : i32
    %add3A_2233 = arith.addi %mul3A_2, %add3A_2232 : i32
    %add3A_2234 = arith.constant 64 : i32
    %add3A_2235 = arith.addi %add3A_2233, %add3A_2234 : i32
    %add3A_2236 = arith.constant 1 : i32
    %add3A_2237 = arith.addi %add3A_2235, %add3A_2236 : i32
    %broadcast_in_dim3A_2238 = vector.broadcast %add3A_2237 : i32 to vector<16xi32>
    %iota3A_2239 = tpu.iota {dimensions = array<i32: 0>} : vector<16xi32>
    %add3A_2240 = arith.addi %broadcast_in_dim3A_2238, %iota3A_2239 : vector<16xi32>
    %broadcast_in_dim3A_2241 = arith.constant 26 : i32
    %broadcast_in_dim3A_2242 = vector.broadcast %broadcast_in_dim3A_2241 : i32 to vector<16xi32>
    %shift_right_logical3A_2243 = arith.shrui %get3A_2231, %broadcast_in_dim3A_2242 : vector<16xi32>
    %broadcast_in_dim3A_2244 = arith.constant 67108863 : i32
    %broadcast_in_dim3A_2245 = vector.broadcast %broadcast_in_dim3A_2244 : i32 to vector<16xi32>
    %and3A_2246 = arith.andi %get3A_2231, %broadcast_in_dim3A_2245 : vector<16xi32>
    %mul3A_2247 = arith.muli %shift_right_logical3A_2243, %add3A_2240 : vector<16xi32>
    %ge3A_2248 = arith.cmpi sge, %mul3A_2247, %and3A_2246 : vector<16xi32>
    %jit3A_2249 = arith.constant 0 : i32
    %broadcast_in_dim3A_2250 = vector.broadcast %jit3A_2249 : i32 to vector<16xi32>
    %select_n3A_2251 = arith.select %ge3A_2248, %add3A_2240, %broadcast_in_dim3A_2250 : vector<16xi1>, vector<16xi32>
    %reduce_max3A_2252 = arith.constant true
    %reduce_max3A_2253 = vector.broadcast %reduce_max3A_2252 : i1 to vector<16xi1>
    %reduce_max3A_2254 = arith.constant -2147483648 : i32
    %reduce_max3A_2255 = vector.broadcast %reduce_max3A_2254 : i32 to vector<16xi32>
    %reduce_max3A_2256 = arith.xori %select_n3A_2251, %reduce_max3A_2255 : vector<16xi32>
    %reduce_max3A_2257 = tpu.scan <max>, %reduce_max3A_2256 masked %reduce_max3A_2253 : vector<16xi32>, vector<16xi1> -> vector<16xi32>
    %reduce_max3A_2258 = arith.xori %reduce_max3A_2257, %reduce_max3A_2255 : vector<16xi32>
    %reduce_max3A_2259 = vector.extract %reduce_max3A_2258[15] : i32 from vector<16xi32>
    %max3A_2260 = arith.maxsi %max3A_2225, %reduce_max3A_2259 : i32
    %get3A_2261 = arith.constant 2 : i32
    %get3A_2262 = arith.constant 0 : i32
    %get3A_2263 = tpu.memref_slice %arg12[%get3A_2261, %get3A_2262] : memref<4x128xi32, #tpu.memory_space<vmem>> -> memref<1x128xi32, #tpu.memory_space<vmem>>
    %get3A_2264 = tpu.memref_squeeze %get3A_2263 : memref<1x128xi32, #tpu.memory_space<vmem>> -> memref<128xi32, #tpu.memory_space<vmem>>
    %get3A_2265 = arith.constant 80 : index
    %get3A_2266 = tpu.vector_load %get3A_2264[%get3A_2265] {strides = array<i32>} : memref<128xi32, #tpu.memory_space<vmem>>, vector<16xi32>,
    %add3A_2267 = arith.constant 256 : i32
    %add3A_2268 = arith.addi %mul3A_2, %add3A_2267 : i32
    %add3A_2269 = arith.constant 80 : i32
    %add3A_2270 = arith.addi %add3A_2268, %add3A_2269 : i32
    %add3A_2271 = arith.constant 1 : i32
    %add3A_2272 = arith.addi %add3A_2270, %add3A_2271 : i32
    %broadcast_in_dim3A_2273 = vector.broadcast %add3A_2272 : i32 to vector<16xi32>
    %iota3A_2274 = tpu.iota {dimensions = array<i32: 0>} : vector<16xi32>
    %add3A_2275 = arith.addi %broadcast_in_dim3A_2273, %iota3A_2274 : vector<16xi32>
    %broadcast_in_dim3A_2276 = arith.constant 26 : i32
    %broadcast_in_dim3A_2277 = vector.broadcast %broadcast_in_dim3A_2276 : i32 to vector<16xi32>
    %shift_right_logical3A_2278 = arith.shrui %get3A_2266, %broadcast_in_dim3A_2277 : vector<16xi32>
    %broadcast_in_dim3A_2279 = arith.constant 67108863 : i32
    %broadcast_in_dim3A_2280 = vector.broadcast %broadcast_in_dim3A_2279 : i32 to vector<16xi32>
    %and3A_2281 = arith.andi %get3A_2266, %broadcast_in_dim3A_2280 : vector<16xi32>
    %mul3A_2282 = arith.muli %shift_right_logical3A_2278, %add3A_2275 : vector<16xi32>
    %ge3A_2283 = arith.cmpi sge, %mul3A_2282, %and3A_2281 : vector<16xi32>
    %jit3A_2284 = arith.constant 0 : i32
    %broadcast_in_dim3A_2285 = vector.broadcast %jit3A_2284 : i32 to vector<16xi32>
    %select_n3A_2286 = arith.select %ge3A_2283, %add3A_2275, %broadcast_in_dim3A_2285 : vector<16xi1>, vector<16xi32>
    %reduce_max3A_2287 = arith.constant true
    %reduce_max3A_2288 = vector.broadcast %reduce_max3A_2287 : i1 to vector<16xi1>
    %reduce_max3A_2289 = arith.constant -2147483648 : i32
    %reduce_max3A_2290 = vector.broadcast %reduce_max3A_2289 : i32 to vector<16xi32>
    %reduce_max3A_2291 = arith.xori %select_n3A_2286, %reduce_max3A_2290 : vector<16xi32>
    %reduce_max3A_2292 = tpu.scan <max>, %reduce_max3A_2291 masked %reduce_max3A_2288 : vector<16xi32>, vector<16xi1> -> vector<16xi32>
    %reduce_max3A_2293 = arith.xori %reduce_max3A_2292, %reduce_max3A_2290 : vector<16xi32>
    %reduce_max3A_2294 = vector.extract %reduce_max3A_2293[15] : i32 from vector<16xi32>
    %max3A_2295 = arith.maxsi %max3A_2260, %reduce_max3A_2294 : i32
    %get3A_2296 = arith.constant 2 : i32
    %get3A_2297 = arith.constant 0 : i32
    %get3A_2298 = tpu.memref_slice %arg12[%get3A_2296, %get3A_2297] : memref<4x128xi32, #tpu.memory_space<vmem>> -> memref<1x128xi32, #tpu.memory_space<vmem>>
    %get3A_2299 = tpu.memref_squeeze %get3A_2298 : memref<1x128xi32, #tpu.memory_space<vmem>> -> memref<128xi32, #tpu.memory_space<vmem>>
    %get3A_2300 = arith.constant 96 : index
    %get3A_2301 = tpu.vector_load %get3A_2299[%get3A_2300] {strides = array<i32>} : memref<128xi32, #tpu.memory_space<vmem>>, vector<16xi32>,
    %add3A_2302 = arith.constant 256 : i32
    %add3A_2303 = arith.addi %mul3A_2, %add3A_2302 : i32
    %add3A_2304 = arith.constant 96 : i32
    %add3A_2305 = arith.addi %add3A_2303, %add3A_2304 : i32
    %add3A_2306 = arith.constant 1 : i32
    %add3A_2307 = arith.addi %add3A_2305, %add3A_2306 : i32
    %broadcast_in_dim3A_2308 = vector.broadcast %add3A_2307 : i32 to vector<16xi32>
    %iota3A_2309 = tpu.iota {dimensions = array<i32: 0>} : vector<16xi32>
    %add3A_2310 = arith.addi %broadcast_in_dim3A_2308, %iota3A_2309 : vector<16xi32>
    %broadcast_in_dim3A_2311 = arith.constant 26 : i32
    %broadcast_in_dim3A_2312 = vector.broadcast %broadcast_in_dim3A_2311 : i32 to vector<16xi32>
    %shift_right_logical3A_2313 = arith.shrui %get3A_2301, %broadcast_in_dim3A_2312 : vector<16xi32>
    %broadcast_in_dim3A_2314 = arith.constant 67108863 : i32
    %broadcast_in_dim3A_2315 = vector.broadcast %broadcast_in_dim3A_2314 : i32 to vector<16xi32>
    %and3A_2316 = arith.andi %get3A_2301, %broadcast_in_dim3A_2315 : vector<16xi32>
    %mul3A_2317 = arith.muli %shift_right_logical3A_2313, %add3A_2310 : vector<16xi32>
    %ge3A_2318 = arith.cmpi sge, %mul3A_2317, %and3A_2316 : vector<16xi32>
    %jit3A_2319 = arith.constant 0 : i32
    %broadcast_in_dim3A_2320 = vector.broadcast %jit3A_2319 : i32 to vector<16xi32>
    %select_n3A_2321 = arith.select %ge3A_2318, %add3A_2310, %broadcast_in_dim3A_2320 : vector<16xi1>, vector<16xi32>
    %reduce_max3A_2322 = arith.constant true
    %reduce_max3A_2323 = vector.broadcast %reduce_max3A_2322 : i1 to vector<16xi1>
    %reduce_max3A_2324 = arith.constant -2147483648 : i32
    %reduce_max3A_2325 = vector.broadcast %reduce_max3A_2324 : i32 to vector<16xi32>
    %reduce_max3A_2326 = arith.xori %select_n3A_2321, %reduce_max3A_2325 : vector<16xi32>
    %reduce_max3A_2327 = tpu.scan <max>, %reduce_max3A_2326 masked %reduce_max3A_2323 : vector<16xi32>, vector<16xi1> -> vector<16xi32>
    %reduce_max3A_2328 = arith.xori %reduce_max3A_2327, %reduce_max3A_2325 : vector<16xi32>
    %reduce_max3A_2329 = vector.extract %reduce_max3A_2328[15] : i32 from vector<16xi32>
    %max3A_2330 = arith.maxsi %max3A_2295, %reduce_max3A_2329 : i32
    %get3A_2331 = arith.constant 2 : i32
    %get3A_2332 = arith.constant 0 : i32
    %get3A_2333 = tpu.memref_slice %arg12[%get3A_2331, %get3A_2332] : memref<4x128xi32, #tpu.memory_space<vmem>> -> memref<1x128xi32, #tpu.memory_space<vmem>>
    %get3A_2334 = tpu.memref_squeeze %get3A_2333 : memref<1x128xi32, #tpu.memory_space<vmem>> -> memref<128xi32, #tpu.memory_space<vmem>>
    %get3A_2335 = arith.constant 112 : index
    %get3A_2336 = tpu.vector_load %get3A_2334[%get3A_2335] {strides = array<i32>} : memref<128xi32, #tpu.memory_space<vmem>>, vector<16xi32>,
    %add3A_2337 = arith.constant 256 : i32
    %add3A_2338 = arith.addi %mul3A_2, %add3A_2337 : i32
    %add3A_2339 = arith.constant 112 : i32
    %add3A_2340 = arith.addi %add3A_2338, %add3A_2339 : i32
    %add3A_2341 = arith.constant 1 : i32
    %add3A_2342 = arith.addi %add3A_2340, %add3A_2341 : i32
    %broadcast_in_dim3A_2343 = vector.broadcast %add3A_2342 : i32 to vector<16xi32>
    %iota3A_2344 = tpu.iota {dimensions = array<i32: 0>} : vector<16xi32>
    %add3A_2345 = arith.addi %broadcast_in_dim3A_2343, %iota3A_2344 : vector<16xi32>
    %broadcast_in_dim3A_2346 = arith.constant 26 : i32
    %broadcast_in_dim3A_2347 = vector.broadcast %broadcast_in_dim3A_2346 : i32 to vector<16xi32>
    %shift_right_logical3A_2348 = arith.shrui %get3A_2336, %broadcast_in_dim3A_2347 : vector<16xi32>
    %broadcast_in_dim3A_2349 = arith.constant 67108863 : i32
    %broadcast_in_dim3A_2350 = vector.broadcast %broadcast_in_dim3A_2349 : i32 to vector<16xi32>
    %and3A_2351 = arith.andi %get3A_2336, %broadcast_in_dim3A_2350 : vector<16xi32>
    %mul3A_2352 = arith.muli %shift_right_logical3A_2348, %add3A_2345 : vector<16xi32>
    %ge3A_2353 = arith.cmpi sge, %mul3A_2352, %and3A_2351 : vector<16xi32>
    %jit3A_2354 = arith.constant 0 : i32
    %broadcast_in_dim3A_2355 = vector.broadcast %jit3A_2354 : i32 to vector<16xi32>
    %select_n3A_2356 = arith.select %ge3A_2353, %add3A_2345, %broadcast_in_dim3A_2355 : vector<16xi1>, vector<16xi32>
    %reduce_max3A_2357 = arith.constant true
    %reduce_max3A_2358 = vector.broadcast %reduce_max3A_2357 : i1 to vector<16xi1>
    %reduce_max3A_2359 = arith.constant -2147483648 : i32
    %reduce_max3A_2360 = vector.broadcast %reduce_max3A_2359 : i32 to vector<16xi32>
    %reduce_max3A_2361 = arith.xori %select_n3A_2356, %reduce_max3A_2360 : vector<16xi32>
    %reduce_max3A_2362 = tpu.scan <max>, %reduce_max3A_2361 masked %reduce_max3A_2358 : vector<16xi32>, vector<16xi1> -> vector<16xi32>
    %reduce_max3A_2363 = arith.xori %reduce_max3A_2362, %reduce_max3A_2360 : vector<16xi32>
    %reduce_max3A_2364 = vector.extract %reduce_max3A_2363[15] : i32 from vector<16xi32>
    %max3A_2365 = arith.maxsi %max3A_2330, %reduce_max3A_2364 : i32
    %get3A_2366 = arith.constant 3 : i32
    %get3A_2367 = arith.constant 0 : i32
    %get3A_2368 = tpu.memref_slice %arg12[%get3A_2366, %get3A_2367] : memref<4x128xi32, #tpu.memory_space<vmem>> -> memref<1x128xi32, #tpu.memory_space<vmem>>
    %get3A_2369 = tpu.memref_squeeze %get3A_2368 : memref<1x128xi32, #tpu.memory_space<vmem>> -> memref<128xi32, #tpu.memory_space<vmem>>
    %get3A_2370 = arith.constant 0 : index
    %get3A_2371 = tpu.vector_load %get3A_2369[%get3A_2370] {strides = array<i32>} : memref<128xi32, #tpu.memory_space<vmem>>, vector<16xi32>,
    %add3A_2372 = arith.constant 384 : i32
    %add3A_2373 = arith.addi %mul3A_2, %add3A_2372 : i32
    %add3A_2374 = arith.constant 0 : i32
    %add3A_2375 = arith.addi %add3A_2373, %add3A_2374 : i32
    %add3A_2376 = arith.constant 1 : i32
    %add3A_2377 = arith.addi %add3A_2375, %add3A_2376 : i32
    %broadcast_in_dim3A_2378 = vector.broadcast %add3A_2377 : i32 to vector<16xi32>
    %iota3A_2379 = tpu.iota {dimensions = array<i32: 0>} : vector<16xi32>
    %add3A_2380 = arith.addi %broadcast_in_dim3A_2378, %iota3A_2379 : vector<16xi32>
    %broadcast_in_dim3A_2381 = arith.constant 26 : i32
    %broadcast_in_dim3A_2382 = vector.broadcast %broadcast_in_dim3A_2381 : i32 to vector<16xi32>
    %shift_right_logical3A_2383 = arith.shrui %get3A_2371, %broadcast_in_dim3A_2382 : vector<16xi32>
    %broadcast_in_dim3A_2384 = arith.constant 67108863 : i32
    %broadcast_in_dim3A_2385 = vector.broadcast %broadcast_in_dim3A_2384 : i32 to vector<16xi32>
    %and3A_2386 = arith.andi %get3A_2371, %broadcast_in_dim3A_2385 : vector<16xi32>
    %mul3A_2387 = arith.muli %shift_right_logical3A_2383, %add3A_2380 : vector<16xi32>
    %ge3A_2388 = arith.cmpi sge, %mul3A_2387, %and3A_2386 : vector<16xi32>
    %jit3A_2389 = arith.constant 0 : i32
    %broadcast_in_dim3A_2390 = vector.broadcast %jit3A_2389 : i32 to vector<16xi32>
    %select_n3A_2391 = arith.select %ge3A_2388, %add3A_2380, %broadcast_in_dim3A_2390 : vector<16xi1>, vector<16xi32>
    %reduce_max3A_2392 = arith.constant true
    %reduce_max3A_2393 = vector.broadcast %reduce_max3A_2392 : i1 to vector<16xi1>
    %reduce_max3A_2394 = arith.constant -2147483648 : i32
    %reduce_max3A_2395 = vector.broadcast %reduce_max3A_2394 : i32 to vector<16xi32>
    %reduce_max3A_2396 = arith.xori %select_n3A_2391, %reduce_max3A_2395 : vector<16xi32>
    %reduce_max3A_2397 = tpu.scan <max>, %reduce_max3A_2396 masked %reduce_max3A_2393 : vector<16xi32>, vector<16xi1> -> vector<16xi32>
    %reduce_max3A_2398 = arith.xori %reduce_max3A_2397, %reduce_max3A_2395 : vector<16xi32>
    %reduce_max3A_2399 = vector.extract %reduce_max3A_2398[15] : i32 from vector<16xi32>
    %max3A_2400 = arith.maxsi %max3A_2365, %reduce_max3A_2399 : i32
    %get3A_2401 = arith.constant 3 : i32
    %get3A_2402 = arith.constant 0 : i32
    %get3A_2403 = tpu.memref_slice %arg12[%get3A_2401, %get3A_2402] : memref<4x128xi32, #tpu.memory_space<vmem>> -> memref<1x128xi32, #tpu.memory_space<vmem>>
    %get3A_2404 = tpu.memref_squeeze %get3A_2403 : memref<1x128xi32, #tpu.memory_space<vmem>> -> memref<128xi32, #tpu.memory_space<vmem>>
    %get3A_2405 = arith.constant 16 : index
    %get3A_2406 = tpu.vector_load %get3A_2404[%get3A_2405] {strides = array<i32>} : memref<128xi32, #tpu.memory_space<vmem>>, vector<16xi32>,
    %add3A_2407 = arith.constant 384 : i32
    %add3A_2408 = arith.addi %mul3A_2, %add3A_2407 : i32
    %add3A_2409 = arith.constant 16 : i32
    %add3A_2410 = arith.addi %add3A_2408, %add3A_2409 : i32
    %add3A_2411 = arith.constant 1 : i32
    %add3A_2412 = arith.addi %add3A_2410, %add3A_2411 : i32
    %broadcast_in_dim3A_2413 = vector.broadcast %add3A_2412 : i32 to vector<16xi32>
    %iota3A_2414 = tpu.iota {dimensions = array<i32: 0>} : vector<16xi32>
    %add3A_2415 = arith.addi %broadcast_in_dim3A_2413, %iota3A_2414 : vector<16xi32>
    %broadcast_in_dim3A_2416 = arith.constant 26 : i32
    %broadcast_in_dim3A_2417 = vector.broadcast %broadcast_in_dim3A_2416 : i32 to vector<16xi32>
    %shift_right_logical3A_2418 = arith.shrui %get3A_2406, %broadcast_in_dim3A_2417 : vector<16xi32>
    %broadcast_in_dim3A_2419 = arith.constant 67108863 : i32
    %broadcast_in_dim3A_2420 = vector.broadcast %broadcast_in_dim3A_2419 : i32 to vector<16xi32>
    %and3A_2421 = arith.andi %get3A_2406, %broadcast_in_dim3A_2420 : vector<16xi32>
    %mul3A_2422 = arith.muli %shift_right_logical3A_2418, %add3A_2415 : vector<16xi32>
    %ge3A_2423 = arith.cmpi sge, %mul3A_2422, %and3A_2421 : vector<16xi32>
    %jit3A_2424 = arith.constant 0 : i32
    %broadcast_in_dim3A_2425 = vector.broadcast %jit3A_2424 : i32 to vector<16xi32>
    %select_n3A_2426 = arith.select %ge3A_2423, %add3A_2415, %broadcast_in_dim3A_2425 : vector<16xi1>, vector<16xi32>
    %reduce_max3A_2427 = arith.constant true
    %reduce_max3A_2428 = vector.broadcast %reduce_max3A_2427 : i1 to vector<16xi1>
    %reduce_max3A_2429 = arith.constant -2147483648 : i32
    %reduce_max3A_2430 = vector.broadcast %reduce_max3A_2429 : i32 to vector<16xi32>
    %reduce_max3A_2431 = arith.xori %select_n3A_2426, %reduce_max3A_2430 : vector<16xi32>
    %reduce_max3A_2432 = tpu.scan <max>, %reduce_max3A_2431 masked %reduce_max3A_2428 : vector<16xi32>, vector<16xi1> -> vector<16xi32>
    %reduce_max3A_2433 = arith.xori %reduce_max3A_2432, %reduce_max3A_2430 : vector<16xi32>
    %reduce_max3A_2434 = vector.extract %reduce_max3A_2433[15] : i32 from vector<16xi32>
    %max3A_2435 = arith.maxsi %max3A_2400, %reduce_max3A_2434 : i32
    %get3A_2436 = arith.constant 3 : i32
    %get3A_2437 = arith.constant 0 : i32
    %get3A_2438 = tpu.memref_slice %arg12[%get3A_2436, %get3A_2437] : memref<4x128xi32, #tpu.memory_space<vmem>> -> memref<1x128xi32, #tpu.memory_space<vmem>>
    %get3A_2439 = tpu.memref_squeeze %get3A_2438 : memref<1x128xi32, #tpu.memory_space<vmem>> -> memref<128xi32, #tpu.memory_space<vmem>>
    %get3A_2440 = arith.constant 32 : index
    %get3A_2441 = tpu.vector_load %get3A_2439[%get3A_2440] {strides = array<i32>} : memref<128xi32, #tpu.memory_space<vmem>>, vector<16xi32>,
    %add3A_2442 = arith.constant 384 : i32
    %add3A_2443 = arith.addi %mul3A_2, %add3A_2442 : i32
    %add3A_2444 = arith.constant 32 : i32
    %add3A_2445 = arith.addi %add3A_2443, %add3A_2444 : i32
    %add3A_2446 = arith.constant 1 : i32
    %add3A_2447 = arith.addi %add3A_2445, %add3A_2446 : i32
    %broadcast_in_dim3A_2448 = vector.broadcast %add3A_2447 : i32 to vector<16xi32>
    %iota3A_2449 = tpu.iota {dimensions = array<i32: 0>} : vector<16xi32>
    %add3A_2450 = arith.addi %broadcast_in_dim3A_2448, %iota3A_2449 : vector<16xi32>
    %broadcast_in_dim3A_2451 = arith.constant 26 : i32
    %broadcast_in_dim3A_2452 = vector.broadcast %broadcast_in_dim3A_2451 : i32 to vector<16xi32>
    %shift_right_logical3A_2453 = arith.shrui %get3A_2441, %broadcast_in_dim3A_2452 : vector<16xi32>
    %broadcast_in_dim3A_2454 = arith.constant 67108863 : i32
    %broadcast_in_dim3A_2455 = vector.broadcast %broadcast_in_dim3A_2454 : i32 to vector<16xi32>
    %and3A_2456 = arith.andi %get3A_2441, %broadcast_in_dim3A_2455 : vector<16xi32>
    %mul3A_2457 = arith.muli %shift_right_logical3A_2453, %add3A_2450 : vector<16xi32>
    %ge3A_2458 = arith.cmpi sge, %mul3A_2457, %and3A_2456 : vector<16xi32>
    %jit3A_2459 = arith.constant 0 : i32
    %broadcast_in_dim3A_2460 = vector.broadcast %jit3A_2459 : i32 to vector<16xi32>
    %select_n3A_2461 = arith.select %ge3A_2458, %add3A_2450, %broadcast_in_dim3A_2460 : vector<16xi1>, vector<16xi32>
    %reduce_max3A_2462 = arith.constant true
    %reduce_max3A_2463 = vector.broadcast %reduce_max3A_2462 : i1 to vector<16xi1>
    %reduce_max3A_2464 = arith.constant -2147483648 : i32
    %reduce_max3A_2465 = vector.broadcast %reduce_max3A_2464 : i32 to vector<16xi32>
    %reduce_max3A_2466 = arith.xori %select_n3A_2461, %reduce_max3A_2465 : vector<16xi32>
    %reduce_max3A_2467 = tpu.scan <max>, %reduce_max3A_2466 masked %reduce_max3A_2463 : vector<16xi32>, vector<16xi1> -> vector<16xi32>
    %reduce_max3A_2468 = arith.xori %reduce_max3A_2467, %reduce_max3A_2465 : vector<16xi32>
    %reduce_max3A_2469 = vector.extract %reduce_max3A_2468[15] : i32 from vector<16xi32>
    %max3A_2470 = arith.maxsi %max3A_2435, %reduce_max3A_2469 : i32
    %get3A_2471 = arith.constant 3 : i32
    %get3A_2472 = arith.constant 0 : i32
    %get3A_2473 = tpu.memref_slice %arg12[%get3A_2471, %get3A_2472] : memref<4x128xi32, #tpu.memory_space<vmem>> -> memref<1x128xi32, #tpu.memory_space<vmem>>
    %get3A_2474 = tpu.memref_squeeze %get3A_2473 : memref<1x128xi32, #tpu.memory_space<vmem>> -> memref<128xi32, #tpu.memory_space<vmem>>
    %get3A_2475 = arith.constant 48 : index
    %get3A_2476 = tpu.vector_load %get3A_2474[%get3A_2475] {strides = array<i32>} : memref<128xi32, #tpu.memory_space<vmem>>, vector<16xi32>,
    %add3A_2477 = arith.constant 384 : i32
    %add3A_2478 = arith.addi %mul3A_2, %add3A_2477 : i32
    %add3A_2479 = arith.constant 48 : i32
    %add3A_2480 = arith.addi %add3A_2478, %add3A_2479 : i32
    %add3A_2481 = arith.constant 1 : i32
    %add3A_2482 = arith.addi %add3A_2480, %add3A_2481 : i32
    %broadcast_in_dim3A_2483 = vector.broadcast %add3A_2482 : i32 to vector<16xi32>
    %iota3A_2484 = tpu.iota {dimensions = array<i32: 0>} : vector<16xi32>
    %add3A_2485 = arith.addi %broadcast_in_dim3A_2483, %iota3A_2484 : vector<16xi32>
    %broadcast_in_dim3A_2486 = arith.constant 26 : i32
    %broadcast_in_dim3A_2487 = vector.broadcast %broadcast_in_dim3A_2486 : i32 to vector<16xi32>
    %shift_right_logical3A_2488 = arith.shrui %get3A_2476, %broadcast_in_dim3A_2487 : vector<16xi32>
    %broadcast_in_dim3A_2489 = arith.constant 67108863 : i32
    %broadcast_in_dim3A_2490 = vector.broadcast %broadcast_in_dim3A_2489 : i32 to vector<16xi32>
    %and3A_2491 = arith.andi %get3A_2476, %broadcast_in_dim3A_2490 : vector<16xi32>
    %mul3A_2492 = arith.muli %shift_right_logical3A_2488, %add3A_2485 : vector<16xi32>
    %ge3A_2493 = arith.cmpi sge, %mul3A_2492, %and3A_2491 : vector<16xi32>
    %jit3A_2494 = arith.constant 0 : i32
    %broadcast_in_dim3A_2495 = vector.broadcast %jit3A_2494 : i32 to vector<16xi32>
    %select_n3A_2496 = arith.select %ge3A_2493, %add3A_2485, %broadcast_in_dim3A_2495 : vector<16xi1>, vector<16xi32>
    %reduce_max3A_2497 = arith.constant true
    %reduce_max3A_2498 = vector.broadcast %reduce_max3A_2497 : i1 to vector<16xi1>
    %reduce_max3A_2499 = arith.constant -2147483648 : i32
    %reduce_max3A_2500 = vector.broadcast %reduce_max3A_2499 : i32 to vector<16xi32>
    %reduce_max3A_2501 = arith.xori %select_n3A_2496, %reduce_max3A_2500 : vector<16xi32>
    %reduce_max3A_2502 = tpu.scan <max>, %reduce_max3A_2501 masked %reduce_max3A_2498 : vector<16xi32>, vector<16xi1> -> vector<16xi32>
    %reduce_max3A_2503 = arith.xori %reduce_max3A_2502, %reduce_max3A_2500 : vector<16xi32>
    %reduce_max3A_2504 = vector.extract %reduce_max3A_2503[15] : i32 from vector<16xi32>
    %max3A_2505 = arith.maxsi %max3A_2470, %reduce_max3A_2504 : i32
    %get3A_2506 = arith.constant 3 : i32
    %get3A_2507 = arith.constant 0 : i32
    %get3A_2508 = tpu.memref_slice %arg12[%get3A_2506, %get3A_2507] : memref<4x128xi32, #tpu.memory_space<vmem>> -> memref<1x128xi32, #tpu.memory_space<vmem>>
    %get3A_2509 = tpu.memref_squeeze %get3A_2508 : memref<1x128xi32, #tpu.memory_space<vmem>> -> memref<128xi32, #tpu.memory_space<vmem>>
    %get3A_2510 = arith.constant 64 : index
    %get3A_2511 = tpu.vector_load %get3A_2509[%get3A_2510] {strides = array<i32>} : memref<128xi32, #tpu.memory_space<vmem>>, vector<16xi32>,
    %add3A_2512 = arith.constant 384 : i32
    %add3A_2513 = arith.addi %mul3A_2, %add3A_2512 : i32
    %add3A_2514 = arith.constant 64 : i32
    %add3A_2515 = arith.addi %add3A_2513, %add3A_2514 : i32
    %add3A_2516 = arith.constant 1 : i32
    %add3A_2517 = arith.addi %add3A_2515, %add3A_2516 : i32
    %broadcast_in_dim3A_2518 = vector.broadcast %add3A_2517 : i32 to vector<16xi32>
    %iota3A_2519 = tpu.iota {dimensions = array<i32: 0>} : vector<16xi32>
    %add3A_2520 = arith.addi %broadcast_in_dim3A_2518, %iota3A_2519 : vector<16xi32>
    %broadcast_in_dim3A_2521 = arith.constant 26 : i32
    %broadcast_in_dim3A_2522 = vector.broadcast %broadcast_in_dim3A_2521 : i32 to vector<16xi32>
    %shift_right_logical3A_2523 = arith.shrui %get3A_2511, %broadcast_in_dim3A_2522 : vector<16xi32>
    %broadcast_in_dim3A_2524 = arith.constant 67108863 : i32
    %broadcast_in_dim3A_2525 = vector.broadcast %broadcast_in_dim3A_2524 : i32 to vector<16xi32>
    %and3A_2526 = arith.andi %get3A_2511, %broadcast_in_dim3A_2525 : vector<16xi32>
    %mul3A_2527 = arith.muli %shift_right_logical3A_2523, %add3A_2520 : vector<16xi32>
    %ge3A_2528 = arith.cmpi sge, %mul3A_2527, %and3A_2526 : vector<16xi32>
    %jit3A_2529 = arith.constant 0 : i32
    %broadcast_in_dim3A_2530 = vector.broadcast %jit3A_2529 : i32 to vector<16xi32>
    %select_n3A_2531 = arith.select %ge3A_2528, %add3A_2520, %broadcast_in_dim3A_2530 : vector<16xi1>, vector<16xi32>
    %reduce_max3A_2532 = arith.constant true
    %reduce_max3A_2533 = vector.broadcast %reduce_max3A_2532 : i1 to vector<16xi1>
    %reduce_max3A_2534 = arith.constant -2147483648 : i32
    %reduce_max3A_2535 = vector.broadcast %reduce_max3A_2534 : i32 to vector<16xi32>
    %reduce_max3A_2536 = arith.xori %select_n3A_2531, %reduce_max3A_2535 : vector<16xi32>
    %reduce_max3A_2537 = tpu.scan <max>, %reduce_max3A_2536 masked %reduce_max3A_2533 : vector<16xi32>, vector<16xi1> -> vector<16xi32>
    %reduce_max3A_2538 = arith.xori %reduce_max3A_2537, %reduce_max3A_2535 : vector<16xi32>
    %reduce_max3A_2539 = vector.extract %reduce_max3A_2538[15] : i32 from vector<16xi32>
    %max3A_2540 = arith.maxsi %max3A_2505, %reduce_max3A_2539 : i32
    %get3A_2541 = arith.constant 3 : i32
    %get3A_2542 = arith.constant 0 : i32
    %get3A_2543 = tpu.memref_slice %arg12[%get3A_2541, %get3A_2542] : memref<4x128xi32, #tpu.memory_space<vmem>> -> memref<1x128xi32, #tpu.memory_space<vmem>>
    %get3A_2544 = tpu.memref_squeeze %get3A_2543 : memref<1x128xi32, #tpu.memory_space<vmem>> -> memref<128xi32, #tpu.memory_space<vmem>>
    %get3A_2545 = arith.constant 80 : index
    %get3A_2546 = tpu.vector_load %get3A_2544[%get3A_2545] {strides = array<i32>} : memref<128xi32, #tpu.memory_space<vmem>>, vector<16xi32>,
    %add3A_2547 = arith.constant 384 : i32
    %add3A_2548 = arith.addi %mul3A_2, %add3A_2547 : i32
    %add3A_2549 = arith.constant 80 : i32
    %add3A_2550 = arith.addi %add3A_2548, %add3A_2549 : i32
    %add3A_2551 = arith.constant 1 : i32
    %add3A_2552 = arith.addi %add3A_2550, %add3A_2551 : i32
    %broadcast_in_dim3A_2553 = vector.broadcast %add3A_2552 : i32 to vector<16xi32>
    %iota3A_2554 = tpu.iota {dimensions = array<i32: 0>} : vector<16xi32>
    %add3A_2555 = arith.addi %broadcast_in_dim3A_2553, %iota3A_2554 : vector<16xi32>
    %broadcast_in_dim3A_2556 = arith.constant 26 : i32
    %broadcast_in_dim3A_2557 = vector.broadcast %broadcast_in_dim3A_2556 : i32 to vector<16xi32>
    %shift_right_logical3A_2558 = arith.shrui %get3A_2546, %broadcast_in_dim3A_2557 : vector<16xi32>
    %broadcast_in_dim3A_2559 = arith.constant 67108863 : i32
    %broadcast_in_dim3A_2560 = vector.broadcast %broadcast_in_dim3A_2559 : i32 to vector<16xi32>
    %and3A_2561 = arith.andi %get3A_2546, %broadcast_in_dim3A_2560 : vector<16xi32>
    %mul3A_2562 = arith.muli %shift_right_logical3A_2558, %add3A_2555 : vector<16xi32>
    %ge3A_2563 = arith.cmpi sge, %mul3A_2562, %and3A_2561 : vector<16xi32>
    %jit3A_2564 = arith.constant 0 : i32
    %broadcast_in_dim3A_2565 = vector.broadcast %jit3A_2564 : i32 to vector<16xi32>
    %select_n3A_2566 = arith.select %ge3A_2563, %add3A_2555, %broadcast_in_dim3A_2565 : vector<16xi1>, vector<16xi32>
    %reduce_max3A_2567 = arith.constant true
    %reduce_max3A_2568 = vector.broadcast %reduce_max3A_2567 : i1 to vector<16xi1>
    %reduce_max3A_2569 = arith.constant -2147483648 : i32
    %reduce_max3A_2570 = vector.broadcast %reduce_max3A_2569 : i32 to vector<16xi32>
    %reduce_max3A_2571 = arith.xori %select_n3A_2566, %reduce_max3A_2570 : vector<16xi32>
    %reduce_max3A_2572 = tpu.scan <max>, %reduce_max3A_2571 masked %reduce_max3A_2568 : vector<16xi32>, vector<16xi1> -> vector<16xi32>
    %reduce_max3A_2573 = arith.xori %reduce_max3A_2572, %reduce_max3A_2570 : vector<16xi32>
    %reduce_max3A_2574 = vector.extract %reduce_max3A_2573[15] : i32 from vector<16xi32>
    %max3A_2575 = arith.maxsi %max3A_2540, %reduce_max3A_2574 : i32
    %get3A_2576 = arith.constant 3 : i32
    %get3A_2577 = arith.constant 0 : i32
    %get3A_2578 = tpu.memref_slice %arg12[%get3A_2576, %get3A_2577] : memref<4x128xi32, #tpu.memory_space<vmem>> -> memref<1x128xi32, #tpu.memory_space<vmem>>
    %get3A_2579 = tpu.memref_squeeze %get3A_2578 : memref<1x128xi32, #tpu.memory_space<vmem>> -> memref<128xi32, #tpu.memory_space<vmem>>
    %get3A_2580 = arith.constant 96 : index
    %get3A_2581 = tpu.vector_load %get3A_2579[%get3A_2580] {strides = array<i32>} : memref<128xi32, #tpu.memory_space<vmem>>, vector<16xi32>,
    %add3A_2582 = arith.constant 384 : i32
    %add3A_2583 = arith.addi %mul3A_2, %add3A_2582 : i32
    %add3A_2584 = arith.constant 96 : i32
    %add3A_2585 = arith.addi %add3A_2583, %add3A_2584 : i32
    %add3A_2586 = arith.constant 1 : i32
    %add3A_2587 = arith.addi %add3A_2585, %add3A_2586 : i32
    %broadcast_in_dim3A_2588 = vector.broadcast %add3A_2587 : i32 to vector<16xi32>
    %iota3A_2589 = tpu.iota {dimensions = array<i32: 0>} : vector<16xi32>
    %add3A_2590 = arith.addi %broadcast_in_dim3A_2588, %iota3A_2589 : vector<16xi32>
    %broadcast_in_dim3A_2591 = arith.constant 26 : i32
    %broadcast_in_dim3A_2592 = vector.broadcast %broadcast_in_dim3A_2591 : i32 to vector<16xi32>
    %shift_right_logical3A_2593 = arith.shrui %get3A_2581, %broadcast_in_dim3A_2592 : vector<16xi32>
    %broadcast_in_dim3A_2594 = arith.constant 67108863 : i32
    %broadcast_in_dim3A_2595 = vector.broadcast %broadcast_in_dim3A_2594 : i32 to vector<16xi32>
    %and3A_2596 = arith.andi %get3A_2581, %broadcast_in_dim3A_2595 : vector<16xi32>
    %mul3A_2597 = arith.muli %shift_right_logical3A_2593, %add3A_2590 : vector<16xi32>
    %ge3A_2598 = arith.cmpi sge, %mul3A_2597, %and3A_2596 : vector<16xi32>
    %jit3A_2599 = arith.constant 0 : i32
    %broadcast_in_dim3A_2600 = vector.broadcast %jit3A_2599 : i32 to vector<16xi32>
    %select_n3A_2601 = arith.select %ge3A_2598, %add3A_2590, %broadcast_in_dim3A_2600 : vector<16xi1>, vector<16xi32>
    %reduce_max3A_2602 = arith.constant true
    %reduce_max3A_2603 = vector.broadcast %reduce_max3A_2602 : i1 to vector<16xi1>
    %reduce_max3A_2604 = arith.constant -2147483648 : i32
    %reduce_max3A_2605 = vector.broadcast %reduce_max3A_2604 : i32 to vector<16xi32>
    %reduce_max3A_2606 = arith.xori %select_n3A_2601, %reduce_max3A_2605 : vector<16xi32>
    %reduce_max3A_2607 = tpu.scan <max>, %reduce_max3A_2606 masked %reduce_max3A_2603 : vector<16xi32>, vector<16xi1> -> vector<16xi32>
    %reduce_max3A_2608 = arith.xori %reduce_max3A_2607, %reduce_max3A_2605 : vector<16xi32>
    %reduce_max3A_2609 = vector.extract %reduce_max3A_2608[15] : i32 from vector<16xi32>
    %max3A_2610 = arith.maxsi %max3A_2575, %reduce_max3A_2609 : i32
    %get3A_2611 = arith.constant 3 : i32
    %get3A_2612 = arith.constant 0 : i32
    %get3A_2613 = tpu.memref_slice %arg12[%get3A_2611, %get3A_2612] : memref<4x128xi32, #tpu.memory_space<vmem>> -> memref<1x128xi32, #tpu.memory_space<vmem>>
    %get3A_2614 = tpu.memref_squeeze %get3A_2613 : memref<1x128xi32, #tpu.memory_space<vmem>> -> memref<128xi32, #tpu.memory_space<vmem>>
    %get3A_2615 = arith.constant 112 : index
    %get3A_2616 = tpu.vector_load %get3A_2614[%get3A_2615] {strides = array<i32>} : memref<128xi32, #tpu.memory_space<vmem>>, vector<16xi32>,
    %add3A_2617 = arith.constant 384 : i32
    %add3A_2618 = arith.addi %mul3A_2, %add3A_2617 : i32
    %add3A_2619 = arith.constant 112 : i32
    %add3A_2620 = arith.addi %add3A_2618, %add3A_2619 : i32
    %add3A_2621 = arith.constant 1 : i32
    %add3A_2622 = arith.addi %add3A_2620, %add3A_2621 : i32
    %broadcast_in_dim3A_2623 = vector.broadcast %add3A_2622 : i32 to vector<16xi32>
    %iota3A_2624 = tpu.iota {dimensions = array<i32: 0>} : vector<16xi32>
    %add3A_2625 = arith.addi %broadcast_in_dim3A_2623, %iota3A_2624 : vector<16xi32>
    %broadcast_in_dim3A_2626 = arith.constant 26 : i32
    %broadcast_in_dim3A_2627 = vector.broadcast %broadcast_in_dim3A_2626 : i32 to vector<16xi32>
    %shift_right_logical3A_2628 = arith.shrui %get3A_2616, %broadcast_in_dim3A_2627 : vector<16xi32>
    %broadcast_in_dim3A_2629 = arith.constant 67108863 : i32
    %broadcast_in_dim3A_2630 = vector.broadcast %broadcast_in_dim3A_2629 : i32 to vector<16xi32>
    %and3A_2631 = arith.andi %get3A_2616, %broadcast_in_dim3A_2630 : vector<16xi32>
    %mul3A_2632 = arith.muli %shift_right_logical3A_2628, %add3A_2625 : vector<16xi32>
    %ge3A_2633 = arith.cmpi sge, %mul3A_2632, %and3A_2631 : vector<16xi32>
    %jit3A_2634 = arith.constant 0 : i32
    %broadcast_in_dim3A_2635 = vector.broadcast %jit3A_2634 : i32 to vector<16xi32>
    %select_n3A_2636 = arith.select %ge3A_2633, %add3A_2625, %broadcast_in_dim3A_2635 : vector<16xi1>, vector<16xi32>
    %reduce_max3A_2637 = arith.constant true
    %reduce_max3A_2638 = vector.broadcast %reduce_max3A_2637 : i1 to vector<16xi1>
    %reduce_max3A_2639 = arith.constant -2147483648 : i32
    %reduce_max3A_2640 = vector.broadcast %reduce_max3A_2639 : i32 to vector<16xi32>
    %reduce_max3A_2641 = arith.xori %select_n3A_2636, %reduce_max3A_2640 : vector<16xi32>
    %reduce_max3A_2642 = tpu.scan <max>, %reduce_max3A_2641 masked %reduce_max3A_2638 : vector<16xi32>, vector<16xi1> -> vector<16xi32>
    %reduce_max3A_2643 = arith.xori %reduce_max3A_2642, %reduce_max3A_2640 : vector<16xi32>
    %reduce_max3A_2644 = vector.extract %reduce_max3A_2643[15] : i32 from vector<16xi32>
    %max3A_2645 = arith.maxsi %max3A_2610, %reduce_max3A_2644 : i32
    %sub3A = arith.constant 1 : i32
    %sub3A_2646 = arith.subi %max3A_2645, %sub3A : i32
    %sub3A_2647 = arith.subi %sub3A_2646, %mul3A_2 : i32
    %jit3A_2648 = arith.constant 0 : i32
    %jit3A_2649 = arith.constant 511 : i32
    %max3A_2650 = arith.maxsi %jit3A_2648, %sub3A_2647 : i32
    %min3A = arith.minsi %jit3A_2649, %max3A_2650 : i32
    %shift_right_arithmetic3A = arith.constant 7 : i32
    %shift_right_arithmetic3A_2651 = arith.shrsi %min3A, %shift_right_arithmetic3A : i32
    %broadcast_in_dim3A_2652 = vector.broadcast %shift_right_arithmetic3A_2651 : i32 to vector<16xi32>
    %and3A_2653 = arith.constant 127 : i32
    %and3A_2654 = arith.andi %min3A, %and3A_2653 : i32
    %broadcast_in_dim3A_2655 = vector.broadcast %and3A_2654 : i32 to vector<16xi32>
    %gather3A = tpu.vector_load_idx %arg11[%broadcast_in_dim3A_2652, %broadcast_in_dim3A_2655] : memref<4x128xi32, #tpu.memory_space<vmem>>[vector<16xi32>, vector<16xi32>], vector<16xi32>,
    %broadcast_in_dim3A_2656 = vector.broadcast %sub3A_2646 : i32 to vector<16xi32>
    %get3A_2657 = arith.constant 0 : i32
    %get3A_2658 = arith.constant 0 : i32
    %get3A_2659 = tpu.memref_slice %arg12[%get3A_2657, %get3A_2658] : memref<4x128xi32, #tpu.memory_space<vmem>> -> memref<1x128xi32, #tpu.memory_space<vmem>>
    %get3A_2660 = tpu.memref_squeeze %get3A_2659 : memref<1x128xi32, #tpu.memory_space<vmem>> -> memref<128xi32, #tpu.memory_space<vmem>>
    %get3A_2661 = arith.constant 0 : index
    %get3A_2662 = tpu.vector_load %get3A_2660[%get3A_2661] {strides = array<i32>} : memref<128xi32, #tpu.memory_space<vmem>>, vector<16xi32>,
    %get3A_2663 = arith.constant 0 : i32
    %get3A_2664 = arith.constant 0 : i32
    %get3A_2665 = tpu.memref_slice %arg11[%get3A_2663, %get3A_2664] : memref<4x128xi32, #tpu.memory_space<vmem>> -> memref<1x128xi32, #tpu.memory_space<vmem>>
    %get3A_2666 = tpu.memref_squeeze %get3A_2665 : memref<1x128xi32, #tpu.memory_space<vmem>> -> memref<128xi32, #tpu.memory_space<vmem>>
    %get3A_2667 = arith.constant 0 : index
    %get3A_2668 = tpu.vector_load %get3A_2666[%get3A_2667] {strides = array<i32>} : memref<128xi32, #tpu.memory_space<vmem>>, vector<16xi32>,
    %add3A_2669 = arith.constant 0 : i32
    %add3A_2670 = arith.addi %mul3A_2, %add3A_2669 : i32
    %add3A_2671 = arith.constant 0 : i32
    %add3A_2672 = arith.addi %add3A_2670, %add3A_2671 : i32
    %add3A_2673 = arith.constant 1 : i32
    %add3A_2674 = arith.addi %add3A_2672, %add3A_2673 : i32
    %broadcast_in_dim3A_2675 = vector.broadcast %add3A_2674 : i32 to vector<16xi32>
    %iota3A_2676 = tpu.iota {dimensions = array<i32: 0>} : vector<16xi32>
    %add3A_2677 = arith.addi %broadcast_in_dim3A_2675, %iota3A_2676 : vector<16xi32>
    %broadcast_in_dim3A_2678 = arith.constant 26 : i32
    %broadcast_in_dim3A_2679 = vector.broadcast %broadcast_in_dim3A_2678 : i32 to vector<16xi32>
    %shift_right_logical3A_2680 = arith.shrui %get3A_2662, %broadcast_in_dim3A_2679 : vector<16xi32>
    %broadcast_in_dim3A_2681 = arith.constant 67108863 : i32
    %broadcast_in_dim3A_2682 = vector.broadcast %broadcast_in_dim3A_2681 : i32 to vector<16xi32>
    %and3A_2683 = arith.andi %get3A_2662, %broadcast_in_dim3A_2682 : vector<16xi32>
    %mul3A_2684 = arith.muli %shift_right_logical3A_2680, %add3A_2677 : vector<16xi32>
    %ge3A_2685 = arith.cmpi sge, %mul3A_2684, %and3A_2683 : vector<16xi32>
    %select_n3A_2686 = arith.select %ge3A_2685, %get3A_2668, %gather3A : vector<16xi1>, vector<16xi32>
    %swap3A_2687 = arith.constant 0 : i32
    %swap3A_2688 = arith.constant 0 : i32
    %swap3A_2689 = tpu.memref_slice %arg13[%swap3A_2687, %swap3A_2688] : memref<4x128xi32, #tpu.memory_space<vmem>> -> memref<1x128xi32, #tpu.memory_space<vmem>>
    %swap3A_2690 = tpu.memref_squeeze %swap3A_2689 : memref<1x128xi32, #tpu.memory_space<vmem>> -> memref<128xi32, #tpu.memory_space<vmem>>
    %swap3A_2691 = arith.constant 0 : index
    %swap3A_2692 = tpu.vector_load %swap3A_2690[%swap3A_2691] {strides = array<i32>} : memref<128xi32, #tpu.memory_space<vmem>>, vector<16xi32>,
    tpu.vector_store %swap3A_2690[%swap3A_2691], %select_n3A_2686 {strides = array<i32>} : memref<128xi32, #tpu.memory_space<vmem>>, vector<16xi32>,
    %sub3A_2693 = arith.constant 1 : i32
    %sub3A_2694 = vector.broadcast %sub3A_2693 : i32 to vector<16xi32>
    %sub3A_2695 = arith.subi %add3A_2677, %sub3A_2694 : vector<16xi32>
    %select_n3A_2696 = arith.select %ge3A_2685, %sub3A_2695, %broadcast_in_dim3A_2656 : vector<16xi1>, vector<16xi32>
    %swap3A_2697 = arith.constant 0 : i32
    %swap3A_2698 = arith.constant 0 : i32
    %swap3A_2699 = tpu.memref_slice %arg14[%swap3A_2697, %swap3A_2698] : memref<4x128xi32, #tpu.memory_space<vmem>> -> memref<1x128xi32, #tpu.memory_space<vmem>>
    %swap3A_2700 = tpu.memref_squeeze %swap3A_2699 : memref<1x128xi32, #tpu.memory_space<vmem>> -> memref<128xi32, #tpu.memory_space<vmem>>
    %swap3A_2701 = arith.constant 0 : index
    %swap3A_2702 = tpu.vector_load %swap3A_2700[%swap3A_2701] {strides = array<i32>} : memref<128xi32, #tpu.memory_space<vmem>>, vector<16xi32>,
    tpu.vector_store %swap3A_2700[%swap3A_2701], %select_n3A_2696 {strides = array<i32>} : memref<128xi32, #tpu.memory_space<vmem>>, vector<16xi32>,
    %get3A_2703 = arith.constant 0 : i32
    %get3A_2704 = arith.constant 0 : i32
    %get3A_2705 = tpu.memref_slice %arg12[%get3A_2703, %get3A_2704] : memref<4x128xi32, #tpu.memory_space<vmem>> -> memref<1x128xi32, #tpu.memory_space<vmem>>
    %get3A_2706 = tpu.memref_squeeze %get3A_2705 : memref<1x128xi32, #tpu.memory_space<vmem>> -> memref<128xi32, #tpu.memory_space<vmem>>
    %get3A_2707 = arith.constant 16 : index
    %get3A_2708 = tpu.vector_load %get3A_2706[%get3A_2707] {strides = array<i32>} : memref<128xi32, #tpu.memory_space<vmem>>, vector<16xi32>,
    %get3A_2709 = arith.constant 0 : i32
    %get3A_2710 = arith.constant 0 : i32
    %get3A_2711 = tpu.memref_slice %arg11[%get3A_2709, %get3A_2710] : memref<4x128xi32, #tpu.memory_space<vmem>> -> memref<1x128xi32, #tpu.memory_space<vmem>>
    %get3A_2712 = tpu.memref_squeeze %get3A_2711 : memref<1x128xi32, #tpu.memory_space<vmem>> -> memref<128xi32, #tpu.memory_space<vmem>>
    %get3A_2713 = arith.constant 16 : index
    %get3A_2714 = tpu.vector_load %get3A_2712[%get3A_2713] {strides = array<i32>} : memref<128xi32, #tpu.memory_space<vmem>>, vector<16xi32>,
    %add3A_2715 = arith.constant 0 : i32
    %add3A_2716 = arith.addi %mul3A_2, %add3A_2715 : i32
    %add3A_2717 = arith.constant 16 : i32
    %add3A_2718 = arith.addi %add3A_2716, %add3A_2717 : i32
    %add3A_2719 = arith.constant 1 : i32
    %add3A_2720 = arith.addi %add3A_2718, %add3A_2719 : i32
    %broadcast_in_dim3A_2721 = vector.broadcast %add3A_2720 : i32 to vector<16xi32>
    %iota3A_2722 = tpu.iota {dimensions = array<i32: 0>} : vector<16xi32>
    %add3A_2723 = arith.addi %broadcast_in_dim3A_2721, %iota3A_2722 : vector<16xi32>
    %broadcast_in_dim3A_2724 = arith.constant 26 : i32
    %broadcast_in_dim3A_2725 = vector.broadcast %broadcast_in_dim3A_2724 : i32 to vector<16xi32>
    %shift_right_logical3A_2726 = arith.shrui %get3A_2708, %broadcast_in_dim3A_2725 : vector<16xi32>
    %broadcast_in_dim3A_2727 = arith.constant 67108863 : i32
    %broadcast_in_dim3A_2728 = vector.broadcast %broadcast_in_dim3A_2727 : i32 to vector<16xi32>
    %and3A_2729 = arith.andi %get3A_2708, %broadcast_in_dim3A_2728 : vector<16xi32>
    %mul3A_2730 = arith.muli %shift_right_logical3A_2726, %add3A_2723 : vector<16xi32>
    %ge3A_2731 = arith.cmpi sge, %mul3A_2730, %and3A_2729 : vector<16xi32>
    %select_n3A_2732 = arith.select %ge3A_2731, %get3A_2714, %gather3A : vector<16xi1>, vector<16xi32>
    %swap3A_2733 = arith.constant 0 : i32
    %swap3A_2734 = arith.constant 0 : i32
    %swap3A_2735 = tpu.memref_slice %arg13[%swap3A_2733, %swap3A_2734] : memref<4x128xi32, #tpu.memory_space<vmem>> -> memref<1x128xi32, #tpu.memory_space<vmem>>
    %swap3A_2736 = tpu.memref_squeeze %swap3A_2735 : memref<1x128xi32, #tpu.memory_space<vmem>> -> memref<128xi32, #tpu.memory_space<vmem>>
    %swap3A_2737 = arith.constant 16 : index
    %swap3A_2738 = tpu.vector_load %swap3A_2736[%swap3A_2737] {strides = array<i32>} : memref<128xi32, #tpu.memory_space<vmem>>, vector<16xi32>,
    tpu.vector_store %swap3A_2736[%swap3A_2737], %select_n3A_2732 {strides = array<i32>} : memref<128xi32, #tpu.memory_space<vmem>>, vector<16xi32>,
    %sub3A_2739 = arith.constant 1 : i32
    %sub3A_2740 = vector.broadcast %sub3A_2739 : i32 to vector<16xi32>
    %sub3A_2741 = arith.subi %add3A_2723, %sub3A_2740 : vector<16xi32>
    %select_n3A_2742 = arith.select %ge3A_2731, %sub3A_2741, %broadcast_in_dim3A_2656 : vector<16xi1>, vector<16xi32>
    %swap3A_2743 = arith.constant 0 : i32
    %swap3A_2744 = arith.constant 0 : i32
    %swap3A_2745 = tpu.memref_slice %arg14[%swap3A_2743, %swap3A_2744] : memref<4x128xi32, #tpu.memory_space<vmem>> -> memref<1x128xi32, #tpu.memory_space<vmem>>
    %swap3A_2746 = tpu.memref_squeeze %swap3A_2745 : memref<1x128xi32, #tpu.memory_space<vmem>> -> memref<128xi32, #tpu.memory_space<vmem>>
    %swap3A_2747 = arith.constant 16 : index
    %swap3A_2748 = tpu.vector_load %swap3A_2746[%swap3A_2747] {strides = array<i32>} : memref<128xi32, #tpu.memory_space<vmem>>, vector<16xi32>,
    tpu.vector_store %swap3A_2746[%swap3A_2747], %select_n3A_2742 {strides = array<i32>} : memref<128xi32, #tpu.memory_space<vmem>>, vector<16xi32>,
    %get3A_2749 = arith.constant 0 : i32
    %get3A_2750 = arith.constant 0 : i32
    %get3A_2751 = tpu.memref_slice %arg12[%get3A_2749, %get3A_2750] : memref<4x128xi32, #tpu.memory_space<vmem>> -> memref<1x128xi32, #tpu.memory_space<vmem>>
    %get3A_2752 = tpu.memref_squeeze %get3A_2751 : memref<1x128xi32, #tpu.memory_space<vmem>> -> memref<128xi32, #tpu.memory_space<vmem>>
    %get3A_2753 = arith.constant 32 : index
    %get3A_2754 = tpu.vector_load %get3A_2752[%get3A_2753] {strides = array<i32>} : memref<128xi32, #tpu.memory_space<vmem>>, vector<16xi32>,
    %get3A_2755 = arith.constant 0 : i32
    %get3A_2756 = arith.constant 0 : i32
    %get3A_2757 = tpu.memref_slice %arg11[%get3A_2755, %get3A_2756] : memref<4x128xi32, #tpu.memory_space<vmem>> -> memref<1x128xi32, #tpu.memory_space<vmem>>
    %get3A_2758 = tpu.memref_squeeze %get3A_2757 : memref<1x128xi32, #tpu.memory_space<vmem>> -> memref<128xi32, #tpu.memory_space<vmem>>
    %get3A_2759 = arith.constant 32 : index
    %get3A_2760 = tpu.vector_load %get3A_2758[%get3A_2759] {strides = array<i32>} : memref<128xi32, #tpu.memory_space<vmem>>, vector<16xi32>,
    %add3A_2761 = arith.constant 0 : i32
    %add3A_2762 = arith.addi %mul3A_2, %add3A_2761 : i32
    %add3A_2763 = arith.constant 32 : i32
    %add3A_2764 = arith.addi %add3A_2762, %add3A_2763 : i32
    %add3A_2765 = arith.constant 1 : i32
    %add3A_2766 = arith.addi %add3A_2764, %add3A_2765 : i32
    %broadcast_in_dim3A_2767 = vector.broadcast %add3A_2766 : i32 to vector<16xi32>
    %iota3A_2768 = tpu.iota {dimensions = array<i32: 0>} : vector<16xi32>
    %add3A_2769 = arith.addi %broadcast_in_dim3A_2767, %iota3A_2768 : vector<16xi32>
    %broadcast_in_dim3A_2770 = arith.constant 26 : i32
    %broadcast_in_dim3A_2771 = vector.broadcast %broadcast_in_dim3A_2770 : i32 to vector<16xi32>
    %shift_right_logical3A_2772 = arith.shrui %get3A_2754, %broadcast_in_dim3A_2771 : vector<16xi32>
    %broadcast_in_dim3A_2773 = arith.constant 67108863 : i32
    %broadcast_in_dim3A_2774 = vector.broadcast %broadcast_in_dim3A_2773 : i32 to vector<16xi32>
    %and3A_2775 = arith.andi %get3A_2754, %broadcast_in_dim3A_2774 : vector<16xi32>
    %mul3A_2776 = arith.muli %shift_right_logical3A_2772, %add3A_2769 : vector<16xi32>
    %ge3A_2777 = arith.cmpi sge, %mul3A_2776, %and3A_2775 : vector<16xi32>
    %select_n3A_2778 = arith.select %ge3A_2777, %get3A_2760, %gather3A : vector<16xi1>, vector<16xi32>
    %swap3A_2779 = arith.constant 0 : i32
    %swap3A_2780 = arith.constant 0 : i32
    %swap3A_2781 = tpu.memref_slice %arg13[%swap3A_2779, %swap3A_2780] : memref<4x128xi32, #tpu.memory_space<vmem>> -> memref<1x128xi32, #tpu.memory_space<vmem>>
    %swap3A_2782 = tpu.memref_squeeze %swap3A_2781 : memref<1x128xi32, #tpu.memory_space<vmem>> -> memref<128xi32, #tpu.memory_space<vmem>>
    %swap3A_2783 = arith.constant 32 : index
    %swap3A_2784 = tpu.vector_load %swap3A_2782[%swap3A_2783] {strides = array<i32>} : memref<128xi32, #tpu.memory_space<vmem>>, vector<16xi32>,
    tpu.vector_store %swap3A_2782[%swap3A_2783], %select_n3A_2778 {strides = array<i32>} : memref<128xi32, #tpu.memory_space<vmem>>, vector<16xi32>,
    %sub3A_2785 = arith.constant 1 : i32
    %sub3A_2786 = vector.broadcast %sub3A_2785 : i32 to vector<16xi32>
    %sub3A_2787 = arith.subi %add3A_2769, %sub3A_2786 : vector<16xi32>
    %select_n3A_2788 = arith.select %ge3A_2777, %sub3A_2787, %broadcast_in_dim3A_2656 : vector<16xi1>, vector<16xi32>
    %swap3A_2789 = arith.constant 0 : i32
    %swap3A_2790 = arith.constant 0 : i32
    %swap3A_2791 = tpu.memref_slice %arg14[%swap3A_2789, %swap3A_2790] : memref<4x128xi32, #tpu.memory_space<vmem>> -> memref<1x128xi32, #tpu.memory_space<vmem>>
    %swap3A_2792 = tpu.memref_squeeze %swap3A_2791 : memref<1x128xi32, #tpu.memory_space<vmem>> -> memref<128xi32, #tpu.memory_space<vmem>>
    %swap3A_2793 = arith.constant 32 : index
    %swap3A_2794 = tpu.vector_load %swap3A_2792[%swap3A_2793] {strides = array<i32>} : memref<128xi32, #tpu.memory_space<vmem>>, vector<16xi32>,
    tpu.vector_store %swap3A_2792[%swap3A_2793], %select_n3A_2788 {strides = array<i32>} : memref<128xi32, #tpu.memory_space<vmem>>, vector<16xi32>,
    %get3A_2795 = arith.constant 0 : i32
    %get3A_2796 = arith.constant 0 : i32
    %get3A_2797 = tpu.memref_slice %arg12[%get3A_2795, %get3A_2796] : memref<4x128xi32, #tpu.memory_space<vmem>> -> memref<1x128xi32, #tpu.memory_space<vmem>>
    %get3A_2798 = tpu.memref_squeeze %get3A_2797 : memref<1x128xi32, #tpu.memory_space<vmem>> -> memref<128xi32, #tpu.memory_space<vmem>>
    %get3A_2799 = arith.constant 48 : index
    %get3A_2800 = tpu.vector_load %get3A_2798[%get3A_2799] {strides = array<i32>} : memref<128xi32, #tpu.memory_space<vmem>>, vector<16xi32>,
    %get3A_2801 = arith.constant 0 : i32
    %get3A_2802 = arith.constant 0 : i32
    %get3A_2803 = tpu.memref_slice %arg11[%get3A_2801, %get3A_2802] : memref<4x128xi32, #tpu.memory_space<vmem>> -> memref<1x128xi32, #tpu.memory_space<vmem>>
    %get3A_2804 = tpu.memref_squeeze %get3A_2803 : memref<1x128xi32, #tpu.memory_space<vmem>> -> memref<128xi32, #tpu.memory_space<vmem>>
    %get3A_2805 = arith.constant 48 : index
    %get3A_2806 = tpu.vector_load %get3A_2804[%get3A_2805] {strides = array<i32>} : memref<128xi32, #tpu.memory_space<vmem>>, vector<16xi32>,
    %add3A_2807 = arith.constant 0 : i32
    %add3A_2808 = arith.addi %mul3A_2, %add3A_2807 : i32
    %add3A_2809 = arith.constant 48 : i32
    %add3A_2810 = arith.addi %add3A_2808, %add3A_2809 : i32
    %add3A_2811 = arith.constant 1 : i32
    %add3A_2812 = arith.addi %add3A_2810, %add3A_2811 : i32
    %broadcast_in_dim3A_2813 = vector.broadcast %add3A_2812 : i32 to vector<16xi32>
    %iota3A_2814 = tpu.iota {dimensions = array<i32: 0>} : vector<16xi32>
    %add3A_2815 = arith.addi %broadcast_in_dim3A_2813, %iota3A_2814 : vector<16xi32>
    %broadcast_in_dim3A_2816 = arith.constant 26 : i32
    %broadcast_in_dim3A_2817 = vector.broadcast %broadcast_in_dim3A_2816 : i32 to vector<16xi32>
    %shift_right_logical3A_2818 = arith.shrui %get3A_2800, %broadcast_in_dim3A_2817 : vector<16xi32>
    %broadcast_in_dim3A_2819 = arith.constant 67108863 : i32
    %broadcast_in_dim3A_2820 = vector.broadcast %broadcast_in_dim3A_2819 : i32 to vector<16xi32>
    %and3A_2821 = arith.andi %get3A_2800, %broadcast_in_dim3A_2820 : vector<16xi32>
    %mul3A_2822 = arith.muli %shift_right_logical3A_2818, %add3A_2815 : vector<16xi32>
    %ge3A_2823 = arith.cmpi sge, %mul3A_2822, %and3A_2821 : vector<16xi32>
    %select_n3A_2824 = arith.select %ge3A_2823, %get3A_2806, %gather3A : vector<16xi1>, vector<16xi32>
    %swap3A_2825 = arith.constant 0 : i32
    %swap3A_2826 = arith.constant 0 : i32
    %swap3A_2827 = tpu.memref_slice %arg13[%swap3A_2825, %swap3A_2826] : memref<4x128xi32, #tpu.memory_space<vmem>> -> memref<1x128xi32, #tpu.memory_space<vmem>>
    %swap3A_2828 = tpu.memref_squeeze %swap3A_2827 : memref<1x128xi32, #tpu.memory_space<vmem>> -> memref<128xi32, #tpu.memory_space<vmem>>
    %swap3A_2829 = arith.constant 48 : index
    %swap3A_2830 = tpu.vector_load %swap3A_2828[%swap3A_2829] {strides = array<i32>} : memref<128xi32, #tpu.memory_space<vmem>>, vector<16xi32>,
    tpu.vector_store %swap3A_2828[%swap3A_2829], %select_n3A_2824 {strides = array<i32>} : memref<128xi32, #tpu.memory_space<vmem>>, vector<16xi32>,
    %sub3A_2831 = arith.constant 1 : i32
    %sub3A_2832 = vector.broadcast %sub3A_2831 : i32 to vector<16xi32>
    %sub3A_2833 = arith.subi %add3A_2815, %sub3A_2832 : vector<16xi32>
    %select_n3A_2834 = arith.select %ge3A_2823, %sub3A_2833, %broadcast_in_dim3A_2656 : vector<16xi1>, vector<16xi32>
    %swap3A_2835 = arith.constant 0 : i32
    %swap3A_2836 = arith.constant 0 : i32
    %swap3A_2837 = tpu.memref_slice %arg14[%swap3A_2835, %swap3A_2836] : memref<4x128xi32, #tpu.memory_space<vmem>> -> memref<1x128xi32, #tpu.memory_space<vmem>>
    %swap3A_2838 = tpu.memref_squeeze %swap3A_2837 : memref<1x128xi32, #tpu.memory_space<vmem>> -> memref<128xi32, #tpu.memory_space<vmem>>
    %swap3A_2839 = arith.constant 48 : index
    %swap3A_2840 = tpu.vector_load %swap3A_2838[%swap3A_2839] {strides = array<i32>} : memref<128xi32, #tpu.memory_space<vmem>>, vector<16xi32>,
    tpu.vector_store %swap3A_2838[%swap3A_2839], %select_n3A_2834 {strides = array<i32>} : memref<128xi32, #tpu.memory_space<vmem>>, vector<16xi32>,
    %get3A_2841 = arith.constant 0 : i32
    %get3A_2842 = arith.constant 0 : i32
    %get3A_2843 = tpu.memref_slice %arg12[%get3A_2841, %get3A_2842] : memref<4x128xi32, #tpu.memory_space<vmem>> -> memref<1x128xi32, #tpu.memory_space<vmem>>
    %get3A_2844 = tpu.memref_squeeze %get3A_2843 : memref<1x128xi32, #tpu.memory_space<vmem>> -> memref<128xi32, #tpu.memory_space<vmem>>
    %get3A_2845 = arith.constant 64 : index
    %get3A_2846 = tpu.vector_load %get3A_2844[%get3A_2845] {strides = array<i32>} : memref<128xi32, #tpu.memory_space<vmem>>, vector<16xi32>,
    %get3A_2847 = arith.constant 0 : i32
    %get3A_2848 = arith.constant 0 : i32
    %get3A_2849 = tpu.memref_slice %arg11[%get3A_2847, %get3A_2848] : memref<4x128xi32, #tpu.memory_space<vmem>> -> memref<1x128xi32, #tpu.memory_space<vmem>>
    %get3A_2850 = tpu.memref_squeeze %get3A_2849 : memref<1x128xi32, #tpu.memory_space<vmem>> -> memref<128xi32, #tpu.memory_space<vmem>>
    %get3A_2851 = arith.constant 64 : index
    %get3A_2852 = tpu.vector_load %get3A_2850[%get3A_2851] {strides = array<i32>} : memref<128xi32, #tpu.memory_space<vmem>>, vector<16xi32>,
    %add3A_2853 = arith.constant 0 : i32
    %add3A_2854 = arith.addi %mul3A_2, %add3A_2853 : i32
    %add3A_2855 = arith.constant 64 : i32
    %add3A_2856 = arith.addi %add3A_2854, %add3A_2855 : i32
    %add3A_2857 = arith.constant 1 : i32
    %add3A_2858 = arith.addi %add3A_2856, %add3A_2857 : i32
    %broadcast_in_dim3A_2859 = vector.broadcast %add3A_2858 : i32 to vector<16xi32>
    %iota3A_2860 = tpu.iota {dimensions = array<i32: 0>} : vector<16xi32>
    %add3A_2861 = arith.addi %broadcast_in_dim3A_2859, %iota3A_2860 : vector<16xi32>
    %broadcast_in_dim3A_2862 = arith.constant 26 : i32
    %broadcast_in_dim3A_2863 = vector.broadcast %broadcast_in_dim3A_2862 : i32 to vector<16xi32>
    %shift_right_logical3A_2864 = arith.shrui %get3A_2846, %broadcast_in_dim3A_2863 : vector<16xi32>
    %broadcast_in_dim3A_2865 = arith.constant 67108863 : i32
    %broadcast_in_dim3A_2866 = vector.broadcast %broadcast_in_dim3A_2865 : i32 to vector<16xi32>
    %and3A_2867 = arith.andi %get3A_2846, %broadcast_in_dim3A_2866 : vector<16xi32>
    %mul3A_2868 = arith.muli %shift_right_logical3A_2864, %add3A_2861 : vector<16xi32>
    %ge3A_2869 = arith.cmpi sge, %mul3A_2868, %and3A_2867 : vector<16xi32>
    %select_n3A_2870 = arith.select %ge3A_2869, %get3A_2852, %gather3A : vector<16xi1>, vector<16xi32>
    %swap3A_2871 = arith.constant 0 : i32
    %swap3A_2872 = arith.constant 0 : i32
    %swap3A_2873 = tpu.memref_slice %arg13[%swap3A_2871, %swap3A_2872] : memref<4x128xi32, #tpu.memory_space<vmem>> -> memref<1x128xi32, #tpu.memory_space<vmem>>
    %swap3A_2874 = tpu.memref_squeeze %swap3A_2873 : memref<1x128xi32, #tpu.memory_space<vmem>> -> memref<128xi32, #tpu.memory_space<vmem>>
    %swap3A_2875 = arith.constant 64 : index
    %swap3A_2876 = tpu.vector_load %swap3A_2874[%swap3A_2875] {strides = array<i32>} : memref<128xi32, #tpu.memory_space<vmem>>, vector<16xi32>,
    tpu.vector_store %swap3A_2874[%swap3A_2875], %select_n3A_2870 {strides = array<i32>} : memref<128xi32, #tpu.memory_space<vmem>>, vector<16xi32>,
    %sub3A_2877 = arith.constant 1 : i32
    %sub3A_2878 = vector.broadcast %sub3A_2877 : i32 to vector<16xi32>
    %sub3A_2879 = arith.subi %add3A_2861, %sub3A_2878 : vector<16xi32>
    %select_n3A_2880 = arith.select %ge3A_2869, %sub3A_2879, %broadcast_in_dim3A_2656 : vector<16xi1>, vector<16xi32>
    %swap3A_2881 = arith.constant 0 : i32
    %swap3A_2882 = arith.constant 0 : i32
    %swap3A_2883 = tpu.memref_slice %arg14[%swap3A_2881, %swap3A_2882] : memref<4x128xi32, #tpu.memory_space<vmem>> -> memref<1x128xi32, #tpu.memory_space<vmem>>
    %swap3A_2884 = tpu.memref_squeeze %swap3A_2883 : memref<1x128xi32, #tpu.memory_space<vmem>> -> memref<128xi32, #tpu.memory_space<vmem>>
    %swap3A_2885 = arith.constant 64 : index
    %swap3A_2886 = tpu.vector_load %swap3A_2884[%swap3A_2885] {strides = array<i32>} : memref<128xi32, #tpu.memory_space<vmem>>, vector<16xi32>,
    tpu.vector_store %swap3A_2884[%swap3A_2885], %select_n3A_2880 {strides = array<i32>} : memref<128xi32, #tpu.memory_space<vmem>>, vector<16xi32>,
    %get3A_2887 = arith.constant 0 : i32
    %get3A_2888 = arith.constant 0 : i32
    %get3A_2889 = tpu.memref_slice %arg12[%get3A_2887, %get3A_2888] : memref<4x128xi32, #tpu.memory_space<vmem>> -> memref<1x128xi32, #tpu.memory_space<vmem>>
    %get3A_2890 = tpu.memref_squeeze %get3A_2889 : memref<1x128xi32, #tpu.memory_space<vmem>> -> memref<128xi32, #tpu.memory_space<vmem>>
    %get3A_2891 = arith.constant 80 : index
    %get3A_2892 = tpu.vector_load %get3A_2890[%get3A_2891] {strides = array<i32>} : memref<128xi32, #tpu.memory_space<vmem>>, vector<16xi32>,
    %get3A_2893 = arith.constant 0 : i32
    %get3A_2894 = arith.constant 0 : i32
    %get3A_2895 = tpu.memref_slice %arg11[%get3A_2893, %get3A_2894] : memref<4x128xi32, #tpu.memory_space<vmem>> -> memref<1x128xi32, #tpu.memory_space<vmem>>
    %get3A_2896 = tpu.memref_squeeze %get3A_2895 : memref<1x128xi32, #tpu.memory_space<vmem>> -> memref<128xi32, #tpu.memory_space<vmem>>
    %get3A_2897 = arith.constant 80 : index
    %get3A_2898 = tpu.vector_load %get3A_2896[%get3A_2897] {strides = array<i32>} : memref<128xi32, #tpu.memory_space<vmem>>, vector<16xi32>,
    %add3A_2899 = arith.constant 0 : i32
    %add3A_2900 = arith.addi %mul3A_2, %add3A_2899 : i32
    %add3A_2901 = arith.constant 80 : i32
    %add3A_2902 = arith.addi %add3A_2900, %add3A_2901 : i32
    %add3A_2903 = arith.constant 1 : i32
    %add3A_2904 = arith.addi %add3A_2902, %add3A_2903 : i32
    %broadcast_in_dim3A_2905 = vector.broadcast %add3A_2904 : i32 to vector<16xi32>
    %iota3A_2906 = tpu.iota {dimensions = array<i32: 0>} : vector<16xi32>
    %add3A_2907 = arith.addi %broadcast_in_dim3A_2905, %iota3A_2906 : vector<16xi32>
    %broadcast_in_dim3A_2908 = arith.constant 26 : i32
    %broadcast_in_dim3A_2909 = vector.broadcast %broadcast_in_dim3A_2908 : i32 to vector<16xi32>
    %shift_right_logical3A_2910 = arith.shrui %get3A_2892, %broadcast_in_dim3A_2909 : vector<16xi32>
    %broadcast_in_dim3A_2911 = arith.constant 67108863 : i32
    %broadcast_in_dim3A_2912 = vector.broadcast %broadcast_in_dim3A_2911 : i32 to vector<16xi32>
    %and3A_2913 = arith.andi %get3A_2892, %broadcast_in_dim3A_2912 : vector<16xi32>
    %mul3A_2914 = arith.muli %shift_right_logical3A_2910, %add3A_2907 : vector<16xi32>
    %ge3A_2915 = arith.cmpi sge, %mul3A_2914, %and3A_2913 : vector<16xi32>
    %select_n3A_2916 = arith.select %ge3A_2915, %get3A_2898, %gather3A : vector<16xi1>, vector<16xi32>
    %swap3A_2917 = arith.constant 0 : i32
    %swap3A_2918 = arith.constant 0 : i32
    %swap3A_2919 = tpu.memref_slice %arg13[%swap3A_2917, %swap3A_2918] : memref<4x128xi32, #tpu.memory_space<vmem>> -> memref<1x128xi32, #tpu.memory_space<vmem>>
    %swap3A_2920 = tpu.memref_squeeze %swap3A_2919 : memref<1x128xi32, #tpu.memory_space<vmem>> -> memref<128xi32, #tpu.memory_space<vmem>>
    %swap3A_2921 = arith.constant 80 : index
    %swap3A_2922 = tpu.vector_load %swap3A_2920[%swap3A_2921] {strides = array<i32>} : memref<128xi32, #tpu.memory_space<vmem>>, vector<16xi32>,
    tpu.vector_store %swap3A_2920[%swap3A_2921], %select_n3A_2916 {strides = array<i32>} : memref<128xi32, #tpu.memory_space<vmem>>, vector<16xi32>,
    %sub3A_2923 = arith.constant 1 : i32
    %sub3A_2924 = vector.broadcast %sub3A_2923 : i32 to vector<16xi32>
    %sub3A_2925 = arith.subi %add3A_2907, %sub3A_2924 : vector<16xi32>
    %select_n3A_2926 = arith.select %ge3A_2915, %sub3A_2925, %broadcast_in_dim3A_2656 : vector<16xi1>, vector<16xi32>
    %swap3A_2927 = arith.constant 0 : i32
    %swap3A_2928 = arith.constant 0 : i32
    %swap3A_2929 = tpu.memref_slice %arg14[%swap3A_2927, %swap3A_2928] : memref<4x128xi32, #tpu.memory_space<vmem>> -> memref<1x128xi32, #tpu.memory_space<vmem>>
    %swap3A_2930 = tpu.memref_squeeze %swap3A_2929 : memref<1x128xi32, #tpu.memory_space<vmem>> -> memref<128xi32, #tpu.memory_space<vmem>>
    %swap3A_2931 = arith.constant 80 : index
    %swap3A_2932 = tpu.vector_load %swap3A_2930[%swap3A_2931] {strides = array<i32>} : memref<128xi32, #tpu.memory_space<vmem>>, vector<16xi32>,
    tpu.vector_store %swap3A_2930[%swap3A_2931], %select_n3A_2926 {strides = array<i32>} : memref<128xi32, #tpu.memory_space<vmem>>, vector<16xi32>,
    %get3A_2933 = arith.constant 0 : i32
    %get3A_2934 = arith.constant 0 : i32
    %get3A_2935 = tpu.memref_slice %arg12[%get3A_2933, %get3A_2934] : memref<4x128xi32, #tpu.memory_space<vmem>> -> memref<1x128xi32, #tpu.memory_space<vmem>>
    %get3A_2936 = tpu.memref_squeeze %get3A_2935 : memref<1x128xi32, #tpu.memory_space<vmem>> -> memref<128xi32, #tpu.memory_space<vmem>>
    %get3A_2937 = arith.constant 96 : index
    %get3A_2938 = tpu.vector_load %get3A_2936[%get3A_2937] {strides = array<i32>} : memref<128xi32, #tpu.memory_space<vmem>>, vector<16xi32>,
    %get3A_2939 = arith.constant 0 : i32
    %get3A_2940 = arith.constant 0 : i32
    %get3A_2941 = tpu.memref_slice %arg11[%get3A_2939, %get3A_2940] : memref<4x128xi32, #tpu.memory_space<vmem>> -> memref<1x128xi32, #tpu.memory_space<vmem>>
    %get3A_2942 = tpu.memref_squeeze %get3A_2941 : memref<1x128xi32, #tpu.memory_space<vmem>> -> memref<128xi32, #tpu.memory_space<vmem>>
    %get3A_2943 = arith.constant 96 : index
    %get3A_2944 = tpu.vector_load %get3A_2942[%get3A_2943] {strides = array<i32>} : memref<128xi32, #tpu.memory_space<vmem>>, vector<16xi32>,
    %add3A_2945 = arith.constant 0 : i32
    %add3A_2946 = arith.addi %mul3A_2, %add3A_2945 : i32
    %add3A_2947 = arith.constant 96 : i32
    %add3A_2948 = arith.addi %add3A_2946, %add3A_2947 : i32
    %add3A_2949 = arith.constant 1 : i32
    %add3A_2950 = arith.addi %add3A_2948, %add3A_2949 : i32
    %broadcast_in_dim3A_2951 = vector.broadcast %add3A_2950 : i32 to vector<16xi32>
    %iota3A_2952 = tpu.iota {dimensions = array<i32: 0>} : vector<16xi32>
    %add3A_2953 = arith.addi %broadcast_in_dim3A_2951, %iota3A_2952 : vector<16xi32>
    %broadcast_in_dim3A_2954 = arith.constant 26 : i32
    %broadcast_in_dim3A_2955 = vector.broadcast %broadcast_in_dim3A_2954 : i32 to vector<16xi32>
    %shift_right_logical3A_2956 = arith.shrui %get3A_2938, %broadcast_in_dim3A_2955 : vector<16xi32>
    %broadcast_in_dim3A_2957 = arith.constant 67108863 : i32
    %broadcast_in_dim3A_2958 = vector.broadcast %broadcast_in_dim3A_2957 : i32 to vector<16xi32>
    %and3A_2959 = arith.andi %get3A_2938, %broadcast_in_dim3A_2958 : vector<16xi32>
    %mul3A_2960 = arith.muli %shift_right_logical3A_2956, %add3A_2953 : vector<16xi32>
    %ge3A_2961 = arith.cmpi sge, %mul3A_2960, %and3A_2959 : vector<16xi32>
    %select_n3A_2962 = arith.select %ge3A_2961, %get3A_2944, %gather3A : vector<16xi1>, vector<16xi32>
    %swap3A_2963 = arith.constant 0 : i32
    %swap3A_2964 = arith.constant 0 : i32
    %swap3A_2965 = tpu.memref_slice %arg13[%swap3A_2963, %swap3A_2964] : memref<4x128xi32, #tpu.memory_space<vmem>> -> memref<1x128xi32, #tpu.memory_space<vmem>>
    %swap3A_2966 = tpu.memref_squeeze %swap3A_2965 : memref<1x128xi32, #tpu.memory_space<vmem>> -> memref<128xi32, #tpu.memory_space<vmem>>
    %swap3A_2967 = arith.constant 96 : index
    %swap3A_2968 = tpu.vector_load %swap3A_2966[%swap3A_2967] {strides = array<i32>} : memref<128xi32, #tpu.memory_space<vmem>>, vector<16xi32>,
    tpu.vector_store %swap3A_2966[%swap3A_2967], %select_n3A_2962 {strides = array<i32>} : memref<128xi32, #tpu.memory_space<vmem>>, vector<16xi32>,
    %sub3A_2969 = arith.constant 1 : i32
    %sub3A_2970 = vector.broadcast %sub3A_2969 : i32 to vector<16xi32>
    %sub3A_2971 = arith.subi %add3A_2953, %sub3A_2970 : vector<16xi32>
    %select_n3A_2972 = arith.select %ge3A_2961, %sub3A_2971, %broadcast_in_dim3A_2656 : vector<16xi1>, vector<16xi32>
    %swap3A_2973 = arith.constant 0 : i32
    %swap3A_2974 = arith.constant 0 : i32
    %swap3A_2975 = tpu.memref_slice %arg14[%swap3A_2973, %swap3A_2974] : memref<4x128xi32, #tpu.memory_space<vmem>> -> memref<1x128xi32, #tpu.memory_space<vmem>>
    %swap3A_2976 = tpu.memref_squeeze %swap3A_2975 : memref<1x128xi32, #tpu.memory_space<vmem>> -> memref<128xi32, #tpu.memory_space<vmem>>
    %swap3A_2977 = arith.constant 96 : index
    %swap3A_2978 = tpu.vector_load %swap3A_2976[%swap3A_2977] {strides = array<i32>} : memref<128xi32, #tpu.memory_space<vmem>>, vector<16xi32>,
    tpu.vector_store %swap3A_2976[%swap3A_2977], %select_n3A_2972 {strides = array<i32>} : memref<128xi32, #tpu.memory_space<vmem>>, vector<16xi32>,
    %get3A_2979 = arith.constant 0 : i32
    %get3A_2980 = arith.constant 0 : i32
    %get3A_2981 = tpu.memref_slice %arg12[%get3A_2979, %get3A_2980] : memref<4x128xi32, #tpu.memory_space<vmem>> -> memref<1x128xi32, #tpu.memory_space<vmem>>
    %get3A_2982 = tpu.memref_squeeze %get3A_2981 : memref<1x128xi32, #tpu.memory_space<vmem>> -> memref<128xi32, #tpu.memory_space<vmem>>
    %get3A_2983 = arith.constant 112 : index
    %get3A_2984 = tpu.vector_load %get3A_2982[%get3A_2983] {strides = array<i32>} : memref<128xi32, #tpu.memory_space<vmem>>, vector<16xi32>,
    %get3A_2985 = arith.constant 0 : i32
    %get3A_2986 = arith.constant 0 : i32
    %get3A_2987 = tpu.memref_slice %arg11[%get3A_2985, %get3A_2986] : memref<4x128xi32, #tpu.memory_space<vmem>> -> memref<1x128xi32, #tpu.memory_space<vmem>>
    %get3A_2988 = tpu.memref_squeeze %get3A_2987 : memref<1x128xi32, #tpu.memory_space<vmem>> -> memref<128xi32, #tpu.memory_space<vmem>>
    %get3A_2989 = arith.constant 112 : index
    %get3A_2990 = tpu.vector_load %get3A_2988[%get3A_2989] {strides = array<i32>} : memref<128xi32, #tpu.memory_space<vmem>>, vector<16xi32>,
    %add3A_2991 = arith.constant 0 : i32
    %add3A_2992 = arith.addi %mul3A_2, %add3A_2991 : i32
    %add3A_2993 = arith.constant 112 : i32
    %add3A_2994 = arith.addi %add3A_2992, %add3A_2993 : i32
    %add3A_2995 = arith.constant 1 : i32
    %add3A_2996 = arith.addi %add3A_2994, %add3A_2995 : i32
    %broadcast_in_dim3A_2997 = vector.broadcast %add3A_2996 : i32 to vector<16xi32>
    %iota3A_2998 = tpu.iota {dimensions = array<i32: 0>} : vector<16xi32>
    %add3A_2999 = arith.addi %broadcast_in_dim3A_2997, %iota3A_2998 : vector<16xi32>
    %broadcast_in_dim3A_3000 = arith.constant 26 : i32
    %broadcast_in_dim3A_3001 = vector.broadcast %broadcast_in_dim3A_3000 : i32 to vector<16xi32>
    %shift_right_logical3A_3002 = arith.shrui %get3A_2984, %broadcast_in_dim3A_3001 : vector<16xi32>
    %broadcast_in_dim3A_3003 = arith.constant 67108863 : i32
    %broadcast_in_dim3A_3004 = vector.broadcast %broadcast_in_dim3A_3003 : i32 to vector<16xi32>
    %and3A_3005 = arith.andi %get3A_2984, %broadcast_in_dim3A_3004 : vector<16xi32>
    %mul3A_3006 = arith.muli %shift_right_logical3A_3002, %add3A_2999 : vector<16xi32>
    %ge3A_3007 = arith.cmpi sge, %mul3A_3006, %and3A_3005 : vector<16xi32>
    %select_n3A_3008 = arith.select %ge3A_3007, %get3A_2990, %gather3A : vector<16xi1>, vector<16xi32>
    %swap3A_3009 = arith.constant 0 : i32
    %swap3A_3010 = arith.constant 0 : i32
    %swap3A_3011 = tpu.memref_slice %arg13[%swap3A_3009, %swap3A_3010] : memref<4x128xi32, #tpu.memory_space<vmem>> -> memref<1x128xi32, #tpu.memory_space<vmem>>
    %swap3A_3012 = tpu.memref_squeeze %swap3A_3011 : memref<1x128xi32, #tpu.memory_space<vmem>> -> memref<128xi32, #tpu.memory_space<vmem>>
    %swap3A_3013 = arith.constant 112 : index
    %swap3A_3014 = tpu.vector_load %swap3A_3012[%swap3A_3013] {strides = array<i32>} : memref<128xi32, #tpu.memory_space<vmem>>, vector<16xi32>,
    tpu.vector_store %swap3A_3012[%swap3A_3013], %select_n3A_3008 {strides = array<i32>} : memref<128xi32, #tpu.memory_space<vmem>>, vector<16xi32>,
    %sub3A_3015 = arith.constant 1 : i32
    %sub3A_3016 = vector.broadcast %sub3A_3015 : i32 to vector<16xi32>
    %sub3A_3017 = arith.subi %add3A_2999, %sub3A_3016 : vector<16xi32>
    %select_n3A_3018 = arith.select %ge3A_3007, %sub3A_3017, %broadcast_in_dim3A_2656 : vector<16xi1>, vector<16xi32>
    %swap3A_3019 = arith.constant 0 : i32
    %swap3A_3020 = arith.constant 0 : i32
    %swap3A_3021 = tpu.memref_slice %arg14[%swap3A_3019, %swap3A_3020] : memref<4x128xi32, #tpu.memory_space<vmem>> -> memref<1x128xi32, #tpu.memory_space<vmem>>
    %swap3A_3022 = tpu.memref_squeeze %swap3A_3021 : memref<1x128xi32, #tpu.memory_space<vmem>> -> memref<128xi32, #tpu.memory_space<vmem>>
    %swap3A_3023 = arith.constant 112 : index
    %swap3A_3024 = tpu.vector_load %swap3A_3022[%swap3A_3023] {strides = array<i32>} : memref<128xi32, #tpu.memory_space<vmem>>, vector<16xi32>,
    tpu.vector_store %swap3A_3022[%swap3A_3023], %select_n3A_3018 {strides = array<i32>} : memref<128xi32, #tpu.memory_space<vmem>>, vector<16xi32>,
    %get3A_3025 = arith.constant 1 : i32
    %get3A_3026 = arith.constant 0 : i32
    %get3A_3027 = tpu.memref_slice %arg12[%get3A_3025, %get3A_3026] : memref<4x128xi32, #tpu.memory_space<vmem>> -> memref<1x128xi32, #tpu.memory_space<vmem>>
    %get3A_3028 = tpu.memref_squeeze %get3A_3027 : memref<1x128xi32, #tpu.memory_space<vmem>> -> memref<128xi32, #tpu.memory_space<vmem>>
    %get3A_3029 = arith.constant 0 : index
    %get3A_3030 = tpu.vector_load %get3A_3028[%get3A_3029] {strides = array<i32>} : memref<128xi32, #tpu.memory_space<vmem>>, vector<16xi32>,
    %get3A_3031 = arith.constant 1 : i32
    %get3A_3032 = arith.constant 0 : i32
    %get3A_3033 = tpu.memref_slice %arg11[%get3A_3031, %get3A_3032] : memref<4x128xi32, #tpu.memory_space<vmem>> -> memref<1x128xi32, #tpu.memory_space<vmem>>
    %get3A_3034 = tpu.memref_squeeze %get3A_3033 : memref<1x128xi32, #tpu.memory_space<vmem>> -> memref<128xi32, #tpu.memory_space<vmem>>
    %get3A_3035 = arith.constant 0 : index
    %get3A_3036 = tpu.vector_load %get3A_3034[%get3A_3035] {strides = array<i32>} : memref<128xi32, #tpu.memory_space<vmem>>, vector<16xi32>,
    %add3A_3037 = arith.constant 128 : i32
    %add3A_3038 = arith.addi %mul3A_2, %add3A_3037 : i32
    %add3A_3039 = arith.constant 0 : i32
    %add3A_3040 = arith.addi %add3A_3038, %add3A_3039 : i32
    %add3A_3041 = arith.constant 1 : i32
    %add3A_3042 = arith.addi %add3A_3040, %add3A_3041 : i32
    %broadcast_in_dim3A_3043 = vector.broadcast %add3A_3042 : i32 to vector<16xi32>
    %iota3A_3044 = tpu.iota {dimensions = array<i32: 0>} : vector<16xi32>
    %add3A_3045 = arith.addi %broadcast_in_dim3A_3043, %iota3A_3044 : vector<16xi32>
    %broadcast_in_dim3A_3046 = arith.constant 26 : i32
    %broadcast_in_dim3A_3047 = vector.broadcast %broadcast_in_dim3A_3046 : i32 to vector<16xi32>
    %shift_right_logical3A_3048 = arith.shrui %get3A_3030, %broadcast_in_dim3A_3047 : vector<16xi32>
    %broadcast_in_dim3A_3049 = arith.constant 67108863 : i32
    %broadcast_in_dim3A_3050 = vector.broadcast %broadcast_in_dim3A_3049 : i32 to vector<16xi32>
    %and3A_3051 = arith.andi %get3A_3030, %broadcast_in_dim3A_3050 : vector<16xi32>
    %mul3A_3052 = arith.muli %shift_right_logical3A_3048, %add3A_3045 : vector<16xi32>
    %ge3A_3053 = arith.cmpi sge, %mul3A_3052, %and3A_3051 : vector<16xi32>
    %select_n3A_3054 = arith.select %ge3A_3053, %get3A_3036, %gather3A : vector<16xi1>, vector<16xi32>
    %swap3A_3055 = arith.constant 1 : i32
    %swap3A_3056 = arith.constant 0 : i32
    %swap3A_3057 = tpu.memref_slice %arg13[%swap3A_3055, %swap3A_3056] : memref<4x128xi32, #tpu.memory_space<vmem>> -> memref<1x128xi32, #tpu.memory_space<vmem>>
    %swap3A_3058 = tpu.memref_squeeze %swap3A_3057 : memref<1x128xi32, #tpu.memory_space<vmem>> -> memref<128xi32, #tpu.memory_space<vmem>>
    %swap3A_3059 = arith.constant 0 : index
    %swap3A_3060 = tpu.vector_load %swap3A_3058[%swap3A_3059] {strides = array<i32>} : memref<128xi32, #tpu.memory_space<vmem>>, vector<16xi32>,
    tpu.vector_store %swap3A_3058[%swap3A_3059], %select_n3A_3054 {strides = array<i32>} : memref<128xi32, #tpu.memory_space<vmem>>, vector<16xi32>,
    %sub3A_3061 = arith.constant 1 : i32
    %sub3A_3062 = vector.broadcast %sub3A_3061 : i32 to vector<16xi32>
    %sub3A_3063 = arith.subi %add3A_3045, %sub3A_3062 : vector<16xi32>
    %select_n3A_3064 = arith.select %ge3A_3053, %sub3A_3063, %broadcast_in_dim3A_2656 : vector<16xi1>, vector<16xi32>
    %swap3A_3065 = arith.constant 1 : i32
    %swap3A_3066 = arith.constant 0 : i32
    %swap3A_3067 = tpu.memref_slice %arg14[%swap3A_3065, %swap3A_3066] : memref<4x128xi32, #tpu.memory_space<vmem>> -> memref<1x128xi32, #tpu.memory_space<vmem>>
    %swap3A_3068 = tpu.memref_squeeze %swap3A_3067 : memref<1x128xi32, #tpu.memory_space<vmem>> -> memref<128xi32, #tpu.memory_space<vmem>>
    %swap3A_3069 = arith.constant 0 : index
    %swap3A_3070 = tpu.vector_load %swap3A_3068[%swap3A_3069] {strides = array<i32>} : memref<128xi32, #tpu.memory_space<vmem>>, vector<16xi32>,
    tpu.vector_store %swap3A_3068[%swap3A_3069], %select_n3A_3064 {strides = array<i32>} : memref<128xi32, #tpu.memory_space<vmem>>, vector<16xi32>,
    %get3A_3071 = arith.constant 1 : i32
    %get3A_3072 = arith.constant 0 : i32
    %get3A_3073 = tpu.memref_slice %arg12[%get3A_3071, %get3A_3072] : memref<4x128xi32, #tpu.memory_space<vmem>> -> memref<1x128xi32, #tpu.memory_space<vmem>>
    %get3A_3074 = tpu.memref_squeeze %get3A_3073 : memref<1x128xi32, #tpu.memory_space<vmem>> -> memref<128xi32, #tpu.memory_space<vmem>>
    %get3A_3075 = arith.constant 16 : index
    %get3A_3076 = tpu.vector_load %get3A_3074[%get3A_3075] {strides = array<i32>} : memref<128xi32, #tpu.memory_space<vmem>>, vector<16xi32>,
    %get3A_3077 = arith.constant 1 : i32
    %get3A_3078 = arith.constant 0 : i32
    %get3A_3079 = tpu.memref_slice %arg11[%get3A_3077, %get3A_3078] : memref<4x128xi32, #tpu.memory_space<vmem>> -> memref<1x128xi32, #tpu.memory_space<vmem>>
    %get3A_3080 = tpu.memref_squeeze %get3A_3079 : memref<1x128xi32, #tpu.memory_space<vmem>> -> memref<128xi32, #tpu.memory_space<vmem>>
    %get3A_3081 = arith.constant 16 : index
    %get3A_3082 = tpu.vector_load %get3A_3080[%get3A_3081] {strides = array<i32>} : memref<128xi32, #tpu.memory_space<vmem>>, vector<16xi32>,
    %add3A_3083 = arith.constant 128 : i32
    %add3A_3084 = arith.addi %mul3A_2, %add3A_3083 : i32
    %add3A_3085 = arith.constant 16 : i32
    %add3A_3086 = arith.addi %add3A_3084, %add3A_3085 : i32
    %add3A_3087 = arith.constant 1 : i32
    %add3A_3088 = arith.addi %add3A_3086, %add3A_3087 : i32
    %broadcast_in_dim3A_3089 = vector.broadcast %add3A_3088 : i32 to vector<16xi32>
    %iota3A_3090 = tpu.iota {dimensions = array<i32: 0>} : vector<16xi32>
    %add3A_3091 = arith.addi %broadcast_in_dim3A_3089, %iota3A_3090 : vector<16xi32>
    %broadcast_in_dim3A_3092 = arith.constant 26 : i32
    %broadcast_in_dim3A_3093 = vector.broadcast %broadcast_in_dim3A_3092 : i32 to vector<16xi32>
    %shift_right_logical3A_3094 = arith.shrui %get3A_3076, %broadcast_in_dim3A_3093 : vector<16xi32>
    %broadcast_in_dim3A_3095 = arith.constant 67108863 : i32
    %broadcast_in_dim3A_3096 = vector.broadcast %broadcast_in_dim3A_3095 : i32 to vector<16xi32>
    %and3A_3097 = arith.andi %get3A_3076, %broadcast_in_dim3A_3096 : vector<16xi32>
    %mul3A_3098 = arith.muli %shift_right_logical3A_3094, %add3A_3091 : vector<16xi32>
    %ge3A_3099 = arith.cmpi sge, %mul3A_3098, %and3A_3097 : vector<16xi32>
    %select_n3A_3100 = arith.select %ge3A_3099, %get3A_3082, %gather3A : vector<16xi1>, vector<16xi32>
    %swap3A_3101 = arith.constant 1 : i32
    %swap3A_3102 = arith.constant 0 : i32
    %swap3A_3103 = tpu.memref_slice %arg13[%swap3A_3101, %swap3A_3102] : memref<4x128xi32, #tpu.memory_space<vmem>> -> memref<1x128xi32, #tpu.memory_space<vmem>>
    %swap3A_3104 = tpu.memref_squeeze %swap3A_3103 : memref<1x128xi32, #tpu.memory_space<vmem>> -> memref<128xi32, #tpu.memory_space<vmem>>
    %swap3A_3105 = arith.constant 16 : index
    %swap3A_3106 = tpu.vector_load %swap3A_3104[%swap3A_3105] {strides = array<i32>} : memref<128xi32, #tpu.memory_space<vmem>>, vector<16xi32>,
    tpu.vector_store %swap3A_3104[%swap3A_3105], %select_n3A_3100 {strides = array<i32>} : memref<128xi32, #tpu.memory_space<vmem>>, vector<16xi32>,
    %sub3A_3107 = arith.constant 1 : i32
    %sub3A_3108 = vector.broadcast %sub3A_3107 : i32 to vector<16xi32>
    %sub3A_3109 = arith.subi %add3A_3091, %sub3A_3108 : vector<16xi32>
    %select_n3A_3110 = arith.select %ge3A_3099, %sub3A_3109, %broadcast_in_dim3A_2656 : vector<16xi1>, vector<16xi32>
    %swap3A_3111 = arith.constant 1 : i32
    %swap3A_3112 = arith.constant 0 : i32
    %swap3A_3113 = tpu.memref_slice %arg14[%swap3A_3111, %swap3A_3112] : memref<4x128xi32, #tpu.memory_space<vmem>> -> memref<1x128xi32, #tpu.memory_space<vmem>>
    %swap3A_3114 = tpu.memref_squeeze %swap3A_3113 : memref<1x128xi32, #tpu.memory_space<vmem>> -> memref<128xi32, #tpu.memory_space<vmem>>
    %swap3A_3115 = arith.constant 16 : index
    %swap3A_3116 = tpu.vector_load %swap3A_3114[%swap3A_3115] {strides = array<i32>} : memref<128xi32, #tpu.memory_space<vmem>>, vector<16xi32>,
    tpu.vector_store %swap3A_3114[%swap3A_3115], %select_n3A_3110 {strides = array<i32>} : memref<128xi32, #tpu.memory_space<vmem>>, vector<16xi32>,
    %get3A_3117 = arith.constant 1 : i32
    %get3A_3118 = arith.constant 0 : i32
    %get3A_3119 = tpu.memref_slice %arg12[%get3A_3117, %get3A_3118] : memref<4x128xi32, #tpu.memory_space<vmem>> -> memref<1x128xi32, #tpu.memory_space<vmem>>
    %get3A_3120 = tpu.memref_squeeze %get3A_3119 : memref<1x128xi32, #tpu.memory_space<vmem>> -> memref<128xi32, #tpu.memory_space<vmem>>
    %get3A_3121 = arith.constant 32 : index
    %get3A_3122 = tpu.vector_load %get3A_3120[%get3A_3121] {strides = array<i32>} : memref<128xi32, #tpu.memory_space<vmem>>, vector<16xi32>,
    %get3A_3123 = arith.constant 1 : i32
    %get3A_3124 = arith.constant 0 : i32
    %get3A_3125 = tpu.memref_slice %arg11[%get3A_3123, %get3A_3124] : memref<4x128xi32, #tpu.memory_space<vmem>> -> memref<1x128xi32, #tpu.memory_space<vmem>>
    %get3A_3126 = tpu.memref_squeeze %get3A_3125 : memref<1x128xi32, #tpu.memory_space<vmem>> -> memref<128xi32, #tpu.memory_space<vmem>>
    %get3A_3127 = arith.constant 32 : index
    %get3A_3128 = tpu.vector_load %get3A_3126[%get3A_3127] {strides = array<i32>} : memref<128xi32, #tpu.memory_space<vmem>>, vector<16xi32>,
    %add3A_3129 = arith.constant 128 : i32
    %add3A_3130 = arith.addi %mul3A_2, %add3A_3129 : i32
    %add3A_3131 = arith.constant 32 : i32
    %add3A_3132 = arith.addi %add3A_3130, %add3A_3131 : i32
    %add3A_3133 = arith.constant 1 : i32
    %add3A_3134 = arith.addi %add3A_3132, %add3A_3133 : i32
    %broadcast_in_dim3A_3135 = vector.broadcast %add3A_3134 : i32 to vector<16xi32>
    %iota3A_3136 = tpu.iota {dimensions = array<i32: 0>} : vector<16xi32>
    %add3A_3137 = arith.addi %broadcast_in_dim3A_3135, %iota3A_3136 : vector<16xi32>
    %broadcast_in_dim3A_3138 = arith.constant 26 : i32
    %broadcast_in_dim3A_3139 = vector.broadcast %broadcast_in_dim3A_3138 : i32 to vector<16xi32>
    %shift_right_logical3A_3140 = arith.shrui %get3A_3122, %broadcast_in_dim3A_3139 : vector<16xi32>
    %broadcast_in_dim3A_3141 = arith.constant 67108863 : i32
    %broadcast_in_dim3A_3142 = vector.broadcast %broadcast_in_dim3A_3141 : i32 to vector<16xi32>
    %and3A_3143 = arith.andi %get3A_3122, %broadcast_in_dim3A_3142 : vector<16xi32>
    %mul3A_3144 = arith.muli %shift_right_logical3A_3140, %add3A_3137 : vector<16xi32>
    %ge3A_3145 = arith.cmpi sge, %mul3A_3144, %and3A_3143 : vector<16xi32>
    %select_n3A_3146 = arith.select %ge3A_3145, %get3A_3128, %gather3A : vector<16xi1>, vector<16xi32>
    %swap3A_3147 = arith.constant 1 : i32
    %swap3A_3148 = arith.constant 0 : i32
    %swap3A_3149 = tpu.memref_slice %arg13[%swap3A_3147, %swap3A_3148] : memref<4x128xi32, #tpu.memory_space<vmem>> -> memref<1x128xi32, #tpu.memory_space<vmem>>
    %swap3A_3150 = tpu.memref_squeeze %swap3A_3149 : memref<1x128xi32, #tpu.memory_space<vmem>> -> memref<128xi32, #tpu.memory_space<vmem>>
    %swap3A_3151 = arith.constant 32 : index
    %swap3A_3152 = tpu.vector_load %swap3A_3150[%swap3A_3151] {strides = array<i32>} : memref<128xi32, #tpu.memory_space<vmem>>, vector<16xi32>,
    tpu.vector_store %swap3A_3150[%swap3A_3151], %select_n3A_3146 {strides = array<i32>} : memref<128xi32, #tpu.memory_space<vmem>>, vector<16xi32>,
    %sub3A_3153 = arith.constant 1 : i32
    %sub3A_3154 = vector.broadcast %sub3A_3153 : i32 to vector<16xi32>
    %sub3A_3155 = arith.subi %add3A_3137, %sub3A_3154 : vector<16xi32>
    %select_n3A_3156 = arith.select %ge3A_3145, %sub3A_3155, %broadcast_in_dim3A_2656 : vector<16xi1>, vector<16xi32>
    %swap3A_3157 = arith.constant 1 : i32
    %swap3A_3158 = arith.constant 0 : i32
    %swap3A_3159 = tpu.memref_slice %arg14[%swap3A_3157, %swap3A_3158] : memref<4x128xi32, #tpu.memory_space<vmem>> -> memref<1x128xi32, #tpu.memory_space<vmem>>
    %swap3A_3160 = tpu.memref_squeeze %swap3A_3159 : memref<1x128xi32, #tpu.memory_space<vmem>> -> memref<128xi32, #tpu.memory_space<vmem>>
    %swap3A_3161 = arith.constant 32 : index
    %swap3A_3162 = tpu.vector_load %swap3A_3160[%swap3A_3161] {strides = array<i32>} : memref<128xi32, #tpu.memory_space<vmem>>, vector<16xi32>,
    tpu.vector_store %swap3A_3160[%swap3A_3161], %select_n3A_3156 {strides = array<i32>} : memref<128xi32, #tpu.memory_space<vmem>>, vector<16xi32>,
    %get3A_3163 = arith.constant 1 : i32
    %get3A_3164 = arith.constant 0 : i32
    %get3A_3165 = tpu.memref_slice %arg12[%get3A_3163, %get3A_3164] : memref<4x128xi32, #tpu.memory_space<vmem>> -> memref<1x128xi32, #tpu.memory_space<vmem>>
    %get3A_3166 = tpu.memref_squeeze %get3A_3165 : memref<1x128xi32, #tpu.memory_space<vmem>> -> memref<128xi32, #tpu.memory_space<vmem>>
    %get3A_3167 = arith.constant 48 : index
    %get3A_3168 = tpu.vector_load %get3A_3166[%get3A_3167] {strides = array<i32>} : memref<128xi32, #tpu.memory_space<vmem>>, vector<16xi32>,
    %get3A_3169 = arith.constant 1 : i32
    %get3A_3170 = arith.constant 0 : i32
    %get3A_3171 = tpu.memref_slice %arg11[%get3A_3169, %get3A_3170] : memref<4x128xi32, #tpu.memory_space<vmem>> -> memref<1x128xi32, #tpu.memory_space<vmem>>
    %get3A_3172 = tpu.memref_squeeze %get3A_3171 : memref<1x128xi32, #tpu.memory_space<vmem>> -> memref<128xi32, #tpu.memory_space<vmem>>
    %get3A_3173 = arith.constant 48 : index
    %get3A_3174 = tpu.vector_load %get3A_3172[%get3A_3173] {strides = array<i32>} : memref<128xi32, #tpu.memory_space<vmem>>, vector<16xi32>,
    %add3A_3175 = arith.constant 128 : i32
    %add3A_3176 = arith.addi %mul3A_2, %add3A_3175 : i32
    %add3A_3177 = arith.constant 48 : i32
    %add3A_3178 = arith.addi %add3A_3176, %add3A_3177 : i32
    %add3A_3179 = arith.constant 1 : i32
    %add3A_3180 = arith.addi %add3A_3178, %add3A_3179 : i32
    %broadcast_in_dim3A_3181 = vector.broadcast %add3A_3180 : i32 to vector<16xi32>
    %iota3A_3182 = tpu.iota {dimensions = array<i32: 0>} : vector<16xi32>
    %add3A_3183 = arith.addi %broadcast_in_dim3A_3181, %iota3A_3182 : vector<16xi32>
    %broadcast_in_dim3A_3184 = arith.constant 26 : i32
    %broadcast_in_dim3A_3185 = vector.broadcast %broadcast_in_dim3A_3184 : i32 to vector<16xi32>
    %shift_right_logical3A_3186 = arith.shrui %get3A_3168, %broadcast_in_dim3A_3185 : vector<16xi32>
    %broadcast_in_dim3A_3187 = arith.constant 67108863 : i32
    %broadcast_in_dim3A_3188 = vector.broadcast %broadcast_in_dim3A_3187 : i32 to vector<16xi32>
    %and3A_3189 = arith.andi %get3A_3168, %broadcast_in_dim3A_3188 : vector<16xi32>
    %mul3A_3190 = arith.muli %shift_right_logical3A_3186, %add3A_3183 : vector<16xi32>
    %ge3A_3191 = arith.cmpi sge, %mul3A_3190, %and3A_3189 : vector<16xi32>
    %select_n3A_3192 = arith.select %ge3A_3191, %get3A_3174, %gather3A : vector<16xi1>, vector<16xi32>
    %swap3A_3193 = arith.constant 1 : i32
    %swap3A_3194 = arith.constant 0 : i32
    %swap3A_3195 = tpu.memref_slice %arg13[%swap3A_3193, %swap3A_3194] : memref<4x128xi32, #tpu.memory_space<vmem>> -> memref<1x128xi32, #tpu.memory_space<vmem>>
    %swap3A_3196 = tpu.memref_squeeze %swap3A_3195 : memref<1x128xi32, #tpu.memory_space<vmem>> -> memref<128xi32, #tpu.memory_space<vmem>>
    %swap3A_3197 = arith.constant 48 : index
    %swap3A_3198 = tpu.vector_load %swap3A_3196[%swap3A_3197] {strides = array<i32>} : memref<128xi32, #tpu.memory_space<vmem>>, vector<16xi32>,
    tpu.vector_store %swap3A_3196[%swap3A_3197], %select_n3A_3192 {strides = array<i32>} : memref<128xi32, #tpu.memory_space<vmem>>, vector<16xi32>,
    %sub3A_3199 = arith.constant 1 : i32
    %sub3A_3200 = vector.broadcast %sub3A_3199 : i32 to vector<16xi32>
    %sub3A_3201 = arith.subi %add3A_3183, %sub3A_3200 : vector<16xi32>
    %select_n3A_3202 = arith.select %ge3A_3191, %sub3A_3201, %broadcast_in_dim3A_2656 : vector<16xi1>, vector<16xi32>
    %swap3A_3203 = arith.constant 1 : i32
    %swap3A_3204 = arith.constant 0 : i32
    %swap3A_3205 = tpu.memref_slice %arg14[%swap3A_3203, %swap3A_3204] : memref<4x128xi32, #tpu.memory_space<vmem>> -> memref<1x128xi32, #tpu.memory_space<vmem>>
    %swap3A_3206 = tpu.memref_squeeze %swap3A_3205 : memref<1x128xi32, #tpu.memory_space<vmem>> -> memref<128xi32, #tpu.memory_space<vmem>>
    %swap3A_3207 = arith.constant 48 : index
    %swap3A_3208 = tpu.vector_load %swap3A_3206[%swap3A_3207] {strides = array<i32>} : memref<128xi32, #tpu.memory_space<vmem>>, vector<16xi32>,
    tpu.vector_store %swap3A_3206[%swap3A_3207], %select_n3A_3202 {strides = array<i32>} : memref<128xi32, #tpu.memory_space<vmem>>, vector<16xi32>,
    %get3A_3209 = arith.constant 1 : i32
    %get3A_3210 = arith.constant 0 : i32
    %get3A_3211 = tpu.memref_slice %arg12[%get3A_3209, %get3A_3210] : memref<4x128xi32, #tpu.memory_space<vmem>> -> memref<1x128xi32, #tpu.memory_space<vmem>>
    %get3A_3212 = tpu.memref_squeeze %get3A_3211 : memref<1x128xi32, #tpu.memory_space<vmem>> -> memref<128xi32, #tpu.memory_space<vmem>>
    %get3A_3213 = arith.constant 64 : index
    %get3A_3214 = tpu.vector_load %get3A_3212[%get3A_3213] {strides = array<i32>} : memref<128xi32, #tpu.memory_space<vmem>>, vector<16xi32>,
    %get3A_3215 = arith.constant 1 : i32
    %get3A_3216 = arith.constant 0 : i32
    %get3A_3217 = tpu.memref_slice %arg11[%get3A_3215, %get3A_3216] : memref<4x128xi32, #tpu.memory_space<vmem>> -> memref<1x128xi32, #tpu.memory_space<vmem>>
    %get3A_3218 = tpu.memref_squeeze %get3A_3217 : memref<1x128xi32, #tpu.memory_space<vmem>> -> memref<128xi32, #tpu.memory_space<vmem>>
    %get3A_3219 = arith.constant 64 : index
    %get3A_3220 = tpu.vector_load %get3A_3218[%get3A_3219] {strides = array<i32>} : memref<128xi32, #tpu.memory_space<vmem>>, vector<16xi32>,
    %add3A_3221 = arith.constant 128 : i32
    %add3A_3222 = arith.addi %mul3A_2, %add3A_3221 : i32
    %add3A_3223 = arith.constant 64 : i32
    %add3A_3224 = arith.addi %add3A_3222, %add3A_3223 : i32
    %add3A_3225 = arith.constant 1 : i32
    %add3A_3226 = arith.addi %add3A_3224, %add3A_3225 : i32
    %broadcast_in_dim3A_3227 = vector.broadcast %add3A_3226 : i32 to vector<16xi32>
    %iota3A_3228 = tpu.iota {dimensions = array<i32: 0>} : vector<16xi32>
    %add3A_3229 = arith.addi %broadcast_in_dim3A_3227, %iota3A_3228 : vector<16xi32>
    %broadcast_in_dim3A_3230 = arith.constant 26 : i32
    %broadcast_in_dim3A_3231 = vector.broadcast %broadcast_in_dim3A_3230 : i32 to vector<16xi32>
    %shift_right_logical3A_3232 = arith.shrui %get3A_3214, %broadcast_in_dim3A_3231 : vector<16xi32>
    %broadcast_in_dim3A_3233 = arith.constant 67108863 : i32
    %broadcast_in_dim3A_3234 = vector.broadcast %broadcast_in_dim3A_3233 : i32 to vector<16xi32>
    %and3A_3235 = arith.andi %get3A_3214, %broadcast_in_dim3A_3234 : vector<16xi32>
    %mul3A_3236 = arith.muli %shift_right_logical3A_3232, %add3A_3229 : vector<16xi32>
    %ge3A_3237 = arith.cmpi sge, %mul3A_3236, %and3A_3235 : vector<16xi32>
    %select_n3A_3238 = arith.select %ge3A_3237, %get3A_3220, %gather3A : vector<16xi1>, vector<16xi32>
    %swap3A_3239 = arith.constant 1 : i32
    %swap3A_3240 = arith.constant 0 : i32
    %swap3A_3241 = tpu.memref_slice %arg13[%swap3A_3239, %swap3A_3240] : memref<4x128xi32, #tpu.memory_space<vmem>> -> memref<1x128xi32, #tpu.memory_space<vmem>>
    %swap3A_3242 = tpu.memref_squeeze %swap3A_3241 : memref<1x128xi32, #tpu.memory_space<vmem>> -> memref<128xi32, #tpu.memory_space<vmem>>
    %swap3A_3243 = arith.constant 64 : index
    %swap3A_3244 = tpu.vector_load %swap3A_3242[%swap3A_3243] {strides = array<i32>} : memref<128xi32, #tpu.memory_space<vmem>>, vector<16xi32>,
    tpu.vector_store %swap3A_3242[%swap3A_3243], %select_n3A_3238 {strides = array<i32>} : memref<128xi32, #tpu.memory_space<vmem>>, vector<16xi32>,
    %sub3A_3245 = arith.constant 1 : i32
    %sub3A_3246 = vector.broadcast %sub3A_3245 : i32 to vector<16xi32>
    %sub3A_3247 = arith.subi %add3A_3229, %sub3A_3246 : vector<16xi32>
    %select_n3A_3248 = arith.select %ge3A_3237, %sub3A_3247, %broadcast_in_dim3A_2656 : vector<16xi1>, vector<16xi32>
    %swap3A_3249 = arith.constant 1 : i32
    %swap3A_3250 = arith.constant 0 : i32
    %swap3A_3251 = tpu.memref_slice %arg14[%swap3A_3249, %swap3A_3250] : memref<4x128xi32, #tpu.memory_space<vmem>> -> memref<1x128xi32, #tpu.memory_space<vmem>>
    %swap3A_3252 = tpu.memref_squeeze %swap3A_3251 : memref<1x128xi32, #tpu.memory_space<vmem>> -> memref<128xi32, #tpu.memory_space<vmem>>
    %swap3A_3253 = arith.constant 64 : index
    %swap3A_3254 = tpu.vector_load %swap3A_3252[%swap3A_3253] {strides = array<i32>} : memref<128xi32, #tpu.memory_space<vmem>>, vector<16xi32>,
    tpu.vector_store %swap3A_3252[%swap3A_3253], %select_n3A_3248 {strides = array<i32>} : memref<128xi32, #tpu.memory_space<vmem>>, vector<16xi32>,
    %get3A_3255 = arith.constant 1 : i32
    %get3A_3256 = arith.constant 0 : i32
    %get3A_3257 = tpu.memref_slice %arg12[%get3A_3255, %get3A_3256] : memref<4x128xi32, #tpu.memory_space<vmem>> -> memref<1x128xi32, #tpu.memory_space<vmem>>
    %get3A_3258 = tpu.memref_squeeze %get3A_3257 : memref<1x128xi32, #tpu.memory_space<vmem>> -> memref<128xi32, #tpu.memory_space<vmem>>
    %get3A_3259 = arith.constant 80 : index
    %get3A_3260 = tpu.vector_load %get3A_3258[%get3A_3259] {strides = array<i32>} : memref<128xi32, #tpu.memory_space<vmem>>, vector<16xi32>,
    %get3A_3261 = arith.constant 1 : i32
    %get3A_3262 = arith.constant 0 : i32
    %get3A_3263 = tpu.memref_slice %arg11[%get3A_3261, %get3A_3262] : memref<4x128xi32, #tpu.memory_space<vmem>> -> memref<1x128xi32, #tpu.memory_space<vmem>>
    %get3A_3264 = tpu.memref_squeeze %get3A_3263 : memref<1x128xi32, #tpu.memory_space<vmem>> -> memref<128xi32, #tpu.memory_space<vmem>>
    %get3A_3265 = arith.constant 80 : index
    %get3A_3266 = tpu.vector_load %get3A_3264[%get3A_3265] {strides = array<i32>} : memref<128xi32, #tpu.memory_space<vmem>>, vector<16xi32>,
    %add3A_3267 = arith.constant 128 : i32
    %add3A_3268 = arith.addi %mul3A_2, %add3A_3267 : i32
    %add3A_3269 = arith.constant 80 : i32
    %add3A_3270 = arith.addi %add3A_3268, %add3A_3269 : i32
    %add3A_3271 = arith.constant 1 : i32
    %add3A_3272 = arith.addi %add3A_3270, %add3A_3271 : i32
    %broadcast_in_dim3A_3273 = vector.broadcast %add3A_3272 : i32 to vector<16xi32>
    %iota3A_3274 = tpu.iota {dimensions = array<i32: 0>} : vector<16xi32>
    %add3A_3275 = arith.addi %broadcast_in_dim3A_3273, %iota3A_3274 : vector<16xi32>
    %broadcast_in_dim3A_3276 = arith.constant 26 : i32
    %broadcast_in_dim3A_3277 = vector.broadcast %broadcast_in_dim3A_3276 : i32 to vector<16xi32>
    %shift_right_logical3A_3278 = arith.shrui %get3A_3260, %broadcast_in_dim3A_3277 : vector<16xi32>
    %broadcast_in_dim3A_3279 = arith.constant 67108863 : i32
    %broadcast_in_dim3A_3280 = vector.broadcast %broadcast_in_dim3A_3279 : i32 to vector<16xi32>
    %and3A_3281 = arith.andi %get3A_3260, %broadcast_in_dim3A_3280 : vector<16xi32>
    %mul3A_3282 = arith.muli %shift_right_logical3A_3278, %add3A_3275 : vector<16xi32>
    %ge3A_3283 = arith.cmpi sge, %mul3A_3282, %and3A_3281 : vector<16xi32>
    %select_n3A_3284 = arith.select %ge3A_3283, %get3A_3266, %gather3A : vector<16xi1>, vector<16xi32>
    %swap3A_3285 = arith.constant 1 : i32
    %swap3A_3286 = arith.constant 0 : i32
    %swap3A_3287 = tpu.memref_slice %arg13[%swap3A_3285, %swap3A_3286] : memref<4x128xi32, #tpu.memory_space<vmem>> -> memref<1x128xi32, #tpu.memory_space<vmem>>
    %swap3A_3288 = tpu.memref_squeeze %swap3A_3287 : memref<1x128xi32, #tpu.memory_space<vmem>> -> memref<128xi32, #tpu.memory_space<vmem>>
    %swap3A_3289 = arith.constant 80 : index
    %swap3A_3290 = tpu.vector_load %swap3A_3288[%swap3A_3289] {strides = array<i32>} : memref<128xi32, #tpu.memory_space<vmem>>, vector<16xi32>,
    tpu.vector_store %swap3A_3288[%swap3A_3289], %select_n3A_3284 {strides = array<i32>} : memref<128xi32, #tpu.memory_space<vmem>>, vector<16xi32>,
    %sub3A_3291 = arith.constant 1 : i32
    %sub3A_3292 = vector.broadcast %sub3A_3291 : i32 to vector<16xi32>
    %sub3A_3293 = arith.subi %add3A_3275, %sub3A_3292 : vector<16xi32>
    %select_n3A_3294 = arith.select %ge3A_3283, %sub3A_3293, %broadcast_in_dim3A_2656 : vector<16xi1>, vector<16xi32>
    %swap3A_3295 = arith.constant 1 : i32
    %swap3A_3296 = arith.constant 0 : i32
    %swap3A_3297 = tpu.memref_slice %arg14[%swap3A_3295, %swap3A_3296] : memref<4x128xi32, #tpu.memory_space<vmem>> -> memref<1x128xi32, #tpu.memory_space<vmem>>
    %swap3A_3298 = tpu.memref_squeeze %swap3A_3297 : memref<1x128xi32, #tpu.memory_space<vmem>> -> memref<128xi32, #tpu.memory_space<vmem>>
    %swap3A_3299 = arith.constant 80 : index
    %swap3A_3300 = tpu.vector_load %swap3A_3298[%swap3A_3299] {strides = array<i32>} : memref<128xi32, #tpu.memory_space<vmem>>, vector<16xi32>,
    tpu.vector_store %swap3A_3298[%swap3A_3299], %select_n3A_3294 {strides = array<i32>} : memref<128xi32, #tpu.memory_space<vmem>>, vector<16xi32>,
    %get3A_3301 = arith.constant 1 : i32
    %get3A_3302 = arith.constant 0 : i32
    %get3A_3303 = tpu.memref_slice %arg12[%get3A_3301, %get3A_3302] : memref<4x128xi32, #tpu.memory_space<vmem>> -> memref<1x128xi32, #tpu.memory_space<vmem>>
    %get3A_3304 = tpu.memref_squeeze %get3A_3303 : memref<1x128xi32, #tpu.memory_space<vmem>> -> memref<128xi32, #tpu.memory_space<vmem>>
    %get3A_3305 = arith.constant 96 : index
    %get3A_3306 = tpu.vector_load %get3A_3304[%get3A_3305] {strides = array<i32>} : memref<128xi32, #tpu.memory_space<vmem>>, vector<16xi32>,
    %get3A_3307 = arith.constant 1 : i32
    %get3A_3308 = arith.constant 0 : i32
    %get3A_3309 = tpu.memref_slice %arg11[%get3A_3307, %get3A_3308] : memref<4x128xi32, #tpu.memory_space<vmem>> -> memref<1x128xi32, #tpu.memory_space<vmem>>
    %get3A_3310 = tpu.memref_squeeze %get3A_3309 : memref<1x128xi32, #tpu.memory_space<vmem>> -> memref<128xi32, #tpu.memory_space<vmem>>
    %get3A_3311 = arith.constant 96 : index
    %get3A_3312 = tpu.vector_load %get3A_3310[%get3A_3311] {strides = array<i32>} : memref<128xi32, #tpu.memory_space<vmem>>, vector<16xi32>,
    %add3A_3313 = arith.constant 128 : i32
    %add3A_3314 = arith.addi %mul3A_2, %add3A_3313 : i32
    %add3A_3315 = arith.constant 96 : i32
    %add3A_3316 = arith.addi %add3A_3314, %add3A_3315 : i32
    %add3A_3317 = arith.constant 1 : i32
    %add3A_3318 = arith.addi %add3A_3316, %add3A_3317 : i32
    %broadcast_in_dim3A_3319 = vector.broadcast %add3A_3318 : i32 to vector<16xi32>
    %iota3A_3320 = tpu.iota {dimensions = array<i32: 0>} : vector<16xi32>
    %add3A_3321 = arith.addi %broadcast_in_dim3A_3319, %iota3A_3320 : vector<16xi32>
    %broadcast_in_dim3A_3322 = arith.constant 26 : i32
    %broadcast_in_dim3A_3323 = vector.broadcast %broadcast_in_dim3A_3322 : i32 to vector<16xi32>
    %shift_right_logical3A_3324 = arith.shrui %get3A_3306, %broadcast_in_dim3A_3323 : vector<16xi32>
    %broadcast_in_dim3A_3325 = arith.constant 67108863 : i32
    %broadcast_in_dim3A_3326 = vector.broadcast %broadcast_in_dim3A_3325 : i32 to vector<16xi32>
    %and3A_3327 = arith.andi %get3A_3306, %broadcast_in_dim3A_3326 : vector<16xi32>
    %mul3A_3328 = arith.muli %shift_right_logical3A_3324, %add3A_3321 : vector<16xi32>
    %ge3A_3329 = arith.cmpi sge, %mul3A_3328, %and3A_3327 : vector<16xi32>
    %select_n3A_3330 = arith.select %ge3A_3329, %get3A_3312, %gather3A : vector<16xi1>, vector<16xi32>
    %swap3A_3331 = arith.constant 1 : i32
    %swap3A_3332 = arith.constant 0 : i32
    %swap3A_3333 = tpu.memref_slice %arg13[%swap3A_3331, %swap3A_3332] : memref<4x128xi32, #tpu.memory_space<vmem>> -> memref<1x128xi32, #tpu.memory_space<vmem>>
    %swap3A_3334 = tpu.memref_squeeze %swap3A_3333 : memref<1x128xi32, #tpu.memory_space<vmem>> -> memref<128xi32, #tpu.memory_space<vmem>>
    %swap3A_3335 = arith.constant 96 : index
    %swap3A_3336 = tpu.vector_load %swap3A_3334[%swap3A_3335] {strides = array<i32>} : memref<128xi32, #tpu.memory_space<vmem>>, vector<16xi32>,
    tpu.vector_store %swap3A_3334[%swap3A_3335], %select_n3A_3330 {strides = array<i32>} : memref<128xi32, #tpu.memory_space<vmem>>, vector<16xi32>,
    %sub3A_3337 = arith.constant 1 : i32
    %sub3A_3338 = vector.broadcast %sub3A_3337 : i32 to vector<16xi32>
    %sub3A_3339 = arith.subi %add3A_3321, %sub3A_3338 : vector<16xi32>
    %select_n3A_3340 = arith.select %ge3A_3329, %sub3A_3339, %broadcast_in_dim3A_2656 : vector<16xi1>, vector<16xi32>
    %swap3A_3341 = arith.constant 1 : i32
    %swap3A_3342 = arith.constant 0 : i32
    %swap3A_3343 = tpu.memref_slice %arg14[%swap3A_3341, %swap3A_3342] : memref<4x128xi32, #tpu.memory_space<vmem>> -> memref<1x128xi32, #tpu.memory_space<vmem>>
    %swap3A_3344 = tpu.memref_squeeze %swap3A_3343 : memref<1x128xi32, #tpu.memory_space<vmem>> -> memref<128xi32, #tpu.memory_space<vmem>>
    %swap3A_3345 = arith.constant 96 : index
    %swap3A_3346 = tpu.vector_load %swap3A_3344[%swap3A_3345] {strides = array<i32>} : memref<128xi32, #tpu.memory_space<vmem>>, vector<16xi32>,
    tpu.vector_store %swap3A_3344[%swap3A_3345], %select_n3A_3340 {strides = array<i32>} : memref<128xi32, #tpu.memory_space<vmem>>, vector<16xi32>,
    %get3A_3347 = arith.constant 1 : i32
    %get3A_3348 = arith.constant 0 : i32
    %get3A_3349 = tpu.memref_slice %arg12[%get3A_3347, %get3A_3348] : memref<4x128xi32, #tpu.memory_space<vmem>> -> memref<1x128xi32, #tpu.memory_space<vmem>>
    %get3A_3350 = tpu.memref_squeeze %get3A_3349 : memref<1x128xi32, #tpu.memory_space<vmem>> -> memref<128xi32, #tpu.memory_space<vmem>>
    %get3A_3351 = arith.constant 112 : index
    %get3A_3352 = tpu.vector_load %get3A_3350[%get3A_3351] {strides = array<i32>} : memref<128xi32, #tpu.memory_space<vmem>>, vector<16xi32>,
    %get3A_3353 = arith.constant 1 : i32
    %get3A_3354 = arith.constant 0 : i32
    %get3A_3355 = tpu.memref_slice %arg11[%get3A_3353, %get3A_3354] : memref<4x128xi32, #tpu.memory_space<vmem>> -> memref<1x128xi32, #tpu.memory_space<vmem>>
    %get3A_3356 = tpu.memref_squeeze %get3A_3355 : memref<1x128xi32, #tpu.memory_space<vmem>> -> memref<128xi32, #tpu.memory_space<vmem>>
    %get3A_3357 = arith.constant 112 : index
    %get3A_3358 = tpu.vector_load %get3A_3356[%get3A_3357] {strides = array<i32>} : memref<128xi32, #tpu.memory_space<vmem>>, vector<16xi32>,
    %add3A_3359 = arith.constant 128 : i32
    %add3A_3360 = arith.addi %mul3A_2, %add3A_3359 : i32
    %add3A_3361 = arith.constant 112 : i32
    %add3A_3362 = arith.addi %add3A_3360, %add3A_3361 : i32
    %add3A_3363 = arith.constant 1 : i32
    %add3A_3364 = arith.addi %add3A_3362, %add3A_3363 : i32
    %broadcast_in_dim3A_3365 = vector.broadcast %add3A_3364 : i32 to vector<16xi32>
    %iota3A_3366 = tpu.iota {dimensions = array<i32: 0>} : vector<16xi32>
    %add3A_3367 = arith.addi %broadcast_in_dim3A_3365, %iota3A_3366 : vector<16xi32>
    %broadcast_in_dim3A_3368 = arith.constant 26 : i32
    %broadcast_in_dim3A_3369 = vector.broadcast %broadcast_in_dim3A_3368 : i32 to vector<16xi32>
    %shift_right_logical3A_3370 = arith.shrui %get3A_3352, %broadcast_in_dim3A_3369 : vector<16xi32>
    %broadcast_in_dim3A_3371 = arith.constant 67108863 : i32
    %broadcast_in_dim3A_3372 = vector.broadcast %broadcast_in_dim3A_3371 : i32 to vector<16xi32>
    %and3A_3373 = arith.andi %get3A_3352, %broadcast_in_dim3A_3372 : vector<16xi32>
    %mul3A_3374 = arith.muli %shift_right_logical3A_3370, %add3A_3367 : vector<16xi32>
    %ge3A_3375 = arith.cmpi sge, %mul3A_3374, %and3A_3373 : vector<16xi32>
    %select_n3A_3376 = arith.select %ge3A_3375, %get3A_3358, %gather3A : vector<16xi1>, vector<16xi32>
    %swap3A_3377 = arith.constant 1 : i32
    %swap3A_3378 = arith.constant 0 : i32
    %swap3A_3379 = tpu.memref_slice %arg13[%swap3A_3377, %swap3A_3378] : memref<4x128xi32, #tpu.memory_space<vmem>> -> memref<1x128xi32, #tpu.memory_space<vmem>>
    %swap3A_3380 = tpu.memref_squeeze %swap3A_3379 : memref<1x128xi32, #tpu.memory_space<vmem>> -> memref<128xi32, #tpu.memory_space<vmem>>
    %swap3A_3381 = arith.constant 112 : index
    %swap3A_3382 = tpu.vector_load %swap3A_3380[%swap3A_3381] {strides = array<i32>} : memref<128xi32, #tpu.memory_space<vmem>>, vector<16xi32>,
    tpu.vector_store %swap3A_3380[%swap3A_3381], %select_n3A_3376 {strides = array<i32>} : memref<128xi32, #tpu.memory_space<vmem>>, vector<16xi32>,
    %sub3A_3383 = arith.constant 1 : i32
    %sub3A_3384 = vector.broadcast %sub3A_3383 : i32 to vector<16xi32>
    %sub3A_3385 = arith.subi %add3A_3367, %sub3A_3384 : vector<16xi32>
    %select_n3A_3386 = arith.select %ge3A_3375, %sub3A_3385, %broadcast_in_dim3A_2656 : vector<16xi1>, vector<16xi32>
    %swap3A_3387 = arith.constant 1 : i32
    %swap3A_3388 = arith.constant 0 : i32
    %swap3A_3389 = tpu.memref_slice %arg14[%swap3A_3387, %swap3A_3388] : memref<4x128xi32, #tpu.memory_space<vmem>> -> memref<1x128xi32, #tpu.memory_space<vmem>>
    %swap3A_3390 = tpu.memref_squeeze %swap3A_3389 : memref<1x128xi32, #tpu.memory_space<vmem>> -> memref<128xi32, #tpu.memory_space<vmem>>
    %swap3A_3391 = arith.constant 112 : index
    %swap3A_3392 = tpu.vector_load %swap3A_3390[%swap3A_3391] {strides = array<i32>} : memref<128xi32, #tpu.memory_space<vmem>>, vector<16xi32>,
    tpu.vector_store %swap3A_3390[%swap3A_3391], %select_n3A_3386 {strides = array<i32>} : memref<128xi32, #tpu.memory_space<vmem>>, vector<16xi32>,
    %get3A_3393 = arith.constant 2 : i32
    %get3A_3394 = arith.constant 0 : i32
    %get3A_3395 = tpu.memref_slice %arg12[%get3A_3393, %get3A_3394] : memref<4x128xi32, #tpu.memory_space<vmem>> -> memref<1x128xi32, #tpu.memory_space<vmem>>
    %get3A_3396 = tpu.memref_squeeze %get3A_3395 : memref<1x128xi32, #tpu.memory_space<vmem>> -> memref<128xi32, #tpu.memory_space<vmem>>
    %get3A_3397 = arith.constant 0 : index
    %get3A_3398 = tpu.vector_load %get3A_3396[%get3A_3397] {strides = array<i32>} : memref<128xi32, #tpu.memory_space<vmem>>, vector<16xi32>,
    %get3A_3399 = arith.constant 2 : i32
    %get3A_3400 = arith.constant 0 : i32
    %get3A_3401 = tpu.memref_slice %arg11[%get3A_3399, %get3A_3400] : memref<4x128xi32, #tpu.memory_space<vmem>> -> memref<1x128xi32, #tpu.memory_space<vmem>>
    %get3A_3402 = tpu.memref_squeeze %get3A_3401 : memref<1x128xi32, #tpu.memory_space<vmem>> -> memref<128xi32, #tpu.memory_space<vmem>>
    %get3A_3403 = arith.constant 0 : index
    %get3A_3404 = tpu.vector_load %get3A_3402[%get3A_3403] {strides = array<i32>} : memref<128xi32, #tpu.memory_space<vmem>>, vector<16xi32>,
    %add3A_3405 = arith.constant 256 : i32
    %add3A_3406 = arith.addi %mul3A_2, %add3A_3405 : i32
    %add3A_3407 = arith.constant 0 : i32
    %add3A_3408 = arith.addi %add3A_3406, %add3A_3407 : i32
    %add3A_3409 = arith.constant 1 : i32
    %add3A_3410 = arith.addi %add3A_3408, %add3A_3409 : i32
    %broadcast_in_dim3A_3411 = vector.broadcast %add3A_3410 : i32 to vector<16xi32>
    %iota3A_3412 = tpu.iota {dimensions = array<i32: 0>} : vector<16xi32>
    %add3A_3413 = arith.addi %broadcast_in_dim3A_3411, %iota3A_3412 : vector<16xi32>
    %broadcast_in_dim3A_3414 = arith.constant 26 : i32
    %broadcast_in_dim3A_3415 = vector.broadcast %broadcast_in_dim3A_3414 : i32 to vector<16xi32>
    %shift_right_logical3A_3416 = arith.shrui %get3A_3398, %broadcast_in_dim3A_3415 : vector<16xi32>
    %broadcast_in_dim3A_3417 = arith.constant 67108863 : i32
    %broadcast_in_dim3A_3418 = vector.broadcast %broadcast_in_dim3A_3417 : i32 to vector<16xi32>
    %and3A_3419 = arith.andi %get3A_3398, %broadcast_in_dim3A_3418 : vector<16xi32>
    %mul3A_3420 = arith.muli %shift_right_logical3A_3416, %add3A_3413 : vector<16xi32>
    %ge3A_3421 = arith.cmpi sge, %mul3A_3420, %and3A_3419 : vector<16xi32>
    %select_n3A_3422 = arith.select %ge3A_3421, %get3A_3404, %gather3A : vector<16xi1>, vector<16xi32>
    %swap3A_3423 = arith.constant 2 : i32
    %swap3A_3424 = arith.constant 0 : i32
    %swap3A_3425 = tpu.memref_slice %arg13[%swap3A_3423, %swap3A_3424] : memref<4x128xi32, #tpu.memory_space<vmem>> -> memref<1x128xi32, #tpu.memory_space<vmem>>
    %swap3A_3426 = tpu.memref_squeeze %swap3A_3425 : memref<1x128xi32, #tpu.memory_space<vmem>> -> memref<128xi32, #tpu.memory_space<vmem>>
    %swap3A_3427 = arith.constant 0 : index
    %swap3A_3428 = tpu.vector_load %swap3A_3426[%swap3A_3427] {strides = array<i32>} : memref<128xi32, #tpu.memory_space<vmem>>, vector<16xi32>,
    tpu.vector_store %swap3A_3426[%swap3A_3427], %select_n3A_3422 {strides = array<i32>} : memref<128xi32, #tpu.memory_space<vmem>>, vector<16xi32>,
    %sub3A_3429 = arith.constant 1 : i32
    %sub3A_3430 = vector.broadcast %sub3A_3429 : i32 to vector<16xi32>
    %sub3A_3431 = arith.subi %add3A_3413, %sub3A_3430 : vector<16xi32>
    %select_n3A_3432 = arith.select %ge3A_3421, %sub3A_3431, %broadcast_in_dim3A_2656 : vector<16xi1>, vector<16xi32>
    %swap3A_3433 = arith.constant 2 : i32
    %swap3A_3434 = arith.constant 0 : i32
    %swap3A_3435 = tpu.memref_slice %arg14[%swap3A_3433, %swap3A_3434] : memref<4x128xi32, #tpu.memory_space<vmem>> -> memref<1x128xi32, #tpu.memory_space<vmem>>
    %swap3A_3436 = tpu.memref_squeeze %swap3A_3435 : memref<1x128xi32, #tpu.memory_space<vmem>> -> memref<128xi32, #tpu.memory_space<vmem>>
    %swap3A_3437 = arith.constant 0 : index
    %swap3A_3438 = tpu.vector_load %swap3A_3436[%swap3A_3437] {strides = array<i32>} : memref<128xi32, #tpu.memory_space<vmem>>, vector<16xi32>,
    tpu.vector_store %swap3A_3436[%swap3A_3437], %select_n3A_3432 {strides = array<i32>} : memref<128xi32, #tpu.memory_space<vmem>>, vector<16xi32>,
    %get3A_3439 = arith.constant 2 : i32
    %get3A_3440 = arith.constant 0 : i32
    %get3A_3441 = tpu.memref_slice %arg12[%get3A_3439, %get3A_3440] : memref<4x128xi32, #tpu.memory_space<vmem>> -> memref<1x128xi32, #tpu.memory_space<vmem>>
    %get3A_3442 = tpu.memref_squeeze %get3A_3441 : memref<1x128xi32, #tpu.memory_space<vmem>> -> memref<128xi32, #tpu.memory_space<vmem>>
    %get3A_3443 = arith.constant 16 : index
    %get3A_3444 = tpu.vector_load %get3A_3442[%get3A_3443] {strides = array<i32>} : memref<128xi32, #tpu.memory_space<vmem>>, vector<16xi32>,
    %get3A_3445 = arith.constant 2 : i32
    %get3A_3446 = arith.constant 0 : i32
    %get3A_3447 = tpu.memref_slice %arg11[%get3A_3445, %get3A_3446] : memref<4x128xi32, #tpu.memory_space<vmem>> -> memref<1x128xi32, #tpu.memory_space<vmem>>
    %get3A_3448 = tpu.memref_squeeze %get3A_3447 : memref<1x128xi32, #tpu.memory_space<vmem>> -> memref<128xi32, #tpu.memory_space<vmem>>
    %get3A_3449 = arith.constant 16 : index
    %get3A_3450 = tpu.vector_load %get3A_3448[%get3A_3449] {strides = array<i32>} : memref<128xi32, #tpu.memory_space<vmem>>, vector<16xi32>,
    %add3A_3451 = arith.constant 256 : i32
    %add3A_3452 = arith.addi %mul3A_2, %add3A_3451 : i32
    %add3A_3453 = arith.constant 16 : i32
    %add3A_3454 = arith.addi %add3A_3452, %add3A_3453 : i32
    %add3A_3455 = arith.constant 1 : i32
    %add3A_3456 = arith.addi %add3A_3454, %add3A_3455 : i32
    %broadcast_in_dim3A_3457 = vector.broadcast %add3A_3456 : i32 to vector<16xi32>
    %iota3A_3458 = tpu.iota {dimensions = array<i32: 0>} : vector<16xi32>
    %add3A_3459 = arith.addi %broadcast_in_dim3A_3457, %iota3A_3458 : vector<16xi32>
    %broadcast_in_dim3A_3460 = arith.constant 26 : i32
    %broadcast_in_dim3A_3461 = vector.broadcast %broadcast_in_dim3A_3460 : i32 to vector<16xi32>
    %shift_right_logical3A_3462 = arith.shrui %get3A_3444, %broadcast_in_dim3A_3461 : vector<16xi32>
    %broadcast_in_dim3A_3463 = arith.constant 67108863 : i32
    %broadcast_in_dim3A_3464 = vector.broadcast %broadcast_in_dim3A_3463 : i32 to vector<16xi32>
    %and3A_3465 = arith.andi %get3A_3444, %broadcast_in_dim3A_3464 : vector<16xi32>
    %mul3A_3466 = arith.muli %shift_right_logical3A_3462, %add3A_3459 : vector<16xi32>
    %ge3A_3467 = arith.cmpi sge, %mul3A_3466, %and3A_3465 : vector<16xi32>
    %select_n3A_3468 = arith.select %ge3A_3467, %get3A_3450, %gather3A : vector<16xi1>, vector<16xi32>
    %swap3A_3469 = arith.constant 2 : i32
    %swap3A_3470 = arith.constant 0 : i32
    %swap3A_3471 = tpu.memref_slice %arg13[%swap3A_3469, %swap3A_3470] : memref<4x128xi32, #tpu.memory_space<vmem>> -> memref<1x128xi32, #tpu.memory_space<vmem>>
    %swap3A_3472 = tpu.memref_squeeze %swap3A_3471 : memref<1x128xi32, #tpu.memory_space<vmem>> -> memref<128xi32, #tpu.memory_space<vmem>>
    %swap3A_3473 = arith.constant 16 : index
    %swap3A_3474 = tpu.vector_load %swap3A_3472[%swap3A_3473] {strides = array<i32>} : memref<128xi32, #tpu.memory_space<vmem>>, vector<16xi32>,
    tpu.vector_store %swap3A_3472[%swap3A_3473], %select_n3A_3468 {strides = array<i32>} : memref<128xi32, #tpu.memory_space<vmem>>, vector<16xi32>,
    %sub3A_3475 = arith.constant 1 : i32
    %sub3A_3476 = vector.broadcast %sub3A_3475 : i32 to vector<16xi32>
    %sub3A_3477 = arith.subi %add3A_3459, %sub3A_3476 : vector<16xi32>
    %select_n3A_3478 = arith.select %ge3A_3467, %sub3A_3477, %broadcast_in_dim3A_2656 : vector<16xi1>, vector<16xi32>
    %swap3A_3479 = arith.constant 2 : i32
    %swap3A_3480 = arith.constant 0 : i32
    %swap3A_3481 = tpu.memref_slice %arg14[%swap3A_3479, %swap3A_3480] : memref<4x128xi32, #tpu.memory_space<vmem>> -> memref<1x128xi32, #tpu.memory_space<vmem>>
    %swap3A_3482 = tpu.memref_squeeze %swap3A_3481 : memref<1x128xi32, #tpu.memory_space<vmem>> -> memref<128xi32, #tpu.memory_space<vmem>>
    %swap3A_3483 = arith.constant 16 : index
    %swap3A_3484 = tpu.vector_load %swap3A_3482[%swap3A_3483] {strides = array<i32>} : memref<128xi32, #tpu.memory_space<vmem>>, vector<16xi32>,
    tpu.vector_store %swap3A_3482[%swap3A_3483], %select_n3A_3478 {strides = array<i32>} : memref<128xi32, #tpu.memory_space<vmem>>, vector<16xi32>,
    %get3A_3485 = arith.constant 2 : i32
    %get3A_3486 = arith.constant 0 : i32
    %get3A_3487 = tpu.memref_slice %arg12[%get3A_3485, %get3A_3486] : memref<4x128xi32, #tpu.memory_space<vmem>> -> memref<1x128xi32, #tpu.memory_space<vmem>>
    %get3A_3488 = tpu.memref_squeeze %get3A_3487 : memref<1x128xi32, #tpu.memory_space<vmem>> -> memref<128xi32, #tpu.memory_space<vmem>>
    %get3A_3489 = arith.constant 32 : index
    %get3A_3490 = tpu.vector_load %get3A_3488[%get3A_3489] {strides = array<i32>} : memref<128xi32, #tpu.memory_space<vmem>>, vector<16xi32>,
    %get3A_3491 = arith.constant 2 : i32
    %get3A_3492 = arith.constant 0 : i32
    %get3A_3493 = tpu.memref_slice %arg11[%get3A_3491, %get3A_3492] : memref<4x128xi32, #tpu.memory_space<vmem>> -> memref<1x128xi32, #tpu.memory_space<vmem>>
    %get3A_3494 = tpu.memref_squeeze %get3A_3493 : memref<1x128xi32, #tpu.memory_space<vmem>> -> memref<128xi32, #tpu.memory_space<vmem>>
    %get3A_3495 = arith.constant 32 : index
    %get3A_3496 = tpu.vector_load %get3A_3494[%get3A_3495] {strides = array<i32>} : memref<128xi32, #tpu.memory_space<vmem>>, vector<16xi32>,
    %add3A_3497 = arith.constant 256 : i32
    %add3A_3498 = arith.addi %mul3A_2, %add3A_3497 : i32
    %add3A_3499 = arith.constant 32 : i32
    %add3A_3500 = arith.addi %add3A_3498, %add3A_3499 : i32
    %add3A_3501 = arith.constant 1 : i32
    %add3A_3502 = arith.addi %add3A_3500, %add3A_3501 : i32
    %broadcast_in_dim3A_3503 = vector.broadcast %add3A_3502 : i32 to vector<16xi32>
    %iota3A_3504 = tpu.iota {dimensions = array<i32: 0>} : vector<16xi32>
    %add3A_3505 = arith.addi %broadcast_in_dim3A_3503, %iota3A_3504 : vector<16xi32>
    %broadcast_in_dim3A_3506 = arith.constant 26 : i32
    %broadcast_in_dim3A_3507 = vector.broadcast %broadcast_in_dim3A_3506 : i32 to vector<16xi32>
    %shift_right_logical3A_3508 = arith.shrui %get3A_3490, %broadcast_in_dim3A_3507 : vector<16xi32>
    %broadcast_in_dim3A_3509 = arith.constant 67108863 : i32
    %broadcast_in_dim3A_3510 = vector.broadcast %broadcast_in_dim3A_3509 : i32 to vector<16xi32>
    %and3A_3511 = arith.andi %get3A_3490, %broadcast_in_dim3A_3510 : vector<16xi32>
    %mul3A_3512 = arith.muli %shift_right_logical3A_3508, %add3A_3505 : vector<16xi32>
    %ge3A_3513 = arith.cmpi sge, %mul3A_3512, %and3A_3511 : vector<16xi32>
    %select_n3A_3514 = arith.select %ge3A_3513, %get3A_3496, %gather3A : vector<16xi1>, vector<16xi32>
    %swap3A_3515 = arith.constant 2 : i32
    %swap3A_3516 = arith.constant 0 : i32
    %swap3A_3517 = tpu.memref_slice %arg13[%swap3A_3515, %swap3A_3516] : memref<4x128xi32, #tpu.memory_space<vmem>> -> memref<1x128xi32, #tpu.memory_space<vmem>>
    %swap3A_3518 = tpu.memref_squeeze %swap3A_3517 : memref<1x128xi32, #tpu.memory_space<vmem>> -> memref<128xi32, #tpu.memory_space<vmem>>
    %swap3A_3519 = arith.constant 32 : index
    %swap3A_3520 = tpu.vector_load %swap3A_3518[%swap3A_3519] {strides = array<i32>} : memref<128xi32, #tpu.memory_space<vmem>>, vector<16xi32>,
    tpu.vector_store %swap3A_3518[%swap3A_3519], %select_n3A_3514 {strides = array<i32>} : memref<128xi32, #tpu.memory_space<vmem>>, vector<16xi32>,
    %sub3A_3521 = arith.constant 1 : i32
    %sub3A_3522 = vector.broadcast %sub3A_3521 : i32 to vector<16xi32>
    %sub3A_3523 = arith.subi %add3A_3505, %sub3A_3522 : vector<16xi32>
    %select_n3A_3524 = arith.select %ge3A_3513, %sub3A_3523, %broadcast_in_dim3A_2656 : vector<16xi1>, vector<16xi32>
    %swap3A_3525 = arith.constant 2 : i32
    %swap3A_3526 = arith.constant 0 : i32
    %swap3A_3527 = tpu.memref_slice %arg14[%swap3A_3525, %swap3A_3526] : memref<4x128xi32, #tpu.memory_space<vmem>> -> memref<1x128xi32, #tpu.memory_space<vmem>>
    %swap3A_3528 = tpu.memref_squeeze %swap3A_3527 : memref<1x128xi32, #tpu.memory_space<vmem>> -> memref<128xi32, #tpu.memory_space<vmem>>
    %swap3A_3529 = arith.constant 32 : index
    %swap3A_3530 = tpu.vector_load %swap3A_3528[%swap3A_3529] {strides = array<i32>} : memref<128xi32, #tpu.memory_space<vmem>>, vector<16xi32>,
    tpu.vector_store %swap3A_3528[%swap3A_3529], %select_n3A_3524 {strides = array<i32>} : memref<128xi32, #tpu.memory_space<vmem>>, vector<16xi32>,
    %get3A_3531 = arith.constant 2 : i32
    %get3A_3532 = arith.constant 0 : i32
    %get3A_3533 = tpu.memref_slice %arg12[%get3A_3531, %get3A_3532] : memref<4x128xi32, #tpu.memory_space<vmem>> -> memref<1x128xi32, #tpu.memory_space<vmem>>
    %get3A_3534 = tpu.memref_squeeze %get3A_3533 : memref<1x128xi32, #tpu.memory_space<vmem>> -> memref<128xi32, #tpu.memory_space<vmem>>
    %get3A_3535 = arith.constant 48 : index
    %get3A_3536 = tpu.vector_load %get3A_3534[%get3A_3535] {strides = array<i32>} : memref<128xi32, #tpu.memory_space<vmem>>, vector<16xi32>,
    %get3A_3537 = arith.constant 2 : i32
    %get3A_3538 = arith.constant 0 : i32
    %get3A_3539 = tpu.memref_slice %arg11[%get3A_3537, %get3A_3538] : memref<4x128xi32, #tpu.memory_space<vmem>> -> memref<1x128xi32, #tpu.memory_space<vmem>>
    %get3A_3540 = tpu.memref_squeeze %get3A_3539 : memref<1x128xi32, #tpu.memory_space<vmem>> -> memref<128xi32, #tpu.memory_space<vmem>>
    %get3A_3541 = arith.constant 48 : index
    %get3A_3542 = tpu.vector_load %get3A_3540[%get3A_3541] {strides = array<i32>} : memref<128xi32, #tpu.memory_space<vmem>>, vector<16xi32>,
    %add3A_3543 = arith.constant 256 : i32
    %add3A_3544 = arith.addi %mul3A_2, %add3A_3543 : i32
    %add3A_3545 = arith.constant 48 : i32
    %add3A_3546 = arith.addi %add3A_3544, %add3A_3545 : i32
    %add3A_3547 = arith.constant 1 : i32
    %add3A_3548 = arith.addi %add3A_3546, %add3A_3547 : i32
    %broadcast_in_dim3A_3549 = vector.broadcast %add3A_3548 : i32 to vector<16xi32>
    %iota3A_3550 = tpu.iota {dimensions = array<i32: 0>} : vector<16xi32>
    %add3A_3551 = arith.addi %broadcast_in_dim3A_3549, %iota3A_3550 : vector<16xi32>
    %broadcast_in_dim3A_3552 = arith.constant 26 : i32
    %broadcast_in_dim3A_3553 = vector.broadcast %broadcast_in_dim3A_3552 : i32 to vector<16xi32>
    %shift_right_logical3A_3554 = arith.shrui %get3A_3536, %broadcast_in_dim3A_3553 : vector<16xi32>
    %broadcast_in_dim3A_3555 = arith.constant 67108863 : i32
    %broadcast_in_dim3A_3556 = vector.broadcast %broadcast_in_dim3A_3555 : i32 to vector<16xi32>
    %and3A_3557 = arith.andi %get3A_3536, %broadcast_in_dim3A_3556 : vector<16xi32>
    %mul3A_3558 = arith.muli %shift_right_logical3A_3554, %add3A_3551 : vector<16xi32>
    %ge3A_3559 = arith.cmpi sge, %mul3A_3558, %and3A_3557 : vector<16xi32>
    %select_n3A_3560 = arith.select %ge3A_3559, %get3A_3542, %gather3A : vector<16xi1>, vector<16xi32>
    %swap3A_3561 = arith.constant 2 : i32
    %swap3A_3562 = arith.constant 0 : i32
    %swap3A_3563 = tpu.memref_slice %arg13[%swap3A_3561, %swap3A_3562] : memref<4x128xi32, #tpu.memory_space<vmem>> -> memref<1x128xi32, #tpu.memory_space<vmem>>
    %swap3A_3564 = tpu.memref_squeeze %swap3A_3563 : memref<1x128xi32, #tpu.memory_space<vmem>> -> memref<128xi32, #tpu.memory_space<vmem>>
    %swap3A_3565 = arith.constant 48 : index
    %swap3A_3566 = tpu.vector_load %swap3A_3564[%swap3A_3565] {strides = array<i32>} : memref<128xi32, #tpu.memory_space<vmem>>, vector<16xi32>,
    tpu.vector_store %swap3A_3564[%swap3A_3565], %select_n3A_3560 {strides = array<i32>} : memref<128xi32, #tpu.memory_space<vmem>>, vector<16xi32>,
    %sub3A_3567 = arith.constant 1 : i32
    %sub3A_3568 = vector.broadcast %sub3A_3567 : i32 to vector<16xi32>
    %sub3A_3569 = arith.subi %add3A_3551, %sub3A_3568 : vector<16xi32>
    %select_n3A_3570 = arith.select %ge3A_3559, %sub3A_3569, %broadcast_in_dim3A_2656 : vector<16xi1>, vector<16xi32>
    %swap3A_3571 = arith.constant 2 : i32
    %swap3A_3572 = arith.constant 0 : i32
    %swap3A_3573 = tpu.memref_slice %arg14[%swap3A_3571, %swap3A_3572] : memref<4x128xi32, #tpu.memory_space<vmem>> -> memref<1x128xi32, #tpu.memory_space<vmem>>
    %swap3A_3574 = tpu.memref_squeeze %swap3A_3573 : memref<1x128xi32, #tpu.memory_space<vmem>> -> memref<128xi32, #tpu.memory_space<vmem>>
    %swap3A_3575 = arith.constant 48 : index
    %swap3A_3576 = tpu.vector_load %swap3A_3574[%swap3A_3575] {strides = array<i32>} : memref<128xi32, #tpu.memory_space<vmem>>, vector<16xi32>,
    tpu.vector_store %swap3A_3574[%swap3A_3575], %select_n3A_3570 {strides = array<i32>} : memref<128xi32, #tpu.memory_space<vmem>>, vector<16xi32>,
    %get3A_3577 = arith.constant 2 : i32
    %get3A_3578 = arith.constant 0 : i32
    %get3A_3579 = tpu.memref_slice %arg12[%get3A_3577, %get3A_3578] : memref<4x128xi32, #tpu.memory_space<vmem>> -> memref<1x128xi32, #tpu.memory_space<vmem>>
    %get3A_3580 = tpu.memref_squeeze %get3A_3579 : memref<1x128xi32, #tpu.memory_space<vmem>> -> memref<128xi32, #tpu.memory_space<vmem>>
    %get3A_3581 = arith.constant 64 : index
    %get3A_3582 = tpu.vector_load %get3A_3580[%get3A_3581] {strides = array<i32>} : memref<128xi32, #tpu.memory_space<vmem>>, vector<16xi32>,
    %get3A_3583 = arith.constant 2 : i32
    %get3A_3584 = arith.constant 0 : i32
    %get3A_3585 = tpu.memref_slice %arg11[%get3A_3583, %get3A_3584] : memref<4x128xi32, #tpu.memory_space<vmem>> -> memref<1x128xi32, #tpu.memory_space<vmem>>
    %get3A_3586 = tpu.memref_squeeze %get3A_3585 : memref<1x128xi32, #tpu.memory_space<vmem>> -> memref<128xi32, #tpu.memory_space<vmem>>
    %get3A_3587 = arith.constant 64 : index
    %get3A_3588 = tpu.vector_load %get3A_3586[%get3A_3587] {strides = array<i32>} : memref<128xi32, #tpu.memory_space<vmem>>, vector<16xi32>,
    %add3A_3589 = arith.constant 256 : i32
    %add3A_3590 = arith.addi %mul3A_2, %add3A_3589 : i32
    %add3A_3591 = arith.constant 64 : i32
    %add3A_3592 = arith.addi %add3A_3590, %add3A_3591 : i32
    %add3A_3593 = arith.constant 1 : i32
    %add3A_3594 = arith.addi %add3A_3592, %add3A_3593 : i32
    %broadcast_in_dim3A_3595 = vector.broadcast %add3A_3594 : i32 to vector<16xi32>
    %iota3A_3596 = tpu.iota {dimensions = array<i32: 0>} : vector<16xi32>
    %add3A_3597 = arith.addi %broadcast_in_dim3A_3595, %iota3A_3596 : vector<16xi32>
    %broadcast_in_dim3A_3598 = arith.constant 26 : i32
    %broadcast_in_dim3A_3599 = vector.broadcast %broadcast_in_dim3A_3598 : i32 to vector<16xi32>
    %shift_right_logical3A_3600 = arith.shrui %get3A_3582, %broadcast_in_dim3A_3599 : vector<16xi32>
    %broadcast_in_dim3A_3601 = arith.constant 67108863 : i32
    %broadcast_in_dim3A_3602 = vector.broadcast %broadcast_in_dim3A_3601 : i32 to vector<16xi32>
    %and3A_3603 = arith.andi %get3A_3582, %broadcast_in_dim3A_3602 : vector<16xi32>
    %mul3A_3604 = arith.muli %shift_right_logical3A_3600, %add3A_3597 : vector<16xi32>
    %ge3A_3605 = arith.cmpi sge, %mul3A_3604, %and3A_3603 : vector<16xi32>
    %select_n3A_3606 = arith.select %ge3A_3605, %get3A_3588, %gather3A : vector<16xi1>, vector<16xi32>
    %swap3A_3607 = arith.constant 2 : i32
    %swap3A_3608 = arith.constant 0 : i32
    %swap3A_3609 = tpu.memref_slice %arg13[%swap3A_3607, %swap3A_3608] : memref<4x128xi32, #tpu.memory_space<vmem>> -> memref<1x128xi32, #tpu.memory_space<vmem>>
    %swap3A_3610 = tpu.memref_squeeze %swap3A_3609 : memref<1x128xi32, #tpu.memory_space<vmem>> -> memref<128xi32, #tpu.memory_space<vmem>>
    %swap3A_3611 = arith.constant 64 : index
    %swap3A_3612 = tpu.vector_load %swap3A_3610[%swap3A_3611] {strides = array<i32>} : memref<128xi32, #tpu.memory_space<vmem>>, vector<16xi32>,
    tpu.vector_store %swap3A_3610[%swap3A_3611], %select_n3A_3606 {strides = array<i32>} : memref<128xi32, #tpu.memory_space<vmem>>, vector<16xi32>,
    %sub3A_3613 = arith.constant 1 : i32
    %sub3A_3614 = vector.broadcast %sub3A_3613 : i32 to vector<16xi32>
    %sub3A_3615 = arith.subi %add3A_3597, %sub3A_3614 : vector<16xi32>
    %select_n3A_3616 = arith.select %ge3A_3605, %sub3A_3615, %broadcast_in_dim3A_2656 : vector<16xi1>, vector<16xi32>
    %swap3A_3617 = arith.constant 2 : i32
    %swap3A_3618 = arith.constant 0 : i32
    %swap3A_3619 = tpu.memref_slice %arg14[%swap3A_3617, %swap3A_3618] : memref<4x128xi32, #tpu.memory_space<vmem>> -> memref<1x128xi32, #tpu.memory_space<vmem>>
    %swap3A_3620 = tpu.memref_squeeze %swap3A_3619 : memref<1x128xi32, #tpu.memory_space<vmem>> -> memref<128xi32, #tpu.memory_space<vmem>>
    %swap3A_3621 = arith.constant 64 : index
    %swap3A_3622 = tpu.vector_load %swap3A_3620[%swap3A_3621] {strides = array<i32>} : memref<128xi32, #tpu.memory_space<vmem>>, vector<16xi32>,
    tpu.vector_store %swap3A_3620[%swap3A_3621], %select_n3A_3616 {strides = array<i32>} : memref<128xi32, #tpu.memory_space<vmem>>, vector<16xi32>,
    %get3A_3623 = arith.constant 2 : i32
    %get3A_3624 = arith.constant 0 : i32
    %get3A_3625 = tpu.memref_slice %arg12[%get3A_3623, %get3A_3624] : memref<4x128xi32, #tpu.memory_space<vmem>> -> memref<1x128xi32, #tpu.memory_space<vmem>>
    %get3A_3626 = tpu.memref_squeeze %get3A_3625 : memref<1x128xi32, #tpu.memory_space<vmem>> -> memref<128xi32, #tpu.memory_space<vmem>>
    %get3A_3627 = arith.constant 80 : index
    %get3A_3628 = tpu.vector_load %get3A_3626[%get3A_3627] {strides = array<i32>} : memref<128xi32, #tpu.memory_space<vmem>>, vector<16xi32>,
    %get3A_3629 = arith.constant 2 : i32
    %get3A_3630 = arith.constant 0 : i32
    %get3A_3631 = tpu.memref_slice %arg11[%get3A_3629, %get3A_3630] : memref<4x128xi32, #tpu.memory_space<vmem>> -> memref<1x128xi32, #tpu.memory_space<vmem>>
    %get3A_3632 = tpu.memref_squeeze %get3A_3631 : memref<1x128xi32, #tpu.memory_space<vmem>> -> memref<128xi32, #tpu.memory_space<vmem>>
    %get3A_3633 = arith.constant 80 : index
    %get3A_3634 = tpu.vector_load %get3A_3632[%get3A_3633] {strides = array<i32>} : memref<128xi32, #tpu.memory_space<vmem>>, vector<16xi32>,
    %add3A_3635 = arith.constant 256 : i32
    %add3A_3636 = arith.addi %mul3A_2, %add3A_3635 : i32
    %add3A_3637 = arith.constant 80 : i32
    %add3A_3638 = arith.addi %add3A_3636, %add3A_3637 : i32
    %add3A_3639 = arith.constant 1 : i32
    %add3A_3640 = arith.addi %add3A_3638, %add3A_3639 : i32
    %broadcast_in_dim3A_3641 = vector.broadcast %add3A_3640 : i32 to vector<16xi32>
    %iota3A_3642 = tpu.iota {dimensions = array<i32: 0>} : vector<16xi32>
    %add3A_3643 = arith.addi %broadcast_in_dim3A_3641, %iota3A_3642 : vector<16xi32>
    %broadcast_in_dim3A_3644 = arith.constant 26 : i32
    %broadcast_in_dim3A_3645 = vector.broadcast %broadcast_in_dim3A_3644 : i32 to vector<16xi32>
    %shift_right_logical3A_3646 = arith.shrui %get3A_3628, %broadcast_in_dim3A_3645 : vector<16xi32>
    %broadcast_in_dim3A_3647 = arith.constant 67108863 : i32
    %broadcast_in_dim3A_3648 = vector.broadcast %broadcast_in_dim3A_3647 : i32 to vector<16xi32>
    %and3A_3649 = arith.andi %get3A_3628, %broadcast_in_dim3A_3648 : vector<16xi32>
    %mul3A_3650 = arith.muli %shift_right_logical3A_3646, %add3A_3643 : vector<16xi32>
    %ge3A_3651 = arith.cmpi sge, %mul3A_3650, %and3A_3649 : vector<16xi32>
    %select_n3A_3652 = arith.select %ge3A_3651, %get3A_3634, %gather3A : vector<16xi1>, vector<16xi32>
    %swap3A_3653 = arith.constant 2 : i32
    %swap3A_3654 = arith.constant 0 : i32
    %swap3A_3655 = tpu.memref_slice %arg13[%swap3A_3653, %swap3A_3654] : memref<4x128xi32, #tpu.memory_space<vmem>> -> memref<1x128xi32, #tpu.memory_space<vmem>>
    %swap3A_3656 = tpu.memref_squeeze %swap3A_3655 : memref<1x128xi32, #tpu.memory_space<vmem>> -> memref<128xi32, #tpu.memory_space<vmem>>
    %swap3A_3657 = arith.constant 80 : index
    %swap3A_3658 = tpu.vector_load %swap3A_3656[%swap3A_3657] {strides = array<i32>} : memref<128xi32, #tpu.memory_space<vmem>>, vector<16xi32>,
    tpu.vector_store %swap3A_3656[%swap3A_3657], %select_n3A_3652 {strides = array<i32>} : memref<128xi32, #tpu.memory_space<vmem>>, vector<16xi32>,
    %sub3A_3659 = arith.constant 1 : i32
    %sub3A_3660 = vector.broadcast %sub3A_3659 : i32 to vector<16xi32>
    %sub3A_3661 = arith.subi %add3A_3643, %sub3A_3660 : vector<16xi32>
    %select_n3A_3662 = arith.select %ge3A_3651, %sub3A_3661, %broadcast_in_dim3A_2656 : vector<16xi1>, vector<16xi32>
    %swap3A_3663 = arith.constant 2 : i32
    %swap3A_3664 = arith.constant 0 : i32
    %swap3A_3665 = tpu.memref_slice %arg14[%swap3A_3663, %swap3A_3664] : memref<4x128xi32, #tpu.memory_space<vmem>> -> memref<1x128xi32, #tpu.memory_space<vmem>>
    %swap3A_3666 = tpu.memref_squeeze %swap3A_3665 : memref<1x128xi32, #tpu.memory_space<vmem>> -> memref<128xi32, #tpu.memory_space<vmem>>
    %swap3A_3667 = arith.constant 80 : index
    %swap3A_3668 = tpu.vector_load %swap3A_3666[%swap3A_3667] {strides = array<i32>} : memref<128xi32, #tpu.memory_space<vmem>>, vector<16xi32>,
    tpu.vector_store %swap3A_3666[%swap3A_3667], %select_n3A_3662 {strides = array<i32>} : memref<128xi32, #tpu.memory_space<vmem>>, vector<16xi32>,
    %get3A_3669 = arith.constant 2 : i32
    %get3A_3670 = arith.constant 0 : i32
    %get3A_3671 = tpu.memref_slice %arg12[%get3A_3669, %get3A_3670] : memref<4x128xi32, #tpu.memory_space<vmem>> -> memref<1x128xi32, #tpu.memory_space<vmem>>
    %get3A_3672 = tpu.memref_squeeze %get3A_3671 : memref<1x128xi32, #tpu.memory_space<vmem>> -> memref<128xi32, #tpu.memory_space<vmem>>
    %get3A_3673 = arith.constant 96 : index
    %get3A_3674 = tpu.vector_load %get3A_3672[%get3A_3673] {strides = array<i32>} : memref<128xi32, #tpu.memory_space<vmem>>, vector<16xi32>,
    %get3A_3675 = arith.constant 2 : i32
    %get3A_3676 = arith.constant 0 : i32
    %get3A_3677 = tpu.memref_slice %arg11[%get3A_3675, %get3A_3676] : memref<4x128xi32, #tpu.memory_space<vmem>> -> memref<1x128xi32, #tpu.memory_space<vmem>>
    %get3A_3678 = tpu.memref_squeeze %get3A_3677 : memref<1x128xi32, #tpu.memory_space<vmem>> -> memref<128xi32, #tpu.memory_space<vmem>>
    %get3A_3679 = arith.constant 96 : index
    %get3A_3680 = tpu.vector_load %get3A_3678[%get3A_3679] {strides = array<i32>} : memref<128xi32, #tpu.memory_space<vmem>>, vector<16xi32>,
    %add3A_3681 = arith.constant 256 : i32
    %add3A_3682 = arith.addi %mul3A_2, %add3A_3681 : i32
    %add3A_3683 = arith.constant 96 : i32
    %add3A_3684 = arith.addi %add3A_3682, %add3A_3683 : i32
    %add3A_3685 = arith.constant 1 : i32
    %add3A_3686 = arith.addi %add3A_3684, %add3A_3685 : i32
    %broadcast_in_dim3A_3687 = vector.broadcast %add3A_3686 : i32 to vector<16xi32>
    %iota3A_3688 = tpu.iota {dimensions = array<i32: 0>} : vector<16xi32>
    %add3A_3689 = arith.addi %broadcast_in_dim3A_3687, %iota3A_3688 : vector<16xi32>
    %broadcast_in_dim3A_3690 = arith.constant 26 : i32
    %broadcast_in_dim3A_3691 = vector.broadcast %broadcast_in_dim3A_3690 : i32 to vector<16xi32>
    %shift_right_logical3A_3692 = arith.shrui %get3A_3674, %broadcast_in_dim3A_3691 : vector<16xi32>
    %broadcast_in_dim3A_3693 = arith.constant 67108863 : i32
    %broadcast_in_dim3A_3694 = vector.broadcast %broadcast_in_dim3A_3693 : i32 to vector<16xi32>
    %and3A_3695 = arith.andi %get3A_3674, %broadcast_in_dim3A_3694 : vector<16xi32>
    %mul3A_3696 = arith.muli %shift_right_logical3A_3692, %add3A_3689 : vector<16xi32>
    %ge3A_3697 = arith.cmpi sge, %mul3A_3696, %and3A_3695 : vector<16xi32>
    %select_n3A_3698 = arith.select %ge3A_3697, %get3A_3680, %gather3A : vector<16xi1>, vector<16xi32>
    %swap3A_3699 = arith.constant 2 : i32
    %swap3A_3700 = arith.constant 0 : i32
    %swap3A_3701 = tpu.memref_slice %arg13[%swap3A_3699, %swap3A_3700] : memref<4x128xi32, #tpu.memory_space<vmem>> -> memref<1x128xi32, #tpu.memory_space<vmem>>
    %swap3A_3702 = tpu.memref_squeeze %swap3A_3701 : memref<1x128xi32, #tpu.memory_space<vmem>> -> memref<128xi32, #tpu.memory_space<vmem>>
    %swap3A_3703 = arith.constant 96 : index
    %swap3A_3704 = tpu.vector_load %swap3A_3702[%swap3A_3703] {strides = array<i32>} : memref<128xi32, #tpu.memory_space<vmem>>, vector<16xi32>,
    tpu.vector_store %swap3A_3702[%swap3A_3703], %select_n3A_3698 {strides = array<i32>} : memref<128xi32, #tpu.memory_space<vmem>>, vector<16xi32>,
    %sub3A_3705 = arith.constant 1 : i32
    %sub3A_3706 = vector.broadcast %sub3A_3705 : i32 to vector<16xi32>
    %sub3A_3707 = arith.subi %add3A_3689, %sub3A_3706 : vector<16xi32>
    %select_n3A_3708 = arith.select %ge3A_3697, %sub3A_3707, %broadcast_in_dim3A_2656 : vector<16xi1>, vector<16xi32>
    %swap3A_3709 = arith.constant 2 : i32
    %swap3A_3710 = arith.constant 0 : i32
    %swap3A_3711 = tpu.memref_slice %arg14[%swap3A_3709, %swap3A_3710] : memref<4x128xi32, #tpu.memory_space<vmem>> -> memref<1x128xi32, #tpu.memory_space<vmem>>
    %swap3A_3712 = tpu.memref_squeeze %swap3A_3711 : memref<1x128xi32, #tpu.memory_space<vmem>> -> memref<128xi32, #tpu.memory_space<vmem>>
    %swap3A_3713 = arith.constant 96 : index
    %swap3A_3714 = tpu.vector_load %swap3A_3712[%swap3A_3713] {strides = array<i32>} : memref<128xi32, #tpu.memory_space<vmem>>, vector<16xi32>,
    tpu.vector_store %swap3A_3712[%swap3A_3713], %select_n3A_3708 {strides = array<i32>} : memref<128xi32, #tpu.memory_space<vmem>>, vector<16xi32>,
    %get3A_3715 = arith.constant 2 : i32
    %get3A_3716 = arith.constant 0 : i32
    %get3A_3717 = tpu.memref_slice %arg12[%get3A_3715, %get3A_3716] : memref<4x128xi32, #tpu.memory_space<vmem>> -> memref<1x128xi32, #tpu.memory_space<vmem>>
    %get3A_3718 = tpu.memref_squeeze %get3A_3717 : memref<1x128xi32, #tpu.memory_space<vmem>> -> memref<128xi32, #tpu.memory_space<vmem>>
    %get3A_3719 = arith.constant 112 : index
    %get3A_3720 = tpu.vector_load %get3A_3718[%get3A_3719] {strides = array<i32>} : memref<128xi32, #tpu.memory_space<vmem>>, vector<16xi32>,
    %get3A_3721 = arith.constant 2 : i32
    %get3A_3722 = arith.constant 0 : i32
    %get3A_3723 = tpu.memref_slice %arg11[%get3A_3721, %get3A_3722] : memref<4x128xi32, #tpu.memory_space<vmem>> -> memref<1x128xi32, #tpu.memory_space<vmem>>
    %get3A_3724 = tpu.memref_squeeze %get3A_3723 : memref<1x128xi32, #tpu.memory_space<vmem>> -> memref<128xi32, #tpu.memory_space<vmem>>
    %get3A_3725 = arith.constant 112 : index
    %get3A_3726 = tpu.vector_load %get3A_3724[%get3A_3725] {strides = array<i32>} : memref<128xi32, #tpu.memory_space<vmem>>, vector<16xi32>,
    %add3A_3727 = arith.constant 256 : i32
    %add3A_3728 = arith.addi %mul3A_2, %add3A_3727 : i32
    %add3A_3729 = arith.constant 112 : i32
    %add3A_3730 = arith.addi %add3A_3728, %add3A_3729 : i32
    %add3A_3731 = arith.constant 1 : i32
    %add3A_3732 = arith.addi %add3A_3730, %add3A_3731 : i32
    %broadcast_in_dim3A_3733 = vector.broadcast %add3A_3732 : i32 to vector<16xi32>
    %iota3A_3734 = tpu.iota {dimensions = array<i32: 0>} : vector<16xi32>
    %add3A_3735 = arith.addi %broadcast_in_dim3A_3733, %iota3A_3734 : vector<16xi32>
    %broadcast_in_dim3A_3736 = arith.constant 26 : i32
    %broadcast_in_dim3A_3737 = vector.broadcast %broadcast_in_dim3A_3736 : i32 to vector<16xi32>
    %shift_right_logical3A_3738 = arith.shrui %get3A_3720, %broadcast_in_dim3A_3737 : vector<16xi32>
    %broadcast_in_dim3A_3739 = arith.constant 67108863 : i32
    %broadcast_in_dim3A_3740 = vector.broadcast %broadcast_in_dim3A_3739 : i32 to vector<16xi32>
    %and3A_3741 = arith.andi %get3A_3720, %broadcast_in_dim3A_3740 : vector<16xi32>
    %mul3A_3742 = arith.muli %shift_right_logical3A_3738, %add3A_3735 : vector<16xi32>
    %ge3A_3743 = arith.cmpi sge, %mul3A_3742, %and3A_3741 : vector<16xi32>
    %select_n3A_3744 = arith.select %ge3A_3743, %get3A_3726, %gather3A : vector<16xi1>, vector<16xi32>
    %swap3A_3745 = arith.constant 2 : i32
    %swap3A_3746 = arith.constant 0 : i32
    %swap3A_3747 = tpu.memref_slice %arg13[%swap3A_3745, %swap3A_3746] : memref<4x128xi32, #tpu.memory_space<vmem>> -> memref<1x128xi32, #tpu.memory_space<vmem>>
    %swap3A_3748 = tpu.memref_squeeze %swap3A_3747 : memref<1x128xi32, #tpu.memory_space<vmem>> -> memref<128xi32, #tpu.memory_space<vmem>>
    %swap3A_3749 = arith.constant 112 : index
    %swap3A_3750 = tpu.vector_load %swap3A_3748[%swap3A_3749] {strides = array<i32>} : memref<128xi32, #tpu.memory_space<vmem>>, vector<16xi32>,
    tpu.vector_store %swap3A_3748[%swap3A_3749], %select_n3A_3744 {strides = array<i32>} : memref<128xi32, #tpu.memory_space<vmem>>, vector<16xi32>,
    %sub3A_3751 = arith.constant 1 : i32
    %sub3A_3752 = vector.broadcast %sub3A_3751 : i32 to vector<16xi32>
    %sub3A_3753 = arith.subi %add3A_3735, %sub3A_3752 : vector<16xi32>
    %select_n3A_3754 = arith.select %ge3A_3743, %sub3A_3753, %broadcast_in_dim3A_2656 : vector<16xi1>, vector<16xi32>
    %swap3A_3755 = arith.constant 2 : i32
    %swap3A_3756 = arith.constant 0 : i32
    %swap3A_3757 = tpu.memref_slice %arg14[%swap3A_3755, %swap3A_3756] : memref<4x128xi32, #tpu.memory_space<vmem>> -> memref<1x128xi32, #tpu.memory_space<vmem>>
    %swap3A_3758 = tpu.memref_squeeze %swap3A_3757 : memref<1x128xi32, #tpu.memory_space<vmem>> -> memref<128xi32, #tpu.memory_space<vmem>>
    %swap3A_3759 = arith.constant 112 : index
    %swap3A_3760 = tpu.vector_load %swap3A_3758[%swap3A_3759] {strides = array<i32>} : memref<128xi32, #tpu.memory_space<vmem>>, vector<16xi32>,
    tpu.vector_store %swap3A_3758[%swap3A_3759], %select_n3A_3754 {strides = array<i32>} : memref<128xi32, #tpu.memory_space<vmem>>, vector<16xi32>,
    %get3A_3761 = arith.constant 3 : i32
    %get3A_3762 = arith.constant 0 : i32
    %get3A_3763 = tpu.memref_slice %arg12[%get3A_3761, %get3A_3762] : memref<4x128xi32, #tpu.memory_space<vmem>> -> memref<1x128xi32, #tpu.memory_space<vmem>>
    %get3A_3764 = tpu.memref_squeeze %get3A_3763 : memref<1x128xi32, #tpu.memory_space<vmem>> -> memref<128xi32, #tpu.memory_space<vmem>>
    %get3A_3765 = arith.constant 0 : index
    %get3A_3766 = tpu.vector_load %get3A_3764[%get3A_3765] {strides = array<i32>} : memref<128xi32, #tpu.memory_space<vmem>>, vector<16xi32>,
    %get3A_3767 = arith.constant 3 : i32
    %get3A_3768 = arith.constant 0 : i32
    %get3A_3769 = tpu.memref_slice %arg11[%get3A_3767, %get3A_3768] : memref<4x128xi32, #tpu.memory_space<vmem>> -> memref<1x128xi32, #tpu.memory_space<vmem>>
    %get3A_3770 = tpu.memref_squeeze %get3A_3769 : memref<1x128xi32, #tpu.memory_space<vmem>> -> memref<128xi32, #tpu.memory_space<vmem>>
    %get3A_3771 = arith.constant 0 : index
    %get3A_3772 = tpu.vector_load %get3A_3770[%get3A_3771] {strides = array<i32>} : memref<128xi32, #tpu.memory_space<vmem>>, vector<16xi32>,
    %add3A_3773 = arith.constant 384 : i32
    %add3A_3774 = arith.addi %mul3A_2, %add3A_3773 : i32
    %add3A_3775 = arith.constant 0 : i32
    %add3A_3776 = arith.addi %add3A_3774, %add3A_3775 : i32
    %add3A_3777 = arith.constant 1 : i32
    %add3A_3778 = arith.addi %add3A_3776, %add3A_3777 : i32
    %broadcast_in_dim3A_3779 = vector.broadcast %add3A_3778 : i32 to vector<16xi32>
    %iota3A_3780 = tpu.iota {dimensions = array<i32: 0>} : vector<16xi32>
    %add3A_3781 = arith.addi %broadcast_in_dim3A_3779, %iota3A_3780 : vector<16xi32>
    %broadcast_in_dim3A_3782 = arith.constant 26 : i32
    %broadcast_in_dim3A_3783 = vector.broadcast %broadcast_in_dim3A_3782 : i32 to vector<16xi32>
    %shift_right_logical3A_3784 = arith.shrui %get3A_3766, %broadcast_in_dim3A_3783 : vector<16xi32>
    %broadcast_in_dim3A_3785 = arith.constant 67108863 : i32
    %broadcast_in_dim3A_3786 = vector.broadcast %broadcast_in_dim3A_3785 : i32 to vector<16xi32>
    %and3A_3787 = arith.andi %get3A_3766, %broadcast_in_dim3A_3786 : vector<16xi32>
    %mul3A_3788 = arith.muli %shift_right_logical3A_3784, %add3A_3781 : vector<16xi32>
    %ge3A_3789 = arith.cmpi sge, %mul3A_3788, %and3A_3787 : vector<16xi32>
    %select_n3A_3790 = arith.select %ge3A_3789, %get3A_3772, %gather3A : vector<16xi1>, vector<16xi32>
    %swap3A_3791 = arith.constant 3 : i32
    %swap3A_3792 = arith.constant 0 : i32
    %swap3A_3793 = tpu.memref_slice %arg13[%swap3A_3791, %swap3A_3792] : memref<4x128xi32, #tpu.memory_space<vmem>> -> memref<1x128xi32, #tpu.memory_space<vmem>>
    %swap3A_3794 = tpu.memref_squeeze %swap3A_3793 : memref<1x128xi32, #tpu.memory_space<vmem>> -> memref<128xi32, #tpu.memory_space<vmem>>
    %swap3A_3795 = arith.constant 0 : index
    %swap3A_3796 = tpu.vector_load %swap3A_3794[%swap3A_3795] {strides = array<i32>} : memref<128xi32, #tpu.memory_space<vmem>>, vector<16xi32>,
    tpu.vector_store %swap3A_3794[%swap3A_3795], %select_n3A_3790 {strides = array<i32>} : memref<128xi32, #tpu.memory_space<vmem>>, vector<16xi32>,
    %sub3A_3797 = arith.constant 1 : i32
    %sub3A_3798 = vector.broadcast %sub3A_3797 : i32 to vector<16xi32>
    %sub3A_3799 = arith.subi %add3A_3781, %sub3A_3798 : vector<16xi32>
    %select_n3A_3800 = arith.select %ge3A_3789, %sub3A_3799, %broadcast_in_dim3A_2656 : vector<16xi1>, vector<16xi32>
    %swap3A_3801 = arith.constant 3 : i32
    %swap3A_3802 = arith.constant 0 : i32
    %swap3A_3803 = tpu.memref_slice %arg14[%swap3A_3801, %swap3A_3802] : memref<4x128xi32, #tpu.memory_space<vmem>> -> memref<1x128xi32, #tpu.memory_space<vmem>>
    %swap3A_3804 = tpu.memref_squeeze %swap3A_3803 : memref<1x128xi32, #tpu.memory_space<vmem>> -> memref<128xi32, #tpu.memory_space<vmem>>
    %swap3A_3805 = arith.constant 0 : index
    %swap3A_3806 = tpu.vector_load %swap3A_3804[%swap3A_3805] {strides = array<i32>} : memref<128xi32, #tpu.memory_space<vmem>>, vector<16xi32>,
    tpu.vector_store %swap3A_3804[%swap3A_3805], %select_n3A_3800 {strides = array<i32>} : memref<128xi32, #tpu.memory_space<vmem>>, vector<16xi32>,
    %get3A_3807 = arith.constant 3 : i32
    %get3A_3808 = arith.constant 0 : i32
    %get3A_3809 = tpu.memref_slice %arg12[%get3A_3807, %get3A_3808] : memref<4x128xi32, #tpu.memory_space<vmem>> -> memref<1x128xi32, #tpu.memory_space<vmem>>
    %get3A_3810 = tpu.memref_squeeze %get3A_3809 : memref<1x128xi32, #tpu.memory_space<vmem>> -> memref<128xi32, #tpu.memory_space<vmem>>
    %get3A_3811 = arith.constant 16 : index
    %get3A_3812 = tpu.vector_load %get3A_3810[%get3A_3811] {strides = array<i32>} : memref<128xi32, #tpu.memory_space<vmem>>, vector<16xi32>,
    %get3A_3813 = arith.constant 3 : i32
    %get3A_3814 = arith.constant 0 : i32
    %get3A_3815 = tpu.memref_slice %arg11[%get3A_3813, %get3A_3814] : memref<4x128xi32, #tpu.memory_space<vmem>> -> memref<1x128xi32, #tpu.memory_space<vmem>>
    %get3A_3816 = tpu.memref_squeeze %get3A_3815 : memref<1x128xi32, #tpu.memory_space<vmem>> -> memref<128xi32, #tpu.memory_space<vmem>>
    %get3A_3817 = arith.constant 16 : index
    %get3A_3818 = tpu.vector_load %get3A_3816[%get3A_3817] {strides = array<i32>} : memref<128xi32, #tpu.memory_space<vmem>>, vector<16xi32>,
    %add3A_3819 = arith.constant 384 : i32
    %add3A_3820 = arith.addi %mul3A_2, %add3A_3819 : i32
    %add3A_3821 = arith.constant 16 : i32
    %add3A_3822 = arith.addi %add3A_3820, %add3A_3821 : i32
    %add3A_3823 = arith.constant 1 : i32
    %add3A_3824 = arith.addi %add3A_3822, %add3A_3823 : i32
    %broadcast_in_dim3A_3825 = vector.broadcast %add3A_3824 : i32 to vector<16xi32>
    %iota3A_3826 = tpu.iota {dimensions = array<i32: 0>} : vector<16xi32>
    %add3A_3827 = arith.addi %broadcast_in_dim3A_3825, %iota3A_3826 : vector<16xi32>
    %broadcast_in_dim3A_3828 = arith.constant 26 : i32
    %broadcast_in_dim3A_3829 = vector.broadcast %broadcast_in_dim3A_3828 : i32 to vector<16xi32>
    %shift_right_logical3A_3830 = arith.shrui %get3A_3812, %broadcast_in_dim3A_3829 : vector<16xi32>
    %broadcast_in_dim3A_3831 = arith.constant 67108863 : i32
    %broadcast_in_dim3A_3832 = vector.broadcast %broadcast_in_dim3A_3831 : i32 to vector<16xi32>
    %and3A_3833 = arith.andi %get3A_3812, %broadcast_in_dim3A_3832 : vector<16xi32>
    %mul3A_3834 = arith.muli %shift_right_logical3A_3830, %add3A_3827 : vector<16xi32>
    %ge3A_3835 = arith.cmpi sge, %mul3A_3834, %and3A_3833 : vector<16xi32>
    %select_n3A_3836 = arith.select %ge3A_3835, %get3A_3818, %gather3A : vector<16xi1>, vector<16xi32>
    %swap3A_3837 = arith.constant 3 : i32
    %swap3A_3838 = arith.constant 0 : i32
    %swap3A_3839 = tpu.memref_slice %arg13[%swap3A_3837, %swap3A_3838] : memref<4x128xi32, #tpu.memory_space<vmem>> -> memref<1x128xi32, #tpu.memory_space<vmem>>
    %swap3A_3840 = tpu.memref_squeeze %swap3A_3839 : memref<1x128xi32, #tpu.memory_space<vmem>> -> memref<128xi32, #tpu.memory_space<vmem>>
    %swap3A_3841 = arith.constant 16 : index
    %swap3A_3842 = tpu.vector_load %swap3A_3840[%swap3A_3841] {strides = array<i32>} : memref<128xi32, #tpu.memory_space<vmem>>, vector<16xi32>,
    tpu.vector_store %swap3A_3840[%swap3A_3841], %select_n3A_3836 {strides = array<i32>} : memref<128xi32, #tpu.memory_space<vmem>>, vector<16xi32>,
    %sub3A_3843 = arith.constant 1 : i32
    %sub3A_3844 = vector.broadcast %sub3A_3843 : i32 to vector<16xi32>
    %sub3A_3845 = arith.subi %add3A_3827, %sub3A_3844 : vector<16xi32>
    %select_n3A_3846 = arith.select %ge3A_3835, %sub3A_3845, %broadcast_in_dim3A_2656 : vector<16xi1>, vector<16xi32>
    %swap3A_3847 = arith.constant 3 : i32
    %swap3A_3848 = arith.constant 0 : i32
    %swap3A_3849 = tpu.memref_slice %arg14[%swap3A_3847, %swap3A_3848] : memref<4x128xi32, #tpu.memory_space<vmem>> -> memref<1x128xi32, #tpu.memory_space<vmem>>
    %swap3A_3850 = tpu.memref_squeeze %swap3A_3849 : memref<1x128xi32, #tpu.memory_space<vmem>> -> memref<128xi32, #tpu.memory_space<vmem>>
    %swap3A_3851 = arith.constant 16 : index
    %swap3A_3852 = tpu.vector_load %swap3A_3850[%swap3A_3851] {strides = array<i32>} : memref<128xi32, #tpu.memory_space<vmem>>, vector<16xi32>,
    tpu.vector_store %swap3A_3850[%swap3A_3851], %select_n3A_3846 {strides = array<i32>} : memref<128xi32, #tpu.memory_space<vmem>>, vector<16xi32>,
    %get3A_3853 = arith.constant 3 : i32
    %get3A_3854 = arith.constant 0 : i32
    %get3A_3855 = tpu.memref_slice %arg12[%get3A_3853, %get3A_3854] : memref<4x128xi32, #tpu.memory_space<vmem>> -> memref<1x128xi32, #tpu.memory_space<vmem>>
    %get3A_3856 = tpu.memref_squeeze %get3A_3855 : memref<1x128xi32, #tpu.memory_space<vmem>> -> memref<128xi32, #tpu.memory_space<vmem>>
    %get3A_3857 = arith.constant 32 : index
    %get3A_3858 = tpu.vector_load %get3A_3856[%get3A_3857] {strides = array<i32>} : memref<128xi32, #tpu.memory_space<vmem>>, vector<16xi32>,
    %get3A_3859 = arith.constant 3 : i32
    %get3A_3860 = arith.constant 0 : i32
    %get3A_3861 = tpu.memref_slice %arg11[%get3A_3859, %get3A_3860] : memref<4x128xi32, #tpu.memory_space<vmem>> -> memref<1x128xi32, #tpu.memory_space<vmem>>
    %get3A_3862 = tpu.memref_squeeze %get3A_3861 : memref<1x128xi32, #tpu.memory_space<vmem>> -> memref<128xi32, #tpu.memory_space<vmem>>
    %get3A_3863 = arith.constant 32 : index
    %get3A_3864 = tpu.vector_load %get3A_3862[%get3A_3863] {strides = array<i32>} : memref<128xi32, #tpu.memory_space<vmem>>, vector<16xi32>,
    %add3A_3865 = arith.constant 384 : i32
    %add3A_3866 = arith.addi %mul3A_2, %add3A_3865 : i32
    %add3A_3867 = arith.constant 32 : i32
    %add3A_3868 = arith.addi %add3A_3866, %add3A_3867 : i32
    %add3A_3869 = arith.constant 1 : i32
    %add3A_3870 = arith.addi %add3A_3868, %add3A_3869 : i32
    %broadcast_in_dim3A_3871 = vector.broadcast %add3A_3870 : i32 to vector<16xi32>
    %iota3A_3872 = tpu.iota {dimensions = array<i32: 0>} : vector<16xi32>
    %add3A_3873 = arith.addi %broadcast_in_dim3A_3871, %iota3A_3872 : vector<16xi32>
    %broadcast_in_dim3A_3874 = arith.constant 26 : i32
    %broadcast_in_dim3A_3875 = vector.broadcast %broadcast_in_dim3A_3874 : i32 to vector<16xi32>
    %shift_right_logical3A_3876 = arith.shrui %get3A_3858, %broadcast_in_dim3A_3875 : vector<16xi32>
    %broadcast_in_dim3A_3877 = arith.constant 67108863 : i32
    %broadcast_in_dim3A_3878 = vector.broadcast %broadcast_in_dim3A_3877 : i32 to vector<16xi32>
    %and3A_3879 = arith.andi %get3A_3858, %broadcast_in_dim3A_3878 : vector<16xi32>
    %mul3A_3880 = arith.muli %shift_right_logical3A_3876, %add3A_3873 : vector<16xi32>
    %ge3A_3881 = arith.cmpi sge, %mul3A_3880, %and3A_3879 : vector<16xi32>
    %select_n3A_3882 = arith.select %ge3A_3881, %get3A_3864, %gather3A : vector<16xi1>, vector<16xi32>
    %swap3A_3883 = arith.constant 3 : i32
    %swap3A_3884 = arith.constant 0 : i32
    %swap3A_3885 = tpu.memref_slice %arg13[%swap3A_3883, %swap3A_3884] : memref<4x128xi32, #tpu.memory_space<vmem>> -> memref<1x128xi32, #tpu.memory_space<vmem>>
    %swap3A_3886 = tpu.memref_squeeze %swap3A_3885 : memref<1x128xi32, #tpu.memory_space<vmem>> -> memref<128xi32, #tpu.memory_space<vmem>>
    %swap3A_3887 = arith.constant 32 : index
    %swap3A_3888 = tpu.vector_load %swap3A_3886[%swap3A_3887] {strides = array<i32>} : memref<128xi32, #tpu.memory_space<vmem>>, vector<16xi32>,
    tpu.vector_store %swap3A_3886[%swap3A_3887], %select_n3A_3882 {strides = array<i32>} : memref<128xi32, #tpu.memory_space<vmem>>, vector<16xi32>,
    %sub3A_3889 = arith.constant 1 : i32
    %sub3A_3890 = vector.broadcast %sub3A_3889 : i32 to vector<16xi32>
    %sub3A_3891 = arith.subi %add3A_3873, %sub3A_3890 : vector<16xi32>
    %select_n3A_3892 = arith.select %ge3A_3881, %sub3A_3891, %broadcast_in_dim3A_2656 : vector<16xi1>, vector<16xi32>
    %swap3A_3893 = arith.constant 3 : i32
    %swap3A_3894 = arith.constant 0 : i32
    %swap3A_3895 = tpu.memref_slice %arg14[%swap3A_3893, %swap3A_3894] : memref<4x128xi32, #tpu.memory_space<vmem>> -> memref<1x128xi32, #tpu.memory_space<vmem>>
    %swap3A_3896 = tpu.memref_squeeze %swap3A_3895 : memref<1x128xi32, #tpu.memory_space<vmem>> -> memref<128xi32, #tpu.memory_space<vmem>>
    %swap3A_3897 = arith.constant 32 : index
    %swap3A_3898 = tpu.vector_load %swap3A_3896[%swap3A_3897] {strides = array<i32>} : memref<128xi32, #tpu.memory_space<vmem>>, vector<16xi32>,
    tpu.vector_store %swap3A_3896[%swap3A_3897], %select_n3A_3892 {strides = array<i32>} : memref<128xi32, #tpu.memory_space<vmem>>, vector<16xi32>,
    %get3A_3899 = arith.constant 3 : i32
    %get3A_3900 = arith.constant 0 : i32
    %get3A_3901 = tpu.memref_slice %arg12[%get3A_3899, %get3A_3900] : memref<4x128xi32, #tpu.memory_space<vmem>> -> memref<1x128xi32, #tpu.memory_space<vmem>>
    %get3A_3902 = tpu.memref_squeeze %get3A_3901 : memref<1x128xi32, #tpu.memory_space<vmem>> -> memref<128xi32, #tpu.memory_space<vmem>>
    %get3A_3903 = arith.constant 48 : index
    %get3A_3904 = tpu.vector_load %get3A_3902[%get3A_3903] {strides = array<i32>} : memref<128xi32, #tpu.memory_space<vmem>>, vector<16xi32>,
    %get3A_3905 = arith.constant 3 : i32
    %get3A_3906 = arith.constant 0 : i32
    %get3A_3907 = tpu.memref_slice %arg11[%get3A_3905, %get3A_3906] : memref<4x128xi32, #tpu.memory_space<vmem>> -> memref<1x128xi32, #tpu.memory_space<vmem>>
    %get3A_3908 = tpu.memref_squeeze %get3A_3907 : memref<1x128xi32, #tpu.memory_space<vmem>> -> memref<128xi32, #tpu.memory_space<vmem>>
    %get3A_3909 = arith.constant 48 : index
    %get3A_3910 = tpu.vector_load %get3A_3908[%get3A_3909] {strides = array<i32>} : memref<128xi32, #tpu.memory_space<vmem>>, vector<16xi32>,
    %add3A_3911 = arith.constant 384 : i32
    %add3A_3912 = arith.addi %mul3A_2, %add3A_3911 : i32
    %add3A_3913 = arith.constant 48 : i32
    %add3A_3914 = arith.addi %add3A_3912, %add3A_3913 : i32
    %add3A_3915 = arith.constant 1 : i32
    %add3A_3916 = arith.addi %add3A_3914, %add3A_3915 : i32
    %broadcast_in_dim3A_3917 = vector.broadcast %add3A_3916 : i32 to vector<16xi32>
    %iota3A_3918 = tpu.iota {dimensions = array<i32: 0>} : vector<16xi32>
    %add3A_3919 = arith.addi %broadcast_in_dim3A_3917, %iota3A_3918 : vector<16xi32>
    %broadcast_in_dim3A_3920 = arith.constant 26 : i32
    %broadcast_in_dim3A_3921 = vector.broadcast %broadcast_in_dim3A_3920 : i32 to vector<16xi32>
    %shift_right_logical3A_3922 = arith.shrui %get3A_3904, %broadcast_in_dim3A_3921 : vector<16xi32>
    %broadcast_in_dim3A_3923 = arith.constant 67108863 : i32
    %broadcast_in_dim3A_3924 = vector.broadcast %broadcast_in_dim3A_3923 : i32 to vector<16xi32>
    %and3A_3925 = arith.andi %get3A_3904, %broadcast_in_dim3A_3924 : vector<16xi32>
    %mul3A_3926 = arith.muli %shift_right_logical3A_3922, %add3A_3919 : vector<16xi32>
    %ge3A_3927 = arith.cmpi sge, %mul3A_3926, %and3A_3925 : vector<16xi32>
    %select_n3A_3928 = arith.select %ge3A_3927, %get3A_3910, %gather3A : vector<16xi1>, vector<16xi32>
    %swap3A_3929 = arith.constant 3 : i32
    %swap3A_3930 = arith.constant 0 : i32
    %swap3A_3931 = tpu.memref_slice %arg13[%swap3A_3929, %swap3A_3930] : memref<4x128xi32, #tpu.memory_space<vmem>> -> memref<1x128xi32, #tpu.memory_space<vmem>>
    %swap3A_3932 = tpu.memref_squeeze %swap3A_3931 : memref<1x128xi32, #tpu.memory_space<vmem>> -> memref<128xi32, #tpu.memory_space<vmem>>
    %swap3A_3933 = arith.constant 48 : index
    %swap3A_3934 = tpu.vector_load %swap3A_3932[%swap3A_3933] {strides = array<i32>} : memref<128xi32, #tpu.memory_space<vmem>>, vector<16xi32>,
    tpu.vector_store %swap3A_3932[%swap3A_3933], %select_n3A_3928 {strides = array<i32>} : memref<128xi32, #tpu.memory_space<vmem>>, vector<16xi32>,
    %sub3A_3935 = arith.constant 1 : i32
    %sub3A_3936 = vector.broadcast %sub3A_3935 : i32 to vector<16xi32>
    %sub3A_3937 = arith.subi %add3A_3919, %sub3A_3936 : vector<16xi32>
    %select_n3A_3938 = arith.select %ge3A_3927, %sub3A_3937, %broadcast_in_dim3A_2656 : vector<16xi1>, vector<16xi32>
    %swap3A_3939 = arith.constant 3 : i32
    %swap3A_3940 = arith.constant 0 : i32
    %swap3A_3941 = tpu.memref_slice %arg14[%swap3A_3939, %swap3A_3940] : memref<4x128xi32, #tpu.memory_space<vmem>> -> memref<1x128xi32, #tpu.memory_space<vmem>>
    %swap3A_3942 = tpu.memref_squeeze %swap3A_3941 : memref<1x128xi32, #tpu.memory_space<vmem>> -> memref<128xi32, #tpu.memory_space<vmem>>
    %swap3A_3943 = arith.constant 48 : index
    %swap3A_3944 = tpu.vector_load %swap3A_3942[%swap3A_3943] {strides = array<i32>} : memref<128xi32, #tpu.memory_space<vmem>>, vector<16xi32>,
    tpu.vector_store %swap3A_3942[%swap3A_3943], %select_n3A_3938 {strides = array<i32>} : memref<128xi32, #tpu.memory_space<vmem>>, vector<16xi32>,
    %get3A_3945 = arith.constant 3 : i32
    %get3A_3946 = arith.constant 0 : i32
    %get3A_3947 = tpu.memref_slice %arg12[%get3A_3945, %get3A_3946] : memref<4x128xi32, #tpu.memory_space<vmem>> -> memref<1x128xi32, #tpu.memory_space<vmem>>
    %get3A_3948 = tpu.memref_squeeze %get3A_3947 : memref<1x128xi32, #tpu.memory_space<vmem>> -> memref<128xi32, #tpu.memory_space<vmem>>
    %get3A_3949 = arith.constant 64 : index
    %get3A_3950 = tpu.vector_load %get3A_3948[%get3A_3949] {strides = array<i32>} : memref<128xi32, #tpu.memory_space<vmem>>, vector<16xi32>,
    %get3A_3951 = arith.constant 3 : i32
    %get3A_3952 = arith.constant 0 : i32
    %get3A_3953 = tpu.memref_slice %arg11[%get3A_3951, %get3A_3952] : memref<4x128xi32, #tpu.memory_space<vmem>> -> memref<1x128xi32, #tpu.memory_space<vmem>>
    %get3A_3954 = tpu.memref_squeeze %get3A_3953 : memref<1x128xi32, #tpu.memory_space<vmem>> -> memref<128xi32, #tpu.memory_space<vmem>>
    %get3A_3955 = arith.constant 64 : index
    %get3A_3956 = tpu.vector_load %get3A_3954[%get3A_3955] {strides = array<i32>} : memref<128xi32, #tpu.memory_space<vmem>>, vector<16xi32>,
    %add3A_3957 = arith.constant 384 : i32
    %add3A_3958 = arith.addi %mul3A_2, %add3A_3957 : i32
    %add3A_3959 = arith.constant 64 : i32
    %add3A_3960 = arith.addi %add3A_3958, %add3A_3959 : i32
    %add3A_3961 = arith.constant 1 : i32
    %add3A_3962 = arith.addi %add3A_3960, %add3A_3961 : i32
    %broadcast_in_dim3A_3963 = vector.broadcast %add3A_3962 : i32 to vector<16xi32>
    %iota3A_3964 = tpu.iota {dimensions = array<i32: 0>} : vector<16xi32>
    %add3A_3965 = arith.addi %broadcast_in_dim3A_3963, %iota3A_3964 : vector<16xi32>
    %broadcast_in_dim3A_3966 = arith.constant 26 : i32
    %broadcast_in_dim3A_3967 = vector.broadcast %broadcast_in_dim3A_3966 : i32 to vector<16xi32>
    %shift_right_logical3A_3968 = arith.shrui %get3A_3950, %broadcast_in_dim3A_3967 : vector<16xi32>
    %broadcast_in_dim3A_3969 = arith.constant 67108863 : i32
    %broadcast_in_dim3A_3970 = vector.broadcast %broadcast_in_dim3A_3969 : i32 to vector<16xi32>
    %and3A_3971 = arith.andi %get3A_3950, %broadcast_in_dim3A_3970 : vector<16xi32>
    %mul3A_3972 = arith.muli %shift_right_logical3A_3968, %add3A_3965 : vector<16xi32>
    %ge3A_3973 = arith.cmpi sge, %mul3A_3972, %and3A_3971 : vector<16xi32>
    %select_n3A_3974 = arith.select %ge3A_3973, %get3A_3956, %gather3A : vector<16xi1>, vector<16xi32>
    %swap3A_3975 = arith.constant 3 : i32
    %swap3A_3976 = arith.constant 0 : i32
    %swap3A_3977 = tpu.memref_slice %arg13[%swap3A_3975, %swap3A_3976] : memref<4x128xi32, #tpu.memory_space<vmem>> -> memref<1x128xi32, #tpu.memory_space<vmem>>
    %swap3A_3978 = tpu.memref_squeeze %swap3A_3977 : memref<1x128xi32, #tpu.memory_space<vmem>> -> memref<128xi32, #tpu.memory_space<vmem>>
    %swap3A_3979 = arith.constant 64 : index
    %swap3A_3980 = tpu.vector_load %swap3A_3978[%swap3A_3979] {strides = array<i32>} : memref<128xi32, #tpu.memory_space<vmem>>, vector<16xi32>,
    tpu.vector_store %swap3A_3978[%swap3A_3979], %select_n3A_3974 {strides = array<i32>} : memref<128xi32, #tpu.memory_space<vmem>>, vector<16xi32>,
    %sub3A_3981 = arith.constant 1 : i32
    %sub3A_3982 = vector.broadcast %sub3A_3981 : i32 to vector<16xi32>
    %sub3A_3983 = arith.subi %add3A_3965, %sub3A_3982 : vector<16xi32>
    %select_n3A_3984 = arith.select %ge3A_3973, %sub3A_3983, %broadcast_in_dim3A_2656 : vector<16xi1>, vector<16xi32>
    %swap3A_3985 = arith.constant 3 : i32
    %swap3A_3986 = arith.constant 0 : i32
    %swap3A_3987 = tpu.memref_slice %arg14[%swap3A_3985, %swap3A_3986] : memref<4x128xi32, #tpu.memory_space<vmem>> -> memref<1x128xi32, #tpu.memory_space<vmem>>
    %swap3A_3988 = tpu.memref_squeeze %swap3A_3987 : memref<1x128xi32, #tpu.memory_space<vmem>> -> memref<128xi32, #tpu.memory_space<vmem>>
    %swap3A_3989 = arith.constant 64 : index
    %swap3A_3990 = tpu.vector_load %swap3A_3988[%swap3A_3989] {strides = array<i32>} : memref<128xi32, #tpu.memory_space<vmem>>, vector<16xi32>,
    tpu.vector_store %swap3A_3988[%swap3A_3989], %select_n3A_3984 {strides = array<i32>} : memref<128xi32, #tpu.memory_space<vmem>>, vector<16xi32>,
    %get3A_3991 = arith.constant 3 : i32
    %get3A_3992 = arith.constant 0 : i32
    %get3A_3993 = tpu.memref_slice %arg12[%get3A_3991, %get3A_3992] : memref<4x128xi32, #tpu.memory_space<vmem>> -> memref<1x128xi32, #tpu.memory_space<vmem>>
    %get3A_3994 = tpu.memref_squeeze %get3A_3993 : memref<1x128xi32, #tpu.memory_space<vmem>> -> memref<128xi32, #tpu.memory_space<vmem>>
    %get3A_3995 = arith.constant 80 : index
    %get3A_3996 = tpu.vector_load %get3A_3994[%get3A_3995] {strides = array<i32>} : memref<128xi32, #tpu.memory_space<vmem>>, vector<16xi32>,
    %get3A_3997 = arith.constant 3 : i32
    %get3A_3998 = arith.constant 0 : i32
    %get3A_3999 = tpu.memref_slice %arg11[%get3A_3997, %get3A_3998] : memref<4x128xi32, #tpu.memory_space<vmem>> -> memref<1x128xi32, #tpu.memory_space<vmem>>
    %get3A_4000 = tpu.memref_squeeze %get3A_3999 : memref<1x128xi32, #tpu.memory_space<vmem>> -> memref<128xi32, #tpu.memory_space<vmem>>
    %get3A_4001 = arith.constant 80 : index
    %get3A_4002 = tpu.vector_load %get3A_4000[%get3A_4001] {strides = array<i32>} : memref<128xi32, #tpu.memory_space<vmem>>, vector<16xi32>,
    %add3A_4003 = arith.constant 384 : i32
    %add3A_4004 = arith.addi %mul3A_2, %add3A_4003 : i32
    %add3A_4005 = arith.constant 80 : i32
    %add3A_4006 = arith.addi %add3A_4004, %add3A_4005 : i32
    %add3A_4007 = arith.constant 1 : i32
    %add3A_4008 = arith.addi %add3A_4006, %add3A_4007 : i32
    %broadcast_in_dim3A_4009 = vector.broadcast %add3A_4008 : i32 to vector<16xi32>
    %iota3A_4010 = tpu.iota {dimensions = array<i32: 0>} : vector<16xi32>
    %add3A_4011 = arith.addi %broadcast_in_dim3A_4009, %iota3A_4010 : vector<16xi32>
    %broadcast_in_dim3A_4012 = arith.constant 26 : i32
    %broadcast_in_dim3A_4013 = vector.broadcast %broadcast_in_dim3A_4012 : i32 to vector<16xi32>
    %shift_right_logical3A_4014 = arith.shrui %get3A_3996, %broadcast_in_dim3A_4013 : vector<16xi32>
    %broadcast_in_dim3A_4015 = arith.constant 67108863 : i32
    %broadcast_in_dim3A_4016 = vector.broadcast %broadcast_in_dim3A_4015 : i32 to vector<16xi32>
    %and3A_4017 = arith.andi %get3A_3996, %broadcast_in_dim3A_4016 : vector<16xi32>
    %mul3A_4018 = arith.muli %shift_right_logical3A_4014, %add3A_4011 : vector<16xi32>
    %ge3A_4019 = arith.cmpi sge, %mul3A_4018, %and3A_4017 : vector<16xi32>
    %select_n3A_4020 = arith.select %ge3A_4019, %get3A_4002, %gather3A : vector<16xi1>, vector<16xi32>
    %swap3A_4021 = arith.constant 3 : i32
    %swap3A_4022 = arith.constant 0 : i32
    %swap3A_4023 = tpu.memref_slice %arg13[%swap3A_4021, %swap3A_4022] : memref<4x128xi32, #tpu.memory_space<vmem>> -> memref<1x128xi32, #tpu.memory_space<vmem>>
    %swap3A_4024 = tpu.memref_squeeze %swap3A_4023 : memref<1x128xi32, #tpu.memory_space<vmem>> -> memref<128xi32, #tpu.memory_space<vmem>>
    %swap3A_4025 = arith.constant 80 : index
    %swap3A_4026 = tpu.vector_load %swap3A_4024[%swap3A_4025] {strides = array<i32>} : memref<128xi32, #tpu.memory_space<vmem>>, vector<16xi32>,
    tpu.vector_store %swap3A_4024[%swap3A_4025], %select_n3A_4020 {strides = array<i32>} : memref<128xi32, #tpu.memory_space<vmem>>, vector<16xi32>,
    %sub3A_4027 = arith.constant 1 : i32
    %sub3A_4028 = vector.broadcast %sub3A_4027 : i32 to vector<16xi32>
    %sub3A_4029 = arith.subi %add3A_4011, %sub3A_4028 : vector<16xi32>
    %select_n3A_4030 = arith.select %ge3A_4019, %sub3A_4029, %broadcast_in_dim3A_2656 : vector<16xi1>, vector<16xi32>
    %swap3A_4031 = arith.constant 3 : i32
    %swap3A_4032 = arith.constant 0 : i32
    %swap3A_4033 = tpu.memref_slice %arg14[%swap3A_4031, %swap3A_4032] : memref<4x128xi32, #tpu.memory_space<vmem>> -> memref<1x128xi32, #tpu.memory_space<vmem>>
    %swap3A_4034 = tpu.memref_squeeze %swap3A_4033 : memref<1x128xi32, #tpu.memory_space<vmem>> -> memref<128xi32, #tpu.memory_space<vmem>>
    %swap3A_4035 = arith.constant 80 : index
    %swap3A_4036 = tpu.vector_load %swap3A_4034[%swap3A_4035] {strides = array<i32>} : memref<128xi32, #tpu.memory_space<vmem>>, vector<16xi32>,
    tpu.vector_store %swap3A_4034[%swap3A_4035], %select_n3A_4030 {strides = array<i32>} : memref<128xi32, #tpu.memory_space<vmem>>, vector<16xi32>,
    %get3A_4037 = arith.constant 3 : i32
    %get3A_4038 = arith.constant 0 : i32
    %get3A_4039 = tpu.memref_slice %arg12[%get3A_4037, %get3A_4038] : memref<4x128xi32, #tpu.memory_space<vmem>> -> memref<1x128xi32, #tpu.memory_space<vmem>>
    %get3A_4040 = tpu.memref_squeeze %get3A_4039 : memref<1x128xi32, #tpu.memory_space<vmem>> -> memref<128xi32, #tpu.memory_space<vmem>>
    %get3A_4041 = arith.constant 96 : index
    %get3A_4042 = tpu.vector_load %get3A_4040[%get3A_4041] {strides = array<i32>} : memref<128xi32, #tpu.memory_space<vmem>>, vector<16xi32>,
    %get3A_4043 = arith.constant 3 : i32
    %get3A_4044 = arith.constant 0 : i32
    %get3A_4045 = tpu.memref_slice %arg11[%get3A_4043, %get3A_4044] : memref<4x128xi32, #tpu.memory_space<vmem>> -> memref<1x128xi32, #tpu.memory_space<vmem>>
    %get3A_4046 = tpu.memref_squeeze %get3A_4045 : memref<1x128xi32, #tpu.memory_space<vmem>> -> memref<128xi32, #tpu.memory_space<vmem>>
    %get3A_4047 = arith.constant 96 : index
    %get3A_4048 = tpu.vector_load %get3A_4046[%get3A_4047] {strides = array<i32>} : memref<128xi32, #tpu.memory_space<vmem>>, vector<16xi32>,
    %add3A_4049 = arith.constant 384 : i32
    %add3A_4050 = arith.addi %mul3A_2, %add3A_4049 : i32
    %add3A_4051 = arith.constant 96 : i32
    %add3A_4052 = arith.addi %add3A_4050, %add3A_4051 : i32
    %add3A_4053 = arith.constant 1 : i32
    %add3A_4054 = arith.addi %add3A_4052, %add3A_4053 : i32
    %broadcast_in_dim3A_4055 = vector.broadcast %add3A_4054 : i32 to vector<16xi32>
    %iota3A_4056 = tpu.iota {dimensions = array<i32: 0>} : vector<16xi32>
    %add3A_4057 = arith.addi %broadcast_in_dim3A_4055, %iota3A_4056 : vector<16xi32>
    %broadcast_in_dim3A_4058 = arith.constant 26 : i32
    %broadcast_in_dim3A_4059 = vector.broadcast %broadcast_in_dim3A_4058 : i32 to vector<16xi32>
    %shift_right_logical3A_4060 = arith.shrui %get3A_4042, %broadcast_in_dim3A_4059 : vector<16xi32>
    %broadcast_in_dim3A_4061 = arith.constant 67108863 : i32
    %broadcast_in_dim3A_4062 = vector.broadcast %broadcast_in_dim3A_4061 : i32 to vector<16xi32>
    %and3A_4063 = arith.andi %get3A_4042, %broadcast_in_dim3A_4062 : vector<16xi32>
    %mul3A_4064 = arith.muli %shift_right_logical3A_4060, %add3A_4057 : vector<16xi32>
    %ge3A_4065 = arith.cmpi sge, %mul3A_4064, %and3A_4063 : vector<16xi32>
    %select_n3A_4066 = arith.select %ge3A_4065, %get3A_4048, %gather3A : vector<16xi1>, vector<16xi32>
    %swap3A_4067 = arith.constant 3 : i32
    %swap3A_4068 = arith.constant 0 : i32
    %swap3A_4069 = tpu.memref_slice %arg13[%swap3A_4067, %swap3A_4068] : memref<4x128xi32, #tpu.memory_space<vmem>> -> memref<1x128xi32, #tpu.memory_space<vmem>>
    %swap3A_4070 = tpu.memref_squeeze %swap3A_4069 : memref<1x128xi32, #tpu.memory_space<vmem>> -> memref<128xi32, #tpu.memory_space<vmem>>
    %swap3A_4071 = arith.constant 96 : index
    %swap3A_4072 = tpu.vector_load %swap3A_4070[%swap3A_4071] {strides = array<i32>} : memref<128xi32, #tpu.memory_space<vmem>>, vector<16xi32>,
    tpu.vector_store %swap3A_4070[%swap3A_4071], %select_n3A_4066 {strides = array<i32>} : memref<128xi32, #tpu.memory_space<vmem>>, vector<16xi32>,
    %sub3A_4073 = arith.constant 1 : i32
    %sub3A_4074 = vector.broadcast %sub3A_4073 : i32 to vector<16xi32>
    %sub3A_4075 = arith.subi %add3A_4057, %sub3A_4074 : vector<16xi32>
    %select_n3A_4076 = arith.select %ge3A_4065, %sub3A_4075, %broadcast_in_dim3A_2656 : vector<16xi1>, vector<16xi32>
    %swap3A_4077 = arith.constant 3 : i32
    %swap3A_4078 = arith.constant 0 : i32
    %swap3A_4079 = tpu.memref_slice %arg14[%swap3A_4077, %swap3A_4078] : memref<4x128xi32, #tpu.memory_space<vmem>> -> memref<1x128xi32, #tpu.memory_space<vmem>>
    %swap3A_4080 = tpu.memref_squeeze %swap3A_4079 : memref<1x128xi32, #tpu.memory_space<vmem>> -> memref<128xi32, #tpu.memory_space<vmem>>
    %swap3A_4081 = arith.constant 96 : index
    %swap3A_4082 = tpu.vector_load %swap3A_4080[%swap3A_4081] {strides = array<i32>} : memref<128xi32, #tpu.memory_space<vmem>>, vector<16xi32>,
    tpu.vector_store %swap3A_4080[%swap3A_4081], %select_n3A_4076 {strides = array<i32>} : memref<128xi32, #tpu.memory_space<vmem>>, vector<16xi32>,
    %get3A_4083 = arith.constant 3 : i32
    %get3A_4084 = arith.constant 0 : i32
    %get3A_4085 = tpu.memref_slice %arg12[%get3A_4083, %get3A_4084] : memref<4x128xi32, #tpu.memory_space<vmem>> -> memref<1x128xi32, #tpu.memory_space<vmem>>
    %get3A_4086 = tpu.memref_squeeze %get3A_4085 : memref<1x128xi32, #tpu.memory_space<vmem>> -> memref<128xi32, #tpu.memory_space<vmem>>
    %get3A_4087 = arith.constant 112 : index
    %get3A_4088 = tpu.vector_load %get3A_4086[%get3A_4087] {strides = array<i32>} : memref<128xi32, #tpu.memory_space<vmem>>, vector<16xi32>,
    %get3A_4089 = arith.constant 3 : i32
    %get3A_4090 = arith.constant 0 : i32
    %get3A_4091 = tpu.memref_slice %arg11[%get3A_4089, %get3A_4090] : memref<4x128xi32, #tpu.memory_space<vmem>> -> memref<1x128xi32, #tpu.memory_space<vmem>>
    %get3A_4092 = tpu.memref_squeeze %get3A_4091 : memref<1x128xi32, #tpu.memory_space<vmem>> -> memref<128xi32, #tpu.memory_space<vmem>>
    %get3A_4093 = arith.constant 112 : index
    %get3A_4094 = tpu.vector_load %get3A_4092[%get3A_4093] {strides = array<i32>} : memref<128xi32, #tpu.memory_space<vmem>>, vector<16xi32>,
    %add3A_4095 = arith.constant 384 : i32
    %add3A_4096 = arith.addi %mul3A_2, %add3A_4095 : i32
    %add3A_4097 = arith.constant 112 : i32
    %add3A_4098 = arith.addi %add3A_4096, %add3A_4097 : i32
    %add3A_4099 = arith.constant 1 : i32
    %add3A_4100 = arith.addi %add3A_4098, %add3A_4099 : i32
    %broadcast_in_dim3A_4101 = vector.broadcast %add3A_4100 : i32 to vector<16xi32>
    %iota3A_4102 = tpu.iota {dimensions = array<i32: 0>} : vector<16xi32>
    %add3A_4103 = arith.addi %broadcast_in_dim3A_4101, %iota3A_4102 : vector<16xi32>
    %broadcast_in_dim3A_4104 = arith.constant 26 : i32
    %broadcast_in_dim3A_4105 = vector.broadcast %broadcast_in_dim3A_4104 : i32 to vector<16xi32>
    %shift_right_logical3A_4106 = arith.shrui %get3A_4088, %broadcast_in_dim3A_4105 : vector<16xi32>
    %broadcast_in_dim3A_4107 = arith.constant 67108863 : i32
    %broadcast_in_dim3A_4108 = vector.broadcast %broadcast_in_dim3A_4107 : i32 to vector<16xi32>
    %and3A_4109 = arith.andi %get3A_4088, %broadcast_in_dim3A_4108 : vector<16xi32>
    %mul3A_4110 = arith.muli %shift_right_logical3A_4106, %add3A_4103 : vector<16xi32>
    %ge3A_4111 = arith.cmpi sge, %mul3A_4110, %and3A_4109 : vector<16xi32>
    %select_n3A_4112 = arith.select %ge3A_4111, %get3A_4094, %gather3A : vector<16xi1>, vector<16xi32>
    %swap3A_4113 = arith.constant 3 : i32
    %swap3A_4114 = arith.constant 0 : i32
    %swap3A_4115 = tpu.memref_slice %arg13[%swap3A_4113, %swap3A_4114] : memref<4x128xi32, #tpu.memory_space<vmem>> -> memref<1x128xi32, #tpu.memory_space<vmem>>
    %swap3A_4116 = tpu.memref_squeeze %swap3A_4115 : memref<1x128xi32, #tpu.memory_space<vmem>> -> memref<128xi32, #tpu.memory_space<vmem>>
    %swap3A_4117 = arith.constant 112 : index
    %swap3A_4118 = tpu.vector_load %swap3A_4116[%swap3A_4117] {strides = array<i32>} : memref<128xi32, #tpu.memory_space<vmem>>, vector<16xi32>,
    tpu.vector_store %swap3A_4116[%swap3A_4117], %select_n3A_4112 {strides = array<i32>} : memref<128xi32, #tpu.memory_space<vmem>>, vector<16xi32>,
    %sub3A_4119 = arith.constant 1 : i32
    %sub3A_4120 = vector.broadcast %sub3A_4119 : i32 to vector<16xi32>
    %sub3A_4121 = arith.subi %add3A_4103, %sub3A_4120 : vector<16xi32>
    %select_n3A_4122 = arith.select %ge3A_4111, %sub3A_4121, %broadcast_in_dim3A_2656 : vector<16xi1>, vector<16xi32>
    %swap3A_4123 = arith.constant 3 : i32
    %swap3A_4124 = arith.constant 0 : i32
    %swap3A_4125 = tpu.memref_slice %arg14[%swap3A_4123, %swap3A_4124] : memref<4x128xi32, #tpu.memory_space<vmem>> -> memref<1x128xi32, #tpu.memory_space<vmem>>
    %swap3A_4126 = tpu.memref_squeeze %swap3A_4125 : memref<1x128xi32, #tpu.memory_space<vmem>> -> memref<128xi32, #tpu.memory_space<vmem>>
    %swap3A_4127 = arith.constant 112 : index
    %swap3A_4128 = tpu.vector_load %swap3A_4126[%swap3A_4127] {strides = array<i32>} : memref<128xi32, #tpu.memory_space<vmem>>, vector<16xi32>,
    tpu.vector_store %swap3A_4126[%swap3A_4127], %select_n3A_4122 {strides = array<i32>} : memref<128xi32, #tpu.memory_space<vmem>>, vector<16xi32>,
    %mul3A_4129 = arith.constant 4 : i32
    %mul3A_4130 = arith.muli %add3A, %mul3A_4129 : i32
    "tpu.region"() ({
      %run_scoped3A = tpu.sem_alloc : memref<!tpu.dma_semaphore, #tpu.memory_space<semaphore_mem>>
      %dma_start3A_4141 = arith.constant 0 : i32
      %dma_start3A_4142 = tpu.memref_slice %arg5[%mul3A_4130, %dma_start3A_4141] : memref<128x128xi32, #tpu.memory_space<hbm>> -> memref<4x128xi32, #tpu.memory_space<hbm>>
      %dma_start3A_4143 = arith.constant 0 : i32
      %dma_start3A_4144 = tpu.memref_slice %arg5[%mul3A_4130, %dma_start3A_4143] : memref<128x128xi32, #tpu.memory_space<hbm>> -> memref<4x128xi32, #tpu.memory_space<hbm>>
      tpu.enqueue_dma source(%arg13 : memref<4x128xi32, #tpu.memory_space<vmem>>) target(%dma_start3A_4144 : memref<4x128xi32, #tpu.memory_space<hbm>>) target_semaphore(%run_scoped3A : memref<!tpu.dma_semaphore, #tpu.memory_space<semaphore_mem>>)
      %dma_wait3A_4145 = arith.constant 0 : i32
      %dma_wait3A_4146 = tpu.memref_slice %arg5[%mul3A_4130, %dma_wait3A_4145] : memref<128x128xi32, #tpu.memory_space<hbm>> -> memref<4x128xi32, #tpu.memory_space<hbm>>
      %dma_wait3A_4147 = arith.constant 0 : i32
      %dma_wait3A_4148 = tpu.memref_slice %arg5[%mul3A_4130, %dma_wait3A_4147] : memref<128x128xi32, #tpu.memory_space<hbm>> -> memref<4x128xi32, #tpu.memory_space<hbm>>
      tpu.wait_dma2 semaphore(%run_scoped3A : memref<!tpu.dma_semaphore, #tpu.memory_space<semaphore_mem>>) src(%arg13 : memref<4x128xi32, #tpu.memory_space<vmem>>) dst(%dma_wait3A_4148 : memref<4x128xi32, #tpu.memory_space<hbm>>)
      tpu.yield
    }) : () -> ()
    %mul3A_4131 = arith.constant 4 : i32
    %mul3A_4132 = arith.muli %add3A, %mul3A_4131 : i32
    "tpu.region"() ({
      %run_scoped3A = tpu.sem_alloc : memref<!tpu.dma_semaphore, #tpu.memory_space<semaphore_mem>>
      %dma_start3A_4141 = arith.constant 0 : i32
      %dma_start3A_4142 = tpu.memref_slice %arg6[%mul3A_4132, %dma_start3A_4141] : memref<128x128xi32, #tpu.memory_space<hbm>> -> memref<4x128xi32, #tpu.memory_space<hbm>>
      %dma_start3A_4143 = arith.constant 0 : i32
      %dma_start3A_4144 = tpu.memref_slice %arg6[%mul3A_4132, %dma_start3A_4143] : memref<128x128xi32, #tpu.memory_space<hbm>> -> memref<4x128xi32, #tpu.memory_space<hbm>>
      tpu.enqueue_dma source(%arg14 : memref<4x128xi32, #tpu.memory_space<vmem>>) target(%dma_start3A_4144 : memref<4x128xi32, #tpu.memory_space<hbm>>) target_semaphore(%run_scoped3A : memref<!tpu.dma_semaphore, #tpu.memory_space<semaphore_mem>>)
      %dma_wait3A_4145 = arith.constant 0 : i32
      %dma_wait3A_4146 = tpu.memref_slice %arg6[%mul3A_4132, %dma_wait3A_4145] : memref<128x128xi32, #tpu.memory_space<hbm>> -> memref<4x128xi32, #tpu.memory_space<hbm>>
      %dma_wait3A_4147 = arith.constant 0 : i32
      %dma_wait3A_4148 = tpu.memref_slice %arg6[%mul3A_4132, %dma_wait3A_4147] : memref<128x128xi32, #tpu.memory_space<hbm>> -> memref<4x128xi32, #tpu.memory_space<hbm>>
      tpu.wait_dma2 semaphore(%run_scoped3A : memref<!tpu.dma_semaphore, #tpu.memory_space<semaphore_mem>>) src(%arg14 : memref<4x128xi32, #tpu.memory_space<vmem>>) dst(%dma_wait3A_4148 : memref<4x128xi32, #tpu.memory_space<hbm>>)
      tpu.yield
    }) : () -> ()
    %dma_wait3A_4133 = arith.constant 0 : i32
    %dma_wait3A_4134 = tpu.memref_slice %arg4[%add3A_1515, %dma_wait3A_4133] : memref<16384x128xf32, #tpu.memory_space<hbm>> -> memref<128x128xf32, #tpu.memory_space<hbm>>
    %dma_wait3A_4135 = arith.constant 0 : i32
    %dma_wait3A_4136 = tpu.memref_slice %arg4[%add3A_1515, %dma_wait3A_4135] : memref<16384x128xf32, #tpu.memory_space<hbm>> -> memref<128x128xf32, #tpu.memory_space<hbm>>
    tpu.wait_dma2 semaphore(%arg19 : memref<!tpu.dma_semaphore, #tpu.memory_space<semaphore_mem>>) src(%arg15 : memref<128x128xf32, #tpu.memory_space<vmem>>) dst(%dma_wait3A_4136 : memref<128x128xf32, #tpu.memory_space<hbm>>)
    %dma_wait3A_4137 = arith.constant 0 : i32
    %dma_wait3A_4138 = tpu.memref_slice %arg4[%add3A_1528, %dma_wait3A_4137] : memref<16384x128xf32, #tpu.memory_space<hbm>> -> memref<128x128xf32, #tpu.memory_space<hbm>>
    %dma_wait3A_4139 = arith.constant 0 : i32
    %dma_wait3A_4140 = tpu.memref_slice %arg4[%add3A_1528, %dma_wait3A_4139] : memref<16384x128xf32, #tpu.memory_space<hbm>> -> memref<128x128xf32, #tpu.memory_space<hbm>>
    tpu.wait_dma2 semaphore(%arg20 : memref<!tpu.dma_semaphore, #tpu.memory_space<semaphore_mem>>) src(%arg16 : memref<128x128xf32, #tpu.memory_space<vmem>>) dst(%dma_wait3A_4140 : memref<128x128xf32, #tpu.memory_space<hbm>>)
    return
  }
}

module attributes {stable_mosaic.version = 14 : i64} {
  func.func @_gru_block(%arg0: i32, %arg1: memref<1024x256xf32, #tpu.memory_space<vmem>>, %arg2: memref<1024x128xf32, #tpu.memory_space<vmem>>, %arg3: memref<384x256xf32, #tpu.memory_space<vmem>>, %arg4: memref<384x128xf32, #tpu.memory_space<vmem>>, %arg5: memref<1x384xf32, #tpu.memory_space<vmem>>, %arg6: memref<1x384xf32, #tpu.memory_space<vmem>>, %arg7: memref<1024x128xf32, #tpu.memory_space<vmem>>) attributes {dimension_semantics = [#tpu.dimension_semantics<arbitrary>], iteration_bounds = array<i64: 16>, scalar_prefetch = 0 : i64, scratch_operands = 0 : i64, tpu.core_type = #tpu.core_type<tc>, window_params = [{transform_indices = @transform_0, window_bounds = array<i64: 1024, 256>}, {transform_indices = @transform_1, window_bounds = array<i64: 1024, 128>}, {pipeline_mode = #tpu.pipeline_mode<synchronous>, transform_indices = @transform_2, window_bounds = array<i64: 384, 256>}, {pipeline_mode = #tpu.pipeline_mode<synchronous>, transform_indices = @transform_3, window_bounds = array<i64: 384, 128>}, {pipeline_mode = #tpu.pipeline_mode<synchronous>, transform_indices = @transform_4, window_bounds = array<i64: 1, 384>}, {pipeline_mode = #tpu.pipeline_mode<synchronous>, transform_indices = @transform_5, window_bounds = array<i64: 1, 384>}, {transform_indices = @transform_6, window_bounds = array<i64: 1024, 128>}]} {
    %get3A = arith.constant 0 : index
    %get3A_0 = arith.constant 0 : index
    %get3A_1 = vector.load %arg1[%get3A, %get3A_0] : memref<1024x256xf32, #tpu.memory_space<vmem>>, vector<1024x256xf32>
    %get3A_2 = arith.constant 0 : index
    %get3A_3 = arith.constant 0 : index
    %get3A_4 = vector.load %arg2[%get3A_2, %get3A_3] : memref<1024x128xf32, #tpu.memory_space<vmem>>, vector<1024x128xf32>
    %get3A_5 = arith.constant 0 : index
    %get3A_6 = arith.constant 0 : index
    %get3A_7 = vector.load %arg3[%get3A_5, %get3A_6] : memref<384x256xf32, #tpu.memory_space<vmem>>, vector<384x256xf32>
    %dot_general3A = arith.constant dense<0.000000e+00> : vector<1024x384xf32>
    %dot_general3A_8 = tpu.matmul %get3A_1, %get3A_7, %dot_general3A {dimension_numbers = #tpu.dot_dimension_numbers<[1], [1], [0], [0], [0, 0, 1, 0], [], []>, transpose_lhs_hint = false} : vector<1024x256xf32>, vector<384x256xf32>, vector<1024x384xf32> -> vector<1024x384xf32>
    %get3A_9 = arith.constant 0 : index
    %get3A_10 = arith.constant 0 : index
    %get3A_11 = vector.load %arg5[%get3A_9, %get3A_10] : memref<1x384xf32, #tpu.memory_space<vmem>>, vector<1x384xf32>
    %add3A = vector.broadcast %get3A_11 : vector<1x384xf32> to vector<1024x384xf32>
    %add3A_12 = arith.addf %dot_general3A_8, %add3A : vector<1024x384xf32>
    %get3A_13 = arith.constant 0 : index
    %get3A_14 = arith.constant 0 : index
    %get3A_15 = vector.load %arg4[%get3A_13, %get3A_14] : memref<384x128xf32, #tpu.memory_space<vmem>>, vector<384x128xf32>
    %dot_general3A_16 = arith.constant dense<0.000000e+00> : vector<1024x384xf32>
    %dot_general3A_17 = tpu.matmul %get3A_4, %get3A_15, %dot_general3A_16 {dimension_numbers = #tpu.dot_dimension_numbers<[1], [1], [0], [0], [0, 0, 1, 0], [], []>, transpose_lhs_hint = false} : vector<1024x128xf32>, vector<384x128xf32>, vector<1024x384xf32> -> vector<1024x384xf32>
    %get3A_18 = arith.constant 0 : index
    %get3A_19 = arith.constant 0 : index
    %get3A_20 = vector.load %arg6[%get3A_18, %get3A_19] : memref<1x384xf32, #tpu.memory_space<vmem>>, vector<1x384xf32>
    %add3A_21 = vector.broadcast %get3A_20 : vector<1x384xf32> to vector<1024x384xf32>
    %add3A_22 = arith.addf %dot_general3A_17, %add3A_21 : vector<1024x384xf32>
    %slice3A = vector.extract_strided_slice %add3A_12 {offsets = [0, 0], sizes = [1024, 128], strides = [1, 1]} : vector<1024x384xf32> to vector<1024x128xf32>
    %slice3A_23 = vector.extract_strided_slice %add3A_22 {offsets = [0, 0], sizes = [1024, 128], strides = [1, 1]} : vector<1024x384xf32> to vector<1024x128xf32>
    %add3A_24 = arith.addf %slice3A, %slice3A_23 : vector<1024x128xf32>
    %logistic3A = arith.negf %add3A_24 : vector<1024x128xf32>
    %logistic3A_25 = math.exp %logistic3A : vector<1024x128xf32>
    %logistic3A_26 = arith.constant 1.000000e+00 : f32
    %logistic3A_27 = vector.broadcast %logistic3A_26 : f32 to vector<1024x128xf32>
    %logistic3A_28 = arith.addf %logistic3A_27, %logistic3A_25 : vector<1024x128xf32>
    %logistic3A_29 = arith.divf %logistic3A_27, %logistic3A_28 : vector<1024x128xf32>
    %slice3A_30 = vector.extract_strided_slice %add3A_12 {offsets = [0, 128], sizes = [1024, 128], strides = [1, 1]} : vector<1024x384xf32> to vector<1024x128xf32>
    %slice3A_31 = vector.extract_strided_slice %add3A_22 {offsets = [0, 128], sizes = [1024, 128], strides = [1, 1]} : vector<1024x384xf32> to vector<1024x128xf32>
    %add3A_32 = arith.addf %slice3A_30, %slice3A_31 : vector<1024x128xf32>
    %logistic3A_33 = arith.negf %add3A_32 : vector<1024x128xf32>
    %logistic3A_34 = math.exp %logistic3A_33 : vector<1024x128xf32>
    %logistic3A_35 = arith.constant 1.000000e+00 : f32
    %logistic3A_36 = vector.broadcast %logistic3A_35 : f32 to vector<1024x128xf32>
    %logistic3A_37 = arith.addf %logistic3A_36, %logistic3A_34 : vector<1024x128xf32>
    %logistic3A_38 = arith.divf %logistic3A_36, %logistic3A_37 : vector<1024x128xf32>
    %slice3A_39 = vector.extract_strided_slice %add3A_12 {offsets = [0, 256], sizes = [1024, 128], strides = [1, 1]} : vector<1024x384xf32> to vector<1024x128xf32>
    %slice3A_40 = vector.extract_strided_slice %add3A_22 {offsets = [0, 256], sizes = [1024, 128], strides = [1, 1]} : vector<1024x384xf32> to vector<1024x128xf32>
    %mul3A = arith.mulf %logistic3A_29, %slice3A_40 : vector<1024x128xf32>
    %add3A_41 = arith.addf %slice3A_39, %mul3A : vector<1024x128xf32>
    %tanh3A = math.tanh %add3A_41 : vector<1024x128xf32>
    %sub3A = arith.constant 1.000000e+00 : f32
    %sub3A_42 = vector.broadcast %sub3A : f32 to vector<1024x128xf32>
    %sub3A_43 = arith.subf %sub3A_42, %logistic3A_38 : vector<1024x128xf32>
    %mul3A_44 = arith.mulf %sub3A_43, %tanh3A : vector<1024x128xf32>
    %mul3A_45 = arith.mulf %logistic3A_38, %get3A_4 : vector<1024x128xf32>
    %add3A_46 = arith.addf %mul3A_44, %mul3A_45 : vector<1024x128xf32>
    %swap3A = arith.constant 0 : index
    %swap3A_47 = arith.constant 0 : index
    %swap3A_48 = vector.load %arg7[%swap3A, %swap3A_47] : memref<1024x128xf32, #tpu.memory_space<vmem>>, vector<1024x128xf32>
    tpu.vector_store %arg7[%swap3A, %swap3A_47], %add3A_46 {strides = array<i32>} : memref<1024x128xf32, #tpu.memory_space<vmem>>, vector<1024x128xf32>,
    return
  }
  func.func @transform_0(%arg0: i32) -> (i32, i32) {
    %c0_i32 = arith.constant 0 : i32
    %c0_i32_0 = arith.constant 0 : i32
    return %arg0, %c0_i32 : i32, i32
  }
  func.func @transform_1(%arg0: i32) -> (i32, i32) {
    %c0_i32 = arith.constant 0 : i32
    %c0_i32_0 = arith.constant 0 : i32
    return %arg0, %c0_i32 : i32, i32
  }
  func.func @transform_2(%arg0: i32) -> (i32, i32) {
    %c0_i32 = arith.constant 0 : i32
    %c0_i32_0 = arith.constant 0 : i32
    %c0_i32_1 = arith.constant 0 : i32
    return %c0_i32, %c0_i32_0 : i32, i32
  }
  func.func @transform_3(%arg0: i32) -> (i32, i32) {
    %c0_i32 = arith.constant 0 : i32
    %c0_i32_0 = arith.constant 0 : i32
    %c0_i32_1 = arith.constant 0 : i32
    return %c0_i32, %c0_i32_0 : i32, i32
  }
  func.func @transform_4(%arg0: i32) -> (i32, i32) {
    %c0_i32 = arith.constant 0 : i32
    %c0_i32_0 = arith.constant 0 : i32
    %c0_i32_1 = arith.constant 0 : i32
    return %c0_i32, %c0_i32_0 : i32, i32
  }
  func.func @transform_5(%arg0: i32) -> (i32, i32) {
    %c0_i32 = arith.constant 0 : i32
    %c0_i32_0 = arith.constant 0 : i32
    %c0_i32_1 = arith.constant 0 : i32
    return %c0_i32, %c0_i32_0 : i32, i32
  }
  func.func @transform_6(%arg0: i32) -> (i32, i32) {
    %c0_i32 = arith.constant 0 : i32
    %c0_i32_0 = arith.constant 0 : i32
    return %arg0, %c0_i32 : i32, i32
  }
}

</mosaic_0001>

<sc_bundles>
// kernel: kernel.5.cloned.1.call-start
scs
__scs_entry_jumppad:
0x0: {  	(pc) =	sbr.rel $0x88, $3  }
0x1: {  	(tag) =	ssettag $0x0;
	lr =	simm.s32 $0x1  }
0x2: {  	[smem:$0x3F98] =	sst lr;
	_ =	strace $0xD0000000  }
0x3: {  	_ = 	snop  }
0x4: {  	_ = 	snop  }
0x5: {  	_ = 	snop  }
0x6: {  	_ = 	snop  }
0x7: {  	_ = 	snop  }
__scs_overlays_trampoline_lowered:
0x8: {  	[smem:$0x3FA7] =	sst s0  }
0x9: {  	[smem:$0x3FA8] =	sst s1  }
0xa: {  	[smem:$0x3FA9] =	sst s2  }
0xb: {  	[smem:$0x3FAA] =	sst s3  }
0xc: {  	[smem:$0x3FAB] =	sst s4  }
0xd: {  	[smem:$0x3FAC] =	sst s5  }
0xe: {  	[smem:$0x3FAD] =	sst s6  }
0xf: {  	[smem:$0x3FAE] =	sst s7  }
0x10: {  	[smem:$0x3FAF] =	sst s8  }
0x11: {  	[smem:$0x3FB0] =	sst s9;
	s0 =	simm.s32 @!p0 $0x0  }
0x12: {  	s1 =	sld [smem:$0x3F96];
	s0 =	simm.s32 @p0 $0x1  }
0x13: {  	[smem:$0x3FB1] =	sst s0;
	s0 =	simm.s32 @!p1 $0x0  }
0x14: {  	s2 =	sld [smem:$0x3F95];
	s0 =	simm.s32 @p1 $0x1  }
0x15: {  	[smem:$0x3FB2] =	sst s0;
	s0 =	simm.s32 @!p2 $0x0  }
0x16: {  	s3 =	sld [smem:$0x3FDB];
	s0 =	simm.s32 @p2 $0x1  }
0x17: {  	s4 =	simm.s32 $0x1BF5;
	[smem:$0x3FB4] =	sst s0  }
0x18: {  	s0 =	sld [smem:$0x3F97];
	_ =	swait.ge [sflag:s4], $0x0  }
0x19: {  	s7 =	sld [smem:$0x3F98]  }
0x1a: {  	s8 =	sadd.s32 $0xFFFFE003, lr  }
0x1b: {  	s9 =	sadd.s32 $0xFFFFFEF7, lr;
	s5 =	simm.s32 $0xFFFFFFFF;
	p2 =	slt.u32 s8, $0xFFFFF086  }
0x1c: {  	p1 =	slt.u32 s9, $0xF7A;
	s5 =	simm.s32 @!p2 $0x0  }
0x1d: {  	s5 =	simm.s32 @p1 $0x1;
	p0 =	seq.s32 s7, s2  }
0x1e: {  	s7 =	smul.u32 @!p0 $0xF7A, s2;
	p2 =	seq.s32 @!p0 s5, $0x0  }
0x1f: {  	s9 =	smul.u32 $0xF7A, s1;
	s8 =	simm.s32 @!p0 $0x1BF5;
	p2 =	por !p2, p0  }
0x20: {  	[sflag:s8] =	ssyncset.s32 @!p0 $0xFFFFF086;
	s6 =	sadd.s32 @!p0 s3, s7;
	s7 =	simm.s32 @!p0 $0x108  }
0x21: {  	s3 =	sadd.s32 s3, s9;
	s6 =	sadd.s32 @!p0 $0x88, s6;
	s7 =	simm.s32 @p2 $0x1082  }
0x22: {  	[simem:s7], [sflag:s8] =	dma.local @!p0 [hbm:s6], $0xF7A  }
0x23: {  	s9 =	sor.u32 $0xD0000000, s2;
	s6 =	simm.s32 $0x108;
	_ =	swait.ge @!p0 [sflag:s8], $0x0  }
0x24: {  	s3 =	sadd.s32 $0x88, s3;
	s6 =	simm.s32 @!p1 $0x1082;
	[sflag:s4] =	ssyncset.s32 $0xFFFFF086  }
0x25: {  	[simem:s6], [sflag:s4] =	dma.local [hbm:s3], $0xF7A  }
0x26: {  	[smem:$0x3F98] =	sst s1;
	(tag) =	ssettag s2;
	_ =	strace s9  }
0x27: {  	s1 =	sld [smem:$0x3FA8]  }
0x28: {  	s2 =	sld [smem:$0x3FA9]  }
0x29: {  	s4 =	sld [smem:$0x3FAB]  }
0x2a: {  	p0 =	seq.s32 s5, $0x0;
	s5 =	sld [smem:$0x3FAC]  }
0x2b: {  	s6 =	sld [smem:$0x3FAD]  }
0x2c: {  	s7 =	sld [smem:$0x3FAE]  }
0x2d: {  	s3 =	simm.s32 $0x108;
	s8 =	sld [smem:$0x3FAF]  }
0x2e: {  	s3 =	simm.s32 @!p0 $0x1082;
	s9 =	sld [smem:$0x3FB0]  }
0x2f: {  	lr =	sadd.s32 s0, s3;
	s0 =	sld [smem:$0x3FA7]  }
0x30: {  	s3 =	sld [smem:$0x3FAA]  }
0x31: {  	[smem:$0x3FB3] =	sst s10  }
0x32: {  	s10 =	sld [smem:$0x3FB1];
	_ =	sdelay $0x3  }
0x33: {  	p0 =	seq.s32 s10, $0x1;
	s10 =	sld [smem:$0x3FB3];
	_ =	sdelay $0x3  }
0x34: {  	[smem:$0x3FB3] =	sst s10  }
0x35: {  	s10 =	sld [smem:$0x3FB2];
	_ =	sdelay $0x3  }
0x36: {  	p1 =	seq.s32 s10, $0x1;
	s10 =	sld [smem:$0x3FB3];
	_ =	sdelay $0x3  }
0x37: {  	[smem:$0x3FB3] =	sst s10  }
0x38: {  	s10 =	sld [smem:$0x3FB4]  }
0x39: {  	_ = 	snop;
	(pc) =	sbr.ind lr, $3  }
0x3a: {  	_ = 	snop  }
0x3b: {  	_ = 	snop  }
0x3c: {  	p2 =	seq.s32 s10, $0x1;
	s10 =	sld [smem:$0x3FB3]  }
0x3d: {  	_ =	shalt  }
0x3e: {  	_ =	shalt  }
0x3f: {  	_ =	shalt  }
0x40: {  	_ =	shalt  }
0x41: {  	_ =	shalt  }
0x42: {  	_ =	shalt  }
0x43: {  	_ =	shalt  }
0x44: {  	_ =	shalt  }
0x45: {  	_ =	shalt  }
0x46: {  	_ =	shalt  }
0x47: {  	_ =	shalt  }
0x48: {  	_ =	shalt  }
0x49: {  	_ =	shalt  }
0x4a: {  	_ =	shalt  }
0x4b: {  	_ =	shalt  }
0x4c: {  	_ =	shalt  }
0x4d: {  	_ =	shalt  }
0x4e: {  	_ =	shalt  }
0x4f: {  	_ =	shalt  }
0x50: {  	_ =	shalt  }
0x51: {  	_ =	shalt  }
0x52: {  	_ =	shalt  }
0x53: {  	_ =	shalt  }
0x54: {  	_ =	shalt  }
0x55: {  	_ =	shalt  }
0x56: {  	_ =	shalt  }
0x57: {  	_ =	shalt  }
0x58: {  	_ =	shalt  }
0x59: {  	_ =	shalt  }
0x5a: {  	_ =	shalt  }
0x5b: {  	_ =	shalt  }
0x5c: {  	_ =	shalt  }
0x5d: {  	_ =	shalt  }
0x5e: {  	_ =	shalt  }
0x5f: {  	_ =	shalt  }
0x60: {  	_ =	shalt  }
0x61: {  	_ =	shalt  }
0x62: {  	_ =	shalt  }
0x63: {  	_ =	shalt  }
0x64: {  	_ =	shalt  }
0x65: {  	_ =	shalt  }
0x66: {  	_ =	shalt  }
0x67: {  	_ =	shalt  }
0x68: {  	_ =	shalt  }
0x69: {  	_ =	shalt  }
0x6a: {  	_ =	shalt  }
0x6b: {  	_ =	shalt  }
0x6c: {  	_ =	shalt  }
0x6d: {  	_ =	shalt  }
0x6e: {  	_ =	shalt  }
0x6f: {  	_ =	shalt  }
0x70: {  	_ =	shalt  }
0x71: {  	_ =	shalt  }
0x72: {  	_ =	shalt  }
0x73: {  	_ =	shalt  }
0x74: {  	_ =	shalt  }
0x75: {  	_ =	shalt  }
0x76: {  	_ =	shalt  }
0x77: {  	_ =	shalt  }
0x78: {  	_ =	shalt  }
0x79: {  	_ =	shalt  }
0x7a: {  	_ =	shalt  }
0x7b: {  	_ =	shalt  }
0x7c: {  	_ =	shalt  }
0x7d: {  	_ =	shalt  }
0x7e: {  	_ =	shalt  }
0x7f: {  	_ =	shalt  }
0x80: {  	_ =	shalt  }
0x81: {  	_ =	shalt  }
0x82: {  	_ =	shalt  }
0x83: {  	_ =	shalt  }
0x84: {  	_ =	shalt  }
0x85: {  	_ =	shalt  }
0x86: {  	_ =	shalt  }
0x87: {  	_ =	shalt  }
.Lfunc_end0:
.L_simem_size_0:
called_computation_lowered:
.L_overlay_start_0:
0x88: {  	s2 =	sld [smem:$0x3FD9]  }
0x89: {  	s3 =	sld [smem:$0x3FFE];
	_ =	sdelay $0x1  }
0x8a: {  	s1 =	srdreg.scid  }
0x8b: {  	s0 =	sand.u32 $0x1, s1  }
0x8c: {  	s14 =	sshll.u32 s0, $0xA;
	s2 =	sadd.s32 s3, s2  }
0x8d: {  	s2 =	sadd.s32 s2, s14  }
0x8e: {  	[smem:$0x3FBF] =	sst s2  }
0x8f: {  	_ = 	snop  }
0x90: {  	s2 =	sld [smem:$0x3FD0];
	_ =	sdelay $0x2  }
0x91: {  	s4 =	simm.s32 $0xA;
	s5 =	simm.s32 $0x10;
	s15 =	sld [smem:$0x3FC7]  }
0x92: {  	[smem:s5], [sflag:s4] =	dma.local [hbm:s2], $0x1  }
0x93: {  	_ =	swait.eq [sflag:s4], $0x1  }
0x94: {  	[sflag:s4] =	ssyncset.done $0x0  }
0x95: {  	[sflag:s4] =	ssyncadd.s32 $0xFFFFFFFF  }
0x96: {  	s16 =	sld [smem:$0x10];
	(tm) =	ssettm $0x1  }
0x97: {  	s17 =	sld [smem:$0x3FFB];
	_ =	sdelay $0x3  }
0x98: {  	_ =	strace s17  }
0x99: {  	s4 =	sld [smem:$0x3FFC];
	_ =	sdelay $0x3  }
0x9a: {  	_ =	strace s4  }
0x9b: {  	s4 =	sld [smem:$0x3FFD];
	_ =	sdelay $0x3  }
0x9c: {  	_ =	strace s4  }
0x9d: {  	_ =	strace $0x8FFFFFFF  }
0x9e: {  	s18 =	sld [smem:$0x3FDB];
	_ =	sdelay $0x1  }
0x9f: {  	s19 =	simm.s32 $_scs_section_size  }
0xa0: {  	s6 =	simm.s32 $_size__tile_overlayer_lowered;
	s7 =	simm.s32 $_tile_overlayer_lowered  }
0xa1: {  	s22 =	simm.s32 $0x1BFF;
	s21 =	sshll.u32 s7, $0x1;
	s4 =	sadd.s32 s19, s18  }
0xa2: {  	s8 =	simm.s32 $0x0;
	s20 =	sshll.u32 s6, $0x1;
	s6 =	sadd.s32 s21, s4  }
0xa3: {  	[timem:s8], [sflag:s22] =	dma.local [hbm:s6], s20  }
0xa4: {  	_ =	swait.ge [sflag:s22], s20  }
0xa5: {  	s5 =	ssub.s32 $0x0, s20;
	[sflag:s22] =	ssyncset.done $0x0  }
0xa6: {  	[sflag:s22] =	ssyncadd.s32 s5;
	_ =	sdelay $0x1  }
0xa7: {  	s23 =	simm.s32 $0x1B8B  }
0xa8: {  	_ =	swait.ge [sflag:s23], $0x1  }
0xa9: {  	[sflag:s23] =	ssyncset.done $0x0  }
0xaa: {  	s25 =	simm.s32 $0x1B8E;
	s24 =	sld [smem:$0x3FFE];
	[sflag:s23] =	ssyncadd.s32 $0xFFFFFFFF  }
0xab: {  	s26 =	simm.s32 $execute0_lowered;
	[smem:$0x3FD2] =	sst s25  }
0xac: {  	s6 =	sshll.u32 s26, $0x1;
	_ =	strace $0x80000046;
	[dreg:$0x1] =	wrdreg $0xFFFFFFFF  }
0xad: {  	s28 =	simm.s32 $_size_execute0_lowered;
	s4 =	sadd.s32 s4, s6;
	[dreg:$0x0] =	wrdreg $0x0  }
0xae: {  	s6 =	sshll.u32 s28, $0x1;
	[dreg:$0x2] =	wrdreg s4  }
0xaf: {  	[dreg:$0x3] =	wrdreg s6  }
0xb0: {  	[dreg:$0x4] =	wrdreg $0xC0  }
0xb1: {  	_ =	task [dreg:s8], $0x5FFFF  }
0xb2: {  	[dreg:$0x1] =	wrdreg $0xFFFFFFFF  }
0xb3: {  	[dreg:$0x0] =	wrdreg $0x60  }
0xb4: {  	[dreg:$0x2] =	wrdreg s16  }
0xb5: {  	[dreg:$0x3] =	wrdreg s15  }
0xb6: {  	[dreg:$0x4] =	wrdreg s24  }
0xb7: {  	[dreg:$0x5] =	wrdreg $0x0  }
0xb8: {  	[dreg:$0x6] =	wrdreg $0x9  }
0xb9: {  	_ =	task.clear_ibuf [dreg:s8], $0x7FFFF;
	_ =	strace $0x90000046  }
0xba: {  	s29 =	simm.s32 $0x9;
	_ =	strace $0x80000048  }
0xbb: {  	_ =	swait.ge [sflag:s29], $0x1  }
0xbc: {  	[sflag:s29] =	ssyncadd.s32 $0xFFFFFFFF  }
0xbd: {  	_ =	strace $0x90000048  }
0xbe: {  	_ =	sfence  }
0xbf: {  	s30 =	sld [smem:$0x0];
	_ =	sdelay $0x2  }
0xc0: {  	s31 =	sshll.u32 s1, $0xD;
	s1 =	sshrl.u32 s1, $0x2  }
0xc1: {  	s3 =	sand.u32 $0x4000, s31;
	s1 =	sadd.s32 s1, s30  }
0xc2: {  	s0 =	sor.u32 s3, s0;
	s1 =	sshll.u32 s1, $0x11  }
0xc3: {  	s0 =	sor.u32 s1, s0  }
0xc4: {  	s0 =	sadd.s32 $0x8F2B, s0  }
0xc5: {  	[sflag:s0] =	ssyncadd.remote.s32 $0x1  }
0xc6: {  	_ =	sfence.sel $0xFFFF  }
0xc7: {  	[dreg:$0x0] =	wrdreg $0xFFFFFFFF;
	(pc) =	sbr.abs _section_cstart, $3  }
0xc8: {  	[dreg:$0x1] =	wrdreg $0xFFFFFFFF  }
0xc9: {  	_ =	task.clear_ibuf [dreg:s8], $0x2FFFF;
	_ =	strace $0x9FFFFFFF  }
0xca: {  	(tm) =	ssettm $0x7FFFFFFF  }
0xcb: {  	_ =	shalt  }
tec
execute0_lowered:
.L_overlay_start_1:
0x0: {  	(tag) =	ssettag $0x1  }
0x1: {  	s1 =	rddreg [dreg:$0x0];
	s0 =	stileid.u32  }
0x2: {  	s4 =	simm.s32 $0x0;
	s5 =	srdreg.scid;
	s9 =	sshll.u32 s0, $0xA  }
0x3: {  	v0 =	vlaneseq.u32;
	s8 =	sand.u32 $0x1, s5;
	s14 =	sshll.u32 s0, $0x1;
	s13 =	sor.u32 $0x4000001, s9  }
0x4: {  	[smem:$0x7FF] =	sst s4;
	s5 =	sor.u32 s8, s14;
	s14 =	sor.u32 $0x4000011, s9;
	v1 =	vadd.s32 s13, v0  }
0x5: {  	s3 =	rddreg [dreg:$0x3];
	_ =	strace $0x80000047;
	s15 =	sor.u32 $0x4000021, s9;
	[tilespmem:$0x1F940] =	vst v1;
	v1 =	vadd.s32 s14, v0  }
0x6: {  	s16 =	sor.u32 $0x4000031, s9;
	[tilespmem:$0x1F950] =	vst v1;
	v1 =	vadd.s32 s15, v0  }
0x7: {  	s17 =	sor.u32 $0x4000041, s9;
	[tilespmem:$0x1F960] =	vst v1;
	v1 =	vadd.s32 s16, v0  }
0x8: {  	s18 =	sor.u32 $0x4000051, s9;
	[tilespmem:$0x1F970] =	vst v1;
	v1 =	vadd.s32 s17, v0  }
0x9: {  	s19 =	sor.u32 $0x4000061, s9;
	[tilespmem:$0x1F980] =	vst v1;
	v1 =	vadd.s32 s18, v0  }
0xa: {  	s20 =	sor.u32 $0x4000071, s9;
	[tilespmem:$0x1F990] =	vst v1;
	v1 =	vadd.s32 s19, v0  }
0xb: {  	s21 =	sor.u32 $0x4000081, s9;
	[tilespmem:$0x1F9A0] =	vst v1;
	v1 =	vadd.s32 s20, v0  }
0xc: {  	s22 =	sor.u32 $0x4000091, s9;
	[tilespmem:$0x1F9B0] =	vst v1;
	v1 =	vadd.s32 s21, v0  }
0xd: {  	s23 =	sor.u32 $0x40000A1, s9;
	[tilespmem:$0x1F9C0] =	vst v1;
	v1 =	vadd.s32 s22, v0  }
0xe: {  	s24 =	sor.u32 $0x40000B1, s9;
	[tilespmem:$0x1F9D0] =	vst v1;
	v1 =	vadd.s32 s23, v0  }
0xf: {  	s25 =	sor.u32 $0x40000C1, s9;
	[tilespmem:$0x1F9E0] =	vst v1;
	v1 =	vadd.s32 s24, v0  }
0x10: {  	s26 =	sor.u32 $0x40000D1, s9;
	[tilespmem:$0x1F9F0] =	vst v1;
	v1 =	vadd.s32 s25, v0  }
0x11: {  	s28 =	sor.u32 $0x40000E1, s9;
	[tilespmem:$0x1FA00] =	vst v1;
	v1 =	vadd.s32 s26, v0  }
0x12: {  	s29 =	sor.u32 $0x40000F1, s9;
	[tilespmem:$0x1FA10] =	vst v1;
	v1 =	vadd.s32 s28, v0  }
0x13: {  	s30 =	sor.u32 $0x4000101, s9;
	[tilespmem:$0x1FA20] =	vst v1;
	v1 =	vadd.s32 s29, v0  }
0x14: {  	s31 =	sor.u32 $0x4000111, s9;
	[tilespmem:$0x1FA30] =	vst v1;
	v1 =	vadd.s32 s30, v0  }
0x15: {  	s0 =	sor.u32 $0x4000121, s9;
	[tilespmem:$0x1FA40] =	vst v1;
	v1 =	vadd.s32 s31, v0  }
0x16: {  	s2 =	sor.u32 $0x4000131, s9;
	[tilespmem:$0x1FA50] =	vst v1;
	v1 =	vadd.s32 s0, v0  }
0x17: {  	s6 =	sor.u32 $0x4000141, s9;
	[tilespmem:$0x1FA60] =	vst v1;
	v1 =	vadd.s32 s2, v0  }
0x18: {  	s13 =	sor.u32 $0x4000151, s9;
	[tilespmem:$0x1FA70] =	vst v1;
	v1 =	vadd.s32 s6, v0  }
0x19: {  	s7 =	sor.u32 $0x4000161, s9;
	[tilespmem:$0x1FA80] =	vst v1;
	v1 =	vadd.s32 s13, v0  }
0x1a: {  	s15 =	sor.u32 $0x4000171, s9;
	[tilespmem:$0x1FA90] =	vst v1;
	v1 =	vadd.s32 s7, v0  }
0x1b: {  	s16 =	sor.u32 $0x4000181, s9;
	[tilespmem:$0x1FAA0] =	vst v1;
	v1 =	vadd.s32 s15, v0  }
0x1c: {  	s17 =	sor.u32 $0x4000191, s9;
	[tilespmem:$0x1FAB0] =	vst v1;
	v1 =	vadd.s32 s16, v0  }
0x1d: {  	s18 =	sor.u32 $0x40001A1, s9;
	[tilespmem:$0x1FAC0] =	vst v1;
	v1 =	vadd.s32 s17, v0  }
0x1e: {  	s19 =	sor.u32 $0x40001B1, s9;
	[tilespmem:$0x1FAD0] =	vst v1;
	v1 =	vadd.s32 s18, v0  }
0x1f: {  	s20 =	sor.u32 $0x40001C1, s9;
	[tilespmem:$0x1FAE0] =	vst v1;
	v1 =	vadd.s32 s19, v0  }
0x20: {  	s21 =	sor.u32 $0x40001D1, s9;
	[tilespmem:$0x1FAF0] =	vst v1;
	v1 =	vadd.s32 s20, v0  }
0x21: {  	s22 =	sor.u32 $0x40001E1, s9;
	[tilespmem:$0x1FB00] =	vst v1;
	v1 =	vadd.s32 s21, v0  }
0x22: {  	s23 =	sor.u32 $0x40001F1, s9;
	[tilespmem:$0x1FB10] =	vst v1;
	v1 =	vadd.s32 s22, v0  }
0x23: {  	s26 =	sor.u32 $0x4000201, s9;
	[tilespmem:$0x1FB20] =	vst v1;
	v1 =	vadd.s32 s23, v0  }
0x24: {  	s30 =	sor.u32 $0x4000211, s9;
	[tilespmem:$0x1FB30] =	vst v1;
	v1 =	vadd.s32 s26, v0  }
0x25: {  	s24 =	sor.u32 $0x4000221, s9;
	[tilespmem:$0x1FB40] =	vst v1;
	v1 =	vadd.s32 s30, v0  }
0x26: {  	s6 =	sor.u32 $0x4000231, s9;
	[tilespmem:$0x1FB50] =	vst v1;
	v1 =	vadd.s32 s24, v0  }
0x27: {  	s13 =	sor.u32 $0x4000241, s9;
	[tilespmem:$0x1FB60] =	vst v1;
	v1 =	vadd.s32 s6, v0  }
0x28: {  	s14 =	sor.u32 $0x4000251, s9;
	[tilespmem:$0x1FB70] =	vst v1;
	v1 =	vadd.s32 s13, v0  }
0x29: {  	s15 =	sor.u32 $0x4000261, s9;
	[tilespmem:$0x1FB80] =	vst v1;
	v1 =	vadd.s32 s14, v0  }
0x2a: {  	s16 =	sor.u32 $0x4000271, s9;
	[tilespmem:$0x1FB90] =	vst v1;
	v1 =	vadd.s32 s15, v0  }
0x2b: {  	s17 =	sor.u32 $0x4000281, s9;
	[tilespmem:$0x1FBA0] =	vst v1;
	v1 =	vadd.s32 s16, v0  }
0x2c: {  	s18 =	sor.u32 $0x4000291, s9;
	[tilespmem:$0x1FBB0] =	vst v1;
	v1 =	vadd.s32 s17, v0  }
0x2d: {  	s25 =	sor.u32 $0x40002A1, s9;
	[tilespmem:$0x1FBC0] =	vst v1;
	v1 =	vadd.s32 s18, v0  }
0x2e: {  	s26 =	sor.u32 $0x40002B1, s9;
	[tilespmem:$0x1FBD0] =	vst v1;
	v1 =	vadd.s32 s25, v0  }
0x2f: {  	s30 =	sor.u32 $0x40002C1, s9;
	[tilespmem:$0x1FBE0] =	vst v1;
	v1 =	vadd.s32 s26, v0  }
0x30: {  	s20 =	sor.u32 $0x40002D1, s9;
	[tilespmem:$0x1FBF0] =	vst v1;
	v1 =	vadd.s32 s30, v0  }
0x31: {  	s21 =	sor.u32 $0x40002E1, s9;
	[tilespmem:$0x1FC00] =	vst v1;
	v1 =	vadd.s32 s20, v0  }
0x32: {  	s22 =	sor.u32 $0x40002F1, s9;
	[tilespmem:$0x1FC10] =	vst v1;
	v1 =	vadd.s32 s21, v0  }
0x33: {  	s23 =	sor.u32 $0x4000301, s9;
	[tilespmem:$0x1FC20] =	vst v1;
	v1 =	vadd.s32 s22, v0  }
0x34: {  	s24 =	sor.u32 $0x4000311, s9;
	[tilespmem:$0x1FC30] =	vst v1;
	v1 =	vadd.s32 s23, v0  }
0x35: {  	s25 =	sor.u32 $0x4000321, s9;
	[tilespmem:$0x1FC40] =	vst v1;
	v1 =	vadd.s32 s24, v0  }
0x36: {  	s26 =	sor.u32 $0x4000331, s9;
	[tilespmem:$0x1FC50] =	vst v1;
	v1 =	vadd.s32 s25, v0  }
0x37: {  	s30 =	sor.u32 $0x4000341, s9;
	[tilespmem:$0x1FC60] =	vst v1;
	v1 =	vadd.s32 s26, v0  }
0x38: {  	s16 =	sor.u32 $0x4000351, s9;
	[tilespmem:$0x1FC70] =	vst v1;
	v1 =	vadd.s32 s30, v0  }
0x39: {  	s17 =	sor.u32 $0x4000361, s9;
	[tilespmem:$0x1FC80] =	vst v1;
	v1 =	vadd.s32 s16, v0  }
0x3a: {  	s21 =	sor.u32 $0x4000371, s9;
	[tilespmem:$0x1FC90] =	vst v1;
	v1 =	vadd.s32 s17, v0  }
0x3b: {  	s22 =	sor.u32 $0x4000381, s9;
	[tilespmem:$0x1FCA0] =	vst v1;
	v1 =	vadd.s32 s21, v0  }
0x3c: {  	s23 =	sor.u32 $0x4000391, s9;
	[tilespmem:$0x1FCB0] =	vst v1;
	v1 =	vadd.s32 s22, v0  }
0x3d: {  	s24 =	sor.u32 $0x40003A1, s9;
	[tilespmem:$0x1FCC0] =	vst v1;
	v1 =	vadd.s32 s23, v0  }
0x3e: {  	s26 =	sor.u32 $0x40003B1, s9;
	[tilespmem:$0x1FCD0] =	vst v1;
	v1 =	vadd.s32 s24, v0  }
0x3f: {  	s30 =	sor.u32 $0x40003C1, s9;
	[tilespmem:$0x1FCE0] =	vst v1;
	v1 =	vadd.s32 s26, v0  }
0x40: {  	s2 =	sor.u32 $0x40003D1, s9;
	[tilespmem:$0x1FCF0] =	vst v1;
	v1 =	vadd.s32 s30, v0  }
0x41: {  	s6 =	sor.u32 $0x40003E1, s9;
	[tilespmem:$0x1FD00] =	vst v1;
	v1 =	vadd.s32 s2, v0  }
0x42: {  	s12 =	sshll.u32 s5, $0xD;
	s5 =	sshll.u32 s5, $0x9;
	s9 =	sor.u32 $0x40003F1, s9;
	[tilespmem:$0x1FD10] =	vst v1;
	v1 =	vadd.s32 s6, v0  }
0x43: {  	s2 =	sor.u32 $0x1, s5;
	[tilespmem:$0x1FD20] =	vst v1;
	v1 =	vadd.s32 s9, v0  }
0x44: {  	v61 =	vor.u32 $0x80000000, v0;
	[tilespmem:$0x1FD30] =	vst v1;
	v1 =	vadd.s32 s2, v0  }
0x45: {  	s13 =	sor.u32 $0x11, s5;
	[tilespmem:$0x1FD40] =	vst v1;
	v1 =	vadd.s32 s2, v61  }
0x46: {  	s14 =	sor.u32 $0x21, s5;
	[tilespmem:$0x1FD50] =	vst v1;
	v1 =	vadd.s32 s13, v61  }
0x47: {  	s15 =	sor.u32 $0x31, s5;
	[tilespmem:$0x1FD60] =	vst v1;
	v1 =	vadd.s32 s14, v61  }
0x48: {  	s11 =	sshll.u32 s8, $0x9;
	s10 =	sand.u32 $0x3C00, s5;
	s17 =	sor.u32 $0x41, s5;
	[tilespmem:$0x1FD70] =	vst v1;
	v1 =	vadd.s32 s15, v61  }
0x49: {  	s10 =	sor.u32 s11, s10;
	s19 =	rddreg [dreg:$0x2];
	s26 =	sor.u32 $0x51, s5;
	[tilespmem:$0x1FD80] =	vst v1;
	v1 =	vadd.s32 s17, v61  }
0x4a: {  	s10 =	sshrl.u32 s10, $0x3;
	s12 =	sadd.s32 s12, s19;
	s30 =	sor.u32 $0x61, s5;
	[tilespmem:$0x1FD90] =	vst v1;
	v1 =	vadd.s32 s26, v61  }
0x4b: {  	s0 =	sadd.s32 s10, s19;
	s19 =	sor.u32 $0x71, s5;
	s18 =	rddreg [dreg:$0x1];
	[tilespmem:$0x1FDA0] =	vst v1;
	v1 =	vadd.s32 s30, v61  }
0x4c: {  	s20 =	sadd.s32 s18, s10;
	s23 =	sor.u32 $0x81, s5;
	[tilespmem:$0x1FDB0] =	vst v1;
	v1 =	vadd.s32 s19, v61  }
0x4d: {  	[dreg:$0x5] =	wrdreg s20;
	s20 =	sor.u32 $0x91, s5;
	[tilespmem:$0x1FDC0] =	vst v1;
	v1 =	vadd.s32 s23, v61  }
0x4e: {  	s31 =	stileid.u32;
	s21 =	sor.u32 $0xA1, s5;
	[tilespmem:$0x1FDD0] =	vst v1;
	v1 =	vadd.s32 s20, v61  }
0x4f: {  	v62 =	vadd.s32 $0xFFFFFFFF, v0;
	s11 =	sadd.s32 $0x1C00, s12;
	s25 =	sshll.u32 s31, $0x7;
	[tilespmem:$0x1FDE0] =	vst v1;
	v1 =	vadd.s32 s21, v61  }
0x50: {  	v14 =	vadd.s32 s19, v0;
	[dreg:$0x7] =	wrdreg s11;
	s11 =	sor.u32 $0x121, s5;
	s7 =	sadd.s32 s18, s25;
	[tilespmem:$0x1FDF0] =	vst v1;
	v1 =	vadd.s32 s2, v62  }
0x51: {  	v40 =	vadd.s32 s11, v0;
	v2 =	vadd.s32 s13, v0;
	s18 =	sadd.s32 $0x2C00, s12;
	[dreg:$0x6] =	wrdreg s7;
	[tilespmem:$0x1FE00] =	vst v1;
	v1 =	vadd.s32 s13, v62  }
0x52: {  	v4 =	vadd.s32 s14, v0;
	v6 =	vadd.s32 s15, v0;
	s10 =	sor.u32 $0x101, s5;
	s25 =	sadd.s32 $0x3400, s12;
	[dreg:$0x9] =	wrdreg s18;
	[tilespmem:$0x1FE10] =	vst v1;
	v1 =	vadd.s32 s14, v62  }
0x53: {  	v37 =	vadd.s32 s10, v0;
	v18 =	vadd.s32 s20, v0;
	[dreg:$0xa] =	wrdreg s25;
	s7 =	sor.u32 $0xD1, s5;
	s25 =	sor.u32 $0xE1, s5;
	[tilespmem:$0x1FE20] =	vst v1;
	v1 =	vadd.s32 s15, v62  }
0x54: {  	s18 =	sor.u32 $0x181, s5;
	s16 =	sadd.s32 $0x2400, s12;
	s12 =	sor.u32 $0x111, s5;
	v32 =	vadd.s32 s7, v0;
	v34 =	vadd.s32 s25, v0;
	[tilespmem:$0x1FE30] =	vst v1;
	v1 =	vadd.s32 s17, v62  }
0x55: {  	v49 =	vadd.s32 s18, v0;
	[dreg:$0x8] =	wrdreg s16;
	s16 =	sor.u32 $0x161, s5;
	v38 =	vadd.s32 s12, v0;
	s22 =	sor.u32 $0xB1, s5;
	[tilespmem:$0x1FE40] =	vst v1;
	v1 =	vadd.s32 s26, v62  }
0x56: {  	v8 =	vadd.s32 s17, v0;
	v46 =	vadd.s32 s16, v0;
	s24 =	sor.u32 $0xC1, s5;
	[tilespmem:$0x1FE50] =	vst v1;
	v1 =	vadd.s32 s22, v61  }
0x57: {  	v20 =	vadd.s32 s21, v0;
	v28 =	vadd.s32 s22, v0;
	[tilespmem:$0x1FE60] =	vst v1;
	v1 =	vadd.s32 s24, v61  }
0x58: {  	v16 =	vadd.s32 s23, v0;
	v30 =	vadd.s32 s24, v0;
	s9 =	sor.u32 $0xF1, s5;
	[tilespmem:$0x1FE70] =	vst v1;
	v1 =	vadd.s32 s30, v62  }
0x59: {  	v10 =	vadd.s32 s26, v0;
	v12 =	vadd.s32 s30, v0;
	s13 =	sor.u32 $0x131, s5;
	s14 =	sor.u32 $0x141, s5;
	s26 =	sadd.s32 $0x41C00, s0;
	[tilespmem:$0x1FE80] =	vst v1;
	v1 =	vadd.s32 s19, v62  }
0x5a: {  	v35 =	vadd.s32 s9, v0;
	v41 =	vadd.s32 s13, v0;
	s15 =	sor.u32 $0x151, s5;
	[dreg:$0xb] =	wrdreg s26;
	s26 =	simm.s32 $0x10000;
	[tilespmem:$0x1FE90] =	vst v1;
	v1 =	vadd.s32 s23, v62  }
0x5b: {  	v43 =	vadd.s32 s14, v0;
	s17 =	sor.u32 $0x171, s5;
	v44 =	vadd.s32 s15, v0;
	[dreg:$0x10] =	wrdreg s26;
	s26 =	sor.u32 $0x1F1, s5;
	[tilespmem:$0x1FEA0] =	vst v1;
	v1 =	vadd.s32 s20, v62  }
0x5c: {  	v47 =	vadd.s32 s17, v0;
	v57 =	vadd.s32 s26, v0;
	s19 =	sor.u32 $0x191, s5;
	s23 =	simm.s32 $0xFF80;
	s20 =	sor.u32 $0x1A1, s5;
	[tilespmem:$0x1FEB0] =	vst v1;
	v1 =	vadd.s32 s21, v62  }
0x5d: {  	v50 =	vadd.s32 s19, v0;
	[dreg:$0xf] =	wrdreg s23;
	s23 =	sor.u32 $0x1D1, s5;
	s21 =	sor.u32 $0x1B1, s5;
	v52 =	vadd.s32 s20, v0;
	[tilespmem:$0x1FEC0] =	vst v1;
	v1 =	vadd.s32 s22, v62  }
0x5e: {  	v55 =	vadd.s32 s23, v0;
	s22 =	sor.u32 $0x1C1, s5;
	v53 =	vadd.s32 s21, v0;
	[tilespmem:$0x1FED0] =	vst v1;
	v1 =	vadd.s32 s24, v62;
	s24 =	sor.u32 $0x1E1, s5  }
0x5f: {  	s6 =	ssub.s32 $0x2, s8;
	v54 =	vadd.s32 s22, v0;
	[tilespmem:$0x1FEE0] =	vst v1;
	v56 =	vadd.s32 s24, v0;
	v0 =	vadd.s32 s7, v61  }
0x60: {  	s28 =	simm.s32 $0x3;
	v22 =	vadd.s32 s16, v61;
	v23 =	vadd.s32 s16, v62;
	s16 =	simm.s32 $0x10600;
	s8 =	sshrl.u32 s6, $0x1;
	[tilespmem:$0x1FEF0] =	vst v0;
	v0 =	vadd.s32 s25, v61  }
0x61: {  	[dreg:$0x18] =	wrdreg s16;
	s6 =	ssub.s32 s6, s8;
	s8 =	simm.s32 $0x10180;
	[tilespmem:$0x1FF00] =	vst v0;
	v0 =	vadd.s32 s7, v62  }
0x62: {  	s29 =	simm.s32 $0x4;
	[dreg:$0x13] =	wrdreg s8;
	s2 =	simm.s32 $0xFF00;
	[tilespmem:$0x1FF10] =	vst v0;
	v0 =	vadd.s32 s25, v62  }
0x63: {  	v26 =	vadd.s32 s18, v61;
	v27 =	vadd.s32 s18, v62;
	s18 =	simm.s32 $0xFC80;
	[dreg:$0xe] =	wrdreg s2;
	s2 =	simm.s32 $0x10100;
	[tilespmem:$0x1FF20] =	vst v0;
	v0 =	vadd.s32 s9, v61  }
0x64: {  	s16 =	simm.s32 $0xFB80;
	[dreg:$0x12] =	wrdreg s2;
	s0 =	sadd.s32 $0x42400, s0;
	v24 =	vadd.s32 s17, v61;
	v25 =	vadd.s32 s17, v62;
	[tilespmem:$0x1FF30] =	vst v0;
	v0 =	vadd.s32 s9, v62  }
0x65: {  	s6 =	smax.u32 s6, $0x1;
	[dreg:$0xc] =	wrdreg s0;
	s30 =	simm.s32 $0xFE80;
	v29 =	vadd.s32 s19, v61;
	v33 =	vadd.s32 s19, v62;
	[tilespmem:$0x1FF40] =	vst v0;
	v0 =	vadd.s32 s10, v61  }
0x66: {  	s8 =	simm.s32 $0x6;
	[dreg:$0xd] =	wrdreg s30;
	s30 =	simm.s32 $0x10080;
	v31 =	vadd.s32 s20, v61;
	v36 =	vadd.s32 s20, v62;
	[tilespmem:$0x1FF50] =	vst v0;
	v0 =	vadd.s32 s10, v62  }
0x67: {  	s17 =	simm.s32 $0xFC00;
	[dreg:$0x11] =	wrdreg s30;
	s30 =	simm.s32 $0x10880;
	v51 =	vadd.s32 s23, v61;
	v58 =	vadd.s32 s23, v62;
	[tilespmem:$0x1FF60] =	vst v0;
	v0 =	vadd.s32 s12, v61  }
0x68: {  	s19 =	simm.s32 $0xFD00;
	[dreg:$0x1a] =	wrdreg s30;
	s20 =	simm.s32 $0xFD80;
	v39 =	vadd.s32 s21, v61;
	v42 =	vadd.s32 s21, v62;
	[tilespmem:$0x1FF70] =	vst v0;
	v0 =	vadd.s32 s12, v62  }
0x69: {  	s23 =	simm.s32 $0x10380;
	s21 =	simm.s32 $0xFE00;
	v45 =	vadd.s32 s22, v61;
	v48 =	vadd.s32 s22, v62;
	s22 =	simm.s32 $0x5;
	[tilespmem:$0x1FF80] =	vst v0;
	v0 =	vadd.s32 s11, v61  }
0x6a: {  	v59 =	vadd.s32 s24, v61;
	v60 =	vadd.s32 s24, v62;
	s24 =	simm.s32 $0x10400;
	s7 =	simm.s32 $0x10280;
	s25 =	simm.s32 $0x10680;
	[tilespmem:$0x1FF90] =	vst v0;
	v0 =	vadd.s32 s11, v62  }
0x6b: {  	[dreg:$0x19] =	wrdreg s25;
	s25 =	simm.s32 $0x1;
	s9 =	simm.s32 $0x10200;
	[tilespmem:$0x1FFA0] =	vst v0;
	v0 =	vadd.s32 s13, v61  }
0x6c: {  	[dreg:$0x14] =	wrdreg s9;
	s9 =	simm.s32 $0x80;
	s10 =	simm.s32 $0x10480;
	[tilespmem:$0x1FFB0] =	vst v0;
	v0 =	vadd.s32 s14, v61  }
0x6d: {  	[dreg:$0x15] =	wrdreg s10;
	s10 =	simm.s32 $0x10A80;
	s12 =	simm.s32 $0x10500;
	[tilespmem:$0x1FFC0] =	vst v0;
	v0 =	vadd.s32 s13, v62  }
0x6e: {  	[dreg:$0x16] =	wrdreg s12;
	s12 =	simm.s32 $0x14A80;
	s11 =	simm.s32 $0x10300;
	[tilespmem:$0x1FFD0] =	vst v0;
	v0 =	vadd.s32 s14, v62  }
0x6f: {  	v21 =	vadd.s32 s15, v62;
	s13 =	simm.s32 $0xFA80;
	s14 =	simm.s32 $0xFA00;
	[tilespmem:$0x1FFE0] =	vst v0;
	v0 =	vadd.s32 s15, v61;
	s15 =	simm.s32 $0x10580  }
0x70: {  	v63 =	vimm.s32 $0x0;
	v62 =	vadd.s32 s26, v62;
	v61 =	vadd.s32 s26, v61;
	s26 =	simm.s32 $0x2;
	[tilespmem:$0x1FFF0] =	vst v0;
	[dreg:$0x17] =	wrdreg s15;
	s15 =	simm.s32 $0xFB00  }
.LBB2_1:
0x71: {  	s0 =	rddreg [dreg:$0x5]  }
0x72: {  	[tilespmem:s7], [sflag:$0x6] =	stream.linear.gather [hbm4b:s0+s4], $0x200, $0x38;
	[tilespmem:$0x18A80] =	vst v63  }
0x73: {  	_ =	swait.ge [sflag:s8], $0x200  }
0x74: {  	[sflag:s8] =	ssyncset.done $0x0  }
0x75: {  	[sflag:s8] =	ssyncadd.s32 $0xFFFFFE00  }
0x76: {  	[tilespmem:s10], [sflag:$0x1] =	stream.indirect.gather [hbm4b:s1+s9], $0x80, s7, s9, $0xb8;
	[tilespmem:$0x18A80] =	vst v63  }
0x77: {  	_ = 	snop  }
0x78: {  	[tilespmem:s12], [sflag:$0x2] =	stream.indirect.gather [hbm4b:s1+s9], $0x80, s11, s9, $0xb8;
	[tilespmem:$0x18A80] =	vst v63  }
0x79: {  	[tilespmem:$0xFA00] =	vst v63  }
0x7a: {  	[tilespmem:$0xFA10] =	vst v63  }
0x7b: {  	[tilespmem:$0xFA20] =	vst v63  }
0x7c: {  	[tilespmem:$0xFA30] =	vst v63  }
0x7d: {  	[tilespmem:$0xFA40] =	vst v63  }
0x7e: {  	[tilespmem:$0xFA50] =	vst v63  }
0x7f: {  	[tilespmem:$0xFA60] =	vst v63  }
0x80: {  	s2 =	rddreg [dreg:$0x6];
	[tilespmem:$0xFA70] =	vst v63  }
0x81: {  	[tilespmem:s13], [sflag:$0x6] =	stream.linear.gather [hbm4b:s2+s4], $0x400, $0x38;
	[tilespmem:$0x18A80] =	vst v63  }
0x82: {  	_ =	swait.ge [sflag:s8], $0x400  }
0x83: {  	[sflag:s8] =	ssyncset.done $0x0  }
0x84: {  	[sflag:s8] =	ssyncadd.s32 $0xFFFFFC00  }
0x85: {  	[spmem:s3] =	stream.indirect.scatter [tilespmem:s14], [sflag:$0x5], $0x1, s13, s9, $0xb8;
	[tilespmem:$0x18A80] =	vst v63  }
0x86: {  	_ = 	snop  }
0x87: {  	[spmem:s3] =	stream.indirect.scatter [tilespmem:s14], [sflag:$0x5], $0x1, s15, s9, $0xb8;
	[tilespmem:$0x18A80] =	vst v63  }
0x88: {  	_ = 	snop  }
0x89: {  	[spmem:s3] =	stream.indirect.scatter [tilespmem:s14], [sflag:$0x5], $0x1, s16, s9, $0xb8;
	[tilespmem:$0x18A80] =	vst v63  }
0x8a: {  	_ = 	snop  }
0x8b: {  	[spmem:s3] =	stream.indirect.scatter [tilespmem:s14], [sflag:$0x5], $0x1, s17, s9, $0xb8;
	[tilespmem:$0x18A80] =	vst v63  }
0x8c: {  	_ = 	snop  }
0x8d: {  	[spmem:s3] =	stream.indirect.scatter [tilespmem:s14], [sflag:$0x5], $0x1, s18, s9, $0xb8;
	[tilespmem:$0x18A80] =	vst v63  }
0x8e: {  	_ = 	snop  }
0x8f: {  	v0 =	vld [tilespmem:$0x1F940];
	[spmem:s3] =	stream.indirect.scatter [tilespmem:s14], [sflag:$0x5], $0x1, s19, s9, $0xb8  }
0x90: {  	_ = 	snop  }
0x91: {  	[spmem:s3] =	stream.indirect.scatter [tilespmem:s14], [sflag:$0x5], $0x1, s20, s9, $0xb8;
	[tilespmem:$0x18A80] =	vst v63  }
0x92: {  	_ = 	snop  }
0x93: {  	[spmem:s3] =	stream.indirect.scatter [tilespmem:s14], [sflag:$0x5], $0x1, s21, s9, $0xb8;
	[tilespmem:$0x18A80] =	vst v63  }
0x94: {  	[tilespmem:$0xFE80] =	vst v0;
	v0 =	vld [tilespmem:$0x1F950];
	_ =	sdelay $0x4  }
0x95: {  	[tilespmem:$0xFE90] =	vst v0;
	v0 =	vld [tilespmem:$0x1F960];
	_ =	sdelay $0x4  }
0x96: {  	[tilespmem:$0xFEA0] =	vst v0;
	v0 =	vld [tilespmem:$0x1F970];
	_ =	sdelay $0x4  }
0x97: {  	[tilespmem:$0xFEB0] =	vst v0;
	v0 =	vld [tilespmem:$0x1F980];
	_ =	sdelay $0x4  }
0x98: {  	[tilespmem:$0xFEC0] =	vst v0;
	v0 =	vld [tilespmem:$0x1F990];
	_ =	sdelay $0x4  }
0x99: {  	[tilespmem:$0xFED0] =	vst v0;
	v0 =	vld [tilespmem:$0x1F9A0];
	_ =	sdelay $0x4  }
0x9a: {  	[tilespmem:$0xFEE0] =	vst v0;
	v0 =	vld [tilespmem:$0x1F9B0];
	_ =	sdelay $0x4  }
0x9b: {  	[tilespmem:$0xFEF0] =	vst v0;
	v0 =	vld [tilespmem:$0x1F9C0];
	_ =	sdelay $0x4  }
0x9c: {  	[tilespmem:$0xFF00] =	vst v0;
	v0 =	vld [tilespmem:$0x1F9D0];
	_ =	sdelay $0x4  }
0x9d: {  	[tilespmem:$0xFF10] =	vst v0;
	v0 =	vld [tilespmem:$0x1F9E0];
	_ =	sdelay $0x4  }
0x9e: {  	[tilespmem:$0xFF20] =	vst v0;
	v0 =	vld [tilespmem:$0x1F9F0];
	_ =	sdelay $0x4  }
0x9f: {  	[tilespmem:$0xFF30] =	vst v0;
	v0 =	vld [tilespmem:$0x1FA00];
	_ =	sdelay $0x4  }
0xa0: {  	[tilespmem:$0xFF40] =	vst v0;
	v0 =	vld [tilespmem:$0x1FA10];
	_ =	sdelay $0x4  }
0xa1: {  	[tilespmem:$0xFF50] =	vst v0;
	v0 =	vld [tilespmem:$0x1FA20];
	_ =	sdelay $0x4  }
0xa2: {  	[tilespmem:$0xFF60] =	vst v0;
	v0 =	vld [tilespmem:$0x1FA30];
	_ =	sdelay $0x4  }
0xa3: {  	[tilespmem:$0xFF70] =	vst v0;
	v0 =	vld [tilespmem:$0x1FA40];
	_ =	sdelay $0x4  }
0xa4: {  	[tilespmem:$0xFF80] =	vst v0;
	v0 =	vld [tilespmem:$0x1FA50];
	_ =	sdelay $0x4  }
0xa5: {  	[tilespmem:$0xFF90] =	vst v0;
	v0 =	vld [tilespmem:$0x1FA60];
	_ =	sdelay $0x4  }
0xa6: {  	[tilespmem:$0xFFA0] =	vst v0;
	v0 =	vld [tilespmem:$0x1FA70];
	_ =	sdelay $0x4  }
0xa7: {  	[tilespmem:$0xFFB0] =	vst v0;
	v0 =	vld [tilespmem:$0x1FA80];
	_ =	sdelay $0x4  }
0xa8: {  	[tilespmem:$0xFFC0] =	vst v0;
	v0 =	vld [tilespmem:$0x1FA90];
	_ =	sdelay $0x4  }
0xa9: {  	[tilespmem:$0xFFD0] =	vst v0;
	v0 =	vld [tilespmem:$0x1FAA0];
	_ =	sdelay $0x4  }
0xaa: {  	[tilespmem:$0xFFE0] =	vst v0;
	v0 =	vld [tilespmem:$0x1FAB0];
	_ =	sdelay $0x4  }
0xab: {  	[tilespmem:$0xFFF0] =	vst v0;
	v0 =	vld [tilespmem:$0x1FAC0];
	_ =	sdelay $0x4  }
0xac: {  	[tilespmem:$0x10000] =	vst v0;
	v0 =	vld [tilespmem:$0x1FAD0];
	_ =	sdelay $0x4  }
0xad: {  	[tilespmem:$0x10010] =	vst v0;
	v0 =	vld [tilespmem:$0x1FAE0];
	_ =	sdelay $0x4  }
0xae: {  	[tilespmem:$0x10020] =	vst v0;
	v0 =	vld [tilespmem:$0x1FAF0];
	_ =	sdelay $0x4  }
0xaf: {  	[tilespmem:$0x10030] =	vst v0;
	v0 =	vld [tilespmem:$0x1FB00];
	_ =	sdelay $0x4  }
0xb0: {  	[tilespmem:$0x10040] =	vst v0;
	v0 =	vld [tilespmem:$0x1FB10];
	_ =	sdelay $0x4  }
0xb1: {  	[tilespmem:$0x10050] =	vst v0  }
0xb2: {  	v0 =	vld [tilespmem:$0x1FB20];
	_ =	sdelay $0x4  }
0xb3: {  	[tilespmem:$0x10060] =	vst v0;
	v0 =	vld [tilespmem:$0x1FB30];
	_ =	sdelay $0x4  }
0xb4: {  	[tilespmem:$0x10070] =	vst v0;
	v0 =	vld [tilespmem:$0x1FB40];
	_ =	sdelay $0x4  }
0xb5: {  	[tilespmem:$0x10080] =	vst v0;
	v0 =	vld [tilespmem:$0x1FB50];
	_ =	sdelay $0x4  }
0xb6: {  	[tilespmem:$0x10090] =	vst v0;
	v0 =	vld [tilespmem:$0x1FB60];
	_ =	sdelay $0x4  }
0xb7: {  	[tilespmem:$0x100A0] =	vst v0;
	v0 =	vld [tilespmem:$0x1FB70];
	_ =	sdelay $0x4  }
0xb8: {  	[tilespmem:$0x100B0] =	vst v0;
	v0 =	vld [tilespmem:$0x1FB80];
	_ =	sdelay $0x4  }
0xb9: {  	[tilespmem:$0x100C0] =	vst v0;
	v0 =	vld [tilespmem:$0x1FB90];
	_ =	sdelay $0x4  }
0xba: {  	[tilespmem:$0x100D0] =	vst v0;
	v0 =	vld [tilespmem:$0x1FBA0];
	_ =	sdelay $0x4  }
0xbb: {  	[tilespmem:$0x100E0] =	vst v0;
	v0 =	vld [tilespmem:$0x1FBB0];
	_ =	sdelay $0x4  }
0xbc: {  	[tilespmem:$0x100F0] =	vst v0;
	v0 =	vld [tilespmem:$0x1FBC0];
	_ =	sdelay $0x4  }
0xbd: {  	[tilespmem:$0x10100] =	vst v0;
	v0 =	vld [tilespmem:$0x1FBD0];
	_ =	sdelay $0x4  }
0xbe: {  	[tilespmem:$0x10110] =	vst v0;
	v0 =	vld [tilespmem:$0x1FBE0];
	_ =	sdelay $0x4  }
0xbf: {  	[tilespmem:$0x10120] =	vst v0;
	v0 =	vld [tilespmem:$0x1FBF0];
	_ =	sdelay $0x4  }
0xc0: {  	[tilespmem:$0x10130] =	vst v0;
	v0 =	vld [tilespmem:$0x1FC00];
	_ =	sdelay $0x4  }
0xc1: {  	[tilespmem:$0x10140] =	vst v0;
	v0 =	vld [tilespmem:$0x1FC10];
	_ =	sdelay $0x4  }
0xc2: {  	[tilespmem:$0x10150] =	vst v0;
	v0 =	vld [tilespmem:$0x1FC20];
	_ =	sdelay $0x4  }
0xc3: {  	[tilespmem:$0x10160] =	vst v0;
	v0 =	vld [tilespmem:$0x1FC30];
	_ =	sdelay $0x4  }
0xc4: {  	[tilespmem:$0x10170] =	vst v0;
	v0 =	vld [tilespmem:$0x1FC40];
	_ =	sdelay $0x4  }
0xc5: {  	[tilespmem:$0x10180] =	vst v0;
	v0 =	vld [tilespmem:$0x1FC50];
	_ =	sdelay $0x4  }
0xc6: {  	[tilespmem:$0x10190] =	vst v0;
	v0 =	vld [tilespmem:$0x1FC60];
	_ =	sdelay $0x4  }
0xc7: {  	[tilespmem:$0x101A0] =	vst v0;
	v0 =	vld [tilespmem:$0x1FC70];
	_ =	sdelay $0x4  }
0xc8: {  	[tilespmem:$0x101B0] =	vst v0;
	v0 =	vld [tilespmem:$0x1FC80];
	_ =	sdelay $0x4  }
0xc9: {  	[tilespmem:$0x101C0] =	vst v0;
	v0 =	vld [tilespmem:$0x1FC90];
	_ =	sdelay $0x4  }
0xca: {  	[tilespmem:$0x101D0] =	vst v0;
	v0 =	vld [tilespmem:$0x1FCA0];
	_ =	sdelay $0x4  }
0xcb: {  	[tilespmem:$0x101E0] =	vst v0;
	v0 =	vld [tilespmem:$0x1FCB0];
	_ =	sdelay $0x4  }
0xcc: {  	[tilespmem:$0x101F0] =	vst v0;
	v0 =	vld [tilespmem:$0x1FCC0];
	_ =	sdelay $0x4  }
0xcd: {  	[tilespmem:$0x10200] =	vst v0;
	v0 =	vld [tilespmem:$0x1FCD0];
	_ =	sdelay $0x4  }
0xce: {  	[tilespmem:$0x10210] =	vst v0;
	v0 =	vld [tilespmem:$0x1FCE0];
	_ =	sdelay $0x4  }
0xcf: {  	[tilespmem:$0x10220] =	vst v0;
	v0 =	vld [tilespmem:$0x1FCF0];
	_ =	sdelay $0x4  }
0xd0: {  	[tilespmem:$0x10230] =	vst v0;
	v0 =	vld [tilespmem:$0x1FD00];
	_ =	sdelay $0x4  }
0xd1: {  	[tilespmem:$0x10240] =	vst v0;
	v0 =	vld [tilespmem:$0x1FD10];
	_ =	sdelay $0x4  }
0xd2: {  	[tilespmem:$0x10250] =	vst v0;
	v0 =	vld [tilespmem:$0x1FD20];
	_ =	sdelay $0x4  }
0xd3: {  	[tilespmem:$0x10260] =	vst v0;
	v0 =	vld [tilespmem:$0x1FD30];
	_ =	sdelay $0x4  }
0xd4: {  	[tilespmem:$0x10270] =	vst v0  }
0xd5: {  	_ =	swait.ge [sflag:s22], $0x80  }
0xd6: {  	[sflag:s22] =	ssyncset.done $0x0  }
0xd7: {  	[sflag:s22] =	ssyncadd.s32 $0xFFFFFF80  }
0xd8: {  	_ =	swait.ge [sflag:s22], $0x80  }
0xd9: {  	[sflag:s22] =	ssyncset.done $0x0  }
0xda: {  	[sflag:s22] =	ssyncadd.s32 $0xFFFFFF80  }
0xdb: {  	_ =	swait.ge [sflag:s22], $0x80  }
0xdc: {  	[sflag:s22] =	ssyncset.done $0x0  }
0xdd: {  	[sflag:s22] =	ssyncadd.s32 $0xFFFFFF80  }
0xde: {  	_ =	swait.ge [sflag:s22], $0x80  }
0xdf: {  	[sflag:s22] =	ssyncset.done $0x0  }
0xe0: {  	[sflag:s22] =	ssyncadd.s32 $0xFFFFFF80  }
0xe1: {  	_ =	swait.ge [sflag:s22], $0x80  }
0xe2: {  	[sflag:s22] =	ssyncset.done $0x0  }
0xe3: {  	[sflag:s22] =	ssyncadd.s32 $0xFFFFFF80  }
0xe4: {  	_ =	swait.ge [sflag:s22], $0x80  }
0xe5: {  	[sflag:s22] =	ssyncset.done $0x0  }
0xe6: {  	[sflag:s22] =	ssyncadd.s32 $0xFFFFFF80  }
0xe7: {  	_ =	swait.ge [sflag:s22], $0x80  }
0xe8: {  	[sflag:s22] =	ssyncset.done $0x0  }
0xe9: {  	[sflag:s22] =	ssyncadd.s32 $0xFFFFFF80  }
0xea: {  	_ =	swait.ge [sflag:s22], $0x80  }
0xeb: {  	[sflag:s22] =	ssyncset.done $0x0  }
0xec: {  	[sflag:s22] =	ssyncadd.s32 $0xFFFFFF80  }
0xed: {  	[bflag:$0x0] =	sbarrier.arrive $0xFFFF  }
0xee: {  	s30 =	rddreg [dreg:$0xd]  }
0xef: {  	[spmem:s3] =	stream.indirect.scatter.add.s32 [tilespmem:s30], [sflag:$0x5], $0x1, s13, s9, $0xb8;
	[tilespmem:$0x18A80] =	vst v63  }
0xf0: {  	s2 =	rddreg [dreg:$0xe]  }
0xf1: {  	[spmem:s3] =	stream.indirect.scatter.add.s32 [tilespmem:s2], [sflag:$0x5], $0x1, s15, s9, $0xb8;
	[tilespmem:$0x18A80] =	vst v63  }
0xf2: {  	s0 =	rddreg [dreg:$0xf]  }
0xf3: {  	[spmem:s3] =	stream.indirect.scatter.add.s32 [tilespmem:s0], [sflag:$0x5], $0x1, s16, s9, $0xb8;
	[tilespmem:$0x18A80] =	vst v63  }
0xf4: {  	s30 =	rddreg [dreg:$0x10]  }
0xf5: {  	[spmem:s3] =	stream.indirect.scatter.add.s32 [tilespmem:s30], [sflag:$0x5], $0x1, s17, s9, $0xb8;
	[tilespmem:$0x18A80] =	vst v63  }
0xf6: {  	s0 =	rddreg [dreg:$0x11]  }
0xf7: {  	[spmem:s3] =	stream.indirect.scatter.add.s32 [tilespmem:s0], [sflag:$0x5], $0x1, s18, s9, $0xb8;
	[tilespmem:$0x18A80] =	vst v63  }
0xf8: {  	s30 =	rddreg [dreg:$0x12]  }
0xf9: {  	[spmem:s3] =	stream.indirect.scatter.add.s32 [tilespmem:s30], [sflag:$0x5], $0x1, s19, s9, $0xb8;
	[tilespmem:$0x18A80] =	vst v63  }
0xfa: {  	s0 =	rddreg [dreg:$0x13]  }
0xfb: {  	[spmem:s3] =	stream.indirect.scatter.add.s32 [tilespmem:s0], [sflag:$0x5], $0x1, s20, s9, $0xb8;
	[tilespmem:$0x18A80] =	vst v63  }
0xfc: {  	s30 =	rddreg [dreg:$0x14]  }
0xfd: {  	[spmem:s3] =	stream.indirect.scatter.add.s32 [tilespmem:s30], [sflag:$0x5], $0x1, s21, s9, $0xb8;
	[tilespmem:$0x18A80] =	vst v63  }
0xfe: {  	_ =	swait.ge [sflag:s22], $0x80  }
0xff: {  	[sflag:s22] =	ssyncset.done $0x0  }
0x100: {  	[sflag:s22] =	ssyncadd.s32 $0xFFFFFF80  }
0x101: {  	_ =	swait.ge [sflag:s22], $0x80  }
0x102: {  	[sflag:s22] =	ssyncset.done $0x0  }
0x103: {  	[sflag:s22] =	ssyncadd.s32 $0xFFFFFF80  }
0x104: {  	_ =	swait.ge [sflag:s22], $0x80  }
0x105: {  	[sflag:s22] =	ssyncset.done $0x0  }
0x106: {  	[sflag:s22] =	ssyncadd.s32 $0xFFFFFF80  }
0x107: {  	_ =	swait.ge [sflag:s22], $0x80  }
0x108: {  	[sflag:s22] =	ssyncset.done $0x0  }
0x109: {  	[sflag:s22] =	ssyncadd.s32 $0xFFFFFF80  }
0x10a: {  	_ =	swait.ge [sflag:s22], $0x80  }
0x10b: {  	[sflag:s22] =	ssyncset.done $0x0  }
0x10c: {  	[sflag:s22] =	ssyncadd.s32 $0xFFFFFF80  }
0x10d: {  	_ =	swait.ge [sflag:s22], $0x80  }
0x10e: {  	[sflag:s22] =	ssyncset.done $0x0  }
0x10f: {  	[sflag:s22] =	ssyncadd.s32 $0xFFFFFF80  }
0x110: {  	_ =	swait.ge [sflag:s22], $0x80  }
0x111: {  	[sflag:s22] =	ssyncset.done $0x0  }
0x112: {  	[sflag:s22] =	ssyncadd.s32 $0xFFFFFF80  }
0x113: {  	_ =	swait.ge [sflag:s22], $0x80  }
0x114: {  	[sflag:s22] =	ssyncset.done $0x0  }
0x115: {  	[sflag:s22] =	ssyncadd.s32 $0xFFFFFF80  }
0x116: {  	[bflag:$0x0] =	sbarrier.arrive $0xFFFF  }
0x117: {  	s2 =	rddreg [dreg:$0x15]  }
0x118: {  	[tilespmem:s2], [sflag:$0x5] =	stream.indirect.gather [spmem:s3], $0x1, s7, s9, $0xb8;
	[tilespmem:$0x18A80] =	vst v63  }
0x119: {  	s30 =	rddreg [dreg:$0x16]  }
0x11a: {  	[tilespmem:s30], [sflag:$0x5] =	stream.indirect.gather [spmem:s3], $0x1, s11, s9, $0xb8;
	[tilespmem:$0x18A80] =	vst v63  }
0x11b: {  	s0 =	rddreg [dreg:$0x17]  }
0x11c: {  	[tilespmem:s0], [sflag:$0x5] =	stream.indirect.gather [spmem:s3], $0x1, s23, s9, $0xb8;
	[tilespmem:$0x18A80] =	vst v63  }
0x11d: {  	s30 =	rddreg [dreg:$0x18]  }
0x11e: {  	[tilespmem:s30], [sflag:$0x5] =	stream.indirect.gather [spmem:s3], $0x1, s24, s9, $0xb8;
	[tilespmem:$0x18A80] =	vst v63  }
0x11f: {  	_ =	swait.ge [sflag:s22], $0x80  }
0x120: {  	[sflag:s22] =	ssyncset.done $0x0  }
0x121: {  	[sflag:s22] =	ssyncadd.s32 $0xFFFFFF80  }
0x122: {  	_ =	swait.ge [sflag:s22], $0x80  }
0x123: {  	[sflag:s22] =	ssyncset.done $0x0  }
0x124: {  	[sflag:s22] =	ssyncadd.s32 $0xFFFFFF80  }
0x125: {  	_ =	swait.ge [sflag:s22], $0x80  }
0x126: {  	[sflag:s22] =	ssyncset.done $0x0  }
0x127: {  	[sflag:s22] =	ssyncadd.s32 $0xFFFFFF80  }
0x128: {  	_ =	swait.ge [sflag:s22], $0x80  }
0x129: {  	[sflag:s22] =	ssyncset.done $0x0  }
0x12a: {  	[sflag:s22] =	ssyncadd.s32 $0xFFFFFF80  }
0x12b: {  	_ =	swait.ge [sflag:s25], $0x4000  }
0x12c: {  	[sflag:s25] =	ssyncset.done $0x0  }
0x12d: {  	s2 =	rddreg [dreg:$0x7];
	[sflag:s25] =	ssyncadd.s32 $0xFFFFC000  }
0x12e: {  	[hbm4b:s2+s4] =	stream.linear.scatter [tilespmem:s10], [sflag:$0x3], $0x4000, $0x38;
	[tilespmem:$0x18A80] =	vst v63  }
0x12f: {  	_ =	swait.ge [sflag:s26], $0x4000  }
0x130: {  	[sflag:s26] =	ssyncset.done $0x0  }
0x131: {  	s30 =	rddreg [dreg:$0x8];
	[sflag:s26] =	ssyncadd.s32 $0xFFFFC000  }
0x132: {  	[hbm4b:s30+s4] =	stream.linear.scatter [tilespmem:s12], [sflag:$0x4], $0x4000, $0x38;
	[tilespmem:$0x18A80] =	vst v63  }
0x133: {  	_ =	swait.ge [sflag:s28], $0x4000  }
0x134: {  	[sflag:s28] =	ssyncset.done $0x0  }
0x135: {  	[sflag:s28] =	ssyncadd.s32 $0xFFFFC000  }
0x136: {  	[tilespmem:s10], [sflag:$0x1] =	stream.indirect.gather [hbm4b:s1+s9], $0x80, s23, s9, $0xb8;
	[tilespmem:$0x18A80] =	vst v63  }
0x137: {  	_ =	swait.ge [sflag:s29], $0x4000  }
0x138: {  	[sflag:s29] =	ssyncset.done $0x0  }
0x139: {  	[sflag:s29] =	ssyncadd.s32 $0xFFFFC000  }
0x13a: {  	[tilespmem:s12], [sflag:$0x2] =	stream.indirect.gather [hbm4b:s1+s9], $0x80, s24, s9, $0xb8;
	[tilespmem:$0x18A80] =	vst v63  }
0x13b: {  	_ =	swait.ge [sflag:s25], $0x4000  }
0x13c: {  	[sflag:s25] =	ssyncset.done $0x0  }
0x13d: {  	s2 =	rddreg [dreg:$0x9];
	[sflag:s25] =	ssyncadd.s32 $0xFFFFC000  }
0x13e: {  	[hbm4b:s2+s4] =	stream.linear.scatter [tilespmem:s10], [sflag:$0x3], $0x4000, $0x38;
	[tilespmem:$0x18A80] =	vst v63  }
0x13f: {  	_ =	swait.ge [sflag:s26], $0x4000  }
0x140: {  	[sflag:s26] =	ssyncset.done $0x0  }
0x141: {  	s30 =	rddreg [dreg:$0xa];
	[sflag:s26] =	ssyncadd.s32 $0xFFFFC000  }
0x142: {  	v9 =	vld [tilespmem:$0x1FD40];
	[hbm4b:s30+s4] =	stream.linear.scatter [tilespmem:s12], [sflag:$0x4], $0x4000, $0x38  }
0x143: {  	v0 =	vld [tilespmem:$0x10480]  }
0x144: {  	v1 =	vld [tilespmem:$0x10490];
	_ =	sdelay $0x1  }
0x145: {  	v3 =	vld [tilespmem:$0x104A0];
	_ =	sdelay $0x1  }
0x146: {  	v7 =	vld [tilespmem:$0x104B0];
	v5 =	vshrl.u32 v0, $0x1A  }
0x147: {  	v13 =	vld [tilespmem:$0x1FD50];
	v5 =	vmul.u32 v9, v5;
	v9 =	vshrl.u32 v1, $0x1A  }
0x148: {  	v11 =	vld [tilespmem:$0x104C0];
	v0 =	vand.u32 $0x3FFFFFF, v0;
	v9 =	vmul.u32 v2, v9  }
0x149: {  	vm0 =	vlt.s32 v5, v0;
	v0 =	vand.u32 $0x3FFFFFF, v1;
	v1 =	vshrl.u32 v3, $0x1A;
	v5 =	vld [tilespmem:$0x104D0]  }
0x14a: {  	vm1 =	vlt.s32 v9, v0;
	v0 =	vmul.u32 v4, v1;
	v9 =	vld [tilespmem:$0x1FD60]  }
0x14b: {  	v15 =	vshrl.u32 v7, $0x1A;
	v3 =	vand.u32 $0x3FFFFFF, v3;
	v1 =	vld [tilespmem:$0x104E0]  }
0x14c: {  	vm4 =	vlt.s32 v0, v3;
	v0 =	vmul.u32 v6, v15  }
0x14d: {  	v7 =	vand.u32 $0x3FFFFFF, v7;
	v3 =	vshrl.u32 v11, $0x1A  }
0x14e: {  	v13 =	vsel vm0, $0x80000000, v13;
	v15 =	vld [tilespmem:$0x1FD70];
	v3 =	vmul.u32 v8, v3;
	vm5 =	vlt.s32 v0, v7  }
0x14f: {  	(xrf0) =	vmax.scan.msk.u32 $0xffff, v13;
	v13 =	vld [tilespmem:$0x1FD80];
	v0 =	vand.u32 $0x3FFFFFF, v11;
	v7 =	vshrl.u32 v5, $0x1A;
	v9 =	vsel vm1, $0x80000000, v9  }
0x150: {  	vm2 =	vlt.s32 v3, v0;
	v0 =	vmul.u32 v10, v7;
	v3 =	vshrl.u32 v1, $0x1A;
	(xrf0) =	vmax.scan.msk.u32 $0xffff, v9;
	v9 =	vld [tilespmem:$0x1FD90]  }
0x151: {  	v17 =	vld [tilespmem:$0x104F0];
	v5 =	vand.u32 $0x3FFFFFF, v5;
	v3 =	vmul.u32 v12, v3  }
0x152: {  	vm6 =	vlt.s32 v0, v5;
	v0 =	vand.u32 $0x3FFFFFF, v1;
	v1 =	vld [tilespmem:$0x1FDA0]  }
0x153: {  	v15 =	vsel vm4, $0x80000000, v15;
	vm7 =	vlt.s32 v3, v0;
	v3 =	vld [tilespmem:$0x1FDB0]  }
0x154: {  	v13 =	vsel vm5, $0x80000000, v13;
	(xrf0) =	vmax.scan.msk.u32 $0xffff, v15  }
0x155: {  	v11 =	vld [tilespmem:$0x10500];
	(xrf0) =	vmax.scan.msk.u32 $0xffff, v13;
	v9 =	vsel vm2, $0x80000000, v9  }
0x156: {  	v0 =	vshrl.u32 v17, $0x1A;
	(xrf0) =	vmax.scan.msk.u32 $0xffff, v9;
	v9 =	vand.u32 $0x3FFFFFF, v17  }
0x157: {  	v0 =	vmul.u32 v14, v0;
	v1 =	vsel vm6, $0x80000000, v1  }
0x158: {  	v3 =	vsel vm7, $0x80000000, v3;
	(xrf0) =	vmax.scan.msk.u32 $0xffff, v1  }
0x159: {  	vm8 =	vlt.s32 v0, v9;
	v9, _, _ =	vpop (xrf0);
	(xrf0) =	vmax.scan.msk.u32 $0xffff, v3;
	v3 =	vld [tilespmem:$0x1FDC0]  }
0x15a: {  	v5 =	vshrl.u32 v11, $0x1A  }
0x15b: {  	v5 =	vmul.u32 v16, v5;
	_ =	sdelay $0x1  }
0x15c: {  	v7 =	vld [tilespmem:$0x10510]  }
0x15d: {  	v0 =	vand.u32 $0x3FFFFFF, v11;
	v3 =	vsel vm8, $0x80000000, v3  }
0x15e: {  	vm9 =	vlt.s32 v5, v0;
	v5, _, _ =	vpop (xrf0);
	(xrf0) =	vmax.scan.msk.u32 $0xffff, v3;
	v3 =	vld [tilespmem:$0x1FDD0];
	_ =	sdelay $0x2  }
0x15f: {  	v13 =	vshrl.u32 v7, $0x1A;
	v0 =	vand.u32 $0x3FFFFFF, v7  }
0x160: {  	v1 =	vmul.u32 v18, v13  }
0x161: {  	v3 =	vsel vm9, $0x80000000, v3  }
0x162: {  	vm10 =	vlt.s32 v1, v0;
	v0, _, _ =	vpop (xrf0);
	(xrf0) =	vmax.scan.msk.u32 $0xffff, v3;
	v3 =	vld [tilespmem:$0x10520]  }
0x163: {  	v1 =	vld [tilespmem:$0x1FDE0];
	_ =	sdelay $0x3  }
0x164: {  	(v2sf) =	vpush v9, $0xF;
	v7 =	vshrl.u32 v3, $0x1A  }
0x165: {  	(v2sf) =	vpush v5, $0xF;
	v1 =	vsel vm10, $0x80000000, v1;
	v7 =	vmul.u32 v20, v7  }
0x166: {  	(v2sf) =	vpush v0, $0xF;
	v0, _, _ =	vpop (xrf0);
	(xrf0) =	vmax.scan.msk.u32 $0xffff, v1;
	v1 =	vld [tilespmem:$0x10530];
	v3 =	vand.u32 $0x3FFFFFF, v3  }
0x167: {  	(v2sf) =	vpush v0, $0xF;
	v0, _, _ =	vpop (xrf0);
	vm11 =	vlt.s32 v7, v3;
	v3 =	vld [tilespmem:$0x1FDF0]  }
0x168: {  	(v2sf) =	vpush v0, $0xF;
	v0, _, _ =	vpop (xrf0)  }
0x169: {  	v5 =	vld [tilespmem:$0x10540];
	(v2sf) =	vpush v0, $0xF;
	v0, _, _ =	vpop (xrf0)  }
0x16a: {  	v9 =	vld [tilespmem:$0x10550];
	(v2sf) =	vpush v0, $0xF;
	v0, _, _ =	vpop (xrf0)  }
0x16b: {  	(v2sf) =	vpush v0, $0xF;
	v0, _, _ =	vpop (xrf0)  }
0x16c: {  	v15 =	vld [tilespmem:$0x1FE60];
	v11 =	vshrl.u32 v1, $0x1A;
	(v2sf) =	vpush v0, $0xF;
	v0, _, _ =	vpop (xrf0);
	v3 =	vsel vm11, $0x80000000, v3  }
0x16d: {  	(v2sf) =	vpush v0, $0xF;
	v0 =	vmul.u32 v28, v11;
	(xrf0) =	vmax.scan.msk.u32 $0xffff, v3;
	v3 =	vld [tilespmem:$0x1FE70]  }
0x16e: {  	v1 =	vand.u32 $0x3FFFFFF, v1;
	v7 =	vshrl.u32 v5, $0x1A  }
0x16f: {  	v13 =	vld [tilespmem:$0x10560];
	vm12 =	vlt.s32 v0, v1;
	v0 =	vmul.u32 v30, v7;
	v1 =	vshrl.u32 v9, $0x1A  }
0x170: {  	v5 =	vand.u32 $0x3FFFFFF, v5;
	v1 =	vmul.u32 v32, v1  }
0x171: {  	v15 =	vsel vm12, $0x80000000, v15;
	vm13 =	vlt.s32 v0, v5;
	v0 =	vand.u32 $0x3FFFFFF, v9  }
0x172: {  	vm14 =	vlt.s32 v1, v0;
	v1 =	vld [tilespmem:$0x1FEF0];
	(xrf0) =	vmax.scan.msk.u32 $0xffff, v15;
	v3 =	vsel vm13, $0x80000000, v3  }
0x173: {  	(xrf0) =	vmax.scan.msk.u32 $0xffff, v3;
	v3 =	vld [tilespmem:$0x1FF00]  }
0x174: {  	v5 =	vshrl.u32 v13, $0x1A  }
0x175: {  	v11 =	vld [tilespmem:$0x10570];
	v0 =	vmul.u32 v34, v5  }
0x176: {  	v7 =	vld [tilespmem:$0x10580];
	v5 =	vand.u32 $0x3FFFFFF, v13  }
0x177: {  	v9 =	vld [tilespmem:$0x10590];
	vm15 =	vlt.s32 v0, v5;
	v1 =	vsel vm14, $0x80000000, v1  }
0x178: {  	(xrf0) =	vmax.scan.msk.u32 $0xffff, v1;
	v3 =	vsel vm15, $0x80000000, v3  }
0x179: {  	(xrf0) =	vmax.scan.msk.u32 $0xffff, v3;
	v3 =	vld [tilespmem:$0x1FF30]  }
0x17a: {  	v13 =	vshrl.u32 v11, $0x1A  }
0x17b: {  	v0 =	vmul.u32 v35, v13  }
0x17c: {  	v11 =	vand.u32 $0x3FFFFFF, v11;
	v5 =	vshrl.u32 v7, $0x1A;
	v1 =	vshrl.u32 v9, $0x1A  }
0x17d: {  	v5 =	vmul.u32 v37, v5;
	vm4 =	vlt.s32 v0, v11  }
0x17e: {  	v0 =	vand.u32 $0x3FFFFFF, v7;
	v3 =	vsel vm4, $0x80000000, v3  }
0x17f: {  	vm5 =	vlt.s32 v5, v0;
	v0 =	vmul.u32 v38, v1;
	v1, _, _ =	vpop (xrf0);
	(xrf0) =	vmax.scan.msk.u32 $0xffff, v3;
	v3 =	vld [tilespmem:$0x1FF50]  }
0x180: {  	(v2sf) =	vpush v1, $0xF;
	v1 =	vld [tilespmem:$0x1FF70];
	_ =	sdelay $0x1  }
0x181: {  	s2 =	spop (v2sf)  }
0x182: {  	s30 =	spop (v2sf);
	v5 =	vand.u32 $0x3FFFFFF, v9  }
0x183: {  	s0 =	sxor.u32 $0x80000000, s2;
	s2 =	sxor.u32 $0x80000000, s30;
	vm6 =	vlt.s32 v0, v5;
	v3 =	vsel vm5, $0x80000000, v3  }
0x184: {  	s30 =	spop (v2sf);
	p0 =	sgt.s32 s0, s2;
	v7 =	vld [tilespmem:$0x105A0];
	v1 =	vsel vm6, $0x80000000, v1;
	(xrf0) =	vmax.scan.msk.u32 $0xffff, v3  }
0x185: {  	s2 =	smov.u32 @p0 s0;
	s0 =	sxor.u32 $0x80000000, s30;
	v0, _, _ =	vpop (xrf0);
	v3 =	vld [tilespmem:$0x105B0]  }
0x186: {  	s30 =	spop (v2sf);
	p0 =	sgt.s32 s2, s0;
	(v2sf) =	vpush v0, $0xF;
	v0, _, _ =	vpop (xrf0)  }
0x187: {  	s0 =	smov.u32 @p0 s2;
	s2 =	sxor.u32 $0x80000000, s30;
	(v2sf) =	vpush v0, $0xF;
	(xrf0) =	vmax.scan.msk.u32 $0xffff, v1;
	v1, _, _ =	vpop (xrf0)  }
0x188: {  	s30 =	spop (v2sf);
	p0 =	sgt.s32 s0, s2;
	(v2sf) =	vpush v1, $0xF;
	v1, _, _ =	vpop (xrf0)  }
0x189: {  	s2 =	smov.u32 @p0 s0;
	s0 =	sxor.u32 $0x80000000, s30;
	v5 =	vshrl.u32 v7, $0x1A;
	(v2sf) =	vpush v1, $0xF;
	v1, _, _ =	vpop (xrf0)  }
0x18a: {  	s30 =	spop (v2sf);
	p0 =	sgt.s32 s2, s0;
	v9 =	vld [tilespmem:$0x105D0];
	v5 =	vmul.u32 v40, v5;
	(v2sf) =	vpush v1, $0xF;
	v11 =	vshrl.u32 v3, $0x1A;
	v1, _, _ =	vpop (xrf0)  }
0x18b: {  	s0 =	smov.u32 @p0 s2;
	s2 =	sxor.u32 $0x80000000, s30;
	s30 =	spop (v2sf);
	v7 =	vand.u32 $0x3FFFFFF, v7;
	v0 =	vld [tilespmem:$0x105C0];
	(v2sf) =	vpush v1, $0xF;
	v1 =	vmul.u32 v41, v11  }
0x18c: {  	vm7 =	vlt.s32 v5, v7;
	v7 =	vld [tilespmem:$0x1FF90];
	v3 =	vand.u32 $0x3FFFFFF, v3  }
0x18d: {  	vm8 =	vlt.s32 v1, v3;
	v3 =	vld [tilespmem:$0x1FFB0];
	_ =	sdelay $0x2  }
0x18e: {  	v11 =	vshrl.u32 v0, $0x1A  }
0x18f: {  	v13 =	vld [tilespmem:$0x105E0];
	p0 =	sgt.s32 s0, s2;
	v7 =	vsel vm7, $0x80000000, v7;
	v5, _, _ =	vpop (xrf0);
	v0 =	vand.u32 $0x3FFFFFF, v0;
	v1 =	vmul.u32 v43, v11  }
0x190: {  	s2 =	smov.u32 @p0 s0;
	s0 =	sxor.u32 $0x80000000, s30;
	s30 =	spop (v2sf);
	(xrf0) =	vmax.scan.msk.u32 $0xffff, v7;
	(v2sf) =	vpush v5, $0xF;
	v5 =	vshrl.u32 v9, $0x1A;
	v3 =	vsel vm8, $0x80000000, v3  }
0x191: {  	vm9 =	vlt.s32 v1, v0;
	v0 =	vmul.u32 v44, v5;
	(xrf0) =	vmax.scan.msk.u32 $0xffff, v3;
	v3 =	vld [tilespmem:$0x1FFC0]  }
0x192: {  	v15 =	vld [tilespmem:$0x105F0];
	v5 =	vand.u32 $0x3FFFFFF, v9  }
0x193: {  	vm10 =	vlt.s32 v0, v5;
	v5 =	vld [tilespmem:$0x1FFF0]  }
0x194: {  	p0 =	sgt.s32 s2, s0;
	v7 =	vld [tilespmem:$0x10600];
	v1 =	vshrl.u32 v13, $0x1A  }
0x195: {  	s0 =	smov.u32 @p0 s2;
	s2 =	sxor.u32 $0x80000000, s30;
	v1 =	vmul.u32 v46, v1  }
0x196: {  	p0 =	sgt.s32 s0, s2;
	s30 =	spop (v2sf);
	v9 =	vld [tilespmem:$0x10610];
	v3 =	vsel vm9, $0x80000000, v3  }
0x197: {  	s2 =	smov.u32 @p0 s0;
	s0 =	sxor.u32 $0x80000000, s30;
	v0 =	vand.u32 $0x3FFFFFF, v13;
	(xrf0) =	vmax.scan.msk.u32 $0xffff, v3;
	v3 =	vshrl.u32 v15, $0x1A  }
0x198: {  	s30 =	spop (v2sf);
	p0 =	sgt.s32 s2, s0;
	vm11 =	vlt.s32 v1, v0;
	v5 =	vsel vm10, $0x80000000, v5;
	v0 =	vmul.u32 v47, v3  }
0x199: {  	s0 =	smov.u32 @p0 s2;
	s2 =	sxor.u32 $0x80000000, s30;
	v11 =	vshrl.u32 v7, $0x1A;
	v1, _, _ =	vpop (xrf0);
	(xrf0) =	vmax.scan.msk.u32 $0xffff, v5;
	v3 =	vsel vm11, $0x80000000, v22;
	v5 =	vand.u32 $0x3FFFFFF, v15  }
0x19a: {  	p0 =	sgt.s32 s0, s2;
	s30 =	spop (v2sf);
	v13 =	vld [tilespmem:$0x10620];
	(xrf0) =	vmax.scan.msk.u32 $0xffff, v3;
	vm12 =	vlt.s32 v0, v5;
	v0 =	vmul.u32 v49, v11  }
0x19b: {  	s2 =	smov.u32 @p0 s0;
	s0 =	sxor.u32 $0x80000000, s30;
	(v2sf) =	vpush v1, $0xF;
	v5 =	vand.u32 $0x3FFFFFF, v7;
	v7 =	vshrl.u32 v9, $0x1A  }
0x19c: {  	p0 =	sgt.s32 s2, s0;
	s30 =	spop (v2sf);
	v1, _, _ =	vpop (xrf0);
	v11 =	vld [tilespmem:$0x10630];
	v3 =	vsel vm12, $0x80000000, v24;
	vm13 =	vlt.s32 v0, v5;
	v0 =	vmul.u32 v50, v7  }
0x19d: {  	s0 =	smov.u32 @p0 s2;
	s2 =	sxor.u32 $0x80000000, s30;
	(v2sf) =	vpush v1, $0xF;
	(xrf0) =	vmax.scan.msk.u32 $0xffff, v3;
	v5 =	vand.u32 $0x3FFFFFF, v9  }
0x19e: {  	s30 =	spop (v2sf);
	p0 =	sgt.s32 s0, s2;
	v7 =	vld [tilespmem:$0x10640];
	v1, _, _ =	vpop (xrf0);
	v3 =	vsel vm13, $0x80000000, v26;
	vm14 =	vlt.s32 v0, v5  }
0x19f: {  	s2 =	smov.u32 @p0 s0;
	s0 =	sxor.u32 $0x80000000, s30;
	(v2sf) =	vpush v1, $0xF;
	(xrf0) =	vmax.scan.msk.u32 $0xffff, v3;
	v0 =	vshrl.u32 v13, $0x1A;
	v1, _, _ =	vpop (xrf0);
	v3 =	vsel vm14, $0x80000000, v29  }
0x1a0: {  	p0 =	sgt.s32 s2, s0;
	s30 =	spop (v2sf);
	v5 =	vld [tilespmem:$0x10650];
	v0 =	vmul.u32 v52, v0;
	(v2sf) =	vpush v1, $0xF;
	v1, _, _ =	vpop (xrf0);
	(xrf0) =	vmax.scan.msk.u32 $0xffff, v3;
	v3 =	vand.u32 $0x3FFFFFF, v13  }
0x1a1: {  	s0 =	smov.u32 @p0 s2;
	s2 =	sxor.u32 $0x80000000, s30;
	v9 =	vshrl.u32 v11, $0x1A  }
0x1a2: {  	s30 =	spop (v2sf);
	p0 =	sgt.s32 s0, s2;
	(v2sf) =	vpush v1, $0xF;
	v1 =	vld [tilespmem:$0x10660];
	vm15 =	vlt.s32 v0, v3;
	v0 =	vmul.u32 v53, v9  }
0x1a3: {  	s2 =	smov.u32 @p0 s0;
	s0 =	sxor.u32 $0x80000000, s30;
	v11 =	vand.u32 $0x3FFFFFF, v11;
	v13 =	vshrl.u32 v7, $0x1A;
	v9 =	vsel vm15, $0x80000000, v31;
	v3, _, _ =	vpop (xrf0)  }
0x1a4: {  	s30 =	spop (v2sf);
	p0 =	sgt.s32 s2, s0;
	(xrf0) =	vmax.scan.msk.u32 $0xffff, v9;
	vm4 =	vlt.s32 v0, v11;
	v0 =	vmul.u32 v54, v13;
	(v2sf) =	vpush v3, $0xF;
	v3 =	vld [tilespmem:$0x10670]  }
0x1a5: {  	s0 =	smov.u32 @p0 s2;
	s2 =	sxor.u32 $0x80000000, s30;
	v7 =	vand.u32 $0x3FFFFFF, v7;
	v13 =	vshrl.u32 v5, $0x1A;
	v11 =	vsel vm4, $0x80000000, v39  }
0x1a6: {  	s30 =	spop (v2sf);
	p0 =	sgt.s32 s0, s2;
	v5 =	vand.u32 $0x3FFFFFF, v5;
	v9, _, _ =	vpop (xrf0);
	(xrf0) =	vmax.scan.msk.u32 $0xffff, v11;
	vm5 =	vlt.s32 v0, v7;
	v0 =	vmul.u32 v55, v13  }
0x1a7: {  	s2 =	smov.u32 @p0 s0;
	s0 =	sxor.u32 $0x80000000, s30;
	v11 =	vshrl.u32 v1, $0x1A;
	(v2sf) =	vpush v9, $0xF;
	v9 =	vsel vm5, $0x80000000, v45  }
0x1a8: {  	s30 =	spop (v2sf);
	p0 =	sgt.s32 s2, s0;
	v1 =	vand.u32 $0x3FFFFFF, v1;
	v7, _, _ =	vpop (xrf0);
	(xrf0) =	vmax.scan.msk.u32 $0xffff, v9;
	vm6 =	vlt.s32 v0, v5;
	v0 =	vmul.u32 v56, v11  }
0x1a9: {  	s0 =	smov.u32 @p0 s2;
	s2 =	sxor.u32 $0x80000000, s30;
	(v2sf) =	vpush v7, $0xF;
	v5 =	vsel vm6, $0x80000000, v51;
	v7 =	vshrl.u32 v3, $0x1A  }
0x1aa: {  	p0 =	sgt.s32 s0, s2;
	s30 =	spop (v2sf);
	v9, _, _ =	vpop (xrf0);
	(xrf0) =	vmax.scan.msk.u32 $0xffff, v5;
	vm7 =	vlt.s32 v0, v1;
	v0 =	vmul.u32 v57, v7  }
0x1ab: {  	s2 =	smov.u32 @p0 s0;
	s0 =	sxor.u32 $0x80000000, s30;
	v3 =	vand.u32 $0x3FFFFFF, v3;
	(v2sf) =	vpush v9, $0xF;
	v1 =	vsel vm7, $0x80000000, v59  }
0x1ac: {  	p0 =	sgt.s32 s2, s0;
	s30 =	spop (v2sf);
	v5, _, _ =	vpop (xrf0);
	(xrf0) =	vmax.scan.msk.u32 $0xffff, v1;
	vm8 =	vlt.s32 v0, v3  }
0x1ad: {  	s0 =	smov.u32 @p0 s2;
	s2 =	sxor.u32 $0x80000000, s30;
	(v2sf) =	vpush v5, $0xF;
	v0 =	vsel vm8, $0x80000000, v61  }
0x1ae: {  	p0 =	sgt.s32 s0, s2;
	s30 =	spop (v2sf);
	v1, _, _ =	vpop (xrf0);
	(xrf0) =	vmax.scan.msk.u32 $0xffff, v0  }
0x1af: {  	s2 =	smov.u32 @p0 s0;
	s0 =	sxor.u32 $0x80000000, s30;
	(v2sf) =	vpush v1, $0xF  }
0x1b0: {  	s30 =	spop (v2sf);
	p0 =	sgt.s32 s2, s0;
	v0, _, _ =	vpop (xrf0)  }
0x1b1: {  	s0 =	smov.u32 @p0 s2;
	s2 =	sxor.u32 $0x80000000, s30;
	(v2sf) =	vpush v0, $0xF  }
0x1b2: {  	s30 =	spop (v2sf);
	v0, _, _ =	vpop (xrf0);
	p0 =	sgt.s32 s0, s2  }
0x1b3: {  	s2 =	smov.u32 @p0 s0;
	s0 =	sxor.u32 $0x80000000, s30;
	(v2sf) =	vpush v0, $0xF  }
0x1b4: {  	p0 =	sgt.s32 s2, s0;
	s30 =	spop (v2sf);
	v0, _, _ =	vpop (xrf0)  }
0x1b5: {  	s0 =	smov.u32 @p0 s2;
	s2 =	sxor.u32 $0x80000000, s30;
	(v2sf) =	vpush v0, $0xF  }
0x1b6: {  	s30 =	spop (v2sf);
	p0 =	sgt.s32 s0, s2  }
0x1b7: {  	s2 =	smov.u32 @p0 s0;
	s0 =	sxor.u32 $0x80000000, s30  }
0x1b8: {  	s30 =	spop (v2sf);
	p0 =	sgt.s32 s2, s0  }
0x1b9: {  	s0 =	smov.u32 @p0 s2;
	s2 =	sxor.u32 $0x80000000, s30  }
0x1ba: {  	s30 =	spop (v2sf);
	p0 =	sgt.s32 s0, s2  }
0x1bb: {  	s2 =	smov.u32 @p0 s0;
	s0 =	sxor.u32 $0x80000000, s30  }
0x1bc: {  	s30 =	spop (v2sf);
	p0 =	sgt.s32 s2, s0  }
0x1bd: {  	s0 =	smov.u32 @p0 s2;
	s2 =	sxor.u32 $0x80000000, s30  }
0x1be: {  	s30 =	spop (v2sf);
	p0 =	sgt.s32 s0, s2  }
0x1bf: {  	s2 =	smov.u32 @p0 s0;
	s0 =	sxor.u32 $0x80000000, s30  }
0x1c0: {  	p0 =	sgt.s32 s2, s0;
	s30 =	spop (v2sf)  }
0x1c1: {  	s0 =	smov.u32 @p0 s2;
	s2 =	sxor.u32 $0x80000000, s30  }
0x1c2: {  	s30 =	spop (v2sf);
	p0 =	sgt.s32 s0, s2  }
0x1c3: {  	s2 =	smov.u32 @p0 s0;
	s0 =	sxor.u32 $0x80000000, s30  }
0x1c4: {  	p0 =	sgt.s32 s2, s0;
	s30 =	spop (v2sf)  }
0x1c5: {  	s0 =	smov.u32 @p0 s2;
	s2 =	sxor.u32 $0x80000000, s30  }
0x1c6: {  	p0 =	sgt.s32 s0, s2  }
0x1c7: {  	s2 =	smov.u32 @p0 s0  }
0x1c8: {  	p0 =	sgt.s32 s2, $0x0  }
0x1c9: {  	s2 =	simm.s32 @!p0 $0x0  }
0x1ca: {  	s30 =	sadd.s32 $0xFFFFFFFF, s2  }
0x1cb: {  	s0 =	ssub.s32 s30, s5  }
0x1cc: {  	p0 =	sgt.s32 s0, $0x0  }
0x1cd: {  	s0 =	simm.s32 @!p0 $0x0  }
0x1ce: {  	s0 =	smin.u32 s0, $0x1FF  }
0x1cf: {  	v0 =	vmov s0;
	_ =	sdelay $0x3  }
0x1d0: {  	v3 =	vld [tilespmem:$0x10280]  }
0x1d1: {  	v0 =	vld.idx.msk [tilespmem:v0+s7+$0x0], $0xffff;
	_ =	sdelay $0x2  }
0x1d2: {  	v1 =	vld [tilespmem:$0x10490];
	_ =	sdelay $0x1  }
0x1d3: {  	v3 =	vsel vm0, v0, v3  }
0x1d4: {  	[tilespmem:$0x10680] =	vst v3;
	v3 =	vld [tilespmem:$0x1FE00]  }
0x1d5: {  	v7 =	vld [tilespmem:$0x10290]  }
0x1d6: {  	v11 =	vshrl.u32 v1, $0x1A  }
0x1d7: {  	v11 =	vmul.u32 v2, v11  }
0x1d8: {  	v5 =	vld [tilespmem:$0x104A0];
	v1 =	vand.u32 $0x3FFFFFF, v1  }
0x1d9: {  	vm9 =	vlt.s32 v11, v1;
	v3 =	vsel vm0, s30, v3  }
0x1da: {  	[tilespmem:$0x10880] =	vst v3;
	v3 =	vsel vm9, v0, v7  }
0x1db: {  	[tilespmem:$0x10690] =	vst v3;
	v3 =	vld [tilespmem:$0x1FE10]  }
0x1dc: {  	v13 =	vld [tilespmem:$0x102A0]  }
0x1dd: {  	v17 =	vshrl.u32 v5, $0x1A  }
0x1de: {  	v1 =	vmul.u32 v4, v17  }
0x1df: {  	v9 =	vld [tilespmem:$0x104B0];
	v5 =	vand.u32 $0x3FFFFFF, v5  }
0x1e0: {  	vm10 =	vlt.s32 v1, v5;
	v3 =	vsel vm9, s30, v3  }
0x1e1: {  	[tilespmem:$0x10890] =	vst v3;
	v3 =	vsel vm10, v0, v13  }
0x1e2: {  	[tilespmem:$0x106A0] =	vst v3;
	v3 =	vld [tilespmem:$0x1FE20]  }
0x1e3: {  	v19 =	vld [tilespmem:$0x102B0]  }
0x1e4: {  	v7 =	vshrl.u32 v9, $0x1A  }
0x1e5: {  	v1 =	vmul.u32 v6, v7  }
0x1e6: {  	v15 =	vld [tilespmem:$0x104C0];
	v7 =	vand.u32 $0x3FFFFFF, v9  }
0x1e7: {  	vm11 =	vlt.s32 v1, v7;
	v3 =	vsel vm10, s30, v3  }
0x1e8: {  	[tilespmem:$0x108A0] =	vst v3;
	v3 =	vsel vm11, v0, v19  }
0x1e9: {  	[tilespmem:$0x106B0] =	vst v3;
	v3 =	vld [tilespmem:$0x1FE30]  }
0x1ea: {  	v17 =	vld [tilespmem:$0x102C0]  }
0x1eb: {  	v9 =	vshrl.u32 v15, $0x1A  }
0x1ec: {  	v1 =	vmul.u32 v8, v9  }
0x1ed: {  	v11 =	vld [tilespmem:$0x104D0];
	v9 =	vand.u32 $0x3FFFFFF, v15  }
0x1ee: {  	vm12 =	vlt.s32 v1, v9;
	v3 =	vsel vm11, s30, v3  }
0x1ef: {  	[tilespmem:$0x108B0] =	vst v3;
	v3 =	vsel vm12, v0, v17  }
0x1f0: {  	[tilespmem:$0x106C0] =	vst v3;
	v3 =	vld [tilespmem:$0x1FE40]  }
0x1f1: {  	v13 =	vld [tilespmem:$0x102D0]  }
0x1f2: {  	v15 =	vshrl.u32 v11, $0x1A  }
0x1f3: {  	v1 =	vmul.u32 v10, v15  }
0x1f4: {  	v5 =	vld [tilespmem:$0x104E0];
	v11 =	vand.u32 $0x3FFFFFF, v11  }
0x1f5: {  	vm13 =	vlt.s32 v1, v11;
	v3 =	vsel vm12, s30, v3  }
0x1f6: {  	[tilespmem:$0x108C0] =	vst v3;
	v3 =	vsel vm13, v0, v13  }
0x1f7: {  	[tilespmem:$0x106D0] =	vst v3;
	v3 =	vld [tilespmem:$0x1FE50]  }
0x1f8: {  	v19 =	vld [tilespmem:$0x102E0]  }
0x1f9: {  	v15 =	vshrl.u32 v5, $0x1A  }
0x1fa: {  	v1 =	vmul.u32 v12, v15  }
0x1fb: {  	v7 =	vld [tilespmem:$0x104F0];
	v5 =	vand.u32 $0x3FFFFFF, v5  }
0x1fc: {  	vm14 =	vlt.s32 v1, v5;
	v3 =	vsel vm13, s30, v3  }
0x1fd: {  	[tilespmem:$0x108D0] =	vst v3;
	v3 =	vsel vm14, v0, v19  }
0x1fe: {  	[tilespmem:$0x106E0] =	vst v3;
	v3 =	vld [tilespmem:$0x1FE80]  }
0x1ff: {  	v17 =	vld [tilespmem:$0x102F0]  }
0x200: {  	v13 =	vshrl.u32 v7, $0x1A  }
0x201: {  	v1 =	vmul.u32 v14, v13  }
0x202: {  	v9 =	vld [tilespmem:$0x10500];
	v7 =	vand.u32 $0x3FFFFFF, v7  }
0x203: {  	vm15 =	vlt.s32 v1, v7;
	v3 =	vsel vm14, s30, v3  }
0x204: {  	[tilespmem:$0x108E0] =	vst v3;
	v3 =	vsel vm15, v0, v17  }
0x205: {  	[tilespmem:$0x106F0] =	vst v3;
	v3 =	vld [tilespmem:$0x1FE90]  }
0x206: {  	v15 =	vld [tilespmem:$0x10300]  }
0x207: {  	v13 =	vshrl.u32 v9, $0x1A  }
0x208: {  	v1 =	vmul.u32 v16, v13  }
0x209: {  	v11 =	vld [tilespmem:$0x10510];
	v9 =	vand.u32 $0x3FFFFFF, v9  }
0x20a: {  	vm4 =	vlt.s32 v1, v9;
	v3 =	vsel vm15, s30, v3  }
0x20b: {  	[tilespmem:$0x108F0] =	vst v3;
	v3 =	vsel vm4, v0, v15  }
0x20c: {  	[tilespmem:$0x10700] =	vst v3;
	v3 =	vld [tilespmem:$0x1FEA0]  }
0x20d: {  	v19 =	vld [tilespmem:$0x10310]  }
0x20e: {  	v13 =	vshrl.u32 v11, $0x1A  }
0x20f: {  	v1 =	vmul.u32 v18, v13  }
0x210: {  	v5 =	vld [tilespmem:$0x10520];
	v11 =	vand.u32 $0x3FFFFFF, v11  }
0x211: {  	vm5 =	vlt.s32 v1, v11;
	v3 =	vsel vm4, s30, v3  }
0x212: {  	[tilespmem:$0x10900] =	vst v3;
	v3 =	vsel vm5, v0, v19  }
0x213: {  	[tilespmem:$0x10710] =	vst v3;
	v3 =	vld [tilespmem:$0x1FEB0]  }
0x214: {  	v17 =	vld [tilespmem:$0x10320]  }
0x215: {  	v13 =	vshrl.u32 v5, $0x1A  }
0x216: {  	v1 =	vmul.u32 v20, v13  }
0x217: {  	v7 =	vld [tilespmem:$0x10530];
	v5 =	vand.u32 $0x3FFFFFF, v5  }
0x218: {  	vm6 =	vlt.s32 v1, v5;
	v3 =	vsel vm5, s30, v3  }
0x219: {  	[tilespmem:$0x10910] =	vst v3;
	v3 =	vsel vm6, v0, v17  }
0x21a: {  	[tilespmem:$0x10720] =	vst v3;
	v3 =	vld [tilespmem:$0x1FEC0]  }
0x21b: {  	v15 =	vld [tilespmem:$0x10330]  }
0x21c: {  	v13 =	vshrl.u32 v7, $0x1A  }
0x21d: {  	v1 =	vmul.u32 v28, v13  }
0x21e: {  	v9 =	vld [tilespmem:$0x10540];
	v7 =	vand.u32 $0x3FFFFFF, v7  }
0x21f: {  	vm7 =	vlt.s32 v1, v7;
	v3 =	vsel vm6, s30, v3  }
0x220: {  	[tilespmem:$0x10920] =	vst v3;
	v3 =	vsel vm7, v0, v15  }
0x221: {  	[tilespmem:$0x10730] =	vst v3;
	v3 =	vld [tilespmem:$0x1FED0]  }
0x222: {  	v19 =	vld [tilespmem:$0x10340]  }
0x223: {  	v13 =	vshrl.u32 v9, $0x1A  }
0x224: {  	v1 =	vmul.u32 v30, v13  }
0x225: {  	v11 =	vld [tilespmem:$0x10550];
	v9 =	vand.u32 $0x3FFFFFF, v9  }
0x226: {  	vm8 =	vlt.s32 v1, v9;
	v3 =	vsel vm7, s30, v3  }
0x227: {  	[tilespmem:$0x10930] =	vst v3;
	v3 =	vsel vm8, v0, v19  }
0x228: {  	[tilespmem:$0x10740] =	vst v3;
	v3 =	vld [tilespmem:$0x1FEE0]  }
0x229: {  	v17 =	vld [tilespmem:$0x10350]  }
0x22a: {  	v13 =	vshrl.u32 v11, $0x1A  }
0x22b: {  	v1 =	vmul.u32 v32, v13  }
0x22c: {  	v5 =	vld [tilespmem:$0x10560];
	v11 =	vand.u32 $0x3FFFFFF, v11  }
0x22d: {  	vm9 =	vlt.s32 v1, v11;
	v3 =	vsel vm8, s30, v3  }
0x22e: {  	[tilespmem:$0x10940] =	vst v3;
	v3 =	vsel vm9, v0, v17  }
0x22f: {  	[tilespmem:$0x10750] =	vst v3;
	v3 =	vld [tilespmem:$0x1FF10]  }
0x230: {  	v15 =	vld [tilespmem:$0x10360]  }
0x231: {  	v13 =	vshrl.u32 v5, $0x1A  }
0x232: {  	v1 =	vmul.u32 v34, v13  }
0x233: {  	v7 =	vld [tilespmem:$0x10570];
	v5 =	vand.u32 $0x3FFFFFF, v5  }
0x234: {  	vm10 =	vlt.s32 v1, v5;
	v3 =	vsel vm9, s30, v3  }
0x235: {  	[tilespmem:$0x10950] =	vst v3;
	v3 =	vsel vm10, v0, v15  }
0x236: {  	[tilespmem:$0x10760] =	vst v3;
	v3 =	vld [tilespmem:$0x1FF20]  }
0x237: {  	v19 =	vld [tilespmem:$0x10370]  }
0x238: {  	v13 =	vshrl.u32 v7, $0x1A  }
0x239: {  	v1 =	vmul.u32 v35, v13  }
0x23a: {  	v9 =	vld [tilespmem:$0x10580];
	v7 =	vand.u32 $0x3FFFFFF, v7  }
0x23b: {  	vm11 =	vlt.s32 v1, v7;
	v3 =	vsel vm10, s30, v3  }
0x23c: {  	[tilespmem:$0x10960] =	vst v3;
	v3 =	vsel vm11, v0, v19  }
0x23d: {  	[tilespmem:$0x10770] =	vst v3;
	v3 =	vld [tilespmem:$0x1FF40]  }
0x23e: {  	v17 =	vld [tilespmem:$0x10380]  }
0x23f: {  	v13 =	vshrl.u32 v9, $0x1A  }
0x240: {  	v1 =	vmul.u32 v37, v13  }
0x241: {  	v11 =	vld [tilespmem:$0x10590];
	v9 =	vand.u32 $0x3FFFFFF, v9  }
0x242: {  	vm12 =	vlt.s32 v1, v9;
	v3 =	vsel vm11, s30, v3  }
0x243: {  	[tilespmem:$0x10970] =	vst v3;
	v3 =	vsel vm12, v0, v17  }
0x244: {  	[tilespmem:$0x10780] =	vst v3;
	v3 =	vld [tilespmem:$0x1FF60]  }
0x245: {  	v15 =	vld [tilespmem:$0x10390]  }
0x246: {  	v13 =	vshrl.u32 v11, $0x1A  }
0x247: {  	v1 =	vmul.u32 v38, v13  }
0x248: {  	v5 =	vld [tilespmem:$0x105A0];
	v11 =	vand.u32 $0x3FFFFFF, v11  }
0x249: {  	vm13 =	vlt.s32 v1, v11;
	v3 =	vsel vm12, s30, v3  }
0x24a: {  	[tilespmem:$0x10980] =	vst v3;
	v3 =	vsel vm13, v0, v15  }
0x24b: {  	[tilespmem:$0x10790] =	vst v3;
	v3 =	vld [tilespmem:$0x1FF80]  }
0x24c: {  	v19 =	vld [tilespmem:$0x103A0]  }
0x24d: {  	v13 =	vshrl.u32 v5, $0x1A  }
0x24e: {  	v1 =	vmul.u32 v40, v13  }
0x24f: {  	v7 =	vld [tilespmem:$0x105B0];
	v5 =	vand.u32 $0x3FFFFFF, v5  }
0x250: {  	vm14 =	vlt.s32 v1, v5;
	v3 =	vsel vm13, s30, v3  }
0x251: {  	[tilespmem:$0x10990] =	vst v3;
	v3 =	vsel vm14, v0, v19  }
0x252: {  	[tilespmem:$0x107A0] =	vst v3;
	v3 =	vld [tilespmem:$0x1FFA0]  }
0x253: {  	v17 =	vld [tilespmem:$0x103B0]  }
0x254: {  	v13 =	vshrl.u32 v7, $0x1A  }
0x255: {  	v1 =	vmul.u32 v41, v13  }
0x256: {  	v9 =	vld [tilespmem:$0x105C0];
	v7 =	vand.u32 $0x3FFFFFF, v7  }
0x257: {  	vm15 =	vlt.s32 v1, v7;
	v3 =	vsel vm14, s30, v3  }
0x258: {  	[tilespmem:$0x109A0] =	vst v3;
	v3 =	vsel vm15, v0, v17  }
0x259: {  	[tilespmem:$0x107B0] =	vst v3;
	v3 =	vld [tilespmem:$0x1FFD0]  }
0x25a: {  	v15 =	vld [tilespmem:$0x103C0]  }
0x25b: {  	v13 =	vshrl.u32 v9, $0x1A  }
0x25c: {  	v11 =	vld [tilespmem:$0x105D0];
	v1 =	vmul.u32 v43, v13  }
0x25d: {  	v9 =	vand.u32 $0x3FFFFFF, v9  }
0x25e: {  	v5 =	vld [tilespmem:$0x105E0];
	vm4 =	vlt.s32 v1, v9;
	v3 =	vsel vm15, s30, v3  }
0x25f: {  	v7 =	vld [tilespmem:$0x105F0];
	[tilespmem:$0x109B0] =	vst v3;
	v3 =	vsel vm4, v0, v15  }
0x260: {  	[tilespmem:$0x107C0] =	vst v3;
	v3 =	vld [tilespmem:$0x1FFE0]  }
0x261: {  	v13 =	vshrl.u32 v11, $0x1A;
	v19 =	vld [tilespmem:$0x103D0]  }
0x262: {  	v1 =	vmul.u32 v44, v13;
	v9 =	vld [tilespmem:$0x10600]  }
0x263: {  	v11 =	vand.u32 $0x3FFFFFF, v11;
	v13 =	vshrl.u32 v5, $0x1A;
	v17 =	vld [tilespmem:$0x103E0]  }
0x264: {  	vm5 =	vlt.s32 v1, v11;
	v1 =	vmul.u32 v46, v13;
	v11 =	vld [tilespmem:$0x10610]  }
0x265: {  	v5 =	vand.u32 $0x3FFFFFF, v5;
	v13 =	vshrl.u32 v7, $0x1A;
	v15 =	vld [tilespmem:$0x103F0];
	v3 =	vsel vm4, s30, v3  }
0x266: {  	vm6 =	vlt.s32 v1, v5;
	v1 =	vmul.u32 v47, v13;
	v5 =	vld [tilespmem:$0x10620];
	[tilespmem:$0x109C0] =	vst v3;
	v3 =	vsel vm5, v0, v19  }
0x267: {  	v7 =	vand.u32 $0x3FFFFFF, v7;
	v13 =	vshrl.u32 v9, $0x1A;
	v19 =	vld [tilespmem:$0x10400];
	[tilespmem:$0x107D0] =	vst v3;
	v3 =	vsel vm5, s30, v21  }
0x268: {  	vm7 =	vlt.s32 v1, v7;
	v1 =	vmul.u32 v49, v13;
	v7 =	vld [tilespmem:$0x10630];
	[tilespmem:$0x109D0] =	vst v3;
	v3 =	vsel vm6, v0, v17  }
0x269: {  	v9 =	vand.u32 $0x3FFFFFF, v9;
	v13 =	vshrl.u32 v11, $0x1A;
	v17 =	vld [tilespmem:$0x10410];
	[tilespmem:$0x107E0] =	vst v3;
	v3 =	vsel vm6, s30, v23  }
0x26a: {  	vm8 =	vlt.s32 v1, v9;
	v1 =	vmul.u32 v50, v13;
	v9 =	vld [tilespmem:$0x10640];
	[tilespmem:$0x109E0] =	vst v3;
	v3 =	vsel vm7, v0, v15  }
0x26b: {  	v11 =	vand.u32 $0x3FFFFFF, v11;
	v13 =	vshrl.u32 v5, $0x1A;
	v15 =	vld [tilespmem:$0x10420];
	[tilespmem:$0x107F0] =	vst v3;
	v3 =	vsel vm7, s30, v25  }
0x26c: {  	vm9 =	vlt.s32 v1, v11;
	v1 =	vmul.u32 v52, v13;
	v11 =	vld [tilespmem:$0x10650];
	[tilespmem:$0x109F0] =	vst v3;
	v3 =	vsel vm8, v0, v19  }
0x26d: {  	v5 =	vand.u32 $0x3FFFFFF, v5;
	v13 =	vshrl.u32 v7, $0x1A;
	v19 =	vld [tilespmem:$0x10430];
	[tilespmem:$0x10800] =	vst v3;
	v3 =	vsel vm8, s30, v27  }
0x26e: {  	vm10 =	vlt.s32 v1, v5;
	v1 =	vmul.u32 v53, v13;
	v5 =	vld [tilespmem:$0x10660];
	[tilespmem:$0x10A00] =	vst v3;
	v3 =	vsel vm9, v0, v17  }
0x26f: {  	v7 =	vand.u32 $0x3FFFFFF, v7;
	v17 =	vld [tilespmem:$0x10440];
	[tilespmem:$0x10810] =	vst v3;
	v3 =	vsel vm9, s30, v33  }
0x270: {  	v13 =	vshrl.u32 v9, $0x1A;
	vm11 =	vlt.s32 v1, v7;
	v7 =	vld [tilespmem:$0x10670];
	[tilespmem:$0x10A10] =	vst v3;
	v3 =	vsel vm10, v0, v15  }
0x271: {  	v1 =	vsel vm10, s30, v36;
	v15 =	vld [tilespmem:$0x10450];
	[tilespmem:$0x10820] =	vst v3;
	v3 =	vmul.u32 v54, v13  }
0x272: {  	v9 =	vand.u32 $0x3FFFFFF, v9;
	[tilespmem:$0x10A20] =	vst v1;
	v1 =	vsel vm11, v0, v19;
	v13 =	vshrl.u32 v11, $0x1A  }
0x273: {  	[tilespmem:$0x10830] =	vst v1;
	v1 =	vsel vm11, s30, v42;
	vm12 =	vlt.s32 v3, v9;
	v3 =	vmul.u32 v55, v13;
	v9 =	vld [tilespmem:$0x10460]  }
0x274: {  	v11 =	vand.u32 $0x3FFFFFF, v11;
	[tilespmem:$0x10A30] =	vst v1;
	v13 =	vshrl.u32 v5, $0x1A;
	v1 =	vsel vm12, v0, v17  }
0x275: {  	[tilespmem:$0x10840] =	vst v1;
	vm13 =	vlt.s32 v3, v11;
	v1 =	vsel vm12, s30, v48;
	v3 =	vmul.u32 v56, v13;
	v11 =	vld [tilespmem:$0x10470]  }
0x276: {  	v5 =	vand.u32 $0x3FFFFFF, v5;
	v13 =	vshrl.u32 v7, $0x1A;
	[tilespmem:$0x10A40] =	vst v1;
	v1 =	vsel vm13, v0, v15  }
0x277: {  	vm14 =	vlt.s32 v3, v5;
	[tilespmem:$0x10850] =	vst v1;
	v1 =	vsel vm13, s30, v58;
	v3 =	vmul.u32 v57, v13  }
0x278: {  	v5 =	vand.u32 $0x3FFFFFF, v7;
	[tilespmem:$0x10A50] =	vst v1;
	v1 =	vsel vm14, v0, v9  }
0x279: {  	vm15 =	vlt.s32 v3, v5;
	[tilespmem:$0x10860] =	vst v1;
	v1 =	vsel vm14, s30, v60  }
0x27a: {  	[tilespmem:$0x10A60] =	vst v1;
	v0 =	vsel vm15, v0, v11  }
0x27b: {  	s2 =	rddreg [dreg:$0x19];
	v1 =	vsel vm15, s30, v62;
	[tilespmem:$0x10870] =	vst v0  }
0x27c: {  	s0 =	rddreg [dreg:$0xb];
	[tilespmem:$0x10A70] =	vst v1  }
0x27d: {  	[hbm4b:s0+s4] =	stream.linear.scatter [tilespmem:s2], [sflag:$0x6], $0x200, $0x38;
	[tilespmem:$0x18A80] =	vst v63  }
0x27e: {  	_ =	swait.ge [sflag:s8], $0x200  }
0x27f: {  	s2 =	rddreg [dreg:$0xc];
	[sflag:s8] =	ssyncset.done $0x0  }
0x280: {  	s30 =	rddreg [dreg:$0x1a];
	[sflag:s8] =	ssyncadd.s32 $0xFFFFFE00  }
0x281: {  	[hbm4b:s2+s4] =	stream.linear.scatter [tilespmem:s30], [sflag:$0x6], $0x200, $0x38;
	[tilespmem:$0x18A80] =	vst v63  }
0x282: {  	_ =	swait.ge [sflag:s8], $0x200  }
0x283: {  	[sflag:s8] =	ssyncset.done $0x0  }
0x284: {  	[sflag:s8] =	ssyncadd.s32 $0xFFFFFE00  }
0x285: {  	p0 =	sne.s32 s6, $0x1;
	_ =	swait.ge [sflag:s28], $0x4000  }
.Ltmp0:
0x286: {  	[sflag:s28] =	ssyncset.done $0x0;
	(pc) =	sbr.rel @p0 .LBB2_1-.Ltmp0, $4  }
0x287: {  	[sflag:s28] =	ssyncadd.s32 $0xFFFFC000  }
0x288: {  	_ =	swait.ge [sflag:s29], $0x4000  }
0x289: {  	[sflag:s29] =	ssyncset.done $0x0  }
0x28a: {  	s6 =	sadd.s32 $0xFFFFFFFF, s6;
	[sflag:s29] =	ssyncadd.s32 $0xFFFFC000  }
0x28b: {  	_ =	sfence.sel $0x180000  }
0x28c: {  	[bflag:$0x0] =	sbarrier.arrive $0xFFFF  }
0x28d: {  	_ =	strace $0x90000047  }
0x28e: {  	[bflag:$0x2] =	sbarrier.arrive $0xFFFF  }
0x28f: {  	p0 =	sne.s32 s31, $0x0;
	s0 =	rddreg [dreg:$0x4]  }
0x290: {  	s0 =	sadd.s32 @!p0 $0x100000, s0  }
0x291: {  	[sflag:s0] =	ssyncadd.tile.s32 @!p0 $0x1;
	_ =	shalt  }
.Lfunc_end2:
_tile_overlayer_lowered:
.L_overlay_start_2:
0x292: {  	(tag) =	ssettag $0x2  }
0x293: {  	s0 =	rddreg [dreg:$0x0];
	s2 =	stileid.u32  }
0x294: {  	s1 =	rddreg [dreg:$0x1];
	p0 =	sne.s32 s2, $0x0  }
0x295: {  	s3 =	rddreg [dreg:$0x2];
	[bflag:$0x3] =	sbarrier.arrive $0xFFFF;
	s2 =	simm.s32 @!p0 $0x1C06  }
0x296: {  	[timem:s3], [sflag:s2] =	dma.local @!p0 [hbm:s0], s1  }
0x297: {  	s0 =	simm.s32 @!p0 $0x6  }
0x298: {  	_ =	swait.ge @!p0 [sflag:s0], s1  }
0x299: {  	s1 =	ssub.s32 @!p0 $0x0, s1;
	[sflag:s0] =	ssyncset.done @!p0 $0x0  }
0x29a: {  	[sflag:s0] =	ssyncadd.s32 @!p0 s1  }
0x29b: {  	[bflag:$0x3] =	sbarrier.arrive $0xFFFF  }
0x29c: {  	_ =	shalt  }

// kernel: kernel.8.cloned.1.call-start
scs
__scs_entry_jumppad:
0x0: {  	(pc) =	sbr.rel $0x88, $3  }
0x1: {  	(tag) =	ssettag $0x0;
	lr =	simm.s32 $0x1  }
0x2: {  	[smem:$0x3F98] =	sst lr;
	_ =	strace $0xD0000000  }
0x3: {  	_ = 	snop  }
0x4: {  	_ = 	snop  }
0x5: {  	_ = 	snop  }
0x6: {  	_ = 	snop  }
0x7: {  	_ = 	snop  }
__scs_overlays_trampoline_lowered:
0x8: {  	[smem:$0x3FA7] =	sst s0  }
0x9: {  	[smem:$0x3FA8] =	sst s1  }
0xa: {  	[smem:$0x3FA9] =	sst s2  }
0xb: {  	[smem:$0x3FAA] =	sst s3  }
0xc: {  	[smem:$0x3FAB] =	sst s4  }
0xd: {  	[smem:$0x3FAC] =	sst s5  }
0xe: {  	[smem:$0x3FAD] =	sst s6  }
0xf: {  	[smem:$0x3FAE] =	sst s7  }
0x10: {  	[smem:$0x3FAF] =	sst s8  }
0x11: {  	[smem:$0x3FB0] =	sst s9;
	s0 =	simm.s32 @!p0 $0x0  }
0x12: {  	s1 =	sld [smem:$0x3F96];
	s0 =	simm.s32 @p0 $0x1  }
0x13: {  	[smem:$0x3FB1] =	sst s0;
	s0 =	simm.s32 @!p1 $0x0  }
0x14: {  	s2 =	sld [smem:$0x3F95];
	s0 =	simm.s32 @p1 $0x1  }
0x15: {  	[smem:$0x3FB2] =	sst s0;
	s0 =	simm.s32 @!p2 $0x0  }
0x16: {  	s3 =	sld [smem:$0x3FDB];
	s0 =	simm.s32 @p2 $0x1  }
0x17: {  	s4 =	simm.s32 $0x1BF5;
	[smem:$0x3FB4] =	sst s0  }
0x18: {  	s0 =	sld [smem:$0x3F97];
	_ =	swait.ge [sflag:s4], $0x0  }
0x19: {  	s7 =	sld [smem:$0x3F98]  }
0x1a: {  	s8 =	sadd.s32 $0xFFFFE003, lr  }
0x1b: {  	s9 =	sadd.s32 $0xFFFFFEF7, lr;
	s5 =	simm.s32 $0xFFFFFFFF;
	p2 =	slt.u32 s8, $0xFFFFF086  }
0x1c: {  	p1 =	slt.u32 s9, $0xF7A;
	s5 =	simm.s32 @!p2 $0x0  }
0x1d: {  	s5 =	simm.s32 @p1 $0x1;
	p0 =	seq.s32 s7, s2  }
0x1e: {  	s7 =	smul.u32 @!p0 $0xF7A, s2;
	p2 =	seq.s32 @!p0 s5, $0x0  }
0x1f: {  	s9 =	smul.u32 $0xF7A, s1;
	s8 =	simm.s32 @!p0 $0x1BF5;
	p2 =	por !p2, p0  }
0x20: {  	[sflag:s8] =	ssyncset.s32 @!p0 $0xFFFFF086;
	s6 =	sadd.s32 @!p0 s3, s7;
	s7 =	simm.s32 @!p0 $0x108  }
0x21: {  	s3 =	sadd.s32 s3, s9;
	s6 =	sadd.s32 @!p0 $0x88, s6;
	s7 =	simm.s32 @p2 $0x1082  }
0x22: {  	[simem:s7], [sflag:s8] =	dma.local @!p0 [hbm:s6], $0xF7A  }
0x23: {  	s9 =	sor.u32 $0xD0000000, s2;
	s6 =	simm.s32 $0x108;
	_ =	swait.ge @!p0 [sflag:s8], $0x0  }
0x24: {  	s3 =	sadd.s32 $0x88, s3;
	s6 =	simm.s32 @!p1 $0x1082;
	[sflag:s4] =	ssyncset.s32 $0xFFFFF086  }
0x25: {  	[simem:s6], [sflag:s4] =	dma.local [hbm:s3], $0xF7A  }
0x26: {  	[smem:$0x3F98] =	sst s1;
	(tag) =	ssettag s2;
	_ =	strace s9  }
0x27: {  	s1 =	sld [smem:$0x3FA8]  }
0x28: {  	s2 =	sld [smem:$0x3FA9]  }
0x29: {  	s4 =	sld [smem:$0x3FAB]  }
0x2a: {  	p0 =	seq.s32 s5, $0x0;
	s5 =	sld [smem:$0x3FAC]  }
0x2b: {  	s6 =	sld [smem:$0x3FAD]  }
0x2c: {  	s7 =	sld [smem:$0x3FAE]  }
0x2d: {  	s3 =	simm.s32 $0x108;
	s8 =	sld [smem:$0x3FAF]  }
0x2e: {  	s3 =	simm.s32 @!p0 $0x1082;
	s9 =	sld [smem:$0x3FB0]  }
0x2f: {  	lr =	sadd.s32 s0, s3;
	s0 =	sld [smem:$0x3FA7]  }
0x30: {  	s3 =	sld [smem:$0x3FAA]  }
0x31: {  	[smem:$0x3FB3] =	sst s10  }
0x32: {  	s10 =	sld [smem:$0x3FB1];
	_ =	sdelay $0x3  }
0x33: {  	p0 =	seq.s32 s10, $0x1;
	s10 =	sld [smem:$0x3FB3];
	_ =	sdelay $0x3  }
0x34: {  	[smem:$0x3FB3] =	sst s10  }
0x35: {  	s10 =	sld [smem:$0x3FB2];
	_ =	sdelay $0x3  }
0x36: {  	p1 =	seq.s32 s10, $0x1;
	s10 =	sld [smem:$0x3FB3];
	_ =	sdelay $0x3  }
0x37: {  	[smem:$0x3FB3] =	sst s10  }
0x38: {  	s10 =	sld [smem:$0x3FB4]  }
0x39: {  	_ = 	snop;
	(pc) =	sbr.ind lr, $3  }
0x3a: {  	_ = 	snop  }
0x3b: {  	_ = 	snop  }
0x3c: {  	p2 =	seq.s32 s10, $0x1;
	s10 =	sld [smem:$0x3FB3]  }
0x3d: {  	_ =	shalt  }
0x3e: {  	_ =	shalt  }
0x3f: {  	_ =	shalt  }
0x40: {  	_ =	shalt  }
0x41: {  	_ =	shalt  }
0x42: {  	_ =	shalt  }
0x43: {  	_ =	shalt  }
0x44: {  	_ =	shalt  }
0x45: {  	_ =	shalt  }
0x46: {  	_ =	shalt  }
0x47: {  	_ =	shalt  }
0x48: {  	_ =	shalt  }
0x49: {  	_ =	shalt  }
0x4a: {  	_ =	shalt  }
0x4b: {  	_ =	shalt  }
0x4c: {  	_ =	shalt  }
0x4d: {  	_ =	shalt  }
0x4e: {  	_ =	shalt  }
0x4f: {  	_ =	shalt  }
0x50: {  	_ =	shalt  }
0x51: {  	_ =	shalt  }
0x52: {  	_ =	shalt  }
0x53: {  	_ =	shalt  }
0x54: {  	_ =	shalt  }
0x55: {  	_ =	shalt  }
0x56: {  	_ =	shalt  }
0x57: {  	_ =	shalt  }
0x58: {  	_ =	shalt  }
0x59: {  	_ =	shalt  }
0x5a: {  	_ =	shalt  }
0x5b: {  	_ =	shalt  }
0x5c: {  	_ =	shalt  }
0x5d: {  	_ =	shalt  }
0x5e: {  	_ =	shalt  }
0x5f: {  	_ =	shalt  }
0x60: {  	_ =	shalt  }
0x61: {  	_ =	shalt  }
0x62: {  	_ =	shalt  }
0x63: {  	_ =	shalt  }
0x64: {  	_ =	shalt  }
0x65: {  	_ =	shalt  }
0x66: {  	_ =	shalt  }
0x67: {  	_ =	shalt  }
0x68: {  	_ =	shalt  }
0x69: {  	_ =	shalt  }
0x6a: {  	_ =	shalt  }
0x6b: {  	_ =	shalt  }
0x6c: {  	_ =	shalt  }
0x6d: {  	_ =	shalt  }
0x6e: {  	_ =	shalt  }
0x6f: {  	_ =	shalt  }
0x70: {  	_ =	shalt  }
0x71: {  	_ =	shalt  }
0x72: {  	_ =	shalt  }
0x73: {  	_ =	shalt  }
0x74: {  	_ =	shalt  }
0x75: {  	_ =	shalt  }
0x76: {  	_ =	shalt  }
0x77: {  	_ =	shalt  }
0x78: {  	_ =	shalt  }
0x79: {  	_ =	shalt  }
0x7a: {  	_ =	shalt  }
0x7b: {  	_ =	shalt  }
0x7c: {  	_ =	shalt  }
0x7d: {  	_ =	shalt  }
0x7e: {  	_ =	shalt  }
0x7f: {  	_ =	shalt  }
0x80: {  	_ =	shalt  }
0x81: {  	_ =	shalt  }
0x82: {  	_ =	shalt  }
0x83: {  	_ =	shalt  }
0x84: {  	_ =	shalt  }
0x85: {  	_ =	shalt  }
0x86: {  	_ =	shalt  }
0x87: {  	_ =	shalt  }
.Lfunc_end0:
.L_simem_size_0:
called_computation.1_lowered:
.L_overlay_start_0:
0x88: {  	s2 =	sld [smem:$0x3FD9]  }
0x89: {  	s3 =	sld [smem:$0x3FFE];
	_ =	sdelay $0x1  }
0x8a: {  	s1 =	srdreg.scid  }
0x8b: {  	s0 =	sand.u32 $0x1, s1  }
0x8c: {  	s14 =	sshll.u32 s0, $0xA;
	s2 =	sadd.s32 s3, s2  }
0x8d: {  	s2 =	sadd.s32 s2, s14  }
0x8e: {  	[smem:$0x3FBF] =	sst s2  }
0x8f: {  	_ = 	snop  }
0x90: {  	s2 =	sld [smem:$0x3FD0];
	_ =	sdelay $0x2  }
0x91: {  	s4 =	simm.s32 $0xA;
	s5 =	simm.s32 $0x10;
	s15 =	sld [smem:$0x3FC5]  }
0x92: {  	[smem:s5], [sflag:s4] =	dma.local [hbm:s2], $0x1  }
0x93: {  	_ =	swait.eq [sflag:s4], $0x1  }
0x94: {  	[sflag:s4] =	ssyncset.done $0x0  }
0x95: {  	s16 =	sld [smem:$0x10];
	[sflag:s4] =	ssyncadd.s32 $0xFFFFFFFF  }
0x96: {  	s17 =	sld [smem:$0x11];
	(tm) =	ssettm $0x1  }
0x97: {  	s18 =	sld [smem:$0x3FFB];
	_ =	sdelay $0x3  }
0x98: {  	_ =	strace s18  }
0x99: {  	s5 =	sld [smem:$0x3FFC];
	_ =	sdelay $0x3  }
0x9a: {  	_ =	strace s5  }
0x9b: {  	s5 =	sld [smem:$0x3FFD];
	_ =	sdelay $0x3  }
0x9c: {  	_ =	strace s5  }
0x9d: {  	_ =	strace $0x8FFFFFFF  }
0x9e: {  	s19 =	sld [smem:$0x3FDB];
	_ =	sdelay $0x1  }
0x9f: {  	s6 =	simm.s32 $_scs_section_size  }
0xa0: {  	s7 =	simm.s32 $_size__tile_overlayer_lowered;
	s8 =	simm.s32 $_tile_overlayer_lowered  }
0xa1: {  	s22 =	simm.s32 $0x1BFF;
	s21 =	sshll.u32 s8, $0x1;
	s5 =	sadd.s32 s6, s19  }
0xa2: {  	s9 =	simm.s32 $0x0;
	s20 =	sshll.u32 s7, $0x1;
	s7 =	sadd.s32 s21, s5  }
0xa3: {  	[timem:s9], [sflag:s22] =	dma.local [hbm:s7], s20  }
0xa4: {  	_ =	swait.ge [sflag:s22], s20  }
0xa5: {  	s6 =	ssub.s32 $0x0, s20;
	[sflag:s22] =	ssyncset.done $0x0  }
0xa6: {  	[sflag:s22] =	ssyncadd.s32 s6;
	_ =	sdelay $0x1  }
0xa7: {  	s23 =	simm.s32 $0x1B8B  }
0xa8: {  	_ =	swait.ge [sflag:s23], $0x1  }
0xa9: {  	[sflag:s23] =	ssyncset.done $0x0  }
0xaa: {  	s25 =	simm.s32 $0x1B8E;
	s24 =	sld [smem:$0x3FFE];
	[sflag:s23] =	ssyncadd.s32 $0xFFFFFFFF  }
0xab: {  	s26 =	simm.s32 $execute0_lowered;
	[smem:$0x3FD2] =	sst s25  }
0xac: {  	s7 =	sshll.u32 s26, $0x1;
	_ =	strace $0x80000049;
	[dreg:$0x1] =	wrdreg $0xFFFFFFFF  }
0xad: {  	s28 =	simm.s32 $_size_execute0_lowered;
	s5 =	sadd.s32 s5, s7;
	[dreg:$0x0] =	wrdreg $0x0  }
0xae: {  	s7 =	sshll.u32 s28, $0x1;
	[dreg:$0x2] =	wrdreg s5  }
0xaf: {  	[dreg:$0x3] =	wrdreg s7  }
0xb0: {  	[dreg:$0x4] =	wrdreg $0xC0  }
0xb1: {  	_ =	task [dreg:s9], $0x5FFFF  }
0xb2: {  	[dreg:$0x1] =	wrdreg $0xFFFFFFFF  }
0xb3: {  	[dreg:$0x0] =	wrdreg $0x60  }
0xb4: {  	[dreg:$0x2] =	wrdreg s16  }
0xb5: {  	[dreg:$0x3] =	wrdreg s17  }
0xb6: {  	[dreg:$0x4] =	wrdreg s24  }
0xb7: {  	[dreg:$0x5] =	wrdreg s15  }
0xb8: {  	[dreg:$0x6] =	wrdreg $0x9  }
0xb9: {  	_ =	task.clear_ibuf [dreg:s9], $0x7FFFF;
	_ =	strace $0x90000049  }
0xba: {  	s29 =	simm.s32 $0x9;
	_ =	strace $0x8000004B  }
0xbb: {  	_ =	swait.ge [sflag:s29], $0x1  }
0xbc: {  	[sflag:s29] =	ssyncadd.s32 $0xFFFFFFFF  }
0xbd: {  	_ =	strace $0x9000004B  }
0xbe: {  	_ =	sfence  }
0xbf: {  	s30 =	sld [smem:$0x0];
	_ =	sdelay $0x2  }
0xc0: {  	s31 =	sshll.u32 s1, $0xD;
	s1 =	sshrl.u32 s1, $0x2  }
0xc1: {  	s3 =	sand.u32 $0x4000, s31;
	s1 =	sadd.s32 s1, s30  }
0xc2: {  	s0 =	sor.u32 s3, s0;
	s1 =	sshll.u32 s1, $0x11  }
0xc3: {  	s0 =	sor.u32 s1, s0  }
0xc4: {  	s0 =	sadd.s32 $0x8F2B, s0  }
0xc5: {  	[sflag:s0] =	ssyncadd.remote.s32 $0x1  }
0xc6: {  	_ =	sfence.sel $0xFFFF  }
0xc7: {  	[dreg:$0x0] =	wrdreg $0xFFFFFFFF;
	(pc) =	sbr.abs _section_cstart, $3  }
0xc8: {  	[dreg:$0x1] =	wrdreg $0xFFFFFFFF  }
0xc9: {  	_ =	task.clear_ibuf [dreg:s9], $0x2FFFF;
	_ =	strace $0x9FFFFFFF  }
0xca: {  	(tm) =	ssettm $0x7FFFFFFF  }
0xcb: {  	_ =	shalt  }
tec
execute0_lowered:
.L_overlay_start_1:
0x0: {  	(tag) =	ssettag $0x1  }
0x1: {  	s1 =	rddreg [dreg:$0x0]  }
0x2: {  	s2 =	rddreg [dreg:$0x1];
	s3 =	srdreg.scid  }
0x3: {  	s10 =	rddreg [dreg:$0x2];
	s0 =	stileid.u32;
	s29 =	sand.u32 $0x1, s3  }
0x4: {  	s4 =	rddreg [dreg:$0x3];
	s6 =	sshll.u32 s0, $0x7;
	s7 =	sshll.u32 s29, $0x6  }
0x5: {  	s5 =	simm.s32 $0x0;
	s3 =	rddreg [dreg:$0x4];
	s6 =	sor.u32 s7, s6  }
0x6: {  	[smem:$0x7FF] =	sst s5;
	s8 =	sadd.s32 s6, s10  }
0x7: {  	_ =	strace $0x8000004A;
	s7 =	simm.s32 $0x6;
	s6 =	sadd.s32 $0x41C00, s8  }
0x8: {  	[tilespmem:s5], [sflag:$0x6] =	stream.linear.gather [hbm4b:s6+s5], $0x200, $0x38;
	[tilespmem:$0x8600] =	vst v63  }
0x9: {  	_ =	swait.ge [sflag:s7], $0x200  }
0xa: {  	[sflag:s7] =	ssyncset.done $0x0  }
0xb: {  	s9 =	simm.s32 $0x200;
	s8 =	sadd.s32 $0x42400, s8;
	[sflag:s7] =	ssyncadd.s32 $0xFFFFFE00  }
0xc: {  	[tilespmem:s9], [sflag:$0x6] =	stream.linear.gather [hbm4b:s8+s5], $0x200, $0x38;
	[tilespmem:$0x8600] =	vst v63  }
0xd: {  	_ =	swait.ge [sflag:s7], $0x200  }
0xe: {  	s11 =	simm.s32 $0x80;
	[sflag:s7] =	ssyncset.done $0x0  }
0xf: {  	s12 =	simm.s32 $0x400;
	s10 =	sadd.s32 $0x1C00, s10;
	[sflag:s7] =	ssyncadd.s32 $0xFFFFFE00  }
0x10: {  	[tilespmem:s12], [sflag:$0x1] =	stream.indirect.gather [hbm4b:s10+s11], $0x80, s9, s11, $0xb8;
	[tilespmem:$0x8600] =	vst v63  }
0x11: {  	s13 =	simm.s32 $0x280;
	s14 =	simm.s32 $0x4400  }
0x12: {  	[tilespmem:s14], [sflag:$0x2] =	stream.indirect.gather [hbm4b:s10+s11], $0x80, s13, s11, $0xb8;
	[tilespmem:$0x8600] =	vst v63  }
0x13: {  	s15 =	simm.s32 $0x8400  }
0x14: {  	[tilespmem:s15], [sflag:$0x5] =	stream.indirect.gather [hbm4b:s4+s11], $0x1, s9, s11, $0xb8;
	[tilespmem:$0x8600] =	vst v63  }
0x15: {  	s16 =	simm.s32 $0x8480  }
0x16: {  	[tilespmem:s16], [sflag:$0x5] =	stream.indirect.gather [hbm4b:s4+s11], $0x1, s13, s11, $0xb8;
	[tilespmem:$0x8600] =	vst v63  }
0x17: {  	s17 =	simm.s32 $0x300;
	s18 =	simm.s32 $0x8500  }
0x18: {  	[tilespmem:s18], [sflag:$0x5] =	stream.indirect.gather [hbm4b:s4+s11], $0x1, s17, s11, $0xb8;
	[tilespmem:$0x8600] =	vst v63  }
0x19: {  	s19 =	simm.s32 $0x380;
	s20 =	simm.s32 $0x8580;
	s21 =	simm.s32 $0x1  }
0x1a: {  	[tilespmem:s20], [sflag:$0x5] =	stream.indirect.gather [hbm4b:s4+s11], $0x1, s19, s11, $0xb8;
	[tilespmem:$0x8600] =	vst v63  }
0x1b: {  	_ =	swait.ge [sflag:s21], $0x4000  }
0x1c: {  	[sflag:s21] =	ssyncset.done $0x0  }
0x1d: {  	s22 =	simm.s32 $0x2;
	[sflag:s21] =	ssyncadd.s32 $0xFFFFC000  }
0x1e: {  	[hbm4b:s1+s11] =	stream.indirect.scatter [tilespmem:s12], [sflag:$0x3], $0x80, s5, s11, $0xb8;
	[tilespmem:$0x8600] =	vst v63  }
0x1f: {  	_ =	swait.ge [sflag:s22], $0x4000  }
0x20: {  	[sflag:s22] =	ssyncset.done $0x0  }
0x21: {  	s23 =	simm.s32 $0x3;
	[sflag:s22] =	ssyncadd.s32 $0xFFFFC000  }
0x22: {  	[hbm4b:s1+s11] =	stream.indirect.scatter [tilespmem:s14], [sflag:$0x4], $0x80, s11, s11, $0xb8;
	[tilespmem:$0x8600] =	vst v63  }
0x23: {  	_ =	swait.ge [sflag:s23], $0x4000  }
0x24: {  	[sflag:s23] =	ssyncset.done $0x0  }
0x25: {  	s24 =	simm.s32 $0x4;
	[sflag:s23] =	ssyncadd.s32 $0xFFFFC000  }
0x26: {  	[tilespmem:s12], [sflag:$0x1] =	stream.indirect.gather [hbm4b:s10+s11], $0x80, s17, s11, $0xb8;
	[tilespmem:$0x8600] =	vst v63  }
0x27: {  	_ =	swait.ge [sflag:s24], $0x4000  }
0x28: {  	[sflag:s24] =	ssyncset.done $0x0  }
0x29: {  	[sflag:s24] =	ssyncadd.s32 $0xFFFFC000  }
0x2a: {  	[tilespmem:s14], [sflag:$0x2] =	stream.indirect.gather [hbm4b:s10+s11], $0x80, s19, s11, $0xb8;
	[tilespmem:$0x8600] =	vst v63  }
0x2b: {  	_ =	swait.ge [sflag:s21], $0x4000  }
0x2c: {  	[sflag:s21] =	ssyncset.done $0x0  }
0x2d: {  	s25 =	simm.s32 $0x100;
	[sflag:s21] =	ssyncadd.s32 $0xFFFFC000  }
0x2e: {  	[hbm4b:s1+s11] =	stream.indirect.scatter [tilespmem:s12], [sflag:$0x3], $0x80, s25, s11, $0xb8;
	[tilespmem:$0x8600] =	vst v63  }
0x2f: {  	_ =	swait.ge [sflag:s22], $0x4000  }
0x30: {  	[sflag:s22] =	ssyncset.done $0x0  }
0x31: {  	s26 =	simm.s32 $0x180;
	s28 =	simm.s32 $0x5;
	[sflag:s22] =	ssyncadd.s32 $0xFFFFC000  }
0x32: {  	[hbm4b:s1+s11] =	stream.indirect.scatter [tilespmem:s14], [sflag:$0x4], $0x80, s26, s11, $0xb8;
	[tilespmem:$0x8600] =	vst v63  }
0x33: {  	_ =	swait.ge [sflag:s28], $0x80  }
0x34: {  	[sflag:s28] =	ssyncset.done $0x0  }
0x35: {  	[sflag:s28] =	ssyncadd.s32 $0xFFFFFF80  }
0x36: {  	_ =	swait.ge [sflag:s28], $0x80  }
0x37: {  	[sflag:s28] =	ssyncset.done $0x0  }
0x38: {  	[sflag:s28] =	ssyncadd.s32 $0xFFFFFF80  }
0x39: {  	_ =	swait.ge [sflag:s28], $0x80  }
0x3a: {  	[sflag:s28] =	ssyncset.done $0x0  }
0x3b: {  	[sflag:s28] =	ssyncadd.s32 $0xFFFFFF80  }
0x3c: {  	_ =	swait.ge [sflag:s28], $0x80  }
0x3d: {  	[sflag:s28] =	ssyncset.done $0x0  }
0x3e: {  	[sflag:s28] =	ssyncadd.s32 $0xFFFFFF80  }
0x3f: {  	[hbm4b:s2+s11] =	stream.indirect.scatter [tilespmem:s15], [sflag:$0x5], $0x1, s5, s11, $0xb8;
	[tilespmem:$0x8600] =	vst v63  }
0x40: {  	_ = 	snop  }
0x41: {  	[hbm4b:s2+s11] =	stream.indirect.scatter [tilespmem:s16], [sflag:$0x5], $0x1, s11, s11, $0xb8;
	[tilespmem:$0x8600] =	vst v63  }
0x42: {  	_ = 	snop  }
0x43: {  	[hbm4b:s2+s11] =	stream.indirect.scatter [tilespmem:s18], [sflag:$0x5], $0x1, s25, s11, $0xb8;
	[tilespmem:$0x8600] =	vst v63  }
0x44: {  	_ = 	snop  }
0x45: {  	[hbm4b:s2+s11] =	stream.indirect.scatter [tilespmem:s20], [sflag:$0x5], $0x1, s26, s11, $0xb8;
	[tilespmem:$0x8600] =	vst v63  }
0x46: {  	_ =	swait.ge [sflag:s28], $0x80  }
0x47: {  	[sflag:s28] =	ssyncset.done $0x0  }
0x48: {  	[sflag:s28] =	ssyncadd.s32 $0xFFFFFF80  }
0x49: {  	_ =	swait.ge [sflag:s28], $0x80  }
0x4a: {  	[sflag:s28] =	ssyncset.done $0x0  }
0x4b: {  	[sflag:s28] =	ssyncadd.s32 $0xFFFFFF80  }
0x4c: {  	_ =	swait.ge [sflag:s28], $0x80  }
0x4d: {  	s29 =	ssub.s32 $0x2, s29;
	[sflag:s28] =	ssyncset.done $0x0  }
0x4e: {  	s30 =	sshrl.u32 s29, $0x1;
	[sflag:s28] =	ssyncadd.s32 $0xFFFFFF80  }
0x4f: {  	s29 =	ssub.s32 s29, s30;
	_ =	swait.ge [sflag:s28], $0x80  }
0x50: {  	s29 =	smax.u32 s29, $0x1;
	[sflag:s28] =	ssyncset.done $0x0  }
0x51: {  	p0 =	sne.s32 s29, $0x1;
	[sflag:s28] =	ssyncadd.s32 $0xFFFFFF80  }
.Ltmp0:
0x52: {  	_ =	swait.ge [sflag:s23], $0x4000;
	(pc) =	sbr.rel @!p0 .LBB2_2-.Ltmp0, $4  }
0x53: {  	[sflag:s23] =	ssyncset.done $0x0  }
0x54: {  	[sflag:s23] =	ssyncadd.s32 $0xFFFFC000  }
0x55: {  	_ =	swait.ge [sflag:s24], $0x4000  }
0x56: {  	s29 =	sadd.s32 $0xFFFFFFFF, s29;
	[sflag:s24] =	ssyncset.done $0x0  }
.LBB2_1:
0x57: {  	p0 =	sne.s32 s29, $0x1;
	s29 =	sadd.s32 $0xFFFFFFFF, s29;
	[sflag:s24] =	ssyncadd.s32 $0xFFFFC000  }
0x58: {  	[tilespmem:s5], [sflag:$0x6] =	stream.linear.gather [hbm4b:s6+s5], $0x200, $0x38;
	[tilespmem:$0x8600] =	vst v63  }
0x59: {  	_ =	swait.ge [sflag:s7], $0x200  }
0x5a: {  	[sflag:s7] =	ssyncset.done $0x0  }
0x5b: {  	[sflag:s7] =	ssyncadd.s32 $0xFFFFFE00  }
0x5c: {  	[tilespmem:s9], [sflag:$0x6] =	stream.linear.gather [hbm4b:s8+s5], $0x200, $0x38;
	[tilespmem:$0x8600] =	vst v63  }
0x5d: {  	_ =	swait.ge [sflag:s7], $0x200  }
0x5e: {  	[sflag:s7] =	ssyncset.done $0x0  }
0x5f: {  	[sflag:s7] =	ssyncadd.s32 $0xFFFFFE00  }
0x60: {  	[tilespmem:s12], [sflag:$0x1] =	stream.indirect.gather [hbm4b:s10+s11], $0x80, s9, s11, $0xb8;
	[tilespmem:$0x8600] =	vst v63  }
0x61: {  	_ = 	snop  }
0x62: {  	[tilespmem:s14], [sflag:$0x2] =	stream.indirect.gather [hbm4b:s10+s11], $0x80, s13, s11, $0xb8;
	[tilespmem:$0x8600] =	vst v63  }
0x63: {  	_ = 	snop  }
0x64: {  	[tilespmem:s15], [sflag:$0x5] =	stream.indirect.gather [hbm4b:s4+s11], $0x1, s9, s11, $0xb8;
	[tilespmem:$0x8600] =	vst v63  }
0x65: {  	_ = 	snop  }
0x66: {  	[tilespmem:s16], [sflag:$0x5] =	stream.indirect.gather [hbm4b:s4+s11], $0x1, s13, s11, $0xb8;
	[tilespmem:$0x8600] =	vst v63  }
0x67: {  	_ = 	snop  }
0x68: {  	[tilespmem:s18], [sflag:$0x5] =	stream.indirect.gather [hbm4b:s4+s11], $0x1, s17, s11, $0xb8;
	[tilespmem:$0x8600] =	vst v63  }
0x69: {  	_ = 	snop  }
0x6a: {  	[tilespmem:s20], [sflag:$0x5] =	stream.indirect.gather [hbm4b:s4+s11], $0x1, s19, s11, $0xb8;
	[tilespmem:$0x8600] =	vst v63  }
0x6b: {  	_ =	swait.ge [sflag:s21], $0x4000  }
0x6c: {  	[sflag:s21] =	ssyncset.done $0x0  }
0x6d: {  	[sflag:s21] =	ssyncadd.s32 $0xFFFFC000  }
0x6e: {  	[hbm4b:s1+s11] =	stream.indirect.scatter [tilespmem:s12], [sflag:$0x3], $0x80, s5, s11, $0xb8;
	[tilespmem:$0x8600] =	vst v63  }
0x6f: {  	_ =	swait.ge [sflag:s22], $0x4000  }
0x70: {  	[sflag:s22] =	ssyncset.done $0x0  }
0x71: {  	[sflag:s22] =	ssyncadd.s32 $0xFFFFC000  }
0x72: {  	[hbm4b:s1+s11] =	stream.indirect.scatter [tilespmem:s14], [sflag:$0x4], $0x80, s11, s11, $0xb8;
	[tilespmem:$0x8600] =	vst v63  }
0x73: {  	_ =	swait.ge [sflag:s23], $0x4000  }
0x74: {  	[sflag:s23] =	ssyncset.done $0x0  }
0x75: {  	[sflag:s23] =	ssyncadd.s32 $0xFFFFC000  }
0x76: {  	[tilespmem:s12], [sflag:$0x1] =	stream.indirect.gather [hbm4b:s10+s11], $0x80, s17, s11, $0xb8;
	[tilespmem:$0x8600] =	vst v63  }
0x77: {  	_ =	swait.ge [sflag:s24], $0x4000  }
0x78: {  	[sflag:s24] =	ssyncset.done $0x0  }
0x79: {  	[sflag:s24] =	ssyncadd.s32 $0xFFFFC000  }
0x7a: {  	[tilespmem:s14], [sflag:$0x2] =	stream.indirect.gather [hbm4b:s10+s11], $0x80, s19, s11, $0xb8;
	[tilespmem:$0x8600] =	vst v63  }
0x7b: {  	_ =	swait.ge [sflag:s21], $0x4000  }
0x7c: {  	[sflag:s21] =	ssyncset.done $0x0  }
0x7d: {  	[sflag:s21] =	ssyncadd.s32 $0xFFFFC000  }
0x7e: {  	[hbm4b:s1+s11] =	stream.indirect.scatter [tilespmem:s12], [sflag:$0x3], $0x80, s25, s11, $0xb8;
	[tilespmem:$0x8600] =	vst v63  }
0x7f: {  	_ =	swait.ge [sflag:s22], $0x4000  }
0x80: {  	[sflag:s22] =	ssyncset.done $0x0  }
0x81: {  	[sflag:s22] =	ssyncadd.s32 $0xFFFFC000  }
0x82: {  	[hbm4b:s1+s11] =	stream.indirect.scatter [tilespmem:s14], [sflag:$0x4], $0x80, s26, s11, $0xb8;
	[tilespmem:$0x8600] =	vst v63  }
0x83: {  	_ =	swait.ge [sflag:s28], $0x80  }
0x84: {  	[sflag:s28] =	ssyncset.done $0x0  }
0x85: {  	[sflag:s28] =	ssyncadd.s32 $0xFFFFFF80  }
0x86: {  	_ =	swait.ge [sflag:s28], $0x80  }
0x87: {  	[sflag:s28] =	ssyncset.done $0x0  }
0x88: {  	[sflag:s28] =	ssyncadd.s32 $0xFFFFFF80  }
0x89: {  	_ =	swait.ge [sflag:s28], $0x80  }
0x8a: {  	[sflag:s28] =	ssyncset.done $0x0  }
0x8b: {  	[sflag:s28] =	ssyncadd.s32 $0xFFFFFF80  }
0x8c: {  	_ =	swait.ge [sflag:s28], $0x80  }
0x8d: {  	[sflag:s28] =	ssyncset.done $0x0  }
0x8e: {  	[sflag:s28] =	ssyncadd.s32 $0xFFFFFF80  }
0x8f: {  	[hbm4b:s2+s11] =	stream.indirect.scatter [tilespmem:s15], [sflag:$0x5], $0x1, s5, s11, $0xb8;
	[tilespmem:$0x8600] =	vst v63  }
0x90: {  	_ = 	snop  }
0x91: {  	[hbm4b:s2+s11] =	stream.indirect.scatter [tilespmem:s16], [sflag:$0x5], $0x1, s11, s11, $0xb8;
	[tilespmem:$0x8600] =	vst v63  }
0x92: {  	_ = 	snop  }
0x93: {  	[hbm4b:s2+s11] =	stream.indirect.scatter [tilespmem:s18], [sflag:$0x5], $0x1, s25, s11, $0xb8;
	[tilespmem:$0x8600] =	vst v63  }
0x94: {  	_ = 	snop  }
0x95: {  	[hbm4b:s2+s11] =	stream.indirect.scatter [tilespmem:s20], [sflag:$0x5], $0x1, s26, s11, $0xb8;
	[tilespmem:$0x8600] =	vst v63  }
0x96: {  	_ =	swait.ge [sflag:s28], $0x80  }
0x97: {  	[sflag:s28] =	ssyncset.done $0x0  }
0x98: {  	[sflag:s28] =	ssyncadd.s32 $0xFFFFFF80  }
0x99: {  	_ =	swait.ge [sflag:s28], $0x80  }
0x9a: {  	[sflag:s28] =	ssyncset.done $0x0  }
0x9b: {  	[sflag:s28] =	ssyncadd.s32 $0xFFFFFF80  }
0x9c: {  	_ =	swait.ge [sflag:s28], $0x80  }
0x9d: {  	[sflag:s28] =	ssyncset.done $0x0  }
0x9e: {  	[sflag:s28] =	ssyncadd.s32 $0xFFFFFF80  }
0x9f: {  	_ =	swait.ge [sflag:s28], $0x80  }
0xa0: {  	[sflag:s28] =	ssyncset.done $0x0  }
0xa1: {  	[sflag:s28] =	ssyncadd.s32 $0xFFFFFF80  }
.Ltmp1:
0xa2: {  	_ =	swait.ge [sflag:s23], $0x4000;
	(pc) =	sbr.rel @p0 .LBB2_1-.Ltmp1, $4  }
0xa3: {  	[sflag:s23] =	ssyncset.done $0x0  }
0xa4: {  	[sflag:s23] =	ssyncadd.s32 $0xFFFFC000  }
0xa5: {  	_ =	swait.ge [sflag:s24], $0x4000  }
0xa6: {  	[sflag:s24] =	ssyncset.done $0x0  }
.LBB2_2:
0xa7: {  	[sflag:s24] =	ssyncadd.s32 $0xFFFFC000  }
0xa8: {  	_ =	sfence.sel $0x180000  }
0xa9: {  	[bflag:$0x0] =	sbarrier.arrive $0xFFFF  }
0xaa: {  	p0 =	sne.s32 s0, $0x0;
	_ =	strace $0x9000004A  }
0xab: {  	s0 =	sadd.s32 @!p0 $0x100000, s3;
	[bflag:$0x2] =	sbarrier.arrive $0xFFFF  }
0xac: {  	[sflag:s0] =	ssyncadd.tile.s32 @!p0 $0x1;
	_ =	shalt  }
.Lfunc_end2:
_tile_overlayer_lowered:
.L_overlay_start_2:
0xad: {  	(tag) =	ssettag $0x2  }
0xae: {  	s0 =	rddreg [dreg:$0x0];
	s2 =	stileid.u32  }
0xaf: {  	s1 =	rddreg [dreg:$0x1];
	p0 =	sne.s32 s2, $0x0  }
0xb0: {  	s3 =	rddreg [dreg:$0x2];
	[bflag:$0x3] =	sbarrier.arrive $0xFFFF;
	s2 =	simm.s32 @!p0 $0x1C06  }
0xb1: {  	[timem:s3], [sflag:s2] =	dma.local @!p0 [hbm:s0], s1  }
0xb2: {  	s0 =	simm.s32 @!p0 $0x6  }
0xb3: {  	_ =	swait.ge @!p0 [sflag:s0], s1  }
0xb4: {  	s1 =	ssub.s32 @!p0 $0x0, s1;
	[sflag:s0] =	ssyncset.done @!p0 $0x0  }
0xb5: {  	[sflag:s0] =	ssyncadd.s32 @!p0 s1  }
0xb6: {  	[bflag:$0x3] =	sbarrier.arrive $0xFFFF  }
0xb7: {  	_ =	shalt  }

</sc_bundles>
